<compile_context>
chip_gen: v7x
topology: tpu7x:2x2x1
jax: 0.10.2.dev20260603
libtpu: 0.0.44.dev20260713+nightly
codegen_flags: <defaults>
</compile_context>

<pallas_src>
import functools

import jax
import jax.numpy as jnp
from jax import lax
from jax.experimental import pallas as pl
from jax.experimental.pallas import tpu as pltpu
from jax.experimental.pallas import tpu_sc as plsc

N = 10000
E = 160000
D = 256
HALF = 128
NS = 16
NC = 2
EPW = E // NS
CH = 40
SUP = 5
SCH = 2000
SPC = SCH // CH
CCH = 200
NCHUNK = EPW // CH
RPT = 624
TAIL = N - NS * RPT
CP = 40
NW = NC * NS
ECW = E // NW
CROWS = 80
N_PAD = 10240
TILE = 1024
GRID = N_PAD // TILE



def _edge_body(ta, tb, srcg, dstg, dstr, s_out,
               idx_s2, idx_g2, idx_d2, ra0, rb0, ra1, rb1,
               semA0, semB0, semA1, semB1, acc):
    c = lax.axis_index("c")
    s = lax.axis_index("s")
    zero16 = jnp.zeros((16,), jnp.float32)

    def _zb(i, carry):
        for j in range(8):
            ra0[i, pl.ds(j * 16, 16)] = zero16
        return carry
    lax.fori_loop(0, CH, _zb, 0)

    def _za(k, carry):
        pltpu.sync_copy(ra0, acc.at[pl.ds(s * RPT + k * CH, CH)])
        return carry
    lax.fori_loop(0, RPT // CH, _za, 0)
    _ZT = RPT - CH * (RPT // CH)
    pltpu.sync_copy(ra0.at[pl.ds(0, _ZT)],
                    acc.at[pl.ds(s * RPT + CH * (RPT // CH), _ZT)])

    @pl.when(s == 0)
    def _():
        pltpu.sync_copy(ra0.at[pl.ds(0, TAIL)],
                        acc.at[pl.ds(NS * RPT, TAIL)])
    plsc.subcore_barrier()

    def _relu_add(ra, rb):
        def _cmp(i, cc):
            for j in range(8):
                sl = pl.ds(j * 16, 16)
                ra[i, sl] = jnp.maximum(ra[i, sl] + rb[i, sl], 0.0)
            return cc
        lax.fori_loop(0, CH, _cmp, 0)

    def _sup(sup, carry):
        pltpu.sync_copy(srcg.at[c, s, sup], idx_s2)
        pltpu.sync_copy(dstg.at[c, s, sup], idx_g2)
        pltpu.sync_copy(dstr.at[s, sup], idx_d2)
        pltpu.async_copy(ta.at[idx_g2.at[0]], ra0, semA0)
        pltpu.async_copy(tb.at[idx_s2.at[0]], rb0, semB0)

        def _pair(k, cc):
            g0 = 2 * k
            pltpu.async_copy(ta.at[idx_g2.at[g0 + 1]], ra1, semA1)
            pltpu.async_copy(tb.at[idx_s2.at[g0 + 1]], rb1, semB1)
            pltpu.make_async_copy(ta.at[idx_g2.at[g0]], ra0, semA0).wait()
            pltpu.make_async_copy(tb.at[idx_s2.at[g0]], rb0, semB0).wait()
            _relu_add(ra0, rb0)
            pltpu.sync_copy(ra0, acc.at[idx_d2.at[g0]], add=True)

            @pl.when(k < SPC // 2 - 1)
            def _():
                pltpu.async_copy(ta.at[idx_g2.at[g0 + 2]], ra0, semA0)
                pltpu.async_copy(tb.at[idx_s2.at[g0 + 2]], rb0, semB0)
            pltpu.make_async_copy(ta.at[idx_g2.at[g0 + 1]], ra1, semA1).wait()
            pltpu.make_async_copy(tb.at[idx_s2.at[g0 + 1]], rb1, semB1).wait()
            _relu_add(ra1, rb1)
            pltpu.sync_copy(ra1, acc.at[idx_d2.at[g0 + 1]], add=True)
            return cc
        lax.fori_loop(0, SPC // 2, _pair, 0)
        return carry

    lax.fori_loop(0, SUP, _sup, 0)
    plsc.subcore_barrier()

    def _piece(base, nr):
        pltpu.sync_copy(acc.at[pl.ds(base, nr)], rb0.at[pl.ds(0, nr)])
        pltpu.sync_copy(rb0.at[pl.ds(0, nr)], s_out.at[c, pl.ds(base, nr)])

    def _cok(k, carry):
        _piece(s * RPT + k * CP, CP)
        return carry
    lax.fori_loop(0, RPT // CP, _cok, 0)
    _piece(s * RPT + CP * (RPT // CP), RPT - CP * (RPT // CP))

    @pl.when(s == 0)
    def _():
        _piece(NS * RPT, TAIL)


def _make_edge_kernel():
    scratch = [
        pltpu.VMEM((SPC, CH), jnp.int32),
        pltpu.VMEM((SPC, CH), jnp.int32),
        pltpu.VMEM((SPC, CH), jnp.int32),
        pltpu.VMEM((CH, HALF), jnp.float32),
        pltpu.VMEM((CH, HALF), jnp.float32),
        pltpu.VMEM((CH, HALF), jnp.float32),
        pltpu.VMEM((CH, HALF), jnp.float32),
        pltpu.SemaphoreType.DMA,
        pltpu.SemaphoreType.DMA,
        pltpu.SemaphoreType.DMA,
        pltpu.SemaphoreType.DMA,
        pltpu.VMEM_SHARED((N, HALF), jnp.float32),
    ]
    mesh = plsc.VectorSubcoreMesh(core_axis_name="c", subcore_axis_name="s")
    return pl.kernel(
        _edge_body,
        out_type=jax.ShapeDtypeStruct((NC, N_PAD, HALF), jnp.float32),
        mesh=mesh,
        scratch_types=scratch,
        name="edge_scatter",
    )


def _count_body(dst, cnt_out, idx_d, ones, sem, cacc):
    c = lax.axis_index("c")
    s = lax.axis_index("s")
    zero16 = jnp.zeros((16,), jnp.float32)
    one16 = jnp.ones((16,), jnp.float32)

    def _zb(i, carry):
        for j in range(8):
            ones[i, pl.ds(j * 16, 16)] = zero16
        return carry
    lax.fori_loop(0, CCH, _zb, 0)

    def _za(k, carry):
        pltpu.sync_copy(ones, cacc.at[pl.ds(s * RPT + k * CCH, CCH)])
        return carry
    lax.fori_loop(0, RPT // CCH, _za, 0)
    _ZT = RPT - CCH * (RPT // CCH)
    pltpu.sync_copy(ones.at[pl.ds(0, _ZT)],
                    cacc.at[pl.ds(s * RPT + CCH * (RPT // CCH), _ZT)])

    @pl.when(s == 0)
    def _():
        pltpu.sync_copy(ones.at[pl.ds(0, TAIL)],
                        cacc.at[pl.ds(NS * RPT, TAIL)])

    def _ob(i, carry):
        for j in range(8):
            ones[i, pl.ds(j * 16, 16)] = one16
        return carry
    lax.fori_loop(0, CCH, _ob, 0)
    plsc.subcore_barrier()

    EHC = E // NC
    EPW2 = EHC // NS

    def _scat(base):
        pltpu.sync_copy(dst.at[pl.ds(base, CCH)], idx_d)
        pltpu.sync_copy(ones, cacc.at[idx_d], add=True)

    def _ck(k, carry):
        _scat(c * EHC + s * EPW2 + k * CCH)
        return carry
    lax.fori_loop(0, EPW2 // CCH, _ck, 0)
    _rem = EPW2 - CCH * (EPW2 // CCH)
    if _rem:
        def _zt(i, carry):
            for j in range(8):
                ones[i, pl.ds(j * 16, 16)] = zero16
            return carry
        lax.fori_loop(0, CCH - _rem, _zt, 0)
        _scat(c * EHC + (s + 1) * EPW2 - CH)
    plsc.subcore_barrier()

    def _piece(base, nr):
        pltpu.sync_copy(cacc.at[pl.ds(base, nr)], ones.at[pl.ds(0, nr)])
        pltpu.sync_copy(ones.at[pl.ds(0, nr)], cnt_out.at[c, pl.ds(base, nr)])

    def _cok(k, carry):
        _piece(s * RPT + k * CP, CP)
        return carry
    lax.fori_loop(0, RPT // CP, _cok, 0)
    _piece(s * RPT + CP * (RPT // CP), RPT - CP * (RPT // CP))

    @pl.when(s == 0)
    def _():
        _piece(NS * RPT, TAIL)


def _make_count_kernel():
    scratch = [
        pltpu.VMEM((CCH,), jnp.int32),
        pltpu.VMEM((CCH, HALF), jnp.float32),
        pltpu.SemaphoreType.DMA,
        pltpu.VMEM_SHARED((N, HALF), jnp.float32),
    ]
    mesh = plsc.VectorSubcoreMesh(core_axis_name="c", subcore_axis_name="s")
    return pl.kernel(
        _count_body,
        out_type=jax.ShapeDtypeStruct((NC, N_PAD, HALF), jnp.float32),
        mesh=mesh,
        scratch_types=scratch,
        name="edge_count",
    )



def _pre_body(h_ref, wa_ref, ba_ref, ta_ref, tb_ref):
    wa = wa_ref[...]
    wt = wa[:D] - wa[D:]
    wb = wa[D:]
    h = h_ref[...]
    a = jnp.dot(h, wt, preferred_element_type=jnp.float32) + ba_ref[...]
    b = jnp.dot(h, wb, preferred_element_type=jnp.float32)
    ta_ref[0] = a[:, :HALF]
    ta_ref[1] = a[:, HALF:]
    tb_ref[0] = b[:, :HALF]
    tb_ref[1] = b[:, HALF:]


_pre = pl.pallas_call(
    _pre_body,
    grid=(GRID,),
    in_specs=[
        pl.BlockSpec((TILE, D), lambda i: (i, 0)),
        pl.BlockSpec((2 * D, D), lambda i: (0, 0)),
        pl.BlockSpec((1, D), lambda i: (0, 0)),
    ],
    out_specs=[
        pl.BlockSpec((NC, TILE, HALF), lambda i: (0, i, 0)),
        pl.BlockSpec((NC, TILE, HALF), lambda i: (0, i, 0)),
    ],
    out_shape=[
        jax.ShapeDtypeStruct((NC, N_PAD, HALF), jnp.float32),
        jax.ShapeDtypeStruct((NC, N_PAD, HALF), jnp.float32),
    ],
)


def _post_body(s_ref, cnt_ref, wb_ref, bb_ref, o_ref):
    cv = cnt_ref[0][:, 0:1] + cnt_ref[1][:, 0:1]
    inv = 1.0 / jnp.maximum(cv, 1.0)
    wb = wb_ref[...]
    s0 = s_ref[0] * inv
    s1 = s_ref[1] * inv
    o = (jnp.dot(s0, wb[:HALF], preferred_element_type=jnp.float32)
         + jnp.dot(s1, wb[HALF:], preferred_element_type=jnp.float32))
    o_ref[...] = o + jnp.where(cv > 0.0, bb_ref[...], 0.0)


_post = pl.pallas_call(
    _post_body,
    grid=(GRID,),
    in_specs=[
        pl.BlockSpec((NC, TILE, HALF), lambda i: (0, i, 0)),
        pl.BlockSpec((NC, TILE, HALF), lambda i: (0, i, 0)),
        pl.BlockSpec((D, D), lambda i: (0, 0)),
        pl.BlockSpec((1, D), lambda i: (0, 0)),
    ],
    out_specs=pl.BlockSpec((TILE, D), lambda i: (i, 0)),
    out_shape=jax.ShapeDtypeStruct((N_PAD, D), jnp.float32),
)


def _heads_body(h_ref, wf1, bf1, wf2, bf2, ws1, bs1, ws2, bs2,
                wo1, bo1, wo2, bo2, wm1, bm1, wm2, bm2, o_ref):
    h = h_ref[...]

    def head(w1, b1, w2, b2):
        g = jnp.maximum(
            jnp.dot(h, w1[...], preferred_element_type=jnp.float32) + b1[...],
            0.0)
        return jnp.dot(g, w2[...], preferred_element_type=jnp.float32) + b2[...]

    f = head(wf1, bf1, wf2, bf2)
    sc = head(ws1, bs1, ws2, bs2)
    off = head(wo1, bo1, wo2, bo2)
    m = head(wm1, bm1, wm2, bm2)
    m = 1.0 / (1.0 + jnp.exp(-m))
    o_ref[...] = jnp.concatenate([f, sc, off, m], axis=-1)


def _w_spec(k):
    return pl.BlockSpec((D, k), lambda i: (0, 0))


def _b_spec(k):
    return pl.BlockSpec((1, k), lambda i: (0, 0))


_heads = pl.pallas_call(
    _heads_body,
    grid=(GRID,),
    in_specs=[
        pl.BlockSpec((TILE, D), lambda i: (i, 0)),
        _w_spec(D), _b_spec(D), _w_spec(32), _b_spec(32),
        _w_spec(D), _b_spec(D), _w_spec(6), _b_spec(6),
        _w_spec(D), _b_spec(D), _w_spec(30), _b_spec(30),
        _w_spec(D), _b_spec(D), _w_spec(11), _b_spec(11),
    ],
    out_specs=pl.BlockSpec((TILE, 79), lambda i: (i, 0)),
    out_shape=jax.ShapeDtypeStruct((N_PAD, 79), jnp.float32),
)


def _mid_body(s_ref, cnt_ref, wb_ref, bb_ref, wa_ref, ba_ref,
              ta_ref, tb_ref):
    cv = cnt_ref[0][:, 0:1] + cnt_ref[1][:, 0:1]
    inv = 1.0 / jnp.maximum(cv, 1.0)
    wb = wb_ref[...]
    h = (jnp.dot(s_ref[0] * inv, wb[:HALF], preferred_element_type=jnp.float32)
         + jnp.dot(s_ref[1] * inv, wb[HALF:],
                   preferred_element_type=jnp.float32))
    h = h + jnp.where(cv > 0.0, bb_ref[...], 0.0)
    wa = wa_ref[...]
    wt = wa[:D] - wa[D:]
    wb2 = wa[D:]
    a = jnp.dot(h, wt, preferred_element_type=jnp.float32) + ba_ref[...]
    b = jnp.dot(h, wb2, preferred_element_type=jnp.float32)
    ta_ref[0] = a[:, :HALF]
    ta_ref[1] = a[:, HALF:]
    tb_ref[0] = b[:, :HALF]
    tb_ref[1] = b[:, HALF:]


_mid = pl.pallas_call(
    _mid_body,
    grid=(GRID,),
    in_specs=[
        pl.BlockSpec((NC, TILE, HALF), lambda i: (0, i, 0)),
        pl.BlockSpec((NC, TILE, HALF), lambda i: (0, i, 0)),
        pl.BlockSpec((D, D), lambda i: (0, 0)),
        pl.BlockSpec((1, D), lambda i: (0, 0)),
        pl.BlockSpec((2 * D, D), lambda i: (0, 0)),
        pl.BlockSpec((1, D), lambda i: (0, 0)),
    ],
    out_specs=[
        pl.BlockSpec((NC, TILE, HALF), lambda i: (0, i, 0)),
        pl.BlockSpec((NC, TILE, HALF), lambda i: (0, i, 0)),
    ],
    out_shape=[
        jax.ShapeDtypeStruct((NC, N_PAD, HALF), jnp.float32),
        jax.ShapeDtypeStruct((NC, N_PAD, HALF), jnp.float32),
    ],
)


def _fin_body(s_ref, cnt_ref, wb_ref, bb_ref,
              wf1, bf1, wf2, bf2, ws1, bs1, ws2, bs2,
              wo1, bo1, wo2, bo2, wm1, bm1, wm2, bm2, o_ref):
    cv = cnt_ref[0][:, 0:1] + cnt_ref[1][:, 0:1]
    inv = 1.0 / jnp.maximum(cv, 1.0)
    wb = wb_ref[...]
    h = (jnp.dot(s_ref[0] * inv, wb[:HALF], preferred_element_type=jnp.float32)
         + jnp.dot(s_ref[1] * inv, wb[HALF:],
                   preferred_element_type=jnp.float32))
    h = h + jnp.where(cv > 0.0, bb_ref[...], 0.0)

    def head(w1, b1, w2, b2):
        g = jnp.maximum(
            jnp.dot(h, w1[...], preferred_element_type=jnp.float32) + b1[...],
            0.0)
        return jnp.dot(g, w2[...], preferred_element_type=jnp.float32) + b2[...]

    f = head(wf1, bf1, wf2, bf2)
    sc = head(ws1, bs1, ws2, bs2)
    off = head(wo1, bo1, wo2, bo2)
    m = head(wm1, bm1, wm2, bm2)
    m = 1.0 / (1.0 + jnp.exp(-m))
    o_ref[...] = jnp.concatenate([f, sc, off, m], axis=-1)


_fin = pl.pallas_call(
    _fin_body,
    grid=(GRID,),
    in_specs=[
        pl.BlockSpec((NC, TILE, HALF), lambda i: (0, i, 0)),
        pl.BlockSpec((NC, TILE, HALF), lambda i: (0, i, 0)),
        pl.BlockSpec((D, D), lambda i: (0, 0)),
        pl.BlockSpec((1, D), lambda i: (0, 0)),
        _w_spec(D), _b_spec(D), _w_spec(32), _b_spec(32),
        _w_spec(D), _b_spec(D), _w_spec(6), _b_spec(6),
        _w_spec(D), _b_spec(D), _w_spec(30), _b_spec(30),
        _w_spec(D), _b_spec(D), _w_spec(11), _b_spec(11),
    ],
    out_specs=pl.BlockSpec((TILE, 79), lambda i: (i, 0)),
    out_shape=jax.ShapeDtypeStruct((N_PAD, 79), jnp.float32),
)



def kernel(x, edge_index, W1a, b1a, W1b, b1b, W2a, b2a, W2b, b2b,
           Wf1, bf1, Wf2, bf2, Ws1, bs1, Ws2, bs2,
           Wo1, bo1, Wo2, bo2, Wm1, bm1, Wm2, bm2):
    src = edge_index[0]
    dst = edge_index[1]
    r2 = lambda b: b.reshape(1, -1)
    xp = jnp.concatenate(
        [x, jnp.zeros((N_PAD - N, x.shape[1]), x.dtype)], axis=0)

    edge = _make_edge_kernel()
    count = _make_count_kernel()

    cntp = count(dst)
    src2 = jnp.concatenate([src, src + N_PAD]).reshape(NC, NS, SUP, SPC, CH)
    dst2 = jnp.concatenate([dst, dst + N_PAD]).reshape(NC, NS, SUP, SPC, CH)
    dst3 = dst.reshape(NS, SUP, SPC, CH)

    ta, tb = _pre(xp, W1a, r2(b1a))
    s_acc = edge(ta.reshape(NC * N_PAD, HALF),
                 tb.reshape(NC * N_PAD, HALF), src2, dst2, dst3)
    ta, tb = _mid(s_acc, cntp, W1b, r2(b1b), W2a, r2(b2a))
    s_acc = edge(ta.reshape(NC * N_PAD, HALF),
                 tb.reshape(NC * N_PAD, HALF), src2, dst2, dst3)
    return _fin(s_acc, cntp, W2b, r2(b2b),
                Wf1, r2(bf1), Wf2, r2(bf2), Ws1, r2(bs1), Ws2, r2(bs2),
                Wo1, r2(bo1), Wo2, r2(bo2), Wm1, r2(bm1), Wm2, r2(bm2))[:N]

# --- scband reference (transcript-rebuilt; emitter-appended) ---
"""Pipeline reference for scband-pyginpaintor-3530463118053 (READ-ONLY COPY).

The authoritative reference and input builder live on the scoring server;
editing this copy changes nothing except your own understanding.
"""

import jax, jax.numpy as jnp
import numpy as np

N = 10000
E = 160000
D_IN = 256
HID = 256
D_FEAT = 32
K_OFF = 10


def setup_inputs(seed: int = 0) -> dict:
    key = jax.random.key(seed)
    ks = jax.random.split(key, 32)

    def w(i, shape):
        return jax.random.normal(ks[i], shape, dtype=jnp.float32) * (1.0 / np.sqrt(shape[0]))

    inp = {}
    inp['x'] = jax.random.normal(ks[0], (N, D_IN), dtype=jnp.float32)
    inp['edge_index'] = jax.random.randint(ks[1], (2, E), 0, N, dtype=jnp.int32)
    inp['W1a'] = w(2, (2 * D_IN, HID)); inp['b1a'] = jnp.zeros((HID,), jnp.float32)
    inp['W1b'] = w(3, (HID, HID)); inp['b1b'] = jnp.zeros((HID,), jnp.float32)
    inp['W2a'] = w(4, (2 * HID, HID)); inp['b2a'] = jnp.zeros((HID,), jnp.float32)
    inp['W2b'] = w(5, (HID, HID)); inp['b2b'] = jnp.zeros((HID,), jnp.float32)
    inp['Wf1'] = w(6, (HID, HID)); inp['bf1'] = jnp.zeros((HID,), jnp.float32)
    inp['Wf2'] = w(7, (HID, D_FEAT)); inp['bf2'] = jnp.zeros((D_FEAT,), jnp.float32)
    inp['Ws1'] = w(8, (HID, HID)); inp['bs1'] = jnp.zeros((HID,), jnp.float32)
    inp['Ws2'] = w(9, (HID, 6)); inp['bs2'] = jnp.zeros((6,), jnp.float32)
    inp['Wo1'] = w(10, (HID, HID)); inp['bo1'] = jnp.zeros((HID,), jnp.float32)
    inp['Wo2'] = w(11, (HID, 3 * K_OFF)); inp['bo2'] = jnp.zeros((3 * K_OFF,), jnp.float32)
    inp['Wm1'] = w(12, (HID, HID)); inp['bm1'] = jnp.zeros((HID,), jnp.float32)
    inp['Wm2'] = w(13, (HID, K_OFF + 1)); inp['bm2'] = jnp.zeros((K_OFF + 1,), jnp.float32)
    return inp


def _edge_conv(h, edge_index, Wa, ba, Wb, bb):
    # PyG EdgeConv with aggr='mean': msg = nn([x_i, x_j - x_i]), mean-aggregated at dst node i
    src = edge_index[0]
    dst = edge_index[1]
    x_i = h[dst]
    x_j = h[src]
    m = jnp.concatenate([x_i, x_j - x_i], axis=-1)
    m = jax.nn.relu(m @ Wa + ba)
    m = m @ Wb + bb
    s = jax.ops.segment_sum(m, dst, num_segments=N)
    cnt = jax.ops.segment_sum(jnp.ones((edge_index.shape[1],), jnp.float32), dst, num_segments=N)
    return s / jnp.maximum(cnt, 1.0)[:, None]


def _head(h, W1, b1, W2, b2):
    # mlp([hid, hid, out]) = Linear -> ReLU -> Linear
    return jax.nn.relu(h @ W1 + b1) @ W2 + b2


def reference(x, edge_index, W1a, b1a, W1b, b1b, W2a, b2a, W2b, b2b, Wf1, bf1, Wf2, bf2, Ws1, bs1, Ws2, bs2, Wo1, bo1, Wo2, bo2, Wm1, bm1, Wm2, bm2):
    h = _edge_conv(x, edge_index, W1a, b1a, W1b, b1b)
    h = _edge_conv(h, edge_index, W2a, b2a, W2b, b2b)
    d_feat = _head(h, Wf1, bf1, Wf2, bf2)
    d_scale = _head(h, Ws1, bs1, Ws2, bs2)
    d_off = _head(h, Wo1, bo1, Wo2, bo2)
    d_mask = jax.nn.sigmoid(_head(h, Wm1, bm1, Wm2, bm2))
    return jnp.concatenate([d_feat, d_scale, d_off, d_mask], axis=-1)

if __name__ == "__main__":
    import jax
    _d = setup_inputs()
    print(jax.jit(kernel)(*tuple(_d.values())))

</pallas_src>

<mosaic_0001>
#map = affine_map<(d0, d1) -> (0)>
#map1 = affine_map<(d0, d1) -> (0, 0, 0)>
module attributes {stable_mosaic.version = 14 : i64} {
  func.func @edge_count(%arg0: i32, %arg1: i32, %arg2: memref<160000xi32, #tpu.memory_space<hbm>>, %arg3: memref<2x10240x128xf32, #tpu.memory_space<hbm>>, %arg4: memref<200xi32, #tpu.memory_space<vmem>>, %arg5: memref<200x128xf32, #tpu.memory_space<vmem>>, %arg6: memref<!tpu.dma_semaphore, #tpu.memory_space<semaphore_mem>>, %arg7: memref<10000x128xf32, #tpu.memory_space<vmem_shared>>) attributes {dimension_semantics = [#tpu.dimension_semantics<core_parallel>, #tpu.dimension_semantics<subcore_parallel>], iteration_bounds = array<i64: 2, 16>, scalar_prefetch = 0 : i64, scratch_operands = 4 : i64, tpu.core_type = #tpu.core_type<sc_vector_subcore>, window_params = [{transform_indices = #map}, {transform_indices = #map1}]} {
    %broadcast_in_dim3A = arith.constant 0.000000e+00 : f32
    %broadcast_in_dim3A_0 = vector.broadcast %broadcast_in_dim3A : f32 to vector<16xf32>
    %broadcast_in_dim3A_1 = arith.constant 1.000000e+00 : f32
    %broadcast_in_dim3A_2 = vector.broadcast %broadcast_in_dim3A_1 : f32 to vector<16xf32>
    %scan3A = arith.constant 0 : i32
    %scan3A_3 = arith.constant 0 : i32
    %scan3A_4 = arith.constant 200 : i32
    %scan3A_5 = arith.addi %scan3A_3, %scan3A_4 : i32
    %scan3A_6 = arith.constant 1 : i32
    scf.for %scan3A_46 = %scan3A_3 to %scan3A_5 step %scan3A_6  : i32 {
      %swap3A = arith.index_cast %scan3A_46 : i32 to index
      %swap3A_47 = arith.constant 0 : index
      %swap3A_48 = tpu.vector_load %arg5[%swap3A, %swap3A_47] {strides = array<i32>} : memref<200x128xf32, #tpu.memory_space<vmem>>, vector<1x16xf32>,
      %swap3A_49 = vector.shape_cast %swap3A_48 : vector<1x16xf32> to vector<16xf32>
      %swap3A_50 = vector.shape_cast %broadcast_in_dim3A_0 : vector<16xf32> to vector<1x16xf32>
      tpu.vector_store %arg5[%swap3A, %swap3A_47], %swap3A_50 {strides = array<i32>} : memref<200x128xf32, #tpu.memory_space<vmem>>, vector<1x16xf32>,
      %swap3A_51 = arith.index_cast %scan3A_46 : i32 to index
      %swap3A_52 = arith.constant 16 : index
      %swap3A_53 = tpu.vector_load %arg5[%swap3A_51, %swap3A_52] {strides = array<i32>} : memref<200x128xf32, #tpu.memory_space<vmem>>, vector<1x16xf32>,
      %swap3A_54 = vector.shape_cast %swap3A_53 : vector<1x16xf32> to vector<16xf32>
      %swap3A_55 = vector.shape_cast %broadcast_in_dim3A_0 : vector<16xf32> to vector<1x16xf32>
      tpu.vector_store %arg5[%swap3A_51, %swap3A_52], %swap3A_55 {strides = array<i32>} : memref<200x128xf32, #tpu.memory_space<vmem>>, vector<1x16xf32>,
      %swap3A_56 = arith.index_cast %scan3A_46 : i32 to index
      %swap3A_57 = arith.constant 32 : index
      %swap3A_58 = tpu.vector_load %arg5[%swap3A_56, %swap3A_57] {strides = array<i32>} : memref<200x128xf32, #tpu.memory_space<vmem>>, vector<1x16xf32>,
      %swap3A_59 = vector.shape_cast %swap3A_58 : vector<1x16xf32> to vector<16xf32>
      %swap3A_60 = vector.shape_cast %broadcast_in_dim3A_0 : vector<16xf32> to vector<1x16xf32>
      tpu.vector_store %arg5[%swap3A_56, %swap3A_57], %swap3A_60 {strides = array<i32>} : memref<200x128xf32, #tpu.memory_space<vmem>>, vector<1x16xf32>,
      %swap3A_61 = arith.index_cast %scan3A_46 : i32 to index
      %swap3A_62 = arith.constant 48 : index
      %swap3A_63 = tpu.vector_load %arg5[%swap3A_61, %swap3A_62] {strides = array<i32>} : memref<200x128xf32, #tpu.memory_space<vmem>>, vector<1x16xf32>,
      %swap3A_64 = vector.shape_cast %swap3A_63 : vector<1x16xf32> to vector<16xf32>
      %swap3A_65 = vector.shape_cast %broadcast_in_dim3A_0 : vector<16xf32> to vector<1x16xf32>
      tpu.vector_store %arg5[%swap3A_61, %swap3A_62], %swap3A_65 {strides = array<i32>} : memref<200x128xf32, #tpu.memory_space<vmem>>, vector<1x16xf32>,
      %swap3A_66 = arith.index_cast %scan3A_46 : i32 to index
      %swap3A_67 = arith.constant 64 : index
      %swap3A_68 = tpu.vector_load %arg5[%swap3A_66, %swap3A_67] {strides = array<i32>} : memref<200x128xf32, #tpu.memory_space<vmem>>, vector<1x16xf32>,
      %swap3A_69 = vector.shape_cast %swap3A_68 : vector<1x16xf32> to vector<16xf32>
      %swap3A_70 = vector.shape_cast %broadcast_in_dim3A_0 : vector<16xf32> to vector<1x16xf32>
      tpu.vector_store %arg5[%swap3A_66, %swap3A_67], %swap3A_70 {strides = array<i32>} : memref<200x128xf32, #tpu.memory_space<vmem>>, vector<1x16xf32>,
      %swap3A_71 = arith.index_cast %scan3A_46 : i32 to index
      %swap3A_72 = arith.constant 80 : index
      %swap3A_73 = tpu.vector_load %arg5[%swap3A_71, %swap3A_72] {strides = array<i32>} : memref<200x128xf32, #tpu.memory_space<vmem>>, vector<1x16xf32>,
      %swap3A_74 = vector.shape_cast %swap3A_73 : vector<1x16xf32> to vector<16xf32>
      %swap3A_75 = vector.shape_cast %broadcast_in_dim3A_0 : vector<16xf32> to vector<1x16xf32>
      tpu.vector_store %arg5[%swap3A_71, %swap3A_72], %swap3A_75 {strides = array<i32>} : memref<200x128xf32, #tpu.memory_space<vmem>>, vector<1x16xf32>,
      %swap3A_76 = arith.index_cast %scan3A_46 : i32 to index
      %swap3A_77 = arith.constant 96 : index
      %swap3A_78 = tpu.vector_load %arg5[%swap3A_76, %swap3A_77] {strides = array<i32>} : memref<200x128xf32, #tpu.memory_space<vmem>>, vector<1x16xf32>,
      %swap3A_79 = vector.shape_cast %swap3A_78 : vector<1x16xf32> to vector<16xf32>
      %swap3A_80 = vector.shape_cast %broadcast_in_dim3A_0 : vector<16xf32> to vector<1x16xf32>
      tpu.vector_store %arg5[%swap3A_76, %swap3A_77], %swap3A_80 {strides = array<i32>} : memref<200x128xf32, #tpu.memory_space<vmem>>, vector<1x16xf32>,
      %swap3A_81 = arith.index_cast %scan3A_46 : i32 to index
      %swap3A_82 = arith.constant 112 : index
      %swap3A_83 = tpu.vector_load %arg5[%swap3A_81, %swap3A_82] {strides = array<i32>} : memref<200x128xf32, #tpu.memory_space<vmem>>, vector<1x16xf32>,
      %swap3A_84 = vector.shape_cast %swap3A_83 : vector<1x16xf32> to vector<16xf32>
      %swap3A_85 = vector.shape_cast %broadcast_in_dim3A_0 : vector<16xf32> to vector<1x16xf32>
      tpu.vector_store %arg5[%swap3A_81, %swap3A_82], %swap3A_85 {strides = array<i32>} : memref<200x128xf32, #tpu.memory_space<vmem>>, vector<1x16xf32>,
    }
    %scan3A_7 = arith.constant 200 : i32
    %scan3A_8 = arith.constant 0 : i32
    %scan3A_9 = arith.constant 0 : i32
    %scan3A_10 = arith.constant 3 : i32
    %scan3A_11 = arith.addi %scan3A_9, %scan3A_10 : i32
    %scan3A_12 = arith.constant 1 : i32
    scf.for %scan3A_46 = %scan3A_9 to %scan3A_11 step %scan3A_12  : i32 {
      %mul3A_47 = arith.constant 624 : i32
      %mul3A_48 = arith.muli %arg1, %mul3A_47 : i32
      %mul3A_49 = arith.constant 200 : i32
      %mul3A_50 = arith.muli %scan3A_46, %mul3A_49 : i32
      %add3A_51 = arith.addi %mul3A_48, %mul3A_50 : i32
      "tpu.region"() ({
        %run_scoped3A = tpu.sem_alloc : memref<!tpu.dma_semaphore, #tpu.memory_space<semaphore_mem>>
        %dma_start3A = arith.constant 0 : i32
        %dma_start3A_52 = tpu.memref_slice %arg7[%add3A_51, %dma_start3A] : memref<10000x128xf32, #tpu.memory_space<vmem_shared>> -> memref<200x128xf32, #tpu.memory_space<vmem_shared>>
        %dma_start3A_53 = arith.constant 0 : i32
        %dma_start3A_54 = tpu.memref_slice %arg7[%add3A_51, %dma_start3A_53] : memref<10000x128xf32, #tpu.memory_space<vmem_shared>> -> memref<200x128xf32, #tpu.memory_space<vmem_shared>>
        tpu.enqueue_dma source(%arg5 : memref<200x128xf32, #tpu.memory_space<vmem>>) target(%dma_start3A_54 : memref<200x128xf32, #tpu.memory_space<vmem_shared>>) target_semaphore(%run_scoped3A : memref<!tpu.dma_semaphore, #tpu.memory_space<semaphore_mem>>)
        %dma_wait3A = arith.constant 0 : i32
        %dma_wait3A_55 = tpu.memref_slice %arg7[%add3A_51, %dma_wait3A] : memref<10000x128xf32, #tpu.memory_space<vmem_shared>> -> memref<200x128xf32, #tpu.memory_space<vmem_shared>>
        %dma_wait3A_56 = arith.constant 0 : i32
        %dma_wait3A_57 = tpu.memref_slice %arg7[%add3A_51, %dma_wait3A_56] : memref<10000x128xf32, #tpu.memory_space<vmem_shared>> -> memref<200x128xf32, #tpu.memory_space<vmem_shared>>
        tpu.wait_dma2 semaphore(%run_scoped3A : memref<!tpu.dma_semaphore, #tpu.memory_space<semaphore_mem>>) src(%arg5 : memref<200x128xf32, #tpu.memory_space<vmem>>) dst(%dma_wait3A_57 : memref<200x128xf32, #tpu.memory_space<vmem_shared>>)
        tpu.yield
      }) : () -> ()
    }
    %scan3A_13 = arith.constant 3 : i32
    %mul3A = arith.constant 624 : i32
    %mul3A_14 = arith.muli %arg1, %mul3A : i32
    %add3A = arith.constant 600 : i32
    %add3A_15 = arith.addi %mul3A_14, %add3A : i32
    "tpu.region"() ({
      %run_scoped3A = tpu.sem_alloc : memref<!tpu.dma_semaphore, #tpu.memory_space<semaphore_mem>>
      %dma_start3A = arith.constant 0 : i32
      %dma_start3A_46 = arith.constant 0 : i32
      %dma_start3A_47 = tpu.memref_slice %arg5[%dma_start3A, %dma_start3A_46] : memref<200x128xf32, #tpu.memory_space<vmem>> -> memref<24x128xf32, #tpu.memory_space<vmem>>
      %dma_start3A_48 = arith.constant 0 : i32
      %dma_start3A_49 = tpu.memref_slice %arg7[%add3A_15, %dma_start3A_48] : memref<10000x128xf32, #tpu.memory_space<vmem_shared>> -> memref<24x128xf32, #tpu.memory_space<vmem_shared>>
      %dma_start3A_50 = arith.constant 0 : i32
      %dma_start3A_51 = tpu.memref_slice %arg7[%add3A_15, %dma_start3A_50] : memref<10000x128xf32, #tpu.memory_space<vmem_shared>> -> memref<24x128xf32, #tpu.memory_space<vmem_shared>>
      %dma_start3A_52 = arith.constant 0 : i32
      %dma_start3A_53 = arith.constant 0 : i32
      %dma_start3A_54 = tpu.memref_slice %arg5[%dma_start3A_52, %dma_start3A_53] : memref<200x128xf32, #tpu.memory_space<vmem>> -> memref<24x128xf32, #tpu.memory_space<vmem>>
      tpu.enqueue_dma source(%dma_start3A_54 : memref<24x128xf32, #tpu.memory_space<vmem>>) target(%dma_start3A_51 : memref<24x128xf32, #tpu.memory_space<vmem_shared>>) target_semaphore(%run_scoped3A : memref<!tpu.dma_semaphore, #tpu.memory_space<semaphore_mem>>)
      %dma_wait3A = arith.constant 0 : i32
      %dma_wait3A_55 = arith.constant 0 : i32
      %dma_wait3A_56 = tpu.memref_slice %arg5[%dma_wait3A, %dma_wait3A_55] : memref<200x128xf32, #tpu.memory_space<vmem>> -> memref<24x128xf32, #tpu.memory_space<vmem>>
      %dma_wait3A_57 = arith.constant 0 : i32
      %dma_wait3A_58 = tpu.memref_slice %arg7[%add3A_15, %dma_wait3A_57] : memref<10000x128xf32, #tpu.memory_space<vmem_shared>> -> memref<24x128xf32, #tpu.memory_space<vmem_shared>>
      %dma_wait3A_59 = arith.constant 0 : i32
      %dma_wait3A_60 = tpu.memref_slice %arg7[%add3A_15, %dma_wait3A_59] : memref<10000x128xf32, #tpu.memory_space<vmem_shared>> -> memref<24x128xf32, #tpu.memory_space<vmem_shared>>
      %dma_wait3A_61 = arith.constant 0 : i32
      %dma_wait3A_62 = arith.constant 0 : i32
      %dma_wait3A_63 = tpu.memref_slice %arg5[%dma_wait3A_61, %dma_wait3A_62] : memref<200x128xf32, #tpu.memory_space<vmem>> -> memref<24x128xf32, #tpu.memory_space<vmem>>
      tpu.wait_dma2 semaphore(%run_scoped3A : memref<!tpu.dma_semaphore, #tpu.memory_space<semaphore_mem>>) src(%dma_wait3A_63 : memref<24x128xf32, #tpu.memory_space<vmem>>) dst(%dma_wait3A_60 : memref<24x128xf32, #tpu.memory_space<vmem_shared>>)
      tpu.yield
    }) : () -> ()
    %eq3A = arith.constant 0 : i32
    %eq3A_16 = arith.cmpi eq, %arg1, %eq3A : i32
    %convert_element_type3A = arith.extui %eq3A_16 : i1 to i32
    %cond3A = arith.constant 0 : i32
    %cond3A_17 = arith.cmpi ne, %convert_element_type3A, %cond3A : i32
    scf.if %cond3A_17 {
      "tpu.region"() ({
        %run_scoped3A = tpu.sem_alloc : memref<!tpu.dma_semaphore, #tpu.memory_space<semaphore_mem>>
        %dma_start3A = arith.constant 0 : i32
        %dma_start3A_46 = arith.constant 0 : i32
        %dma_start3A_47 = tpu.memref_slice %arg5[%dma_start3A, %dma_start3A_46] : memref<200x128xf32, #tpu.memory_space<vmem>> -> memref<16x128xf32, #tpu.memory_space<vmem>>
        %dma_start3A_48 = arith.constant 9984 : i32
        %dma_start3A_49 = arith.constant 0 : i32
        %dma_start3A_50 = tpu.memref_slice %arg7[%dma_start3A_48, %dma_start3A_49] : memref<10000x128xf32, #tpu.memory_space<vmem_shared>> -> memref<16x128xf32, #tpu.memory_space<vmem_shared>>
        %dma_start3A_51 = arith.constant 9984 : i32
        %dma_start3A_52 = arith.constant 0 : i32
        %dma_start3A_53 = tpu.memref_slice %arg7[%dma_start3A_51, %dma_start3A_52] : memref<10000x128xf32, #tpu.memory_space<vmem_shared>> -> memref<16x128xf32, #tpu.memory_space<vmem_shared>>
        %dma_start3A_54 = arith.constant 0 : i32
        %dma_start3A_55 = arith.constant 0 : i32
        %dma_start3A_56 = tpu.memref_slice %arg5[%dma_start3A_54, %dma_start3A_55] : memref<200x128xf32, #tpu.memory_space<vmem>> -> memref<16x128xf32, #tpu.memory_space<vmem>>
        tpu.enqueue_dma source(%dma_start3A_56 : memref<16x128xf32, #tpu.memory_space<vmem>>) target(%dma_start3A_53 : memref<16x128xf32, #tpu.memory_space<vmem_shared>>) target_semaphore(%run_scoped3A : memref<!tpu.dma_semaphore, #tpu.memory_space<semaphore_mem>>)
        %dma_wait3A = arith.constant 0 : i32
        %dma_wait3A_57 = arith.constant 0 : i32
        %dma_wait3A_58 = tpu.memref_slice %arg5[%dma_wait3A, %dma_wait3A_57] : memref<200x128xf32, #tpu.memory_space<vmem>> -> memref<16x128xf32, #tpu.memory_space<vmem>>
        %dma_wait3A_59 = arith.constant 9984 : i32
        %dma_wait3A_60 = arith.constant 0 : i32
        %dma_wait3A_61 = tpu.memref_slice %arg7[%dma_wait3A_59, %dma_wait3A_60] : memref<10000x128xf32, #tpu.memory_space<vmem_shared>> -> memref<16x128xf32, #tpu.memory_space<vmem_shared>>
        %dma_wait3A_62 = arith.constant 9984 : i32
        %dma_wait3A_63 = arith.constant 0 : i32
        %dma_wait3A_64 = tpu.memref_slice %arg7[%dma_wait3A_62, %dma_wait3A_63] : memref<10000x128xf32, #tpu.memory_space<vmem_shared>> -> memref<16x128xf32, #tpu.memory_space<vmem_shared>>
        %dma_wait3A_65 = arith.constant 0 : i32
        %dma_wait3A_66 = arith.constant 0 : i32
        %dma_wait3A_67 = tpu.memref_slice %arg5[%dma_wait3A_65, %dma_wait3A_66] : memref<200x128xf32, #tpu.memory_space<vmem>> -> memref<16x128xf32, #tpu.memory_space<vmem>>
        tpu.wait_dma2 semaphore(%run_scoped3A : memref<!tpu.dma_semaphore, #tpu.memory_space<semaphore_mem>>) src(%dma_wait3A_67 : memref<16x128xf32, #tpu.memory_space<vmem>>) dst(%dma_wait3A_64 : memref<16x128xf32, #tpu.memory_space<vmem_shared>>)
        tpu.yield
      }) : () -> ()
    } else {
    }
    %scan3A_18 = arith.constant 0 : i32
    %scan3A_19 = arith.constant 0 : i32
    %scan3A_20 = arith.constant 200 : i32
    %scan3A_21 = arith.addi %scan3A_19, %scan3A_20 : i32
    %scan3A_22 = arith.constant 1 : i32
    scf.for %scan3A_46 = %scan3A_19 to %scan3A_21 step %scan3A_22  : i32 {
      %swap3A = arith.index_cast %scan3A_46 : i32 to index
      %swap3A_47 = arith.constant 0 : index
      %swap3A_48 = tpu.vector_load %arg5[%swap3A, %swap3A_47] {strides = array<i32>} : memref<200x128xf32, #tpu.memory_space<vmem>>, vector<1x16xf32>,
      %swap3A_49 = vector.shape_cast %swap3A_48 : vector<1x16xf32> to vector<16xf32>
      %swap3A_50 = vector.shape_cast %broadcast_in_dim3A_2 : vector<16xf32> to vector<1x16xf32>
      tpu.vector_store %arg5[%swap3A, %swap3A_47], %swap3A_50 {strides = array<i32>} : memref<200x128xf32, #tpu.memory_space<vmem>>, vector<1x16xf32>,
      %swap3A_51 = arith.index_cast %scan3A_46 : i32 to index
      %swap3A_52 = arith.constant 16 : index
      %swap3A_53 = tpu.vector_load %arg5[%swap3A_51, %swap3A_52] {strides = array<i32>} : memref<200x128xf32, #tpu.memory_space<vmem>>, vector<1x16xf32>,
      %swap3A_54 = vector.shape_cast %swap3A_53 : vector<1x16xf32> to vector<16xf32>
      %swap3A_55 = vector.shape_cast %broadcast_in_dim3A_2 : vector<16xf32> to vector<1x16xf32>
      tpu.vector_store %arg5[%swap3A_51, %swap3A_52], %swap3A_55 {strides = array<i32>} : memref<200x128xf32, #tpu.memory_space<vmem>>, vector<1x16xf32>,
      %swap3A_56 = arith.index_cast %scan3A_46 : i32 to index
      %swap3A_57 = arith.constant 32 : index
      %swap3A_58 = tpu.vector_load %arg5[%swap3A_56, %swap3A_57] {strides = array<i32>} : memref<200x128xf32, #tpu.memory_space<vmem>>, vector<1x16xf32>,
      %swap3A_59 = vector.shape_cast %swap3A_58 : vector<1x16xf32> to vector<16xf32>
      %swap3A_60 = vector.shape_cast %broadcast_in_dim3A_2 : vector<16xf32> to vector<1x16xf32>
      tpu.vector_store %arg5[%swap3A_56, %swap3A_57], %swap3A_60 {strides = array<i32>} : memref<200x128xf32, #tpu.memory_space<vmem>>, vector<1x16xf32>,
      %swap3A_61 = arith.index_cast %scan3A_46 : i32 to index
      %swap3A_62 = arith.constant 48 : index
      %swap3A_63 = tpu.vector_load %arg5[%swap3A_61, %swap3A_62] {strides = array<i32>} : memref<200x128xf32, #tpu.memory_space<vmem>>, vector<1x16xf32>,
      %swap3A_64 = vector.shape_cast %swap3A_63 : vector<1x16xf32> to vector<16xf32>
      %swap3A_65 = vector.shape_cast %broadcast_in_dim3A_2 : vector<16xf32> to vector<1x16xf32>
      tpu.vector_store %arg5[%swap3A_61, %swap3A_62], %swap3A_65 {strides = array<i32>} : memref<200x128xf32, #tpu.memory_space<vmem>>, vector<1x16xf32>,
      %swap3A_66 = arith.index_cast %scan3A_46 : i32 to index
      %swap3A_67 = arith.constant 64 : index
      %swap3A_68 = tpu.vector_load %arg5[%swap3A_66, %swap3A_67] {strides = array<i32>} : memref<200x128xf32, #tpu.memory_space<vmem>>, vector<1x16xf32>,
      %swap3A_69 = vector.shape_cast %swap3A_68 : vector<1x16xf32> to vector<16xf32>
      %swap3A_70 = vector.shape_cast %broadcast_in_dim3A_2 : vector<16xf32> to vector<1x16xf32>
      tpu.vector_store %arg5[%swap3A_66, %swap3A_67], %swap3A_70 {strides = array<i32>} : memref<200x128xf32, #tpu.memory_space<vmem>>, vector<1x16xf32>,
      %swap3A_71 = arith.index_cast %scan3A_46 : i32 to index
      %swap3A_72 = arith.constant 80 : index
      %swap3A_73 = tpu.vector_load %arg5[%swap3A_71, %swap3A_72] {strides = array<i32>} : memref<200x128xf32, #tpu.memory_space<vmem>>, vector<1x16xf32>,
      %swap3A_74 = vector.shape_cast %swap3A_73 : vector<1x16xf32> to vector<16xf32>
      %swap3A_75 = vector.shape_cast %broadcast_in_dim3A_2 : vector<16xf32> to vector<1x16xf32>
      tpu.vector_store %arg5[%swap3A_71, %swap3A_72], %swap3A_75 {strides = array<i32>} : memref<200x128xf32, #tpu.memory_space<vmem>>, vector<1x16xf32>,
      %swap3A_76 = arith.index_cast %scan3A_46 : i32 to index
      %swap3A_77 = arith.constant 96 : index
      %swap3A_78 = tpu.vector_load %arg5[%swap3A_76, %swap3A_77] {strides = array<i32>} : memref<200x128xf32, #tpu.memory_space<vmem>>, vector<1x16xf32>,
      %swap3A_79 = vector.shape_cast %swap3A_78 : vector<1x16xf32> to vector<16xf32>
      %swap3A_80 = vector.shape_cast %broadcast_in_dim3A_2 : vector<16xf32> to vector<1x16xf32>
      tpu.vector_store %arg5[%swap3A_76, %swap3A_77], %swap3A_80 {strides = array<i32>} : memref<200x128xf32, #tpu.memory_space<vmem>>, vector<1x16xf32>,
      %swap3A_81 = arith.index_cast %scan3A_46 : i32 to index
      %swap3A_82 = arith.constant 112 : index
      %swap3A_83 = tpu.vector_load %arg5[%swap3A_81, %swap3A_82] {strides = array<i32>} : memref<200x128xf32, #tpu.memory_space<vmem>>, vector<1x16xf32>,
      %swap3A_84 = vector.shape_cast %swap3A_83 : vector<1x16xf32> to vector<16xf32>
      %swap3A_85 = vector.shape_cast %broadcast_in_dim3A_2 : vector<16xf32> to vector<1x16xf32>
      tpu.vector_store %arg5[%swap3A_81, %swap3A_82], %swap3A_85 {strides = array<i32>} : memref<200x128xf32, #tpu.memory_space<vmem>>, vector<1x16xf32>,
    }
    %scan3A_23 = arith.constant 200 : i32
    %barrier3A = arith.constant 0 : index
    tpu.barrier barrier_id(%barrier3A)
    %scan3A_24 = arith.constant 0 : i32
    %scan3A_25 = arith.constant 0 : i32
    %scan3A_26 = arith.constant 25 : i32
    %scan3A_27 = arith.addi %scan3A_25, %scan3A_26 : i32
    %scan3A_28 = arith.constant 1 : i32
    scf.for %scan3A_46 = %scan3A_25 to %scan3A_27 step %scan3A_28  : i32 {
      %mul3A_47 = arith.constant 80000 : i32
      %mul3A_48 = arith.muli %arg0, %mul3A_47 : i32
      %mul3A_49 = arith.constant 5000 : i32
      %mul3A_50 = arith.muli %arg1, %mul3A_49 : i32
      %add3A_51 = arith.addi %mul3A_48, %mul3A_50 : i32
      %mul3A_52 = arith.constant 200 : i32
      %mul3A_53 = arith.muli %scan3A_46, %mul3A_52 : i32
      %add3A_54 = arith.addi %add3A_51, %mul3A_53 : i32
      "tpu.region"() ({
        %run_scoped3A = tpu.sem_alloc : memref<!tpu.dma_semaphore, #tpu.memory_space<semaphore_mem>>
        %dma_start3A = tpu.memref_slice %arg2[%add3A_54] : memref<160000xi32, #tpu.memory_space<hbm>> -> memref<200xi32, #tpu.memory_space<hbm>>
        %dma_start3A_55 = tpu.memref_slice %arg2[%add3A_54] : memref<160000xi32, #tpu.memory_space<hbm>> -> memref<200xi32, #tpu.memory_space<hbm>>
        tpu.enqueue_dma source(%dma_start3A_55 : memref<200xi32, #tpu.memory_space<hbm>>) target(%arg4 : memref<200xi32, #tpu.memory_space<vmem>>) target_semaphore(%run_scoped3A : memref<!tpu.dma_semaphore, #tpu.memory_space<semaphore_mem>>)
        %dma_wait3A = tpu.memref_slice %arg2[%add3A_54] : memref<160000xi32, #tpu.memory_space<hbm>> -> memref<200xi32, #tpu.memory_space<hbm>>
        %dma_wait3A_56 = tpu.memref_slice %arg2[%add3A_54] : memref<160000xi32, #tpu.memory_space<hbm>> -> memref<200xi32, #tpu.memory_space<hbm>>
        tpu.wait_dma2 semaphore(%run_scoped3A : memref<!tpu.dma_semaphore, #tpu.memory_space<semaphore_mem>>) src(%dma_wait3A_56 : memref<200xi32, #tpu.memory_space<hbm>>) dst(%arg4 : memref<200xi32, #tpu.memory_space<vmem>>)
        tpu.yield
      }) : () -> ()
      "tpu.region"() ({
        %run_scoped3A = tpu.sem_alloc : memref<!tpu.dma_semaphore, #tpu.memory_space<semaphore_mem>>
        %dma_start3A = arith.constant 0 : i32
        %dma_start3A_55 = arith.constant 0 : i32
        %dma_start3A_56 = tpu.memref_slice %arg7[%dma_start3A, %dma_start3A_55] : memref<10000x128xf32, #tpu.memory_space<vmem_shared>> -> memref<10000x128xf32, #tpu.memory_space<vmem_shared>>
        tpu.enqueue_indirect_dma source(%arg5 : memref<200x128xf32, #tpu.memory_space<vmem>>) target(%dma_start3A_56 : memref<10000x128xf32, #tpu.memory_space<vmem_shared>>) offsets(%arg4 : memref<200xi32, #tpu.memory_space<vmem>>) semaphore(%run_scoped3A : memref<!tpu.dma_semaphore, #tpu.memory_space<semaphore_mem>>) {add = true}
        %dma_wait3A = arith.constant 0 : i32
        %dma_wait3A_57 = arith.constant 0 : i32
        %dma_wait3A_58 = tpu.memref_slice %arg7[%dma_wait3A, %dma_wait3A_57] : memref<10000x128xf32, #tpu.memory_space<vmem_shared>> -> memref<10000x128xf32, #tpu.memory_space<vmem_shared>>
        tpu.wait_indirect_dma semaphore(%run_scoped3A : memref<!tpu.dma_semaphore, #tpu.memory_space<semaphore_mem>>) src(%arg5 : memref<200x128xf32, #tpu.memory_space<vmem>>) dst(%dma_wait3A_58 : memref<10000x128xf32, #tpu.memory_space<vmem_shared>>)
        tpu.yield
      }) : () -> ()
    }
    %scan3A_29 = arith.constant 25 : i32
    %barrier3A_30 = arith.constant 0 : index
    tpu.barrier barrier_id(%barrier3A_30)
    %scan3A_31 = arith.constant 0 : i32
    %scan3A_32 = arith.constant 0 : i32
    %scan3A_33 = arith.constant 15 : i32
    %scan3A_34 = arith.addi %scan3A_32, %scan3A_33 : i32
    %scan3A_35 = arith.constant 1 : i32
    scf.for %scan3A_46 = %scan3A_32 to %scan3A_34 step %scan3A_35  : i32 {
      %mul3A_47 = arith.constant 624 : i32
      %mul3A_48 = arith.muli %arg1, %mul3A_47 : i32
      %mul3A_49 = arith.constant 40 : i32
      %mul3A_50 = arith.muli %scan3A_46, %mul3A_49 : i32
      %add3A_51 = arith.addi %mul3A_48, %mul3A_50 : i32
      "tpu.region"() ({
        %run_scoped3A = tpu.sem_alloc : memref<!tpu.dma_semaphore, #tpu.memory_space<semaphore_mem>>
        %dma_start3A = arith.constant 0 : i32
        %dma_start3A_52 = arith.constant 0 : i32
        %dma_start3A_53 = tpu.memref_slice %arg5[%dma_start3A, %dma_start3A_52] : memref<200x128xf32, #tpu.memory_space<vmem>> -> memref<40x128xf32, #tpu.memory_space<vmem>>
        %dma_start3A_54 = arith.constant 0 : i32
        %dma_start3A_55 = tpu.memref_slice %arg7[%add3A_51, %dma_start3A_54] : memref<10000x128xf32, #tpu.memory_space<vmem_shared>> -> memref<40x128xf32, #tpu.memory_space<vmem_shared>>
        %dma_start3A_56 = arith.constant 0 : i32
        %dma_start3A_57 = arith.constant 0 : i32
        %dma_start3A_58 = tpu.memref_slice %arg5[%dma_start3A_56, %dma_start3A_57] : memref<200x128xf32, #tpu.memory_space<vmem>> -> memref<40x128xf32, #tpu.memory_space<vmem>>
        %dma_start3A_59 = arith.constant 0 : i32
        %dma_start3A_60 = tpu.memref_slice %arg7[%add3A_51, %dma_start3A_59] : memref<10000x128xf32, #tpu.memory_space<vmem_shared>> -> memref<40x128xf32, #tpu.memory_space<vmem_shared>>
        tpu.enqueue_dma source(%dma_start3A_60 : memref<40x128xf32, #tpu.memory_space<vmem_shared>>) target(%dma_start3A_58 : memref<40x128xf32, #tpu.memory_space<vmem>>) target_semaphore(%run_scoped3A : memref<!tpu.dma_semaphore, #tpu.memory_space<semaphore_mem>>)
        %dma_wait3A = arith.constant 0 : i32
        %dma_wait3A_61 = arith.constant 0 : i32
        %dma_wait3A_62 = tpu.memref_slice %arg5[%dma_wait3A, %dma_wait3A_61] : memref<200x128xf32, #tpu.memory_space<vmem>> -> memref<40x128xf32, #tpu.memory_space<vmem>>
        %dma_wait3A_63 = arith.constant 0 : i32
        %dma_wait3A_64 = tpu.memref_slice %arg7[%add3A_51, %dma_wait3A_63] : memref<10000x128xf32, #tpu.memory_space<vmem_shared>> -> memref<40x128xf32, #tpu.memory_space<vmem_shared>>
        %dma_wait3A_65 = arith.constant 0 : i32
        %dma_wait3A_66 = arith.constant 0 : i32
        %dma_wait3A_67 = tpu.memref_slice %arg5[%dma_wait3A_65, %dma_wait3A_66] : memref<200x128xf32, #tpu.memory_space<vmem>> -> memref<40x128xf32, #tpu.memory_space<vmem>>
        %dma_wait3A_68 = arith.constant 0 : i32
        %dma_wait3A_69 = tpu.memref_slice %arg7[%add3A_51, %dma_wait3A_68] : memref<10000x128xf32, #tpu.memory_space<vmem_shared>> -> memref<40x128xf32, #tpu.memory_space<vmem_shared>>
        tpu.wait_dma2 semaphore(%run_scoped3A : memref<!tpu.dma_semaphore, #tpu.memory_space<semaphore_mem>>) src(%dma_wait3A_69 : memref<40x128xf32, #tpu.memory_space<vmem_shared>>) dst(%dma_wait3A_67 : memref<40x128xf32, #tpu.memory_space<vmem>>)
        tpu.yield
      }) : () -> ()
      "tpu.region"() ({
        %run_scoped3A = tpu.sem_alloc : memref<!tpu.dma_semaphore, #tpu.memory_space<semaphore_mem>>
        %dma_start3A = arith.constant 0 : i32
        %dma_start3A_52 = arith.constant 0 : i32
        %dma_start3A_53 = tpu.memref_slice %arg5[%dma_start3A, %dma_start3A_52] : memref<200x128xf32, #tpu.memory_space<vmem>> -> memref<40x128xf32, #tpu.memory_space<vmem>>
        %dma_start3A_54 = arith.constant 0 : i32
        %dma_start3A_55 = tpu.memref_slice %arg3[%arg0, %add3A_51, %dma_start3A_54] : memref<2x10240x128xf32, #tpu.memory_space<hbm>> -> memref<1x40x128xf32, #tpu.memory_space<hbm>>
        %dma_start3A_56 = tpu.memref_squeeze %dma_start3A_55 : memref<1x40x128xf32, #tpu.memory_space<hbm>> -> memref<40x128xf32, #tpu.memory_space<hbm>>
        %dma_start3A_57 = arith.constant 0 : i32
        %dma_start3A_58 = tpu.memref_slice %arg3[%arg0, %add3A_51, %dma_start3A_57] : memref<2x10240x128xf32, #tpu.memory_space<hbm>> -> memref<1x40x128xf32, #tpu.memory_space<hbm>>
        %dma_start3A_59 = tpu.memref_squeeze %dma_start3A_58 : memref<1x40x128xf32, #tpu.memory_space<hbm>> -> memref<40x128xf32, #tpu.memory_space<hbm>>
        %dma_start3A_60 = arith.constant 0 : i32
        %dma_start3A_61 = arith.constant 0 : i32
        %dma_start3A_62 = tpu.memref_slice %arg5[%dma_start3A_60, %dma_start3A_61] : memref<200x128xf32, #tpu.memory_space<vmem>> -> memref<40x128xf32, #tpu.memory_space<vmem>>
        tpu.enqueue_dma source(%dma_start3A_62 : memref<40x128xf32, #tpu.memory_space<vmem>>) target(%dma_start3A_59 : memref<40x128xf32, #tpu.memory_space<hbm>>) target_semaphore(%run_scoped3A : memref<!tpu.dma_semaphore, #tpu.memory_space<semaphore_mem>>)
        %dma_wait3A = arith.constant 0 : i32
        %dma_wait3A_63 = arith.constant 0 : i32
        %dma_wait3A_64 = tpu.memref_slice %arg5[%dma_wait3A, %dma_wait3A_63] : memref<200x128xf32, #tpu.memory_space<vmem>> -> memref<40x128xf32, #tpu.memory_space<vmem>>
        %dma_wait3A_65 = arith.constant 0 : i32
        %dma_wait3A_66 = tpu.memref_slice %arg3[%arg0, %add3A_51, %dma_wait3A_65] : memref<2x10240x128xf32, #tpu.memory_space<hbm>> -> memref<1x40x128xf32, #tpu.memory_space<hbm>>
        %dma_wait3A_67 = tpu.memref_squeeze %dma_wait3A_66 : memref<1x40x128xf32, #tpu.memory_space<hbm>> -> memref<40x128xf32, #tpu.memory_space<hbm>>
        %dma_wait3A_68 = arith.constant 0 : i32
        %dma_wait3A_69 = tpu.memref_slice %arg3[%arg0, %add3A_51, %dma_wait3A_68] : memref<2x10240x128xf32, #tpu.memory_space<hbm>> -> memref<1x40x128xf32, #tpu.memory_space<hbm>>
        %dma_wait3A_70 = tpu.memref_squeeze %dma_wait3A_69 : memref<1x40x128xf32, #tpu.memory_space<hbm>> -> memref<40x128xf32, #tpu.memory_space<hbm>>
        %dma_wait3A_71 = arith.constant 0 : i32
        %dma_wait3A_72 = arith.constant 0 : i32
        %dma_wait3A_73 = tpu.memref_slice %arg5[%dma_wait3A_71, %dma_wait3A_72] : memref<200x128xf32, #tpu.memory_space<vmem>> -> memref<40x128xf32, #tpu.memory_space<vmem>>
        tpu.wait_dma2 semaphore(%run_scoped3A : memref<!tpu.dma_semaphore, #tpu.memory_space<semaphore_mem>>) src(%dma_wait3A_73 : memref<40x128xf32, #tpu.memory_space<vmem>>) dst(%dma_wait3A_70 : memref<40x128xf32, #tpu.memory_space<hbm>>)
        tpu.yield
      }) : () -> ()
    }
    %scan3A_36 = arith.constant 15 : i32
    %mul3A_37 = arith.constant 624 : i32
    %mul3A_38 = arith.muli %arg1, %mul3A_37 : i32
    %add3A_39 = arith.constant 600 : i32
    %add3A_40 = arith.addi %mul3A_38, %add3A_39 : i32
    "tpu.region"() ({
      %run_scoped3A = tpu.sem_alloc : memref<!tpu.dma_semaphore, #tpu.memory_space<semaphore_mem>>
      %dma_start3A = arith.constant 0 : i32
      %dma_start3A_46 = arith.constant 0 : i32
      %dma_start3A_47 = tpu.memref_slice %arg5[%dma_start3A, %dma_start3A_46] : memref<200x128xf32, #tpu.memory_space<vmem>> -> memref<24x128xf32, #tpu.memory_space<vmem>>
      %dma_start3A_48 = arith.constant 0 : i32
      %dma_start3A_49 = tpu.memref_slice %arg7[%add3A_40, %dma_start3A_48] : memref<10000x128xf32, #tpu.memory_space<vmem_shared>> -> memref<24x128xf32, #tpu.memory_space<vmem_shared>>
      %dma_start3A_50 = arith.constant 0 : i32
      %dma_start3A_51 = arith.constant 0 : i32
      %dma_start3A_52 = tpu.memref_slice %arg5[%dma_start3A_50, %dma_start3A_51] : memref<200x128xf32, #tpu.memory_space<vmem>> -> memref<24x128xf32, #tpu.memory_space<vmem>>
      %dma_start3A_53 = arith.constant 0 : i32
      %dma_start3A_54 = tpu.memref_slice %arg7[%add3A_40, %dma_start3A_53] : memref<10000x128xf32, #tpu.memory_space<vmem_shared>> -> memref<24x128xf32, #tpu.memory_space<vmem_shared>>
      tpu.enqueue_dma source(%dma_start3A_54 : memref<24x128xf32, #tpu.memory_space<vmem_shared>>) target(%dma_start3A_52 : memref<24x128xf32, #tpu.memory_space<vmem>>) target_semaphore(%run_scoped3A : memref<!tpu.dma_semaphore, #tpu.memory_space<semaphore_mem>>)
      %dma_wait3A = arith.constant 0 : i32
      %dma_wait3A_55 = arith.constant 0 : i32
      %dma_wait3A_56 = tpu.memref_slice %arg5[%dma_wait3A, %dma_wait3A_55] : memref<200x128xf32, #tpu.memory_space<vmem>> -> memref<24x128xf32, #tpu.memory_space<vmem>>
      %dma_wait3A_57 = arith.constant 0 : i32
      %dma_wait3A_58 = tpu.memref_slice %arg7[%add3A_40, %dma_wait3A_57] : memref<10000x128xf32, #tpu.memory_space<vmem_shared>> -> memref<24x128xf32, #tpu.memory_space<vmem_shared>>
      %dma_wait3A_59 = arith.constant 0 : i32
      %dma_wait3A_60 = arith.constant 0 : i32
      %dma_wait3A_61 = tpu.memref_slice %arg5[%dma_wait3A_59, %dma_wait3A_60] : memref<200x128xf32, #tpu.memory_space<vmem>> -> memref<24x128xf32, #tpu.memory_space<vmem>>
      %dma_wait3A_62 = arith.constant 0 : i32
      %dma_wait3A_63 = tpu.memref_slice %arg7[%add3A_40, %dma_wait3A_62] : memref<10000x128xf32, #tpu.memory_space<vmem_shared>> -> memref<24x128xf32, #tpu.memory_space<vmem_shared>>
      tpu.wait_dma2 semaphore(%run_scoped3A : memref<!tpu.dma_semaphore, #tpu.memory_space<semaphore_mem>>) src(%dma_wait3A_63 : memref<24x128xf32, #tpu.memory_space<vmem_shared>>) dst(%dma_wait3A_61 : memref<24x128xf32, #tpu.memory_space<vmem>>)
      tpu.yield
    }) : () -> ()
    "tpu.region"() ({
      %run_scoped3A = tpu.sem_alloc : memref<!tpu.dma_semaphore, #tpu.memory_space<semaphore_mem>>
      %dma_start3A = arith.constant 0 : i32
      %dma_start3A_46 = arith.constant 0 : i32
      %dma_start3A_47 = tpu.memref_slice %arg5[%dma_start3A, %dma_start3A_46] : memref<200x128xf32, #tpu.memory_space<vmem>> -> memref<24x128xf32, #tpu.memory_space<vmem>>
      %dma_start3A_48 = arith.constant 0 : i32
      %dma_start3A_49 = tpu.memref_slice %arg3[%arg0, %add3A_40, %dma_start3A_48] : memref<2x10240x128xf32, #tpu.memory_space<hbm>> -> memref<1x24x128xf32, #tpu.memory_space<hbm>>
      %dma_start3A_50 = tpu.memref_squeeze %dma_start3A_49 : memref<1x24x128xf32, #tpu.memory_space<hbm>> -> memref<24x128xf32, #tpu.memory_space<hbm>>
      %dma_start3A_51 = arith.constant 0 : i32
      %dma_start3A_52 = tpu.memref_slice %arg3[%arg0, %add3A_40, %dma_start3A_51] : memref<2x10240x128xf32, #tpu.memory_space<hbm>> -> memref<1x24x128xf32, #tpu.memory_space<hbm>>
      %dma_start3A_53 = tpu.memref_squeeze %dma_start3A_52 : memref<1x24x128xf32, #tpu.memory_space<hbm>> -> memref<24x128xf32, #tpu.memory_space<hbm>>
      %dma_start3A_54 = arith.constant 0 : i32
      %dma_start3A_55 = arith.constant 0 : i32
      %dma_start3A_56 = tpu.memref_slice %arg5[%dma_start3A_54, %dma_start3A_55] : memref<200x128xf32, #tpu.memory_space<vmem>> -> memref<24x128xf32, #tpu.memory_space<vmem>>
      tpu.enqueue_dma source(%dma_start3A_56 : memref<24x128xf32, #tpu.memory_space<vmem>>) target(%dma_start3A_53 : memref<24x128xf32, #tpu.memory_space<hbm>>) target_semaphore(%run_scoped3A : memref<!tpu.dma_semaphore, #tpu.memory_space<semaphore_mem>>)
      %dma_wait3A = arith.constant 0 : i32
      %dma_wait3A_57 = arith.constant 0 : i32
      %dma_wait3A_58 = tpu.memref_slice %arg5[%dma_wait3A, %dma_wait3A_57] : memref<200x128xf32, #tpu.memory_space<vmem>> -> memref<24x128xf32, #tpu.memory_space<vmem>>
      %dma_wait3A_59 = arith.constant 0 : i32
      %dma_wait3A_60 = tpu.memref_slice %arg3[%arg0, %add3A_40, %dma_wait3A_59] : memref<2x10240x128xf32, #tpu.memory_space<hbm>> -> memref<1x24x128xf32, #tpu.memory_space<hbm>>
      %dma_wait3A_61 = tpu.memref_squeeze %dma_wait3A_60 : memref<1x24x128xf32, #tpu.memory_space<hbm>> -> memref<24x128xf32, #tpu.memory_space<hbm>>
      %dma_wait3A_62 = arith.constant 0 : i32
      %dma_wait3A_63 = tpu.memref_slice %arg3[%arg0, %add3A_40, %dma_wait3A_62] : memref<2x10240x128xf32, #tpu.memory_space<hbm>> -> memref<1x24x128xf32, #tpu.memory_space<hbm>>
      %dma_wait3A_64 = tpu.memref_squeeze %dma_wait3A_63 : memref<1x24x128xf32, #tpu.memory_space<hbm>> -> memref<24x128xf32, #tpu.memory_space<hbm>>
      %dma_wait3A_65 = arith.constant 0 : i32
      %dma_wait3A_66 = arith.constant 0 : i32
      %dma_wait3A_67 = tpu.memref_slice %arg5[%dma_wait3A_65, %dma_wait3A_66] : memref<200x128xf32, #tpu.memory_space<vmem>> -> memref<24x128xf32, #tpu.memory_space<vmem>>
      tpu.wait_dma2 semaphore(%run_scoped3A : memref<!tpu.dma_semaphore, #tpu.memory_space<semaphore_mem>>) src(%dma_wait3A_67 : memref<24x128xf32, #tpu.memory_space<vmem>>) dst(%dma_wait3A_64 : memref<24x128xf32, #tpu.memory_space<hbm>>)
      tpu.yield
    }) : () -> ()
    %eq3A_41 = arith.constant 0 : i32
    %eq3A_42 = arith.cmpi eq, %arg1, %eq3A_41 : i32
    %convert_element_type3A_43 = arith.extui %eq3A_42 : i1 to i32
    %cond3A_44 = arith.constant 0 : i32
    %cond3A_45 = arith.cmpi ne, %convert_element_type3A_43, %cond3A_44 : i32
    scf.if %cond3A_45 {
      "tpu.region"() ({
        %run_scoped3A = tpu.sem_alloc : memref<!tpu.dma_semaphore, #tpu.memory_space<semaphore_mem>>
        %dma_start3A = arith.constant 0 : i32
        %dma_start3A_46 = arith.constant 0 : i32
        %dma_start3A_47 = tpu.memref_slice %arg5[%dma_start3A, %dma_start3A_46] : memref<200x128xf32, #tpu.memory_space<vmem>> -> memref<16x128xf32, #tpu.memory_space<vmem>>
        %dma_start3A_48 = arith.constant 9984 : i32
        %dma_start3A_49 = arith.constant 0 : i32
        %dma_start3A_50 = tpu.memref_slice %arg7[%dma_start3A_48, %dma_start3A_49] : memref<10000x128xf32, #tpu.memory_space<vmem_shared>> -> memref<16x128xf32, #tpu.memory_space<vmem_shared>>
        %dma_start3A_51 = arith.constant 0 : i32
        %dma_start3A_52 = arith.constant 0 : i32
        %dma_start3A_53 = tpu.memref_slice %arg5[%dma_start3A_51, %dma_start3A_52] : memref<200x128xf32, #tpu.memory_space<vmem>> -> memref<16x128xf32, #tpu.memory_space<vmem>>
        %dma_start3A_54 = arith.constant 9984 : i32
        %dma_start3A_55 = arith.constant 0 : i32
        %dma_start3A_56 = tpu.memref_slice %arg7[%dma_start3A_54, %dma_start3A_55] : memref<10000x128xf32, #tpu.memory_space<vmem_shared>> -> memref<16x128xf32, #tpu.memory_space<vmem_shared>>
        tpu.enqueue_dma source(%dma_start3A_56 : memref<16x128xf32, #tpu.memory_space<vmem_shared>>) target(%dma_start3A_53 : memref<16x128xf32, #tpu.memory_space<vmem>>) target_semaphore(%run_scoped3A : memref<!tpu.dma_semaphore, #tpu.memory_space<semaphore_mem>>)
        %dma_wait3A = arith.constant 0 : i32
        %dma_wait3A_57 = arith.constant 0 : i32
        %dma_wait3A_58 = tpu.memref_slice %arg5[%dma_wait3A, %dma_wait3A_57] : memref<200x128xf32, #tpu.memory_space<vmem>> -> memref<16x128xf32, #tpu.memory_space<vmem>>
        %dma_wait3A_59 = arith.constant 9984 : i32
        %dma_wait3A_60 = arith.constant 0 : i32
        %dma_wait3A_61 = tpu.memref_slice %arg7[%dma_wait3A_59, %dma_wait3A_60] : memref<10000x128xf32, #tpu.memory_space<vmem_shared>> -> memref<16x128xf32, #tpu.memory_space<vmem_shared>>
        %dma_wait3A_62 = arith.constant 0 : i32
        %dma_wait3A_63 = arith.constant 0 : i32
        %dma_wait3A_64 = tpu.memref_slice %arg5[%dma_wait3A_62, %dma_wait3A_63] : memref<200x128xf32, #tpu.memory_space<vmem>> -> memref<16x128xf32, #tpu.memory_space<vmem>>
        %dma_wait3A_65 = arith.constant 9984 : i32
        %dma_wait3A_66 = arith.constant 0 : i32
        %dma_wait3A_67 = tpu.memref_slice %arg7[%dma_wait3A_65, %dma_wait3A_66] : memref<10000x128xf32, #tpu.memory_space<vmem_shared>> -> memref<16x128xf32, #tpu.memory_space<vmem_shared>>
        tpu.wait_dma2 semaphore(%run_scoped3A : memref<!tpu.dma_semaphore, #tpu.memory_space<semaphore_mem>>) src(%dma_wait3A_67 : memref<16x128xf32, #tpu.memory_space<vmem_shared>>) dst(%dma_wait3A_64 : memref<16x128xf32, #tpu.memory_space<vmem>>)
        tpu.yield
      }) : () -> ()
      "tpu.region"() ({
        %run_scoped3A = tpu.sem_alloc : memref<!tpu.dma_semaphore, #tpu.memory_space<semaphore_mem>>
        %dma_start3A = arith.constant 0 : i32
        %dma_start3A_46 = arith.constant 0 : i32
        %dma_start3A_47 = tpu.memref_slice %arg5[%dma_start3A, %dma_start3A_46] : memref<200x128xf32, #tpu.memory_space<vmem>> -> memref<16x128xf32, #tpu.memory_space<vmem>>
        %dma_start3A_48 = arith.constant 9984 : i32
        %dma_start3A_49 = arith.constant 0 : i32
        %dma_start3A_50 = tpu.memref_slice %arg3[%arg0, %dma_start3A_48, %dma_start3A_49] : memref<2x10240x128xf32, #tpu.memory_space<hbm>> -> memref<1x16x128xf32, #tpu.memory_space<hbm>>
        %dma_start3A_51 = tpu.memref_squeeze %dma_start3A_50 : memref<1x16x128xf32, #tpu.memory_space<hbm>> -> memref<16x128xf32, #tpu.memory_space<hbm>>
        %dma_start3A_52 = arith.constant 9984 : i32
        %dma_start3A_53 = arith.constant 0 : i32
        %dma_start3A_54 = tpu.memref_slice %arg3[%arg0, %dma_start3A_52, %dma_start3A_53] : memref<2x10240x128xf32, #tpu.memory_space<hbm>> -> memref<1x16x128xf32, #tpu.memory_space<hbm>>
        %dma_start3A_55 = tpu.memref_squeeze %dma_start3A_54 : memref<1x16x128xf32, #tpu.memory_space<hbm>> -> memref<16x128xf32, #tpu.memory_space<hbm>>
        %dma_start3A_56 = arith.constant 0 : i32
        %dma_start3A_57 = arith.constant 0 : i32
        %dma_start3A_58 = tpu.memref_slice %arg5[%dma_start3A_56, %dma_start3A_57] : memref<200x128xf32, #tpu.memory_space<vmem>> -> memref<16x128xf32, #tpu.memory_space<vmem>>
        tpu.enqueue_dma source(%dma_start3A_58 : memref<16x128xf32, #tpu.memory_space<vmem>>) target(%dma_start3A_55 : memref<16x128xf32, #tpu.memory_space<hbm>>) target_semaphore(%run_scoped3A : memref<!tpu.dma_semaphore, #tpu.memory_space<semaphore_mem>>)
        %dma_wait3A = arith.constant 0 : i32
        %dma_wait3A_59 = arith.constant 0 : i32
        %dma_wait3A_60 = tpu.memref_slice %arg5[%dma_wait3A, %dma_wait3A_59] : memref<200x128xf32, #tpu.memory_space<vmem>> -> memref<16x128xf32, #tpu.memory_space<vmem>>
        %dma_wait3A_61 = arith.constant 9984 : i32
        %dma_wait3A_62 = arith.constant 0 : i32
        %dma_wait3A_63 = tpu.memref_slice %arg3[%arg0, %dma_wait3A_61, %dma_wait3A_62] : memref<2x10240x128xf32, #tpu.memory_space<hbm>> -> memref<1x16x128xf32, #tpu.memory_space<hbm>>
        %dma_wait3A_64 = tpu.memref_squeeze %dma_wait3A_63 : memref<1x16x128xf32, #tpu.memory_space<hbm>> -> memref<16x128xf32, #tpu.memory_space<hbm>>
        %dma_wait3A_65 = arith.constant 9984 : i32
        %dma_wait3A_66 = arith.constant 0 : i32
        %dma_wait3A_67 = tpu.memref_slice %arg3[%arg0, %dma_wait3A_65, %dma_wait3A_66] : memref<2x10240x128xf32, #tpu.memory_space<hbm>> -> memref<1x16x128xf32, #tpu.memory_space<hbm>>
        %dma_wait3A_68 = tpu.memref_squeeze %dma_wait3A_67 : memref<1x16x128xf32, #tpu.memory_space<hbm>> -> memref<16x128xf32, #tpu.memory_space<hbm>>
        %dma_wait3A_69 = arith.constant 0 : i32
        %dma_wait3A_70 = arith.constant 0 : i32
        %dma_wait3A_71 = tpu.memref_slice %arg5[%dma_wait3A_69, %dma_wait3A_70] : memref<200x128xf32, #tpu.memory_space<vmem>> -> memref<16x128xf32, #tpu.memory_space<vmem>>
        tpu.wait_dma2 semaphore(%run_scoped3A : memref<!tpu.dma_semaphore, #tpu.memory_space<semaphore_mem>>) src(%dma_wait3A_71 : memref<16x128xf32, #tpu.memory_space<vmem>>) dst(%dma_wait3A_68 : memref<16x128xf32, #tpu.memory_space<hbm>>)
        tpu.yield
      }) : () -> ()
    } else {
    }
    return
  }
}

#map = affine_map<(d0, d1) -> (0, 0)>
#map1 = affine_map<(d0, d1) -> (0, 0, 0, 0, 0)>
#map2 = affine_map<(d0, d1) -> (0, 0, 0, 0)>
#map3 = affine_map<(d0, d1) -> (0, 0, 0)>
module attributes {stable_mosaic.version = 14 : i64} {
  func.func @edge_scatter(%arg0: i32, %arg1: i32, %arg2: memref<20480x128xf32, #tpu.memory_space<hbm>>, %arg3: memref<20480x128xf32, #tpu.memory_space<hbm>>, %arg4: memref<2x16x5x50x40xi32, #tpu.memory_space<hbm>>, %arg5: memref<2x16x5x50x40xi32, #tpu.memory_space<hbm>>, %arg6: memref<16x5x50x40xi32, #tpu.memory_space<hbm>>, %arg7: memref<2x10240x128xf32, #tpu.memory_space<hbm>>, %arg8: memref<50x40xi32, #tpu.memory_space<vmem>>, %arg9: memref<50x40xi32, #tpu.memory_space<vmem>>, %arg10: memref<50x40xi32, #tpu.memory_space<vmem>>, %arg11: memref<40x128xf32, #tpu.memory_space<vmem>>, %arg12: memref<40x128xf32, #tpu.memory_space<vmem>>, %arg13: memref<40x128xf32, #tpu.memory_space<vmem>>, %arg14: memref<40x128xf32, #tpu.memory_space<vmem>>, %arg15: memref<!tpu.dma_semaphore, #tpu.memory_space<semaphore_mem>>, %arg16: memref<!tpu.dma_semaphore, #tpu.memory_space<semaphore_mem>>, %arg17: memref<!tpu.dma_semaphore, #tpu.memory_space<semaphore_mem>>, %arg18: memref<!tpu.dma_semaphore, #tpu.memory_space<semaphore_mem>>, %arg19: memref<10000x128xf32, #tpu.memory_space<vmem_shared>>) attributes {dimension_semantics = [#tpu.dimension_semantics<core_parallel>, #tpu.dimension_semantics<subcore_parallel>], iteration_bounds = array<i64: 2, 16>, scalar_prefetch = 0 : i64, scratch_operands = 12 : i64, tpu.core_type = #tpu.core_type<sc_vector_subcore>, window_params = [{transform_indices = #map}, {transform_indices = #map}, {transform_indices = #map1}, {transform_indices = #map1}, {transform_indices = #map2}, {transform_indices = #map3}]} {
    %broadcast_in_dim3A = arith.constant 0.000000e+00 : f32
    %broadcast_in_dim3A_0 = vector.broadcast %broadcast_in_dim3A : f32 to vector<16xf32>
    %scan3A = arith.constant 0 : i32
    %scan3A_1 = arith.constant 0 : i32
    %scan3A_2 = arith.constant 40 : i32
    %scan3A_3 = arith.addi %scan3A_1, %scan3A_2 : i32
    %scan3A_4 = arith.constant 1 : i32
    scf.for %scan3A_38 = %scan3A_1 to %scan3A_3 step %scan3A_4  : i32 {
      %swap3A = arith.index_cast %scan3A_38 : i32 to index
      %swap3A_39 = arith.constant 0 : index
      %swap3A_40 = tpu.vector_load %arg11[%swap3A, %swap3A_39] {strides = array<i32>} : memref<40x128xf32, #tpu.memory_space<vmem>>, vector<1x16xf32>,
      %swap3A_41 = vector.shape_cast %swap3A_40 : vector<1x16xf32> to vector<16xf32>
      %swap3A_42 = vector.shape_cast %broadcast_in_dim3A_0 : vector<16xf32> to vector<1x16xf32>
      tpu.vector_store %arg11[%swap3A, %swap3A_39], %swap3A_42 {strides = array<i32>} : memref<40x128xf32, #tpu.memory_space<vmem>>, vector<1x16xf32>,
      %swap3A_43 = arith.index_cast %scan3A_38 : i32 to index
      %swap3A_44 = arith.constant 16 : index
      %swap3A_45 = tpu.vector_load %arg11[%swap3A_43, %swap3A_44] {strides = array<i32>} : memref<40x128xf32, #tpu.memory_space<vmem>>, vector<1x16xf32>,
      %swap3A_46 = vector.shape_cast %swap3A_45 : vector<1x16xf32> to vector<16xf32>
      %swap3A_47 = vector.shape_cast %broadcast_in_dim3A_0 : vector<16xf32> to vector<1x16xf32>
      tpu.vector_store %arg11[%swap3A_43, %swap3A_44], %swap3A_47 {strides = array<i32>} : memref<40x128xf32, #tpu.memory_space<vmem>>, vector<1x16xf32>,
      %swap3A_48 = arith.index_cast %scan3A_38 : i32 to index
      %swap3A_49 = arith.constant 32 : index
      %swap3A_50 = tpu.vector_load %arg11[%swap3A_48, %swap3A_49] {strides = array<i32>} : memref<40x128xf32, #tpu.memory_space<vmem>>, vector<1x16xf32>,
      %swap3A_51 = vector.shape_cast %swap3A_50 : vector<1x16xf32> to vector<16xf32>
      %swap3A_52 = vector.shape_cast %broadcast_in_dim3A_0 : vector<16xf32> to vector<1x16xf32>
      tpu.vector_store %arg11[%swap3A_48, %swap3A_49], %swap3A_52 {strides = array<i32>} : memref<40x128xf32, #tpu.memory_space<vmem>>, vector<1x16xf32>,
      %swap3A_53 = arith.index_cast %scan3A_38 : i32 to index
      %swap3A_54 = arith.constant 48 : index
      %swap3A_55 = tpu.vector_load %arg11[%swap3A_53, %swap3A_54] {strides = array<i32>} : memref<40x128xf32, #tpu.memory_space<vmem>>, vector<1x16xf32>,
      %swap3A_56 = vector.shape_cast %swap3A_55 : vector<1x16xf32> to vector<16xf32>
      %swap3A_57 = vector.shape_cast %broadcast_in_dim3A_0 : vector<16xf32> to vector<1x16xf32>
      tpu.vector_store %arg11[%swap3A_53, %swap3A_54], %swap3A_57 {strides = array<i32>} : memref<40x128xf32, #tpu.memory_space<vmem>>, vector<1x16xf32>,
      %swap3A_58 = arith.index_cast %scan3A_38 : i32 to index
      %swap3A_59 = arith.constant 64 : index
      %swap3A_60 = tpu.vector_load %arg11[%swap3A_58, %swap3A_59] {strides = array<i32>} : memref<40x128xf32, #tpu.memory_space<vmem>>, vector<1x16xf32>,
      %swap3A_61 = vector.shape_cast %swap3A_60 : vector<1x16xf32> to vector<16xf32>
      %swap3A_62 = vector.shape_cast %broadcast_in_dim3A_0 : vector<16xf32> to vector<1x16xf32>
      tpu.vector_store %arg11[%swap3A_58, %swap3A_59], %swap3A_62 {strides = array<i32>} : memref<40x128xf32, #tpu.memory_space<vmem>>, vector<1x16xf32>,
      %swap3A_63 = arith.index_cast %scan3A_38 : i32 to index
      %swap3A_64 = arith.constant 80 : index
      %swap3A_65 = tpu.vector_load %arg11[%swap3A_63, %swap3A_64] {strides = array<i32>} : memref<40x128xf32, #tpu.memory_space<vmem>>, vector<1x16xf32>,
      %swap3A_66 = vector.shape_cast %swap3A_65 : vector<1x16xf32> to vector<16xf32>
      %swap3A_67 = vector.shape_cast %broadcast_in_dim3A_0 : vector<16xf32> to vector<1x16xf32>
      tpu.vector_store %arg11[%swap3A_63, %swap3A_64], %swap3A_67 {strides = array<i32>} : memref<40x128xf32, #tpu.memory_space<vmem>>, vector<1x16xf32>,
      %swap3A_68 = arith.index_cast %scan3A_38 : i32 to index
      %swap3A_69 = arith.constant 96 : index
      %swap3A_70 = tpu.vector_load %arg11[%swap3A_68, %swap3A_69] {strides = array<i32>} : memref<40x128xf32, #tpu.memory_space<vmem>>, vector<1x16xf32>,
      %swap3A_71 = vector.shape_cast %swap3A_70 : vector<1x16xf32> to vector<16xf32>
      %swap3A_72 = vector.shape_cast %broadcast_in_dim3A_0 : vector<16xf32> to vector<1x16xf32>
      tpu.vector_store %arg11[%swap3A_68, %swap3A_69], %swap3A_72 {strides = array<i32>} : memref<40x128xf32, #tpu.memory_space<vmem>>, vector<1x16xf32>,
      %swap3A_73 = arith.index_cast %scan3A_38 : i32 to index
      %swap3A_74 = arith.constant 112 : index
      %swap3A_75 = tpu.vector_load %arg11[%swap3A_73, %swap3A_74] {strides = array<i32>} : memref<40x128xf32, #tpu.memory_space<vmem>>, vector<1x16xf32>,
      %swap3A_76 = vector.shape_cast %swap3A_75 : vector<1x16xf32> to vector<16xf32>
      %swap3A_77 = vector.shape_cast %broadcast_in_dim3A_0 : vector<16xf32> to vector<1x16xf32>
      tpu.vector_store %arg11[%swap3A_73, %swap3A_74], %swap3A_77 {strides = array<i32>} : memref<40x128xf32, #tpu.memory_space<vmem>>, vector<1x16xf32>,
    }
    %scan3A_5 = arith.constant 40 : i32
    %scan3A_6 = arith.constant 0 : i32
    %scan3A_7 = arith.constant 0 : i32
    %scan3A_8 = arith.constant 15 : i32
    %scan3A_9 = arith.addi %scan3A_7, %scan3A_8 : i32
    %scan3A_10 = arith.constant 1 : i32
    scf.for %scan3A_38 = %scan3A_7 to %scan3A_9 step %scan3A_10  : i32 {
      %mul3A_39 = arith.constant 624 : i32
      %mul3A_40 = arith.muli %arg1, %mul3A_39 : i32
      %mul3A_41 = arith.constant 40 : i32
      %mul3A_42 = arith.muli %scan3A_38, %mul3A_41 : i32
      %add3A_43 = arith.addi %mul3A_40, %mul3A_42 : i32
      "tpu.region"() ({
        %run_scoped3A = tpu.sem_alloc : memref<!tpu.dma_semaphore, #tpu.memory_space<semaphore_mem>>
        %dma_start3A = arith.constant 0 : i32
        %dma_start3A_44 = tpu.memref_slice %arg19[%add3A_43, %dma_start3A] : memref<10000x128xf32, #tpu.memory_space<vmem_shared>> -> memref<40x128xf32, #tpu.memory_space<vmem_shared>>
        %dma_start3A_45 = arith.constant 0 : i32
        %dma_start3A_46 = tpu.memref_slice %arg19[%add3A_43, %dma_start3A_45] : memref<10000x128xf32, #tpu.memory_space<vmem_shared>> -> memref<40x128xf32, #tpu.memory_space<vmem_shared>>
        tpu.enqueue_dma source(%arg11 : memref<40x128xf32, #tpu.memory_space<vmem>>) target(%dma_start3A_46 : memref<40x128xf32, #tpu.memory_space<vmem_shared>>) target_semaphore(%run_scoped3A : memref<!tpu.dma_semaphore, #tpu.memory_space<semaphore_mem>>)
        %dma_wait3A = arith.constant 0 : i32
        %dma_wait3A_47 = tpu.memref_slice %arg19[%add3A_43, %dma_wait3A] : memref<10000x128xf32, #tpu.memory_space<vmem_shared>> -> memref<40x128xf32, #tpu.memory_space<vmem_shared>>
        %dma_wait3A_48 = arith.constant 0 : i32
        %dma_wait3A_49 = tpu.memref_slice %arg19[%add3A_43, %dma_wait3A_48] : memref<10000x128xf32, #tpu.memory_space<vmem_shared>> -> memref<40x128xf32, #tpu.memory_space<vmem_shared>>
        tpu.wait_dma2 semaphore(%run_scoped3A : memref<!tpu.dma_semaphore, #tpu.memory_space<semaphore_mem>>) src(%arg11 : memref<40x128xf32, #tpu.memory_space<vmem>>) dst(%dma_wait3A_49 : memref<40x128xf32, #tpu.memory_space<vmem_shared>>)
        tpu.yield
      }) : () -> ()
    }
    %scan3A_11 = arith.constant 15 : i32
    %mul3A = arith.constant 624 : i32
    %mul3A_12 = arith.muli %arg1, %mul3A : i32
    %add3A = arith.constant 600 : i32
    %add3A_13 = arith.addi %mul3A_12, %add3A : i32
    "tpu.region"() ({
      %run_scoped3A = tpu.sem_alloc : memref<!tpu.dma_semaphore, #tpu.memory_space<semaphore_mem>>
      %dma_start3A = arith.constant 0 : i32
      %dma_start3A_38 = arith.constant 0 : i32
      %dma_start3A_39 = tpu.memref_slice %arg11[%dma_start3A, %dma_start3A_38] : memref<40x128xf32, #tpu.memory_space<vmem>> -> memref<24x128xf32, #tpu.memory_space<vmem>>
      %dma_start3A_40 = arith.constant 0 : i32
      %dma_start3A_41 = tpu.memref_slice %arg19[%add3A_13, %dma_start3A_40] : memref<10000x128xf32, #tpu.memory_space<vmem_shared>> -> memref<24x128xf32, #tpu.memory_space<vmem_shared>>
      %dma_start3A_42 = arith.constant 0 : i32
      %dma_start3A_43 = tpu.memref_slice %arg19[%add3A_13, %dma_start3A_42] : memref<10000x128xf32, #tpu.memory_space<vmem_shared>> -> memref<24x128xf32, #tpu.memory_space<vmem_shared>>
      %dma_start3A_44 = arith.constant 0 : i32
      %dma_start3A_45 = arith.constant 0 : i32
      %dma_start3A_46 = tpu.memref_slice %arg11[%dma_start3A_44, %dma_start3A_45] : memref<40x128xf32, #tpu.memory_space<vmem>> -> memref<24x128xf32, #tpu.memory_space<vmem>>
      tpu.enqueue_dma source(%dma_start3A_46 : memref<24x128xf32, #tpu.memory_space<vmem>>) target(%dma_start3A_43 : memref<24x128xf32, #tpu.memory_space<vmem_shared>>) target_semaphore(%run_scoped3A : memref<!tpu.dma_semaphore, #tpu.memory_space<semaphore_mem>>)
      %dma_wait3A = arith.constant 0 : i32
      %dma_wait3A_47 = arith.constant 0 : i32
      %dma_wait3A_48 = tpu.memref_slice %arg11[%dma_wait3A, %dma_wait3A_47] : memref<40x128xf32, #tpu.memory_space<vmem>> -> memref<24x128xf32, #tpu.memory_space<vmem>>
      %dma_wait3A_49 = arith.constant 0 : i32
      %dma_wait3A_50 = tpu.memref_slice %arg19[%add3A_13, %dma_wait3A_49] : memref<10000x128xf32, #tpu.memory_space<vmem_shared>> -> memref<24x128xf32, #tpu.memory_space<vmem_shared>>
      %dma_wait3A_51 = arith.constant 0 : i32
      %dma_wait3A_52 = tpu.memref_slice %arg19[%add3A_13, %dma_wait3A_51] : memref<10000x128xf32, #tpu.memory_space<vmem_shared>> -> memref<24x128xf32, #tpu.memory_space<vmem_shared>>
      %dma_wait3A_53 = arith.constant 0 : i32
      %dma_wait3A_54 = arith.constant 0 : i32
      %dma_wait3A_55 = tpu.memref_slice %arg11[%dma_wait3A_53, %dma_wait3A_54] : memref<40x128xf32, #tpu.memory_space<vmem>> -> memref<24x128xf32, #tpu.memory_space<vmem>>
      tpu.wait_dma2 semaphore(%run_scoped3A : memref<!tpu.dma_semaphore, #tpu.memory_space<semaphore_mem>>) src(%dma_wait3A_55 : memref<24x128xf32, #tpu.memory_space<vmem>>) dst(%dma_wait3A_52 : memref<24x128xf32, #tpu.memory_space<vmem_shared>>)
      tpu.yield
    }) : () -> ()
    %eq3A = arith.constant 0 : i32
    %eq3A_14 = arith.cmpi eq, %arg1, %eq3A : i32
    %convert_element_type3A = arith.extui %eq3A_14 : i1 to i32
    %cond3A = arith.constant 0 : i32
    %cond3A_15 = arith.cmpi ne, %convert_element_type3A, %cond3A : i32
    scf.if %cond3A_15 {
      "tpu.region"() ({
        %run_scoped3A = tpu.sem_alloc : memref<!tpu.dma_semaphore, #tpu.memory_space<semaphore_mem>>
        %dma_start3A = arith.constant 0 : i32
        %dma_start3A_38 = arith.constant 0 : i32
        %dma_start3A_39 = tpu.memref_slice %arg11[%dma_start3A, %dma_start3A_38] : memref<40x128xf32, #tpu.memory_space<vmem>> -> memref<16x128xf32, #tpu.memory_space<vmem>>
        %dma_start3A_40 = arith.constant 9984 : i32
        %dma_start3A_41 = arith.constant 0 : i32
        %dma_start3A_42 = tpu.memref_slice %arg19[%dma_start3A_40, %dma_start3A_41] : memref<10000x128xf32, #tpu.memory_space<vmem_shared>> -> memref<16x128xf32, #tpu.memory_space<vmem_shared>>
        %dma_start3A_43 = arith.constant 9984 : i32
        %dma_start3A_44 = arith.constant 0 : i32
        %dma_start3A_45 = tpu.memref_slice %arg19[%dma_start3A_43, %dma_start3A_44] : memref<10000x128xf32, #tpu.memory_space<vmem_shared>> -> memref<16x128xf32, #tpu.memory_space<vmem_shared>>
        %dma_start3A_46 = arith.constant 0 : i32
        %dma_start3A_47 = arith.constant 0 : i32
        %dma_start3A_48 = tpu.memref_slice %arg11[%dma_start3A_46, %dma_start3A_47] : memref<40x128xf32, #tpu.memory_space<vmem>> -> memref<16x128xf32, #tpu.memory_space<vmem>>
        tpu.enqueue_dma source(%dma_start3A_48 : memref<16x128xf32, #tpu.memory_space<vmem>>) target(%dma_start3A_45 : memref<16x128xf32, #tpu.memory_space<vmem_shared>>) target_semaphore(%run_scoped3A : memref<!tpu.dma_semaphore, #tpu.memory_space<semaphore_mem>>)
        %dma_wait3A = arith.constant 0 : i32
        %dma_wait3A_49 = arith.constant 0 : i32
        %dma_wait3A_50 = tpu.memref_slice %arg11[%dma_wait3A, %dma_wait3A_49] : memref<40x128xf32, #tpu.memory_space<vmem>> -> memref<16x128xf32, #tpu.memory_space<vmem>>
        %dma_wait3A_51 = arith.constant 9984 : i32
        %dma_wait3A_52 = arith.constant 0 : i32
        %dma_wait3A_53 = tpu.memref_slice %arg19[%dma_wait3A_51, %dma_wait3A_52] : memref<10000x128xf32, #tpu.memory_space<vmem_shared>> -> memref<16x128xf32, #tpu.memory_space<vmem_shared>>
        %dma_wait3A_54 = arith.constant 9984 : i32
        %dma_wait3A_55 = arith.constant 0 : i32
        %dma_wait3A_56 = tpu.memref_slice %arg19[%dma_wait3A_54, %dma_wait3A_55] : memref<10000x128xf32, #tpu.memory_space<vmem_shared>> -> memref<16x128xf32, #tpu.memory_space<vmem_shared>>
        %dma_wait3A_57 = arith.constant 0 : i32
        %dma_wait3A_58 = arith.constant 0 : i32
        %dma_wait3A_59 = tpu.memref_slice %arg11[%dma_wait3A_57, %dma_wait3A_58] : memref<40x128xf32, #tpu.memory_space<vmem>> -> memref<16x128xf32, #tpu.memory_space<vmem>>
        tpu.wait_dma2 semaphore(%run_scoped3A : memref<!tpu.dma_semaphore, #tpu.memory_space<semaphore_mem>>) src(%dma_wait3A_59 : memref<16x128xf32, #tpu.memory_space<vmem>>) dst(%dma_wait3A_56 : memref<16x128xf32, #tpu.memory_space<vmem_shared>>)
        tpu.yield
      }) : () -> ()
    } else {
    }
    %barrier3A = arith.constant 0 : index
    tpu.barrier barrier_id(%barrier3A)
    %scan3A_16 = arith.constant 0 : i32
    %scan3A_17 = arith.constant 0 : i32
    %scan3A_18 = arith.constant 5 : i32
    %scan3A_19 = arith.addi %scan3A_17, %scan3A_18 : i32
    %scan3A_20 = arith.constant 1 : i32
    scf.for %scan3A_38 = %scan3A_17 to %scan3A_19 step %scan3A_20  : i32 {
      "tpu.region"() ({
        %run_scoped3A = tpu.sem_alloc : memref<!tpu.dma_semaphore, #tpu.memory_space<semaphore_mem>>
        %dma_start3A_58 = arith.constant 0 : i32
        %dma_start3A_59 = arith.constant 0 : i32
        %dma_start3A_60 = tpu.memref_slice %arg4[%arg0, %arg1, %scan3A_38, %dma_start3A_58, %dma_start3A_59] : memref<2x16x5x50x40xi32, #tpu.memory_space<hbm>> -> memref<1x1x1x50x40xi32, #tpu.memory_space<hbm>>
        %dma_start3A_61 = tpu.memref_squeeze %dma_start3A_60 : memref<1x1x1x50x40xi32, #tpu.memory_space<hbm>> -> memref<50x40xi32, #tpu.memory_space<hbm>>
        %dma_start3A_62 = arith.constant 0 : i32
        %dma_start3A_63 = arith.constant 0 : i32
        %dma_start3A_64 = tpu.memref_slice %arg4[%arg0, %arg1, %scan3A_38, %dma_start3A_62, %dma_start3A_63] : memref<2x16x5x50x40xi32, #tpu.memory_space<hbm>> -> memref<1x1x1x50x40xi32, #tpu.memory_space<hbm>>
        %dma_start3A_65 = tpu.memref_squeeze %dma_start3A_64 : memref<1x1x1x50x40xi32, #tpu.memory_space<hbm>> -> memref<50x40xi32, #tpu.memory_space<hbm>>
        tpu.enqueue_dma source(%dma_start3A_65 : memref<50x40xi32, #tpu.memory_space<hbm>>) target(%arg8 : memref<50x40xi32, #tpu.memory_space<vmem>>) target_semaphore(%run_scoped3A : memref<!tpu.dma_semaphore, #tpu.memory_space<semaphore_mem>>)
        %dma_wait3A = arith.constant 0 : i32
        %dma_wait3A_66 = arith.constant 0 : i32
        %dma_wait3A_67 = tpu.memref_slice %arg4[%arg0, %arg1, %scan3A_38, %dma_wait3A, %dma_wait3A_66] : memref<2x16x5x50x40xi32, #tpu.memory_space<hbm>> -> memref<1x1x1x50x40xi32, #tpu.memory_space<hbm>>
        %dma_wait3A_68 = tpu.memref_squeeze %dma_wait3A_67 : memref<1x1x1x50x40xi32, #tpu.memory_space<hbm>> -> memref<50x40xi32, #tpu.memory_space<hbm>>
        %dma_wait3A_69 = arith.constant 0 : i32
        %dma_wait3A_70 = arith.constant 0 : i32
        %dma_wait3A_71 = tpu.memref_slice %arg4[%arg0, %arg1, %scan3A_38, %dma_wait3A_69, %dma_wait3A_70] : memref<2x16x5x50x40xi32, #tpu.memory_space<hbm>> -> memref<1x1x1x50x40xi32, #tpu.memory_space<hbm>>
        %dma_wait3A_72 = tpu.memref_squeeze %dma_wait3A_71 : memref<1x1x1x50x40xi32, #tpu.memory_space<hbm>> -> memref<50x40xi32, #tpu.memory_space<hbm>>
        tpu.wait_dma2 semaphore(%run_scoped3A : memref<!tpu.dma_semaphore, #tpu.memory_space<semaphore_mem>>) src(%dma_wait3A_72 : memref<50x40xi32, #tpu.memory_space<hbm>>) dst(%arg8 : memref<50x40xi32, #tpu.memory_space<vmem>>)
        tpu.yield
      }) : () -> ()
      "tpu.region"() ({
        %run_scoped3A = tpu.sem_alloc : memref<!tpu.dma_semaphore, #tpu.memory_space<semaphore_mem>>
        %dma_start3A_58 = arith.constant 0 : i32
        %dma_start3A_59 = arith.constant 0 : i32
        %dma_start3A_60 = tpu.memref_slice %arg5[%arg0, %arg1, %scan3A_38, %dma_start3A_58, %dma_start3A_59] : memref<2x16x5x50x40xi32, #tpu.memory_space<hbm>> -> memref<1x1x1x50x40xi32, #tpu.memory_space<hbm>>
        %dma_start3A_61 = tpu.memref_squeeze %dma_start3A_60 : memref<1x1x1x50x40xi32, #tpu.memory_space<hbm>> -> memref<50x40xi32, #tpu.memory_space<hbm>>
        %dma_start3A_62 = arith.constant 0 : i32
        %dma_start3A_63 = arith.constant 0 : i32
        %dma_start3A_64 = tpu.memref_slice %arg5[%arg0, %arg1, %scan3A_38, %dma_start3A_62, %dma_start3A_63] : memref<2x16x5x50x40xi32, #tpu.memory_space<hbm>> -> memref<1x1x1x50x40xi32, #tpu.memory_space<hbm>>
        %dma_start3A_65 = tpu.memref_squeeze %dma_start3A_64 : memref<1x1x1x50x40xi32, #tpu.memory_space<hbm>> -> memref<50x40xi32, #tpu.memory_space<hbm>>
        tpu.enqueue_dma source(%dma_start3A_65 : memref<50x40xi32, #tpu.memory_space<hbm>>) target(%arg9 : memref<50x40xi32, #tpu.memory_space<vmem>>) target_semaphore(%run_scoped3A : memref<!tpu.dma_semaphore, #tpu.memory_space<semaphore_mem>>)
        %dma_wait3A = arith.constant 0 : i32
        %dma_wait3A_66 = arith.constant 0 : i32
        %dma_wait3A_67 = tpu.memref_slice %arg5[%arg0, %arg1, %scan3A_38, %dma_wait3A, %dma_wait3A_66] : memref<2x16x5x50x40xi32, #tpu.memory_space<hbm>> -> memref<1x1x1x50x40xi32, #tpu.memory_space<hbm>>
        %dma_wait3A_68 = tpu.memref_squeeze %dma_wait3A_67 : memref<1x1x1x50x40xi32, #tpu.memory_space<hbm>> -> memref<50x40xi32, #tpu.memory_space<hbm>>
        %dma_wait3A_69 = arith.constant 0 : i32
        %dma_wait3A_70 = arith.constant 0 : i32
        %dma_wait3A_71 = tpu.memref_slice %arg5[%arg0, %arg1, %scan3A_38, %dma_wait3A_69, %dma_wait3A_70] : memref<2x16x5x50x40xi32, #tpu.memory_space<hbm>> -> memref<1x1x1x50x40xi32, #tpu.memory_space<hbm>>
        %dma_wait3A_72 = tpu.memref_squeeze %dma_wait3A_71 : memref<1x1x1x50x40xi32, #tpu.memory_space<hbm>> -> memref<50x40xi32, #tpu.memory_space<hbm>>
        tpu.wait_dma2 semaphore(%run_scoped3A : memref<!tpu.dma_semaphore, #tpu.memory_space<semaphore_mem>>) src(%dma_wait3A_72 : memref<50x40xi32, #tpu.memory_space<hbm>>) dst(%arg9 : memref<50x40xi32, #tpu.memory_space<vmem>>)
        tpu.yield
      }) : () -> ()
      "tpu.region"() ({
        %run_scoped3A = tpu.sem_alloc : memref<!tpu.dma_semaphore, #tpu.memory_space<semaphore_mem>>
        %dma_start3A_58 = arith.constant 0 : i32
        %dma_start3A_59 = arith.constant 0 : i32
        %dma_start3A_60 = tpu.memref_slice %arg6[%arg1, %scan3A_38, %dma_start3A_58, %dma_start3A_59] : memref<16x5x50x40xi32, #tpu.memory_space<hbm>> -> memref<1x1x50x40xi32, #tpu.memory_space<hbm>>
        %dma_start3A_61 = tpu.memref_squeeze %dma_start3A_60 : memref<1x1x50x40xi32, #tpu.memory_space<hbm>> -> memref<50x40xi32, #tpu.memory_space<hbm>>
        %dma_start3A_62 = arith.constant 0 : i32
        %dma_start3A_63 = arith.constant 0 : i32
        %dma_start3A_64 = tpu.memref_slice %arg6[%arg1, %scan3A_38, %dma_start3A_62, %dma_start3A_63] : memref<16x5x50x40xi32, #tpu.memory_space<hbm>> -> memref<1x1x50x40xi32, #tpu.memory_space<hbm>>
        %dma_start3A_65 = tpu.memref_squeeze %dma_start3A_64 : memref<1x1x50x40xi32, #tpu.memory_space<hbm>> -> memref<50x40xi32, #tpu.memory_space<hbm>>
        tpu.enqueue_dma source(%dma_start3A_65 : memref<50x40xi32, #tpu.memory_space<hbm>>) target(%arg10 : memref<50x40xi32, #tpu.memory_space<vmem>>) target_semaphore(%run_scoped3A : memref<!tpu.dma_semaphore, #tpu.memory_space<semaphore_mem>>)
        %dma_wait3A = arith.constant 0 : i32
        %dma_wait3A_66 = arith.constant 0 : i32
        %dma_wait3A_67 = tpu.memref_slice %arg6[%arg1, %scan3A_38, %dma_wait3A, %dma_wait3A_66] : memref<16x5x50x40xi32, #tpu.memory_space<hbm>> -> memref<1x1x50x40xi32, #tpu.memory_space<hbm>>
        %dma_wait3A_68 = tpu.memref_squeeze %dma_wait3A_67 : memref<1x1x50x40xi32, #tpu.memory_space<hbm>> -> memref<50x40xi32, #tpu.memory_space<hbm>>
        %dma_wait3A_69 = arith.constant 0 : i32
        %dma_wait3A_70 = arith.constant 0 : i32
        %dma_wait3A_71 = tpu.memref_slice %arg6[%arg1, %scan3A_38, %dma_wait3A_69, %dma_wait3A_70] : memref<16x5x50x40xi32, #tpu.memory_space<hbm>> -> memref<1x1x50x40xi32, #tpu.memory_space<hbm>>
        %dma_wait3A_72 = tpu.memref_squeeze %dma_wait3A_71 : memref<1x1x50x40xi32, #tpu.memory_space<hbm>> -> memref<50x40xi32, #tpu.memory_space<hbm>>
        tpu.wait_dma2 semaphore(%run_scoped3A : memref<!tpu.dma_semaphore, #tpu.memory_space<semaphore_mem>>) src(%dma_wait3A_72 : memref<50x40xi32, #tpu.memory_space<hbm>>) dst(%arg10 : memref<50x40xi32, #tpu.memory_space<vmem>>)
        tpu.yield
      }) : () -> ()
      %dma_start3A = arith.constant 0 : i32
      %dma_start3A_39 = arith.constant 0 : i32
      %dma_start3A_40 = tpu.memref_slice %arg9[%dma_start3A, %dma_start3A_39] : memref<50x40xi32, #tpu.memory_space<vmem>> -> memref<1x40xi32, #tpu.memory_space<vmem>>
      %dma_start3A_41 = tpu.memref_squeeze %dma_start3A_40 : memref<1x40xi32, #tpu.memory_space<vmem>> -> memref<40xi32, #tpu.memory_space<vmem>>
      %dma_start3A_42 = arith.constant 0 : i32
      %dma_start3A_43 = arith.constant 0 : i32
      %dma_start3A_44 = tpu.memref_slice %arg2[%dma_start3A_42, %dma_start3A_43] : memref<20480x128xf32, #tpu.memory_space<hbm>> -> memref<20480x128xf32, #tpu.memory_space<hbm>>
      tpu.enqueue_indirect_dma source(%dma_start3A_44 : memref<20480x128xf32, #tpu.memory_space<hbm>>) target(%arg11 : memref<40x128xf32, #tpu.memory_space<vmem>>) offsets(%dma_start3A_41 : memref<40xi32, #tpu.memory_space<vmem>>) semaphore(%arg15 : memref<!tpu.dma_semaphore, #tpu.memory_space<semaphore_mem>>)
      %dma_start3A_45 = arith.constant 0 : i32
      %dma_start3A_46 = arith.constant 0 : i32
      %dma_start3A_47 = tpu.memref_slice %arg8[%dma_start3A_45, %dma_start3A_46] : memref<50x40xi32, #tpu.memory_space<vmem>> -> memref<1x40xi32, #tpu.memory_space<vmem>>
      %dma_start3A_48 = tpu.memref_squeeze %dma_start3A_47 : memref<1x40xi32, #tpu.memory_space<vmem>> -> memref<40xi32, #tpu.memory_space<vmem>>
      %dma_start3A_49 = arith.constant 0 : i32
      %dma_start3A_50 = arith.constant 0 : i32
      %dma_start3A_51 = tpu.memref_slice %arg3[%dma_start3A_49, %dma_start3A_50] : memref<20480x128xf32, #tpu.memory_space<hbm>> -> memref<20480x128xf32, #tpu.memory_space<hbm>>
      tpu.enqueue_indirect_dma source(%dma_start3A_51 : memref<20480x128xf32, #tpu.memory_space<hbm>>) target(%arg12 : memref<40x128xf32, #tpu.memory_space<vmem>>) offsets(%dma_start3A_48 : memref<40xi32, #tpu.memory_space<vmem>>) semaphore(%arg16 : memref<!tpu.dma_semaphore, #tpu.memory_space<semaphore_mem>>)
      %scan3A_52 = arith.constant 0 : i32
      %scan3A_53 = arith.constant 0 : i32
      %scan3A_54 = arith.constant 25 : i32
      %scan3A_55 = arith.addi %scan3A_53, %scan3A_54 : i32
      %scan3A_56 = arith.constant 1 : i32
      scf.for %scan3A_58 = %scan3A_53 to %scan3A_55 step %scan3A_56  : i32 {
        %mul3A_59 = arith.constant 2 : i32
        %mul3A_60 = arith.muli %mul3A_59, %scan3A_58 : i32
        %add3A_61 = arith.constant 1 : i32
        %add3A_62 = arith.addi %mul3A_60, %add3A_61 : i32
        %dma_start3A_63 = arith.constant 0 : i32
        %dma_start3A_64 = tpu.memref_slice %arg9[%add3A_62, %dma_start3A_63] : memref<50x40xi32, #tpu.memory_space<vmem>> -> memref<1x40xi32, #tpu.memory_space<vmem>>
        %dma_start3A_65 = tpu.memref_squeeze %dma_start3A_64 : memref<1x40xi32, #tpu.memory_space<vmem>> -> memref<40xi32, #tpu.memory_space<vmem>>
        %dma_start3A_66 = arith.constant 0 : i32
        %dma_start3A_67 = arith.constant 0 : i32
        %dma_start3A_68 = tpu.memref_slice %arg2[%dma_start3A_66, %dma_start3A_67] : memref<20480x128xf32, #tpu.memory_space<hbm>> -> memref<20480x128xf32, #tpu.memory_space<hbm>>
        tpu.enqueue_indirect_dma source(%dma_start3A_68 : memref<20480x128xf32, #tpu.memory_space<hbm>>) target(%arg13 : memref<40x128xf32, #tpu.memory_space<vmem>>) offsets(%dma_start3A_65 : memref<40xi32, #tpu.memory_space<vmem>>) semaphore(%arg17 : memref<!tpu.dma_semaphore, #tpu.memory_space<semaphore_mem>>)
        %add3A_69 = arith.constant 1 : i32
        %add3A_70 = arith.addi %mul3A_60, %add3A_69 : i32
        %dma_start3A_71 = arith.constant 0 : i32
        %dma_start3A_72 = tpu.memref_slice %arg8[%add3A_70, %dma_start3A_71] : memref<50x40xi32, #tpu.memory_space<vmem>> -> memref<1x40xi32, #tpu.memory_space<vmem>>
        %dma_start3A_73 = tpu.memref_squeeze %dma_start3A_72 : memref<1x40xi32, #tpu.memory_space<vmem>> -> memref<40xi32, #tpu.memory_space<vmem>>
        %dma_start3A_74 = arith.constant 0 : i32
        %dma_start3A_75 = arith.constant 0 : i32
        %dma_start3A_76 = tpu.memref_slice %arg3[%dma_start3A_74, %dma_start3A_75] : memref<20480x128xf32, #tpu.memory_space<hbm>> -> memref<20480x128xf32, #tpu.memory_space<hbm>>
        tpu.enqueue_indirect_dma source(%dma_start3A_76 : memref<20480x128xf32, #tpu.memory_space<hbm>>) target(%arg14 : memref<40x128xf32, #tpu.memory_space<vmem>>) offsets(%dma_start3A_73 : memref<40xi32, #tpu.memory_space<vmem>>) semaphore(%arg18 : memref<!tpu.dma_semaphore, #tpu.memory_space<semaphore_mem>>)
        %dma_wait3A = arith.constant 0 : i32
        %dma_wait3A_77 = tpu.memref_slice %arg9[%mul3A_60, %dma_wait3A] : memref<50x40xi32, #tpu.memory_space<vmem>> -> memref<1x40xi32, #tpu.memory_space<vmem>>
        %dma_wait3A_78 = tpu.memref_squeeze %dma_wait3A_77 : memref<1x40xi32, #tpu.memory_space<vmem>> -> memref<40xi32, #tpu.memory_space<vmem>>
        %dma_wait3A_79 = arith.constant 0 : i32
        %dma_wait3A_80 = arith.constant 0 : i32
        %dma_wait3A_81 = tpu.memref_slice %arg2[%dma_wait3A_79, %dma_wait3A_80] : memref<20480x128xf32, #tpu.memory_space<hbm>> -> memref<20480x128xf32, #tpu.memory_space<hbm>>
        tpu.wait_indirect_dma semaphore(%arg15 : memref<!tpu.dma_semaphore, #tpu.memory_space<semaphore_mem>>) src(%dma_wait3A_81 : memref<20480x128xf32, #tpu.memory_space<hbm>>) dst(%arg11 : memref<40x128xf32, #tpu.memory_space<vmem>>)
        %dma_wait3A_82 = arith.constant 0 : i32
        %dma_wait3A_83 = tpu.memref_slice %arg8[%mul3A_60, %dma_wait3A_82] : memref<50x40xi32, #tpu.memory_space<vmem>> -> memref<1x40xi32, #tpu.memory_space<vmem>>
        %dma_wait3A_84 = tpu.memref_squeeze %dma_wait3A_83 : memref<1x40xi32, #tpu.memory_space<vmem>> -> memref<40xi32, #tpu.memory_space<vmem>>
        %dma_wait3A_85 = arith.constant 0 : i32
        %dma_wait3A_86 = arith.constant 0 : i32
        %dma_wait3A_87 = tpu.memref_slice %arg3[%dma_wait3A_85, %dma_wait3A_86] : memref<20480x128xf32, #tpu.memory_space<hbm>> -> memref<20480x128xf32, #tpu.memory_space<hbm>>
        tpu.wait_indirect_dma semaphore(%arg16 : memref<!tpu.dma_semaphore, #tpu.memory_space<semaphore_mem>>) src(%dma_wait3A_87 : memref<20480x128xf32, #tpu.memory_space<hbm>>) dst(%arg12 : memref<40x128xf32, #tpu.memory_space<vmem>>)
        %scan3A_88 = arith.constant 0 : i32
        %scan3A_89 = arith.constant 0 : i32
        %scan3A_90 = arith.constant 40 : i32
        %scan3A_91 = arith.addi %scan3A_89, %scan3A_90 : i32
        %scan3A_92 = arith.constant 1 : i32
        scf.for %scan3A_122 = %scan3A_89 to %scan3A_91 step %scan3A_92  : i32 {
          %get3A = arith.index_cast %scan3A_122 : i32 to index
          %get3A_123 = arith.constant 0 : index
          %get3A_124 = tpu.vector_load %arg11[%get3A, %get3A_123] {strides = array<i32>} : memref<40x128xf32, #tpu.memory_space<vmem>>, vector<1x16xf32>,
          %get3A_125 = vector.shape_cast %get3A_124 : vector<1x16xf32> to vector<16xf32>
          %get3A_126 = arith.index_cast %scan3A_122 : i32 to index
          %get3A_127 = arith.constant 0 : index
          %get3A_128 = tpu.vector_load %arg12[%get3A_126, %get3A_127] {strides = array<i32>} : memref<40x128xf32, #tpu.memory_space<vmem>>, vector<1x16xf32>,
          %get3A_129 = vector.shape_cast %get3A_128 : vector<1x16xf32> to vector<16xf32>
          %add3A_130 = arith.addf %get3A_125, %get3A_129 : vector<16xf32>
          %max3A = arith.constant 0.000000e+00 : f32
          %max3A_131 = vector.broadcast %max3A : f32 to vector<16xf32>
          %max3A_132 = arith.maximumf %add3A_130, %max3A_131 : vector<16xf32>
          %swap3A = arith.index_cast %scan3A_122 : i32 to index
          %swap3A_133 = arith.constant 0 : index
          %swap3A_134 = tpu.vector_load %arg11[%swap3A, %swap3A_133] {strides = array<i32>} : memref<40x128xf32, #tpu.memory_space<vmem>>, vector<1x16xf32>,
          %swap3A_135 = vector.shape_cast %swap3A_134 : vector<1x16xf32> to vector<16xf32>
          %swap3A_136 = vector.shape_cast %max3A_132 : vector<16xf32> to vector<1x16xf32>
          tpu.vector_store %arg11[%swap3A, %swap3A_133], %swap3A_136 {strides = array<i32>} : memref<40x128xf32, #tpu.memory_space<vmem>>, vector<1x16xf32>,
          %get3A_137 = arith.index_cast %scan3A_122 : i32 to index
          %get3A_138 = arith.constant 16 : index
          %get3A_139 = tpu.vector_load %arg11[%get3A_137, %get3A_138] {strides = array<i32>} : memref<40x128xf32, #tpu.memory_space<vmem>>, vector<1x16xf32>,
          %get3A_140 = vector.shape_cast %get3A_139 : vector<1x16xf32> to vector<16xf32>
          %get3A_141 = arith.index_cast %scan3A_122 : i32 to index
          %get3A_142 = arith.constant 16 : index
          %get3A_143 = tpu.vector_load %arg12[%get3A_141, %get3A_142] {strides = array<i32>} : memref<40x128xf32, #tpu.memory_space<vmem>>, vector<1x16xf32>,
          %get3A_144 = vector.shape_cast %get3A_143 : vector<1x16xf32> to vector<16xf32>
          %add3A_145 = arith.addf %get3A_140, %get3A_144 : vector<16xf32>
          %max3A_146 = arith.constant 0.000000e+00 : f32
          %max3A_147 = vector.broadcast %max3A_146 : f32 to vector<16xf32>
          %max3A_148 = arith.maximumf %add3A_145, %max3A_147 : vector<16xf32>
          %swap3A_149 = arith.index_cast %scan3A_122 : i32 to index
          %swap3A_150 = arith.constant 16 : index
          %swap3A_151 = tpu.vector_load %arg11[%swap3A_149, %swap3A_150] {strides = array<i32>} : memref<40x128xf32, #tpu.memory_space<vmem>>, vector<1x16xf32>,
          %swap3A_152 = vector.shape_cast %swap3A_151 : vector<1x16xf32> to vector<16xf32>
          %swap3A_153 = vector.shape_cast %max3A_148 : vector<16xf32> to vector<1x16xf32>
          tpu.vector_store %arg11[%swap3A_149, %swap3A_150], %swap3A_153 {strides = array<i32>} : memref<40x128xf32, #tpu.memory_space<vmem>>, vector<1x16xf32>,
          %get3A_154 = arith.index_cast %scan3A_122 : i32 to index
          %get3A_155 = arith.constant 32 : index
          %get3A_156 = tpu.vector_load %arg11[%get3A_154, %get3A_155] {strides = array<i32>} : memref<40x128xf32, #tpu.memory_space<vmem>>, vector<1x16xf32>,
          %get3A_157 = vector.shape_cast %get3A_156 : vector<1x16xf32> to vector<16xf32>
          %get3A_158 = arith.index_cast %scan3A_122 : i32 to index
          %get3A_159 = arith.constant 32 : index
          %get3A_160 = tpu.vector_load %arg12[%get3A_158, %get3A_159] {strides = array<i32>} : memref<40x128xf32, #tpu.memory_space<vmem>>, vector<1x16xf32>,
          %get3A_161 = vector.shape_cast %get3A_160 : vector<1x16xf32> to vector<16xf32>
          %add3A_162 = arith.addf %get3A_157, %get3A_161 : vector<16xf32>
          %max3A_163 = arith.constant 0.000000e+00 : f32
          %max3A_164 = vector.broadcast %max3A_163 : f32 to vector<16xf32>
          %max3A_165 = arith.maximumf %add3A_162, %max3A_164 : vector<16xf32>
          %swap3A_166 = arith.index_cast %scan3A_122 : i32 to index
          %swap3A_167 = arith.constant 32 : index
          %swap3A_168 = tpu.vector_load %arg11[%swap3A_166, %swap3A_167] {strides = array<i32>} : memref<40x128xf32, #tpu.memory_space<vmem>>, vector<1x16xf32>,
          %swap3A_169 = vector.shape_cast %swap3A_168 : vector<1x16xf32> to vector<16xf32>
          %swap3A_170 = vector.shape_cast %max3A_165 : vector<16xf32> to vector<1x16xf32>
          tpu.vector_store %arg11[%swap3A_166, %swap3A_167], %swap3A_170 {strides = array<i32>} : memref<40x128xf32, #tpu.memory_space<vmem>>, vector<1x16xf32>,
          %get3A_171 = arith.index_cast %scan3A_122 : i32 to index
          %get3A_172 = arith.constant 48 : index
          %get3A_173 = tpu.vector_load %arg11[%get3A_171, %get3A_172] {strides = array<i32>} : memref<40x128xf32, #tpu.memory_space<vmem>>, vector<1x16xf32>,
          %get3A_174 = vector.shape_cast %get3A_173 : vector<1x16xf32> to vector<16xf32>
          %get3A_175 = arith.index_cast %scan3A_122 : i32 to index
          %get3A_176 = arith.constant 48 : index
          %get3A_177 = tpu.vector_load %arg12[%get3A_175, %get3A_176] {strides = array<i32>} : memref<40x128xf32, #tpu.memory_space<vmem>>, vector<1x16xf32>,
          %get3A_178 = vector.shape_cast %get3A_177 : vector<1x16xf32> to vector<16xf32>
          %add3A_179 = arith.addf %get3A_174, %get3A_178 : vector<16xf32>
          %max3A_180 = arith.constant 0.000000e+00 : f32
          %max3A_181 = vector.broadcast %max3A_180 : f32 to vector<16xf32>
          %max3A_182 = arith.maximumf %add3A_179, %max3A_181 : vector<16xf32>
          %swap3A_183 = arith.index_cast %scan3A_122 : i32 to index
          %swap3A_184 = arith.constant 48 : index
          %swap3A_185 = tpu.vector_load %arg11[%swap3A_183, %swap3A_184] {strides = array<i32>} : memref<40x128xf32, #tpu.memory_space<vmem>>, vector<1x16xf32>,
          %swap3A_186 = vector.shape_cast %swap3A_185 : vector<1x16xf32> to vector<16xf32>
          %swap3A_187 = vector.shape_cast %max3A_182 : vector<16xf32> to vector<1x16xf32>
          tpu.vector_store %arg11[%swap3A_183, %swap3A_184], %swap3A_187 {strides = array<i32>} : memref<40x128xf32, #tpu.memory_space<vmem>>, vector<1x16xf32>,
          %get3A_188 = arith.index_cast %scan3A_122 : i32 to index
          %get3A_189 = arith.constant 64 : index
          %get3A_190 = tpu.vector_load %arg11[%get3A_188, %get3A_189] {strides = array<i32>} : memref<40x128xf32, #tpu.memory_space<vmem>>, vector<1x16xf32>,
          %get3A_191 = vector.shape_cast %get3A_190 : vector<1x16xf32> to vector<16xf32>
          %get3A_192 = arith.index_cast %scan3A_122 : i32 to index
          %get3A_193 = arith.constant 64 : index
          %get3A_194 = tpu.vector_load %arg12[%get3A_192, %get3A_193] {strides = array<i32>} : memref<40x128xf32, #tpu.memory_space<vmem>>, vector<1x16xf32>,
          %get3A_195 = vector.shape_cast %get3A_194 : vector<1x16xf32> to vector<16xf32>
          %add3A_196 = arith.addf %get3A_191, %get3A_195 : vector<16xf32>
          %max3A_197 = arith.constant 0.000000e+00 : f32
          %max3A_198 = vector.broadcast %max3A_197 : f32 to vector<16xf32>
          %max3A_199 = arith.maximumf %add3A_196, %max3A_198 : vector<16xf32>
          %swap3A_200 = arith.index_cast %scan3A_122 : i32 to index
          %swap3A_201 = arith.constant 64 : index
          %swap3A_202 = tpu.vector_load %arg11[%swap3A_200, %swap3A_201] {strides = array<i32>} : memref<40x128xf32, #tpu.memory_space<vmem>>, vector<1x16xf32>,
          %swap3A_203 = vector.shape_cast %swap3A_202 : vector<1x16xf32> to vector<16xf32>
          %swap3A_204 = vector.shape_cast %max3A_199 : vector<16xf32> to vector<1x16xf32>
          tpu.vector_store %arg11[%swap3A_200, %swap3A_201], %swap3A_204 {strides = array<i32>} : memref<40x128xf32, #tpu.memory_space<vmem>>, vector<1x16xf32>,
          %get3A_205 = arith.index_cast %scan3A_122 : i32 to index
          %get3A_206 = arith.constant 80 : index
          %get3A_207 = tpu.vector_load %arg11[%get3A_205, %get3A_206] {strides = array<i32>} : memref<40x128xf32, #tpu.memory_space<vmem>>, vector<1x16xf32>,
          %get3A_208 = vector.shape_cast %get3A_207 : vector<1x16xf32> to vector<16xf32>
          %get3A_209 = arith.index_cast %scan3A_122 : i32 to index
          %get3A_210 = arith.constant 80 : index
          %get3A_211 = tpu.vector_load %arg12[%get3A_209, %get3A_210] {strides = array<i32>} : memref<40x128xf32, #tpu.memory_space<vmem>>, vector<1x16xf32>,
          %get3A_212 = vector.shape_cast %get3A_211 : vector<1x16xf32> to vector<16xf32>
          %add3A_213 = arith.addf %get3A_208, %get3A_212 : vector<16xf32>
          %max3A_214 = arith.constant 0.000000e+00 : f32
          %max3A_215 = vector.broadcast %max3A_214 : f32 to vector<16xf32>
          %max3A_216 = arith.maximumf %add3A_213, %max3A_215 : vector<16xf32>
          %swap3A_217 = arith.index_cast %scan3A_122 : i32 to index
          %swap3A_218 = arith.constant 80 : index
          %swap3A_219 = tpu.vector_load %arg11[%swap3A_217, %swap3A_218] {strides = array<i32>} : memref<40x128xf32, #tpu.memory_space<vmem>>, vector<1x16xf32>,
          %swap3A_220 = vector.shape_cast %swap3A_219 : vector<1x16xf32> to vector<16xf32>
          %swap3A_221 = vector.shape_cast %max3A_216 : vector<16xf32> to vector<1x16xf32>
          tpu.vector_store %arg11[%swap3A_217, %swap3A_218], %swap3A_221 {strides = array<i32>} : memref<40x128xf32, #tpu.memory_space<vmem>>, vector<1x16xf32>,
          %get3A_222 = arith.index_cast %scan3A_122 : i32 to index
          %get3A_223 = arith.constant 96 : index
          %get3A_224 = tpu.vector_load %arg11[%get3A_222, %get3A_223] {strides = array<i32>} : memref<40x128xf32, #tpu.memory_space<vmem>>, vector<1x16xf32>,
          %get3A_225 = vector.shape_cast %get3A_224 : vector<1x16xf32> to vector<16xf32>
          %get3A_226 = arith.index_cast %scan3A_122 : i32 to index
          %get3A_227 = arith.constant 96 : index
          %get3A_228 = tpu.vector_load %arg12[%get3A_226, %get3A_227] {strides = array<i32>} : memref<40x128xf32, #tpu.memory_space<vmem>>, vector<1x16xf32>,
          %get3A_229 = vector.shape_cast %get3A_228 : vector<1x16xf32> to vector<16xf32>
          %add3A_230 = arith.addf %get3A_225, %get3A_229 : vector<16xf32>
          %max3A_231 = arith.constant 0.000000e+00 : f32
          %max3A_232 = vector.broadcast %max3A_231 : f32 to vector<16xf32>
          %max3A_233 = arith.maximumf %add3A_230, %max3A_232 : vector<16xf32>
          %swap3A_234 = arith.index_cast %scan3A_122 : i32 to index
          %swap3A_235 = arith.constant 96 : index
          %swap3A_236 = tpu.vector_load %arg11[%swap3A_234, %swap3A_235] {strides = array<i32>} : memref<40x128xf32, #tpu.memory_space<vmem>>, vector<1x16xf32>,
          %swap3A_237 = vector.shape_cast %swap3A_236 : vector<1x16xf32> to vector<16xf32>
          %swap3A_238 = vector.shape_cast %max3A_233 : vector<16xf32> to vector<1x16xf32>
          tpu.vector_store %arg11[%swap3A_234, %swap3A_235], %swap3A_238 {strides = array<i32>} : memref<40x128xf32, #tpu.memory_space<vmem>>, vector<1x16xf32>,
          %get3A_239 = arith.index_cast %scan3A_122 : i32 to index
          %get3A_240 = arith.constant 112 : index
          %get3A_241 = tpu.vector_load %arg11[%get3A_239, %get3A_240] {strides = array<i32>} : memref<40x128xf32, #tpu.memory_space<vmem>>, vector<1x16xf32>,
          %get3A_242 = vector.shape_cast %get3A_241 : vector<1x16xf32> to vector<16xf32>
          %get3A_243 = arith.index_cast %scan3A_122 : i32 to index
          %get3A_244 = arith.constant 112 : index
          %get3A_245 = tpu.vector_load %arg12[%get3A_243, %get3A_244] {strides = array<i32>} : memref<40x128xf32, #tpu.memory_space<vmem>>, vector<1x16xf32>,
          %get3A_246 = vector.shape_cast %get3A_245 : vector<1x16xf32> to vector<16xf32>
          %add3A_247 = arith.addf %get3A_242, %get3A_246 : vector<16xf32>
          %max3A_248 = arith.constant 0.000000e+00 : f32
          %max3A_249 = vector.broadcast %max3A_248 : f32 to vector<16xf32>
          %max3A_250 = arith.maximumf %add3A_247, %max3A_249 : vector<16xf32>
          %swap3A_251 = arith.index_cast %scan3A_122 : i32 to index
          %swap3A_252 = arith.constant 112 : index
          %swap3A_253 = tpu.vector_load %arg11[%swap3A_251, %swap3A_252] {strides = array<i32>} : memref<40x128xf32, #tpu.memory_space<vmem>>, vector<1x16xf32>,
          %swap3A_254 = vector.shape_cast %swap3A_253 : vector<1x16xf32> to vector<16xf32>
          %swap3A_255 = vector.shape_cast %max3A_250 : vector<16xf32> to vector<1x16xf32>
          tpu.vector_store %arg11[%swap3A_251, %swap3A_252], %swap3A_255 {strides = array<i32>} : memref<40x128xf32, #tpu.memory_space<vmem>>, vector<1x16xf32>,
        }
        %scan3A_93 = arith.constant 40 : i32
        "tpu.region"() ({
          %run_scoped3A = tpu.sem_alloc : memref<!tpu.dma_semaphore, #tpu.memory_space<semaphore_mem>>
          %dma_start3A_122 = arith.constant 0 : i32
          %dma_start3A_123 = tpu.memref_slice %arg10[%mul3A_60, %dma_start3A_122] : memref<50x40xi32, #tpu.memory_space<vmem>> -> memref<1x40xi32, #tpu.memory_space<vmem>>
          %dma_start3A_124 = tpu.memref_squeeze %dma_start3A_123 : memref<1x40xi32, #tpu.memory_space<vmem>> -> memref<40xi32, #tpu.memory_space<vmem>>
          %dma_start3A_125 = arith.constant 0 : i32
          %dma_start3A_126 = arith.constant 0 : i32
          %dma_start3A_127 = tpu.memref_slice %arg19[%dma_start3A_125, %dma_start3A_126] : memref<10000x128xf32, #tpu.memory_space<vmem_shared>> -> memref<10000x128xf32, #tpu.memory_space<vmem_shared>>
          tpu.enqueue_indirect_dma source(%arg11 : memref<40x128xf32, #tpu.memory_space<vmem>>) target(%dma_start3A_127 : memref<10000x128xf32, #tpu.memory_space<vmem_shared>>) offsets(%dma_start3A_124 : memref<40xi32, #tpu.memory_space<vmem>>) semaphore(%run_scoped3A : memref<!tpu.dma_semaphore, #tpu.memory_space<semaphore_mem>>) {add = true}
          %dma_wait3A_128 = arith.constant 0 : i32
          %dma_wait3A_129 = tpu.memref_slice %arg10[%mul3A_60, %dma_wait3A_128] : memref<50x40xi32, #tpu.memory_space<vmem>> -> memref<1x40xi32, #tpu.memory_space<vmem>>
          %dma_wait3A_130 = tpu.memref_squeeze %dma_wait3A_129 : memref<1x40xi32, #tpu.memory_space<vmem>> -> memref<40xi32, #tpu.memory_space<vmem>>
          %dma_wait3A_131 = arith.constant 0 : i32
          %dma_wait3A_132 = arith.constant 0 : i32
          %dma_wait3A_133 = tpu.memref_slice %arg19[%dma_wait3A_131, %dma_wait3A_132] : memref<10000x128xf32, #tpu.memory_space<vmem_shared>> -> memref<10000x128xf32, #tpu.memory_space<vmem_shared>>
          tpu.wait_indirect_dma semaphore(%run_scoped3A : memref<!tpu.dma_semaphore, #tpu.memory_space<semaphore_mem>>) src(%arg11 : memref<40x128xf32, #tpu.memory_space<vmem>>) dst(%dma_wait3A_133 : memref<10000x128xf32, #tpu.memory_space<vmem_shared>>)
          tpu.yield
        }) : () -> ()
        %lt3A = arith.constant 24 : i32
        %lt3A_94 = arith.cmpi slt, %scan3A_58, %lt3A : i32
        %convert_element_type3A_95 = arith.extui %lt3A_94 : i1 to i32
        %cond3A_96 = arith.constant 0 : i32
        %cond3A_97 = arith.cmpi ne, %convert_element_type3A_95, %cond3A_96 : i32
        scf.if %cond3A_97 {
          %add3A_122 = arith.constant 2 : i32
          %add3A_123 = arith.addi %mul3A_60, %add3A_122 : i32
          %dma_start3A_124 = arith.constant 0 : i32
          %dma_start3A_125 = tpu.memref_slice %arg9[%add3A_123, %dma_start3A_124] : memref<50x40xi32, #tpu.memory_space<vmem>> -> memref<1x40xi32, #tpu.memory_space<vmem>>
          %dma_start3A_126 = tpu.memref_squeeze %dma_start3A_125 : memref<1x40xi32, #tpu.memory_space<vmem>> -> memref<40xi32, #tpu.memory_space<vmem>>
          %dma_start3A_127 = arith.constant 0 : i32
          %dma_start3A_128 = arith.constant 0 : i32
          %dma_start3A_129 = tpu.memref_slice %arg2[%dma_start3A_127, %dma_start3A_128] : memref<20480x128xf32, #tpu.memory_space<hbm>> -> memref<20480x128xf32, #tpu.memory_space<hbm>>
          tpu.enqueue_indirect_dma source(%dma_start3A_129 : memref<20480x128xf32, #tpu.memory_space<hbm>>) target(%arg11 : memref<40x128xf32, #tpu.memory_space<vmem>>) offsets(%dma_start3A_126 : memref<40xi32, #tpu.memory_space<vmem>>) semaphore(%arg15 : memref<!tpu.dma_semaphore, #tpu.memory_space<semaphore_mem>>)
          %add3A_130 = arith.constant 2 : i32
          %add3A_131 = arith.addi %mul3A_60, %add3A_130 : i32
          %dma_start3A_132 = arith.constant 0 : i32
          %dma_start3A_133 = tpu.memref_slice %arg8[%add3A_131, %dma_start3A_132] : memref<50x40xi32, #tpu.memory_space<vmem>> -> memref<1x40xi32, #tpu.memory_space<vmem>>
          %dma_start3A_134 = tpu.memref_squeeze %dma_start3A_133 : memref<1x40xi32, #tpu.memory_space<vmem>> -> memref<40xi32, #tpu.memory_space<vmem>>
          %dma_start3A_135 = arith.constant 0 : i32
          %dma_start3A_136 = arith.constant 0 : i32
          %dma_start3A_137 = tpu.memref_slice %arg3[%dma_start3A_135, %dma_start3A_136] : memref<20480x128xf32, #tpu.memory_space<hbm>> -> memref<20480x128xf32, #tpu.memory_space<hbm>>
          tpu.enqueue_indirect_dma source(%dma_start3A_137 : memref<20480x128xf32, #tpu.memory_space<hbm>>) target(%arg12 : memref<40x128xf32, #tpu.memory_space<vmem>>) offsets(%dma_start3A_134 : memref<40xi32, #tpu.memory_space<vmem>>) semaphore(%arg16 : memref<!tpu.dma_semaphore, #tpu.memory_space<semaphore_mem>>)
        } else {
        }
        %add3A_98 = arith.constant 1 : i32
        %add3A_99 = arith.addi %mul3A_60, %add3A_98 : i32
        %dma_wait3A_100 = arith.constant 0 : i32
        %dma_wait3A_101 = tpu.memref_slice %arg9[%add3A_99, %dma_wait3A_100] : memref<50x40xi32, #tpu.memory_space<vmem>> -> memref<1x40xi32, #tpu.memory_space<vmem>>
        %dma_wait3A_102 = tpu.memref_squeeze %dma_wait3A_101 : memref<1x40xi32, #tpu.memory_space<vmem>> -> memref<40xi32, #tpu.memory_space<vmem>>
        %dma_wait3A_103 = arith.constant 0 : i32
        %dma_wait3A_104 = arith.constant 0 : i32
        %dma_wait3A_105 = tpu.memref_slice %arg2[%dma_wait3A_103, %dma_wait3A_104] : memref<20480x128xf32, #tpu.memory_space<hbm>> -> memref<20480x128xf32, #tpu.memory_space<hbm>>
        tpu.wait_indirect_dma semaphore(%arg17 : memref<!tpu.dma_semaphore, #tpu.memory_space<semaphore_mem>>) src(%dma_wait3A_105 : memref<20480x128xf32, #tpu.memory_space<hbm>>) dst(%arg13 : memref<40x128xf32, #tpu.memory_space<vmem>>)
        %add3A_106 = arith.constant 1 : i32
        %add3A_107 = arith.addi %mul3A_60, %add3A_106 : i32
        %dma_wait3A_108 = arith.constant 0 : i32
        %dma_wait3A_109 = tpu.memref_slice %arg8[%add3A_107, %dma_wait3A_108] : memref<50x40xi32, #tpu.memory_space<vmem>> -> memref<1x40xi32, #tpu.memory_space<vmem>>
        %dma_wait3A_110 = tpu.memref_squeeze %dma_wait3A_109 : memref<1x40xi32, #tpu.memory_space<vmem>> -> memref<40xi32, #tpu.memory_space<vmem>>
        %dma_wait3A_111 = arith.constant 0 : i32
        %dma_wait3A_112 = arith.constant 0 : i32
        %dma_wait3A_113 = tpu.memref_slice %arg3[%dma_wait3A_111, %dma_wait3A_112] : memref<20480x128xf32, #tpu.memory_space<hbm>> -> memref<20480x128xf32, #tpu.memory_space<hbm>>
        tpu.wait_indirect_dma semaphore(%arg18 : memref<!tpu.dma_semaphore, #tpu.memory_space<semaphore_mem>>) src(%dma_wait3A_113 : memref<20480x128xf32, #tpu.memory_space<hbm>>) dst(%arg14 : memref<40x128xf32, #tpu.memory_space<vmem>>)
        %scan3A_114 = arith.constant 0 : i32
        %scan3A_115 = arith.constant 0 : i32
        %scan3A_116 = arith.constant 40 : i32
        %scan3A_117 = arith.addi %scan3A_115, %scan3A_116 : i32
        %scan3A_118 = arith.constant 1 : i32
        scf.for %scan3A_122 = %scan3A_115 to %scan3A_117 step %scan3A_118  : i32 {
          %get3A = arith.index_cast %scan3A_122 : i32 to index
          %get3A_123 = arith.constant 0 : index
          %get3A_124 = tpu.vector_load %arg13[%get3A, %get3A_123] {strides = array<i32>} : memref<40x128xf32, #tpu.memory_space<vmem>>, vector<1x16xf32>,
          %get3A_125 = vector.shape_cast %get3A_124 : vector<1x16xf32> to vector<16xf32>
          %get3A_126 = arith.index_cast %scan3A_122 : i32 to index
          %get3A_127 = arith.constant 0 : index
          %get3A_128 = tpu.vector_load %arg14[%get3A_126, %get3A_127] {strides = array<i32>} : memref<40x128xf32, #tpu.memory_space<vmem>>, vector<1x16xf32>,
          %get3A_129 = vector.shape_cast %get3A_128 : vector<1x16xf32> to vector<16xf32>
          %add3A_130 = arith.addf %get3A_125, %get3A_129 : vector<16xf32>
          %max3A = arith.constant 0.000000e+00 : f32
          %max3A_131 = vector.broadcast %max3A : f32 to vector<16xf32>
          %max3A_132 = arith.maximumf %add3A_130, %max3A_131 : vector<16xf32>
          %swap3A = arith.index_cast %scan3A_122 : i32 to index
          %swap3A_133 = arith.constant 0 : index
          %swap3A_134 = tpu.vector_load %arg13[%swap3A, %swap3A_133] {strides = array<i32>} : memref<40x128xf32, #tpu.memory_space<vmem>>, vector<1x16xf32>,
          %swap3A_135 = vector.shape_cast %swap3A_134 : vector<1x16xf32> to vector<16xf32>
          %swap3A_136 = vector.shape_cast %max3A_132 : vector<16xf32> to vector<1x16xf32>
          tpu.vector_store %arg13[%swap3A, %swap3A_133], %swap3A_136 {strides = array<i32>} : memref<40x128xf32, #tpu.memory_space<vmem>>, vector<1x16xf32>,
          %get3A_137 = arith.index_cast %scan3A_122 : i32 to index
          %get3A_138 = arith.constant 16 : index
          %get3A_139 = tpu.vector_load %arg13[%get3A_137, %get3A_138] {strides = array<i32>} : memref<40x128xf32, #tpu.memory_space<vmem>>, vector<1x16xf32>,
          %get3A_140 = vector.shape_cast %get3A_139 : vector<1x16xf32> to vector<16xf32>
          %get3A_141 = arith.index_cast %scan3A_122 : i32 to index
          %get3A_142 = arith.constant 16 : index
          %get3A_143 = tpu.vector_load %arg14[%get3A_141, %get3A_142] {strides = array<i32>} : memref<40x128xf32, #tpu.memory_space<vmem>>, vector<1x16xf32>,
          %get3A_144 = vector.shape_cast %get3A_143 : vector<1x16xf32> to vector<16xf32>
          %add3A_145 = arith.addf %get3A_140, %get3A_144 : vector<16xf32>
          %max3A_146 = arith.constant 0.000000e+00 : f32
          %max3A_147 = vector.broadcast %max3A_146 : f32 to vector<16xf32>
          %max3A_148 = arith.maximumf %add3A_145, %max3A_147 : vector<16xf32>
          %swap3A_149 = arith.index_cast %scan3A_122 : i32 to index
          %swap3A_150 = arith.constant 16 : index
          %swap3A_151 = tpu.vector_load %arg13[%swap3A_149, %swap3A_150] {strides = array<i32>} : memref<40x128xf32, #tpu.memory_space<vmem>>, vector<1x16xf32>,
          %swap3A_152 = vector.shape_cast %swap3A_151 : vector<1x16xf32> to vector<16xf32>
          %swap3A_153 = vector.shape_cast %max3A_148 : vector<16xf32> to vector<1x16xf32>
          tpu.vector_store %arg13[%swap3A_149, %swap3A_150], %swap3A_153 {strides = array<i32>} : memref<40x128xf32, #tpu.memory_space<vmem>>, vector<1x16xf32>,
          %get3A_154 = arith.index_cast %scan3A_122 : i32 to index
          %get3A_155 = arith.constant 32 : index
          %get3A_156 = tpu.vector_load %arg13[%get3A_154, %get3A_155] {strides = array<i32>} : memref<40x128xf32, #tpu.memory_space<vmem>>, vector<1x16xf32>,
          %get3A_157 = vector.shape_cast %get3A_156 : vector<1x16xf32> to vector<16xf32>
          %get3A_158 = arith.index_cast %scan3A_122 : i32 to index
          %get3A_159 = arith.constant 32 : index
          %get3A_160 = tpu.vector_load %arg14[%get3A_158, %get3A_159] {strides = array<i32>} : memref<40x128xf32, #tpu.memory_space<vmem>>, vector<1x16xf32>,
          %get3A_161 = vector.shape_cast %get3A_160 : vector<1x16xf32> to vector<16xf32>
          %add3A_162 = arith.addf %get3A_157, %get3A_161 : vector<16xf32>
          %max3A_163 = arith.constant 0.000000e+00 : f32
          %max3A_164 = vector.broadcast %max3A_163 : f32 to vector<16xf32>
          %max3A_165 = arith.maximumf %add3A_162, %max3A_164 : vector<16xf32>
          %swap3A_166 = arith.index_cast %scan3A_122 : i32 to index
          %swap3A_167 = arith.constant 32 : index
          %swap3A_168 = tpu.vector_load %arg13[%swap3A_166, %swap3A_167] {strides = array<i32>} : memref<40x128xf32, #tpu.memory_space<vmem>>, vector<1x16xf32>,
          %swap3A_169 = vector.shape_cast %swap3A_168 : vector<1x16xf32> to vector<16xf32>
          %swap3A_170 = vector.shape_cast %max3A_165 : vector<16xf32> to vector<1x16xf32>
          tpu.vector_store %arg13[%swap3A_166, %swap3A_167], %swap3A_170 {strides = array<i32>} : memref<40x128xf32, #tpu.memory_space<vmem>>, vector<1x16xf32>,
          %get3A_171 = arith.index_cast %scan3A_122 : i32 to index
          %get3A_172 = arith.constant 48 : index
          %get3A_173 = tpu.vector_load %arg13[%get3A_171, %get3A_172] {strides = array<i32>} : memref<40x128xf32, #tpu.memory_space<vmem>>, vector<1x16xf32>,
          %get3A_174 = vector.shape_cast %get3A_173 : vector<1x16xf32> to vector<16xf32>
          %get3A_175 = arith.index_cast %scan3A_122 : i32 to index
          %get3A_176 = arith.constant 48 : index
          %get3A_177 = tpu.vector_load %arg14[%get3A_175, %get3A_176] {strides = array<i32>} : memref<40x128xf32, #tpu.memory_space<vmem>>, vector<1x16xf32>,
          %get3A_178 = vector.shape_cast %get3A_177 : vector<1x16xf32> to vector<16xf32>
          %add3A_179 = arith.addf %get3A_174, %get3A_178 : vector<16xf32>
          %max3A_180 = arith.constant 0.000000e+00 : f32
          %max3A_181 = vector.broadcast %max3A_180 : f32 to vector<16xf32>
          %max3A_182 = arith.maximumf %add3A_179, %max3A_181 : vector<16xf32>
          %swap3A_183 = arith.index_cast %scan3A_122 : i32 to index
          %swap3A_184 = arith.constant 48 : index
          %swap3A_185 = tpu.vector_load %arg13[%swap3A_183, %swap3A_184] {strides = array<i32>} : memref<40x128xf32, #tpu.memory_space<vmem>>, vector<1x16xf32>,
          %swap3A_186 = vector.shape_cast %swap3A_185 : vector<1x16xf32> to vector<16xf32>
          %swap3A_187 = vector.shape_cast %max3A_182 : vector<16xf32> to vector<1x16xf32>
          tpu.vector_store %arg13[%swap3A_183, %swap3A_184], %swap3A_187 {strides = array<i32>} : memref<40x128xf32, #tpu.memory_space<vmem>>, vector<1x16xf32>,
          %get3A_188 = arith.index_cast %scan3A_122 : i32 to index
          %get3A_189 = arith.constant 64 : index
          %get3A_190 = tpu.vector_load %arg13[%get3A_188, %get3A_189] {strides = array<i32>} : memref<40x128xf32, #tpu.memory_space<vmem>>, vector<1x16xf32>,
          %get3A_191 = vector.shape_cast %get3A_190 : vector<1x16xf32> to vector<16xf32>
          %get3A_192 = arith.index_cast %scan3A_122 : i32 to index
          %get3A_193 = arith.constant 64 : index
          %get3A_194 = tpu.vector_load %arg14[%get3A_192, %get3A_193] {strides = array<i32>} : memref<40x128xf32, #tpu.memory_space<vmem>>, vector<1x16xf32>,
          %get3A_195 = vector.shape_cast %get3A_194 : vector<1x16xf32> to vector<16xf32>
          %add3A_196 = arith.addf %get3A_191, %get3A_195 : vector<16xf32>
          %max3A_197 = arith.constant 0.000000e+00 : f32
          %max3A_198 = vector.broadcast %max3A_197 : f32 to vector<16xf32>
          %max3A_199 = arith.maximumf %add3A_196, %max3A_198 : vector<16xf32>
          %swap3A_200 = arith.index_cast %scan3A_122 : i32 to index
          %swap3A_201 = arith.constant 64 : index
          %swap3A_202 = tpu.vector_load %arg13[%swap3A_200, %swap3A_201] {strides = array<i32>} : memref<40x128xf32, #tpu.memory_space<vmem>>, vector<1x16xf32>,
          %swap3A_203 = vector.shape_cast %swap3A_202 : vector<1x16xf32> to vector<16xf32>
          %swap3A_204 = vector.shape_cast %max3A_199 : vector<16xf32> to vector<1x16xf32>
          tpu.vector_store %arg13[%swap3A_200, %swap3A_201], %swap3A_204 {strides = array<i32>} : memref<40x128xf32, #tpu.memory_space<vmem>>, vector<1x16xf32>,
          %get3A_205 = arith.index_cast %scan3A_122 : i32 to index
          %get3A_206 = arith.constant 80 : index
          %get3A_207 = tpu.vector_load %arg13[%get3A_205, %get3A_206] {strides = array<i32>} : memref<40x128xf32, #tpu.memory_space<vmem>>, vector<1x16xf32>,
          %get3A_208 = vector.shape_cast %get3A_207 : vector<1x16xf32> to vector<16xf32>
          %get3A_209 = arith.index_cast %scan3A_122 : i32 to index
          %get3A_210 = arith.constant 80 : index
          %get3A_211 = tpu.vector_load %arg14[%get3A_209, %get3A_210] {strides = array<i32>} : memref<40x128xf32, #tpu.memory_space<vmem>>, vector<1x16xf32>,
          %get3A_212 = vector.shape_cast %get3A_211 : vector<1x16xf32> to vector<16xf32>
          %add3A_213 = arith.addf %get3A_208, %get3A_212 : vector<16xf32>
          %max3A_214 = arith.constant 0.000000e+00 : f32
          %max3A_215 = vector.broadcast %max3A_214 : f32 to vector<16xf32>
          %max3A_216 = arith.maximumf %add3A_213, %max3A_215 : vector<16xf32>
          %swap3A_217 = arith.index_cast %scan3A_122 : i32 to index
          %swap3A_218 = arith.constant 80 : index
          %swap3A_219 = tpu.vector_load %arg13[%swap3A_217, %swap3A_218] {strides = array<i32>} : memref<40x128xf32, #tpu.memory_space<vmem>>, vector<1x16xf32>,
          %swap3A_220 = vector.shape_cast %swap3A_219 : vector<1x16xf32> to vector<16xf32>
          %swap3A_221 = vector.shape_cast %max3A_216 : vector<16xf32> to vector<1x16xf32>
          tpu.vector_store %arg13[%swap3A_217, %swap3A_218], %swap3A_221 {strides = array<i32>} : memref<40x128xf32, #tpu.memory_space<vmem>>, vector<1x16xf32>,
          %get3A_222 = arith.index_cast %scan3A_122 : i32 to index
          %get3A_223 = arith.constant 96 : index
          %get3A_224 = tpu.vector_load %arg13[%get3A_222, %get3A_223] {strides = array<i32>} : memref<40x128xf32, #tpu.memory_space<vmem>>, vector<1x16xf32>,
          %get3A_225 = vector.shape_cast %get3A_224 : vector<1x16xf32> to vector<16xf32>
          %get3A_226 = arith.index_cast %scan3A_122 : i32 to index
          %get3A_227 = arith.constant 96 : index
          %get3A_228 = tpu.vector_load %arg14[%get3A_226, %get3A_227] {strides = array<i32>} : memref<40x128xf32, #tpu.memory_space<vmem>>, vector<1x16xf32>,
          %get3A_229 = vector.shape_cast %get3A_228 : vector<1x16xf32> to vector<16xf32>
          %add3A_230 = arith.addf %get3A_225, %get3A_229 : vector<16xf32>
          %max3A_231 = arith.constant 0.000000e+00 : f32
          %max3A_232 = vector.broadcast %max3A_231 : f32 to vector<16xf32>
          %max3A_233 = arith.maximumf %add3A_230, %max3A_232 : vector<16xf32>
          %swap3A_234 = arith.index_cast %scan3A_122 : i32 to index
          %swap3A_235 = arith.constant 96 : index
          %swap3A_236 = tpu.vector_load %arg13[%swap3A_234, %swap3A_235] {strides = array<i32>} : memref<40x128xf32, #tpu.memory_space<vmem>>, vector<1x16xf32>,
          %swap3A_237 = vector.shape_cast %swap3A_236 : vector<1x16xf32> to vector<16xf32>
          %swap3A_238 = vector.shape_cast %max3A_233 : vector<16xf32> to vector<1x16xf32>
          tpu.vector_store %arg13[%swap3A_234, %swap3A_235], %swap3A_238 {strides = array<i32>} : memref<40x128xf32, #tpu.memory_space<vmem>>, vector<1x16xf32>,
          %get3A_239 = arith.index_cast %scan3A_122 : i32 to index
          %get3A_240 = arith.constant 112 : index
          %get3A_241 = tpu.vector_load %arg13[%get3A_239, %get3A_240] {strides = array<i32>} : memref<40x128xf32, #tpu.memory_space<vmem>>, vector<1x16xf32>,
          %get3A_242 = vector.shape_cast %get3A_241 : vector<1x16xf32> to vector<16xf32>
          %get3A_243 = arith.index_cast %scan3A_122 : i32 to index
          %get3A_244 = arith.constant 112 : index
          %get3A_245 = tpu.vector_load %arg14[%get3A_243, %get3A_244] {strides = array<i32>} : memref<40x128xf32, #tpu.memory_space<vmem>>, vector<1x16xf32>,
          %get3A_246 = vector.shape_cast %get3A_245 : vector<1x16xf32> to vector<16xf32>
          %add3A_247 = arith.addf %get3A_242, %get3A_246 : vector<16xf32>
          %max3A_248 = arith.constant 0.000000e+00 : f32
          %max3A_249 = vector.broadcast %max3A_248 : f32 to vector<16xf32>
          %max3A_250 = arith.maximumf %add3A_247, %max3A_249 : vector<16xf32>
          %swap3A_251 = arith.index_cast %scan3A_122 : i32 to index
          %swap3A_252 = arith.constant 112 : index
          %swap3A_253 = tpu.vector_load %arg13[%swap3A_251, %swap3A_252] {strides = array<i32>} : memref<40x128xf32, #tpu.memory_space<vmem>>, vector<1x16xf32>,
          %swap3A_254 = vector.shape_cast %swap3A_253 : vector<1x16xf32> to vector<16xf32>
          %swap3A_255 = vector.shape_cast %max3A_250 : vector<16xf32> to vector<1x16xf32>
          tpu.vector_store %arg13[%swap3A_251, %swap3A_252], %swap3A_255 {strides = array<i32>} : memref<40x128xf32, #tpu.memory_space<vmem>>, vector<1x16xf32>,
        }
        %scan3A_119 = arith.constant 40 : i32
        %add3A_120 = arith.constant 1 : i32
        %add3A_121 = arith.addi %mul3A_60, %add3A_120 : i32
        "tpu.region"() ({
          %run_scoped3A = tpu.sem_alloc : memref<!tpu.dma_semaphore, #tpu.memory_space<semaphore_mem>>
          %dma_start3A_122 = arith.constant 0 : i32
          %dma_start3A_123 = tpu.memref_slice %arg10[%add3A_121, %dma_start3A_122] : memref<50x40xi32, #tpu.memory_space<vmem>> -> memref<1x40xi32, #tpu.memory_space<vmem>>
          %dma_start3A_124 = tpu.memref_squeeze %dma_start3A_123 : memref<1x40xi32, #tpu.memory_space<vmem>> -> memref<40xi32, #tpu.memory_space<vmem>>
          %dma_start3A_125 = arith.constant 0 : i32
          %dma_start3A_126 = arith.constant 0 : i32
          %dma_start3A_127 = tpu.memref_slice %arg19[%dma_start3A_125, %dma_start3A_126] : memref<10000x128xf32, #tpu.memory_space<vmem_shared>> -> memref<10000x128xf32, #tpu.memory_space<vmem_shared>>
          tpu.enqueue_indirect_dma source(%arg13 : memref<40x128xf32, #tpu.memory_space<vmem>>) target(%dma_start3A_127 : memref<10000x128xf32, #tpu.memory_space<vmem_shared>>) offsets(%dma_start3A_124 : memref<40xi32, #tpu.memory_space<vmem>>) semaphore(%run_scoped3A : memref<!tpu.dma_semaphore, #tpu.memory_space<semaphore_mem>>) {add = true}
          %dma_wait3A_128 = arith.constant 0 : i32
          %dma_wait3A_129 = tpu.memref_slice %arg10[%add3A_121, %dma_wait3A_128] : memref<50x40xi32, #tpu.memory_space<vmem>> -> memref<1x40xi32, #tpu.memory_space<vmem>>
          %dma_wait3A_130 = tpu.memref_squeeze %dma_wait3A_129 : memref<1x40xi32, #tpu.memory_space<vmem>> -> memref<40xi32, #tpu.memory_space<vmem>>
          %dma_wait3A_131 = arith.constant 0 : i32
          %dma_wait3A_132 = arith.constant 0 : i32
          %dma_wait3A_133 = tpu.memref_slice %arg19[%dma_wait3A_131, %dma_wait3A_132] : memref<10000x128xf32, #tpu.memory_space<vmem_shared>> -> memref<10000x128xf32, #tpu.memory_space<vmem_shared>>
          tpu.wait_indirect_dma semaphore(%run_scoped3A : memref<!tpu.dma_semaphore, #tpu.memory_space<semaphore_mem>>) src(%arg13 : memref<40x128xf32, #tpu.memory_space<vmem>>) dst(%dma_wait3A_133 : memref<10000x128xf32, #tpu.memory_space<vmem_shared>>)
          tpu.yield
        }) : () -> ()
      }
      %scan3A_57 = arith.constant 25 : i32
    }
    %scan3A_21 = arith.constant 5 : i32
    %barrier3A_22 = arith.constant 0 : index
    tpu.barrier barrier_id(%barrier3A_22)
    %scan3A_23 = arith.constant 0 : i32
    %scan3A_24 = arith.constant 0 : i32
    %scan3A_25 = arith.constant 15 : i32
    %scan3A_26 = arith.addi %scan3A_24, %scan3A_25 : i32
    %scan3A_27 = arith.constant 1 : i32
    scf.for %scan3A_38 = %scan3A_24 to %scan3A_26 step %scan3A_27  : i32 {
      %mul3A_39 = arith.constant 624 : i32
      %mul3A_40 = arith.muli %arg1, %mul3A_39 : i32
      %mul3A_41 = arith.constant 40 : i32
      %mul3A_42 = arith.muli %scan3A_38, %mul3A_41 : i32
      %add3A_43 = arith.addi %mul3A_40, %mul3A_42 : i32
      "tpu.region"() ({
        %run_scoped3A = tpu.sem_alloc : memref<!tpu.dma_semaphore, #tpu.memory_space<semaphore_mem>>
        %dma_start3A = arith.constant 0 : i32
        %dma_start3A_44 = arith.constant 0 : i32
        %dma_start3A_45 = tpu.memref_slice %arg12[%dma_start3A, %dma_start3A_44] : memref<40x128xf32, #tpu.memory_space<vmem>> -> memref<40x128xf32, #tpu.memory_space<vmem>>
        %dma_start3A_46 = arith.constant 0 : i32
        %dma_start3A_47 = tpu.memref_slice %arg19[%add3A_43, %dma_start3A_46] : memref<10000x128xf32, #tpu.memory_space<vmem_shared>> -> memref<40x128xf32, #tpu.memory_space<vmem_shared>>
        %dma_start3A_48 = arith.constant 0 : i32
        %dma_start3A_49 = arith.constant 0 : i32
        %dma_start3A_50 = tpu.memref_slice %arg12[%dma_start3A_48, %dma_start3A_49] : memref<40x128xf32, #tpu.memory_space<vmem>> -> memref<40x128xf32, #tpu.memory_space<vmem>>
        %dma_start3A_51 = arith.constant 0 : i32
        %dma_start3A_52 = tpu.memref_slice %arg19[%add3A_43, %dma_start3A_51] : memref<10000x128xf32, #tpu.memory_space<vmem_shared>> -> memref<40x128xf32, #tpu.memory_space<vmem_shared>>
        tpu.enqueue_dma source(%dma_start3A_52 : memref<40x128xf32, #tpu.memory_space<vmem_shared>>) target(%dma_start3A_50 : memref<40x128xf32, #tpu.memory_space<vmem>>) target_semaphore(%run_scoped3A : memref<!tpu.dma_semaphore, #tpu.memory_space<semaphore_mem>>)
        %dma_wait3A = arith.constant 0 : i32
        %dma_wait3A_53 = arith.constant 0 : i32
        %dma_wait3A_54 = tpu.memref_slice %arg12[%dma_wait3A, %dma_wait3A_53] : memref<40x128xf32, #tpu.memory_space<vmem>> -> memref<40x128xf32, #tpu.memory_space<vmem>>
        %dma_wait3A_55 = arith.constant 0 : i32
        %dma_wait3A_56 = tpu.memref_slice %arg19[%add3A_43, %dma_wait3A_55] : memref<10000x128xf32, #tpu.memory_space<vmem_shared>> -> memref<40x128xf32, #tpu.memory_space<vmem_shared>>
        %dma_wait3A_57 = arith.constant 0 : i32
        %dma_wait3A_58 = arith.constant 0 : i32
        %dma_wait3A_59 = tpu.memref_slice %arg12[%dma_wait3A_57, %dma_wait3A_58] : memref<40x128xf32, #tpu.memory_space<vmem>> -> memref<40x128xf32, #tpu.memory_space<vmem>>
        %dma_wait3A_60 = arith.constant 0 : i32
        %dma_wait3A_61 = tpu.memref_slice %arg19[%add3A_43, %dma_wait3A_60] : memref<10000x128xf32, #tpu.memory_space<vmem_shared>> -> memref<40x128xf32, #tpu.memory_space<vmem_shared>>
        tpu.wait_dma2 semaphore(%run_scoped3A : memref<!tpu.dma_semaphore, #tpu.memory_space<semaphore_mem>>) src(%dma_wait3A_61 : memref<40x128xf32, #tpu.memory_space<vmem_shared>>) dst(%dma_wait3A_59 : memref<40x128xf32, #tpu.memory_space<vmem>>)
        tpu.yield
      }) : () -> ()
      "tpu.region"() ({
        %run_scoped3A = tpu.sem_alloc : memref<!tpu.dma_semaphore, #tpu.memory_space<semaphore_mem>>
        %dma_start3A = arith.constant 0 : i32
        %dma_start3A_44 = arith.constant 0 : i32
        %dma_start3A_45 = tpu.memref_slice %arg12[%dma_start3A, %dma_start3A_44] : memref<40x128xf32, #tpu.memory_space<vmem>> -> memref<40x128xf32, #tpu.memory_space<vmem>>
        %dma_start3A_46 = arith.constant 0 : i32
        %dma_start3A_47 = tpu.memref_slice %arg7[%arg0, %add3A_43, %dma_start3A_46] : memref<2x10240x128xf32, #tpu.memory_space<hbm>> -> memref<1x40x128xf32, #tpu.memory_space<hbm>>
        %dma_start3A_48 = tpu.memref_squeeze %dma_start3A_47 : memref<1x40x128xf32, #tpu.memory_space<hbm>> -> memref<40x128xf32, #tpu.memory_space<hbm>>
        %dma_start3A_49 = arith.constant 0 : i32
        %dma_start3A_50 = tpu.memref_slice %arg7[%arg0, %add3A_43, %dma_start3A_49] : memref<2x10240x128xf32, #tpu.memory_space<hbm>> -> memref<1x40x128xf32, #tpu.memory_space<hbm>>
        %dma_start3A_51 = tpu.memref_squeeze %dma_start3A_50 : memref<1x40x128xf32, #tpu.memory_space<hbm>> -> memref<40x128xf32, #tpu.memory_space<hbm>>
        %dma_start3A_52 = arith.constant 0 : i32
        %dma_start3A_53 = arith.constant 0 : i32
        %dma_start3A_54 = tpu.memref_slice %arg12[%dma_start3A_52, %dma_start3A_53] : memref<40x128xf32, #tpu.memory_space<vmem>> -> memref<40x128xf32, #tpu.memory_space<vmem>>
        tpu.enqueue_dma source(%dma_start3A_54 : memref<40x128xf32, #tpu.memory_space<vmem>>) target(%dma_start3A_51 : memref<40x128xf32, #tpu.memory_space<hbm>>) target_semaphore(%run_scoped3A : memref<!tpu.dma_semaphore, #tpu.memory_space<semaphore_mem>>)
        %dma_wait3A = arith.constant 0 : i32
        %dma_wait3A_55 = arith.constant 0 : i32
        %dma_wait3A_56 = tpu.memref_slice %arg12[%dma_wait3A, %dma_wait3A_55] : memref<40x128xf32, #tpu.memory_space<vmem>> -> memref<40x128xf32, #tpu.memory_space<vmem>>
        %dma_wait3A_57 = arith.constant 0 : i32
        %dma_wait3A_58 = tpu.memref_slice %arg7[%arg0, %add3A_43, %dma_wait3A_57] : memref<2x10240x128xf32, #tpu.memory_space<hbm>> -> memref<1x40x128xf32, #tpu.memory_space<hbm>>
        %dma_wait3A_59 = tpu.memref_squeeze %dma_wait3A_58 : memref<1x40x128xf32, #tpu.memory_space<hbm>> -> memref<40x128xf32, #tpu.memory_space<hbm>>
        %dma_wait3A_60 = arith.constant 0 : i32
        %dma_wait3A_61 = tpu.memref_slice %arg7[%arg0, %add3A_43, %dma_wait3A_60] : memref<2x10240x128xf32, #tpu.memory_space<hbm>> -> memref<1x40x128xf32, #tpu.memory_space<hbm>>
        %dma_wait3A_62 = tpu.memref_squeeze %dma_wait3A_61 : memref<1x40x128xf32, #tpu.memory_space<hbm>> -> memref<40x128xf32, #tpu.memory_space<hbm>>
        %dma_wait3A_63 = arith.constant 0 : i32
        %dma_wait3A_64 = arith.constant 0 : i32
        %dma_wait3A_65 = tpu.memref_slice %arg12[%dma_wait3A_63, %dma_wait3A_64] : memref<40x128xf32, #tpu.memory_space<vmem>> -> memref<40x128xf32, #tpu.memory_space<vmem>>
        tpu.wait_dma2 semaphore(%run_scoped3A : memref<!tpu.dma_semaphore, #tpu.memory_space<semaphore_mem>>) src(%dma_wait3A_65 : memref<40x128xf32, #tpu.memory_space<vmem>>) dst(%dma_wait3A_62 : memref<40x128xf32, #tpu.memory_space<hbm>>)
        tpu.yield
      }) : () -> ()
    }
    %scan3A_28 = arith.constant 15 : i32
    %mul3A_29 = arith.constant 624 : i32
    %mul3A_30 = arith.muli %arg1, %mul3A_29 : i32
    %add3A_31 = arith.constant 600 : i32
    %add3A_32 = arith.addi %mul3A_30, %add3A_31 : i32
    "tpu.region"() ({
      %run_scoped3A = tpu.sem_alloc : memref<!tpu.dma_semaphore, #tpu.memory_space<semaphore_mem>>
      %dma_start3A = arith.constant 0 : i32
      %dma_start3A_38 = arith.constant 0 : i32
      %dma_start3A_39 = tpu.memref_slice %arg12[%dma_start3A, %dma_start3A_38] : memref<40x128xf32, #tpu.memory_space<vmem>> -> memref<24x128xf32, #tpu.memory_space<vmem>>
      %dma_start3A_40 = arith.constant 0 : i32
      %dma_start3A_41 = tpu.memref_slice %arg19[%add3A_32, %dma_start3A_40] : memref<10000x128xf32, #tpu.memory_space<vmem_shared>> -> memref<24x128xf32, #tpu.memory_space<vmem_shared>>
      %dma_start3A_42 = arith.constant 0 : i32
      %dma_start3A_43 = arith.constant 0 : i32
      %dma_start3A_44 = tpu.memref_slice %arg12[%dma_start3A_42, %dma_start3A_43] : memref<40x128xf32, #tpu.memory_space<vmem>> -> memref<24x128xf32, #tpu.memory_space<vmem>>
      %dma_start3A_45 = arith.constant 0 : i32
      %dma_start3A_46 = tpu.memref_slice %arg19[%add3A_32, %dma_start3A_45] : memref<10000x128xf32, #tpu.memory_space<vmem_shared>> -> memref<24x128xf32, #tpu.memory_space<vmem_shared>>
      tpu.enqueue_dma source(%dma_start3A_46 : memref<24x128xf32, #tpu.memory_space<vmem_shared>>) target(%dma_start3A_44 : memref<24x128xf32, #tpu.memory_space<vmem>>) target_semaphore(%run_scoped3A : memref<!tpu.dma_semaphore, #tpu.memory_space<semaphore_mem>>)
      %dma_wait3A = arith.constant 0 : i32
      %dma_wait3A_47 = arith.constant 0 : i32
      %dma_wait3A_48 = tpu.memref_slice %arg12[%dma_wait3A, %dma_wait3A_47] : memref<40x128xf32, #tpu.memory_space<vmem>> -> memref<24x128xf32, #tpu.memory_space<vmem>>
      %dma_wait3A_49 = arith.constant 0 : i32
      %dma_wait3A_50 = tpu.memref_slice %arg19[%add3A_32, %dma_wait3A_49] : memref<10000x128xf32, #tpu.memory_space<vmem_shared>> -> memref<24x128xf32, #tpu.memory_space<vmem_shared>>
      %dma_wait3A_51 = arith.constant 0 : i32
      %dma_wait3A_52 = arith.constant 0 : i32
      %dma_wait3A_53 = tpu.memref_slice %arg12[%dma_wait3A_51, %dma_wait3A_52] : memref<40x128xf32, #tpu.memory_space<vmem>> -> memref<24x128xf32, #tpu.memory_space<vmem>>
      %dma_wait3A_54 = arith.constant 0 : i32
      %dma_wait3A_55 = tpu.memref_slice %arg19[%add3A_32, %dma_wait3A_54] : memref<10000x128xf32, #tpu.memory_space<vmem_shared>> -> memref<24x128xf32, #tpu.memory_space<vmem_shared>>
      tpu.wait_dma2 semaphore(%run_scoped3A : memref<!tpu.dma_semaphore, #tpu.memory_space<semaphore_mem>>) src(%dma_wait3A_55 : memref<24x128xf32, #tpu.memory_space<vmem_shared>>) dst(%dma_wait3A_53 : memref<24x128xf32, #tpu.memory_space<vmem>>)
      tpu.yield
    }) : () -> ()
    "tpu.region"() ({
      %run_scoped3A = tpu.sem_alloc : memref<!tpu.dma_semaphore, #tpu.memory_space<semaphore_mem>>
      %dma_start3A = arith.constant 0 : i32
      %dma_start3A_38 = arith.constant 0 : i32
      %dma_start3A_39 = tpu.memref_slice %arg12[%dma_start3A, %dma_start3A_38] : memref<40x128xf32, #tpu.memory_space<vmem>> -> memref<24x128xf32, #tpu.memory_space<vmem>>
      %dma_start3A_40 = arith.constant 0 : i32
      %dma_start3A_41 = tpu.memref_slice %arg7[%arg0, %add3A_32, %dma_start3A_40] : memref<2x10240x128xf32, #tpu.memory_space<hbm>> -> memref<1x24x128xf32, #tpu.memory_space<hbm>>
      %dma_start3A_42 = tpu.memref_squeeze %dma_start3A_41 : memref<1x24x128xf32, #tpu.memory_space<hbm>> -> memref<24x128xf32, #tpu.memory_space<hbm>>
      %dma_start3A_43 = arith.constant 0 : i32
      %dma_start3A_44 = tpu.memref_slice %arg7[%arg0, %add3A_32, %dma_start3A_43] : memref<2x10240x128xf32, #tpu.memory_space<hbm>> -> memref<1x24x128xf32, #tpu.memory_space<hbm>>
      %dma_start3A_45 = tpu.memref_squeeze %dma_start3A_44 : memref<1x24x128xf32, #tpu.memory_space<hbm>> -> memref<24x128xf32, #tpu.memory_space<hbm>>
      %dma_start3A_46 = arith.constant 0 : i32
      %dma_start3A_47 = arith.constant 0 : i32
      %dma_start3A_48 = tpu.memref_slice %arg12[%dma_start3A_46, %dma_start3A_47] : memref<40x128xf32, #tpu.memory_space<vmem>> -> memref<24x128xf32, #tpu.memory_space<vmem>>
      tpu.enqueue_dma source(%dma_start3A_48 : memref<24x128xf32, #tpu.memory_space<vmem>>) target(%dma_start3A_45 : memref<24x128xf32, #tpu.memory_space<hbm>>) target_semaphore(%run_scoped3A : memref<!tpu.dma_semaphore, #tpu.memory_space<semaphore_mem>>)
      %dma_wait3A = arith.constant 0 : i32
      %dma_wait3A_49 = arith.constant 0 : i32
      %dma_wait3A_50 = tpu.memref_slice %arg12[%dma_wait3A, %dma_wait3A_49] : memref<40x128xf32, #tpu.memory_space<vmem>> -> memref<24x128xf32, #tpu.memory_space<vmem>>
      %dma_wait3A_51 = arith.constant 0 : i32
      %dma_wait3A_52 = tpu.memref_slice %arg7[%arg0, %add3A_32, %dma_wait3A_51] : memref<2x10240x128xf32, #tpu.memory_space<hbm>> -> memref<1x24x128xf32, #tpu.memory_space<hbm>>
      %dma_wait3A_53 = tpu.memref_squeeze %dma_wait3A_52 : memref<1x24x128xf32, #tpu.memory_space<hbm>> -> memref<24x128xf32, #tpu.memory_space<hbm>>
      %dma_wait3A_54 = arith.constant 0 : i32
      %dma_wait3A_55 = tpu.memref_slice %arg7[%arg0, %add3A_32, %dma_wait3A_54] : memref<2x10240x128xf32, #tpu.memory_space<hbm>> -> memref<1x24x128xf32, #tpu.memory_space<hbm>>
      %dma_wait3A_56 = tpu.memref_squeeze %dma_wait3A_55 : memref<1x24x128xf32, #tpu.memory_space<hbm>> -> memref<24x128xf32, #tpu.memory_space<hbm>>
      %dma_wait3A_57 = arith.constant 0 : i32
      %dma_wait3A_58 = arith.constant 0 : i32
      %dma_wait3A_59 = tpu.memref_slice %arg12[%dma_wait3A_57, %dma_wait3A_58] : memref<40x128xf32, #tpu.memory_space<vmem>> -> memref<24x128xf32, #tpu.memory_space<vmem>>
      tpu.wait_dma2 semaphore(%run_scoped3A : memref<!tpu.dma_semaphore, #tpu.memory_space<semaphore_mem>>) src(%dma_wait3A_59 : memref<24x128xf32, #tpu.memory_space<vmem>>) dst(%dma_wait3A_56 : memref<24x128xf32, #tpu.memory_space<hbm>>)
      tpu.yield
    }) : () -> ()
    %eq3A_33 = arith.constant 0 : i32
    %eq3A_34 = arith.cmpi eq, %arg1, %eq3A_33 : i32
    %convert_element_type3A_35 = arith.extui %eq3A_34 : i1 to i32
    %cond3A_36 = arith.constant 0 : i32
    %cond3A_37 = arith.cmpi ne, %convert_element_type3A_35, %cond3A_36 : i32
    scf.if %cond3A_37 {
      "tpu.region"() ({
        %run_scoped3A = tpu.sem_alloc : memref<!tpu.dma_semaphore, #tpu.memory_space<semaphore_mem>>
        %dma_start3A = arith.constant 0 : i32
        %dma_start3A_38 = arith.constant 0 : i32
        %dma_start3A_39 = tpu.memref_slice %arg12[%dma_start3A, %dma_start3A_38] : memref<40x128xf32, #tpu.memory_space<vmem>> -> memref<16x128xf32, #tpu.memory_space<vmem>>
        %dma_start3A_40 = arith.constant 9984 : i32
        %dma_start3A_41 = arith.constant 0 : i32
        %dma_start3A_42 = tpu.memref_slice %arg19[%dma_start3A_40, %dma_start3A_41] : memref<10000x128xf32, #tpu.memory_space<vmem_shared>> -> memref<16x128xf32, #tpu.memory_space<vmem_shared>>
        %dma_start3A_43 = arith.constant 0 : i32
        %dma_start3A_44 = arith.constant 0 : i32
        %dma_start3A_45 = tpu.memref_slice %arg12[%dma_start3A_43, %dma_start3A_44] : memref<40x128xf32, #tpu.memory_space<vmem>> -> memref<16x128xf32, #tpu.memory_space<vmem>>
        %dma_start3A_46 = arith.constant 9984 : i32
        %dma_start3A_47 = arith.constant 0 : i32
        %dma_start3A_48 = tpu.memref_slice %arg19[%dma_start3A_46, %dma_start3A_47] : memref<10000x128xf32, #tpu.memory_space<vmem_shared>> -> memref<16x128xf32, #tpu.memory_space<vmem_shared>>
        tpu.enqueue_dma source(%dma_start3A_48 : memref<16x128xf32, #tpu.memory_space<vmem_shared>>) target(%dma_start3A_45 : memref<16x128xf32, #tpu.memory_space<vmem>>) target_semaphore(%run_scoped3A : memref<!tpu.dma_semaphore, #tpu.memory_space<semaphore_mem>>)
        %dma_wait3A = arith.constant 0 : i32
        %dma_wait3A_49 = arith.constant 0 : i32
        %dma_wait3A_50 = tpu.memref_slice %arg12[%dma_wait3A, %dma_wait3A_49] : memref<40x128xf32, #tpu.memory_space<vmem>> -> memref<16x128xf32, #tpu.memory_space<vmem>>
        %dma_wait3A_51 = arith.constant 9984 : i32
        %dma_wait3A_52 = arith.constant 0 : i32
        %dma_wait3A_53 = tpu.memref_slice %arg19[%dma_wait3A_51, %dma_wait3A_52] : memref<10000x128xf32, #tpu.memory_space<vmem_shared>> -> memref<16x128xf32, #tpu.memory_space<vmem_shared>>
        %dma_wait3A_54 = arith.constant 0 : i32
        %dma_wait3A_55 = arith.constant 0 : i32
        %dma_wait3A_56 = tpu.memref_slice %arg12[%dma_wait3A_54, %dma_wait3A_55] : memref<40x128xf32, #tpu.memory_space<vmem>> -> memref<16x128xf32, #tpu.memory_space<vmem>>
        %dma_wait3A_57 = arith.constant 9984 : i32
        %dma_wait3A_58 = arith.constant 0 : i32
        %dma_wait3A_59 = tpu.memref_slice %arg19[%dma_wait3A_57, %dma_wait3A_58] : memref<10000x128xf32, #tpu.memory_space<vmem_shared>> -> memref<16x128xf32, #tpu.memory_space<vmem_shared>>
        tpu.wait_dma2 semaphore(%run_scoped3A : memref<!tpu.dma_semaphore, #tpu.memory_space<semaphore_mem>>) src(%dma_wait3A_59 : memref<16x128xf32, #tpu.memory_space<vmem_shared>>) dst(%dma_wait3A_56 : memref<16x128xf32, #tpu.memory_space<vmem>>)
        tpu.yield
      }) : () -> ()
      "tpu.region"() ({
        %run_scoped3A = tpu.sem_alloc : memref<!tpu.dma_semaphore, #tpu.memory_space<semaphore_mem>>
        %dma_start3A = arith.constant 0 : i32
        %dma_start3A_38 = arith.constant 0 : i32
        %dma_start3A_39 = tpu.memref_slice %arg12[%dma_start3A, %dma_start3A_38] : memref<40x128xf32, #tpu.memory_space<vmem>> -> memref<16x128xf32, #tpu.memory_space<vmem>>
        %dma_start3A_40 = arith.constant 9984 : i32
        %dma_start3A_41 = arith.constant 0 : i32
        %dma_start3A_42 = tpu.memref_slice %arg7[%arg0, %dma_start3A_40, %dma_start3A_41] : memref<2x10240x128xf32, #tpu.memory_space<hbm>> -> memref<1x16x128xf32, #tpu.memory_space<hbm>>
        %dma_start3A_43 = tpu.memref_squeeze %dma_start3A_42 : memref<1x16x128xf32, #tpu.memory_space<hbm>> -> memref<16x128xf32, #tpu.memory_space<hbm>>
        %dma_start3A_44 = arith.constant 9984 : i32
        %dma_start3A_45 = arith.constant 0 : i32
        %dma_start3A_46 = tpu.memref_slice %arg7[%arg0, %dma_start3A_44, %dma_start3A_45] : memref<2x10240x128xf32, #tpu.memory_space<hbm>> -> memref<1x16x128xf32, #tpu.memory_space<hbm>>
        %dma_start3A_47 = tpu.memref_squeeze %dma_start3A_46 : memref<1x16x128xf32, #tpu.memory_space<hbm>> -> memref<16x128xf32, #tpu.memory_space<hbm>>
        %dma_start3A_48 = arith.constant 0 : i32
        %dma_start3A_49 = arith.constant 0 : i32
        %dma_start3A_50 = tpu.memref_slice %arg12[%dma_start3A_48, %dma_start3A_49] : memref<40x128xf32, #tpu.memory_space<vmem>> -> memref<16x128xf32, #tpu.memory_space<vmem>>
        tpu.enqueue_dma source(%dma_start3A_50 : memref<16x128xf32, #tpu.memory_space<vmem>>) target(%dma_start3A_47 : memref<16x128xf32, #tpu.memory_space<hbm>>) target_semaphore(%run_scoped3A : memref<!tpu.dma_semaphore, #tpu.memory_space<semaphore_mem>>)
        %dma_wait3A = arith.constant 0 : i32
        %dma_wait3A_51 = arith.constant 0 : i32
        %dma_wait3A_52 = tpu.memref_slice %arg12[%dma_wait3A, %dma_wait3A_51] : memref<40x128xf32, #tpu.memory_space<vmem>> -> memref<16x128xf32, #tpu.memory_space<vmem>>
        %dma_wait3A_53 = arith.constant 9984 : i32
        %dma_wait3A_54 = arith.constant 0 : i32
        %dma_wait3A_55 = tpu.memref_slice %arg7[%arg0, %dma_wait3A_53, %dma_wait3A_54] : memref<2x10240x128xf32, #tpu.memory_space<hbm>> -> memref<1x16x128xf32, #tpu.memory_space<hbm>>
        %dma_wait3A_56 = tpu.memref_squeeze %dma_wait3A_55 : memref<1x16x128xf32, #tpu.memory_space<hbm>> -> memref<16x128xf32, #tpu.memory_space<hbm>>
        %dma_wait3A_57 = arith.constant 9984 : i32
        %dma_wait3A_58 = arith.constant 0 : i32
        %dma_wait3A_59 = tpu.memref_slice %arg7[%arg0, %dma_wait3A_57, %dma_wait3A_58] : memref<2x10240x128xf32, #tpu.memory_space<hbm>> -> memref<1x16x128xf32, #tpu.memory_space<hbm>>
        %dma_wait3A_60 = tpu.memref_squeeze %dma_wait3A_59 : memref<1x16x128xf32, #tpu.memory_space<hbm>> -> memref<16x128xf32, #tpu.memory_space<hbm>>
        %dma_wait3A_61 = arith.constant 0 : i32
        %dma_wait3A_62 = arith.constant 0 : i32
        %dma_wait3A_63 = tpu.memref_slice %arg12[%dma_wait3A_61, %dma_wait3A_62] : memref<40x128xf32, #tpu.memory_space<vmem>> -> memref<16x128xf32, #tpu.memory_space<vmem>>
        tpu.wait_dma2 semaphore(%run_scoped3A : memref<!tpu.dma_semaphore, #tpu.memory_space<semaphore_mem>>) src(%dma_wait3A_63 : memref<16x128xf32, #tpu.memory_space<vmem>>) dst(%dma_wait3A_60 : memref<16x128xf32, #tpu.memory_space<hbm>>)
        tpu.yield
      }) : () -> ()
    } else {
    }
    return
  }
}

#map = affine_map<(d0, d1) -> (0, 0)>
#map1 = affine_map<(d0, d1) -> (0, 0, 0, 0, 0)>
#map2 = affine_map<(d0, d1) -> (0, 0, 0, 0)>
#map3 = affine_map<(d0, d1) -> (0, 0, 0)>
module attributes {stable_mosaic.version = 14 : i64} {
  func.func @edge_scatter(%arg0: i32, %arg1: i32, %arg2: memref<20480x128xf32, #tpu.memory_space<hbm>>, %arg3: memref<20480x128xf32, #tpu.memory_space<hbm>>, %arg4: memref<2x16x5x50x40xi32, #tpu.memory_space<hbm>>, %arg5: memref<2x16x5x50x40xi32, #tpu.memory_space<hbm>>, %arg6: memref<16x5x50x40xi32, #tpu.memory_space<hbm>>, %arg7: memref<2x10240x128xf32, #tpu.memory_space<hbm>>, %arg8: memref<50x40xi32, #tpu.memory_space<vmem>>, %arg9: memref<50x40xi32, #tpu.memory_space<vmem>>, %arg10: memref<50x40xi32, #tpu.memory_space<vmem>>, %arg11: memref<40x128xf32, #tpu.memory_space<vmem>>, %arg12: memref<40x128xf32, #tpu.memory_space<vmem>>, %arg13: memref<40x128xf32, #tpu.memory_space<vmem>>, %arg14: memref<40x128xf32, #tpu.memory_space<vmem>>, %arg15: memref<!tpu.dma_semaphore, #tpu.memory_space<semaphore_mem>>, %arg16: memref<!tpu.dma_semaphore, #tpu.memory_space<semaphore_mem>>, %arg17: memref<!tpu.dma_semaphore, #tpu.memory_space<semaphore_mem>>, %arg18: memref<!tpu.dma_semaphore, #tpu.memory_space<semaphore_mem>>, %arg19: memref<10000x128xf32, #tpu.memory_space<vmem_shared>>) attributes {dimension_semantics = [#tpu.dimension_semantics<core_parallel>, #tpu.dimension_semantics<subcore_parallel>], iteration_bounds = array<i64: 2, 16>, scalar_prefetch = 0 : i64, scratch_operands = 12 : i64, tpu.core_type = #tpu.core_type<sc_vector_subcore>, window_params = [{transform_indices = #map}, {transform_indices = #map}, {transform_indices = #map1}, {transform_indices = #map1}, {transform_indices = #map2}, {transform_indices = #map3}]} {
    %broadcast_in_dim3A = arith.constant 0.000000e+00 : f32
    %broadcast_in_dim3A_0 = vector.broadcast %broadcast_in_dim3A : f32 to vector<16xf32>
    %scan3A = arith.constant 0 : i32
    %scan3A_1 = arith.constant 0 : i32
    %scan3A_2 = arith.constant 40 : i32
    %scan3A_3 = arith.addi %scan3A_1, %scan3A_2 : i32
    %scan3A_4 = arith.constant 1 : i32
    scf.for %scan3A_38 = %scan3A_1 to %scan3A_3 step %scan3A_4  : i32 {
      %swap3A = arith.index_cast %scan3A_38 : i32 to index
      %swap3A_39 = arith.constant 0 : index
      %swap3A_40 = tpu.vector_load %arg11[%swap3A, %swap3A_39] {strides = array<i32>} : memref<40x128xf32, #tpu.memory_space<vmem>>, vector<1x16xf32>,
      %swap3A_41 = vector.shape_cast %swap3A_40 : vector<1x16xf32> to vector<16xf32>
      %swap3A_42 = vector.shape_cast %broadcast_in_dim3A_0 : vector<16xf32> to vector<1x16xf32>
      tpu.vector_store %arg11[%swap3A, %swap3A_39], %swap3A_42 {strides = array<i32>} : memref<40x128xf32, #tpu.memory_space<vmem>>, vector<1x16xf32>,
      %swap3A_43 = arith.index_cast %scan3A_38 : i32 to index
      %swap3A_44 = arith.constant 16 : index
      %swap3A_45 = tpu.vector_load %arg11[%swap3A_43, %swap3A_44] {strides = array<i32>} : memref<40x128xf32, #tpu.memory_space<vmem>>, vector<1x16xf32>,
      %swap3A_46 = vector.shape_cast %swap3A_45 : vector<1x16xf32> to vector<16xf32>
      %swap3A_47 = vector.shape_cast %broadcast_in_dim3A_0 : vector<16xf32> to vector<1x16xf32>
      tpu.vector_store %arg11[%swap3A_43, %swap3A_44], %swap3A_47 {strides = array<i32>} : memref<40x128xf32, #tpu.memory_space<vmem>>, vector<1x16xf32>,
      %swap3A_48 = arith.index_cast %scan3A_38 : i32 to index
      %swap3A_49 = arith.constant 32 : index
      %swap3A_50 = tpu.vector_load %arg11[%swap3A_48, %swap3A_49] {strides = array<i32>} : memref<40x128xf32, #tpu.memory_space<vmem>>, vector<1x16xf32>,
      %swap3A_51 = vector.shape_cast %swap3A_50 : vector<1x16xf32> to vector<16xf32>
      %swap3A_52 = vector.shape_cast %broadcast_in_dim3A_0 : vector<16xf32> to vector<1x16xf32>
      tpu.vector_store %arg11[%swap3A_48, %swap3A_49], %swap3A_52 {strides = array<i32>} : memref<40x128xf32, #tpu.memory_space<vmem>>, vector<1x16xf32>,
      %swap3A_53 = arith.index_cast %scan3A_38 : i32 to index
      %swap3A_54 = arith.constant 48 : index
      %swap3A_55 = tpu.vector_load %arg11[%swap3A_53, %swap3A_54] {strides = array<i32>} : memref<40x128xf32, #tpu.memory_space<vmem>>, vector<1x16xf32>,
      %swap3A_56 = vector.shape_cast %swap3A_55 : vector<1x16xf32> to vector<16xf32>
      %swap3A_57 = vector.shape_cast %broadcast_in_dim3A_0 : vector<16xf32> to vector<1x16xf32>
      tpu.vector_store %arg11[%swap3A_53, %swap3A_54], %swap3A_57 {strides = array<i32>} : memref<40x128xf32, #tpu.memory_space<vmem>>, vector<1x16xf32>,
      %swap3A_58 = arith.index_cast %scan3A_38 : i32 to index
      %swap3A_59 = arith.constant 64 : index
      %swap3A_60 = tpu.vector_load %arg11[%swap3A_58, %swap3A_59] {strides = array<i32>} : memref<40x128xf32, #tpu.memory_space<vmem>>, vector<1x16xf32>,
      %swap3A_61 = vector.shape_cast %swap3A_60 : vector<1x16xf32> to vector<16xf32>
      %swap3A_62 = vector.shape_cast %broadcast_in_dim3A_0 : vector<16xf32> to vector<1x16xf32>
      tpu.vector_store %arg11[%swap3A_58, %swap3A_59], %swap3A_62 {strides = array<i32>} : memref<40x128xf32, #tpu.memory_space<vmem>>, vector<1x16xf32>,
      %swap3A_63 = arith.index_cast %scan3A_38 : i32 to index
      %swap3A_64 = arith.constant 80 : index
      %swap3A_65 = tpu.vector_load %arg11[%swap3A_63, %swap3A_64] {strides = array<i32>} : memref<40x128xf32, #tpu.memory_space<vmem>>, vector<1x16xf32>,
      %swap3A_66 = vector.shape_cast %swap3A_65 : vector<1x16xf32> to vector<16xf32>
      %swap3A_67 = vector.shape_cast %broadcast_in_dim3A_0 : vector<16xf32> to vector<1x16xf32>
      tpu.vector_store %arg11[%swap3A_63, %swap3A_64], %swap3A_67 {strides = array<i32>} : memref<40x128xf32, #tpu.memory_space<vmem>>, vector<1x16xf32>,
      %swap3A_68 = arith.index_cast %scan3A_38 : i32 to index
      %swap3A_69 = arith.constant 96 : index
      %swap3A_70 = tpu.vector_load %arg11[%swap3A_68, %swap3A_69] {strides = array<i32>} : memref<40x128xf32, #tpu.memory_space<vmem>>, vector<1x16xf32>,
      %swap3A_71 = vector.shape_cast %swap3A_70 : vector<1x16xf32> to vector<16xf32>
      %swap3A_72 = vector.shape_cast %broadcast_in_dim3A_0 : vector<16xf32> to vector<1x16xf32>
      tpu.vector_store %arg11[%swap3A_68, %swap3A_69], %swap3A_72 {strides = array<i32>} : memref<40x128xf32, #tpu.memory_space<vmem>>, vector<1x16xf32>,
      %swap3A_73 = arith.index_cast %scan3A_38 : i32 to index
      %swap3A_74 = arith.constant 112 : index
      %swap3A_75 = tpu.vector_load %arg11[%swap3A_73, %swap3A_74] {strides = array<i32>} : memref<40x128xf32, #tpu.memory_space<vmem>>, vector<1x16xf32>,
      %swap3A_76 = vector.shape_cast %swap3A_75 : vector<1x16xf32> to vector<16xf32>
      %swap3A_77 = vector.shape_cast %broadcast_in_dim3A_0 : vector<16xf32> to vector<1x16xf32>
      tpu.vector_store %arg11[%swap3A_73, %swap3A_74], %swap3A_77 {strides = array<i32>} : memref<40x128xf32, #tpu.memory_space<vmem>>, vector<1x16xf32>,
    }
    %scan3A_5 = arith.constant 40 : i32
    %scan3A_6 = arith.constant 0 : i32
    %scan3A_7 = arith.constant 0 : i32
    %scan3A_8 = arith.constant 15 : i32
    %scan3A_9 = arith.addi %scan3A_7, %scan3A_8 : i32
    %scan3A_10 = arith.constant 1 : i32
    scf.for %scan3A_38 = %scan3A_7 to %scan3A_9 step %scan3A_10  : i32 {
      %mul3A_39 = arith.constant 624 : i32
      %mul3A_40 = arith.muli %arg1, %mul3A_39 : i32
      %mul3A_41 = arith.constant 40 : i32
      %mul3A_42 = arith.muli %scan3A_38, %mul3A_41 : i32
      %add3A_43 = arith.addi %mul3A_40, %mul3A_42 : i32
      "tpu.region"() ({
        %run_scoped3A = tpu.sem_alloc : memref<!tpu.dma_semaphore, #tpu.memory_space<semaphore_mem>>
        %dma_start3A = arith.constant 0 : i32
        %dma_start3A_44 = tpu.memref_slice %arg19[%add3A_43, %dma_start3A] : memref<10000x128xf32, #tpu.memory_space<vmem_shared>> -> memref<40x128xf32, #tpu.memory_space<vmem_shared>>
        %dma_start3A_45 = arith.constant 0 : i32
        %dma_start3A_46 = tpu.memref_slice %arg19[%add3A_43, %dma_start3A_45] : memref<10000x128xf32, #tpu.memory_space<vmem_shared>> -> memref<40x128xf32, #tpu.memory_space<vmem_shared>>
        tpu.enqueue_dma source(%arg11 : memref<40x128xf32, #tpu.memory_space<vmem>>) target(%dma_start3A_46 : memref<40x128xf32, #tpu.memory_space<vmem_shared>>) target_semaphore(%run_scoped3A : memref<!tpu.dma_semaphore, #tpu.memory_space<semaphore_mem>>)
        %dma_wait3A = arith.constant 0 : i32
        %dma_wait3A_47 = tpu.memref_slice %arg19[%add3A_43, %dma_wait3A] : memref<10000x128xf32, #tpu.memory_space<vmem_shared>> -> memref<40x128xf32, #tpu.memory_space<vmem_shared>>
        %dma_wait3A_48 = arith.constant 0 : i32
        %dma_wait3A_49 = tpu.memref_slice %arg19[%add3A_43, %dma_wait3A_48] : memref<10000x128xf32, #tpu.memory_space<vmem_shared>> -> memref<40x128xf32, #tpu.memory_space<vmem_shared>>
        tpu.wait_dma2 semaphore(%run_scoped3A : memref<!tpu.dma_semaphore, #tpu.memory_space<semaphore_mem>>) src(%arg11 : memref<40x128xf32, #tpu.memory_space<vmem>>) dst(%dma_wait3A_49 : memref<40x128xf32, #tpu.memory_space<vmem_shared>>)
        tpu.yield
      }) : () -> ()
    }
    %scan3A_11 = arith.constant 15 : i32
    %mul3A = arith.constant 624 : i32
    %mul3A_12 = arith.muli %arg1, %mul3A : i32
    %add3A = arith.constant 600 : i32
    %add3A_13 = arith.addi %mul3A_12, %add3A : i32
    "tpu.region"() ({
      %run_scoped3A = tpu.sem_alloc : memref<!tpu.dma_semaphore, #tpu.memory_space<semaphore_mem>>
      %dma_start3A = arith.constant 0 : i32
      %dma_start3A_38 = arith.constant 0 : i32
      %dma_start3A_39 = tpu.memref_slice %arg11[%dma_start3A, %dma_start3A_38] : memref<40x128xf32, #tpu.memory_space<vmem>> -> memref<24x128xf32, #tpu.memory_space<vmem>>
      %dma_start3A_40 = arith.constant 0 : i32
      %dma_start3A_41 = tpu.memref_slice %arg19[%add3A_13, %dma_start3A_40] : memref<10000x128xf32, #tpu.memory_space<vmem_shared>> -> memref<24x128xf32, #tpu.memory_space<vmem_shared>>
      %dma_start3A_42 = arith.constant 0 : i32
      %dma_start3A_43 = tpu.memref_slice %arg19[%add3A_13, %dma_start3A_42] : memref<10000x128xf32, #tpu.memory_space<vmem_shared>> -> memref<24x128xf32, #tpu.memory_space<vmem_shared>>
      %dma_start3A_44 = arith.constant 0 : i32
      %dma_start3A_45 = arith.constant 0 : i32
      %dma_start3A_46 = tpu.memref_slice %arg11[%dma_start3A_44, %dma_start3A_45] : memref<40x128xf32, #tpu.memory_space<vmem>> -> memref<24x128xf32, #tpu.memory_space<vmem>>
      tpu.enqueue_dma source(%dma_start3A_46 : memref<24x128xf32, #tpu.memory_space<vmem>>) target(%dma_start3A_43 : memref<24x128xf32, #tpu.memory_space<vmem_shared>>) target_semaphore(%run_scoped3A : memref<!tpu.dma_semaphore, #tpu.memory_space<semaphore_mem>>)
      %dma_wait3A = arith.constant 0 : i32
      %dma_wait3A_47 = arith.constant 0 : i32
      %dma_wait3A_48 = tpu.memref_slice %arg11[%dma_wait3A, %dma_wait3A_47] : memref<40x128xf32, #tpu.memory_space<vmem>> -> memref<24x128xf32, #tpu.memory_space<vmem>>
      %dma_wait3A_49 = arith.constant 0 : i32
      %dma_wait3A_50 = tpu.memref_slice %arg19[%add3A_13, %dma_wait3A_49] : memref<10000x128xf32, #tpu.memory_space<vmem_shared>> -> memref<24x128xf32, #tpu.memory_space<vmem_shared>>
      %dma_wait3A_51 = arith.constant 0 : i32
      %dma_wait3A_52 = tpu.memref_slice %arg19[%add3A_13, %dma_wait3A_51] : memref<10000x128xf32, #tpu.memory_space<vmem_shared>> -> memref<24x128xf32, #tpu.memory_space<vmem_shared>>
      %dma_wait3A_53 = arith.constant 0 : i32
      %dma_wait3A_54 = arith.constant 0 : i32
      %dma_wait3A_55 = tpu.memref_slice %arg11[%dma_wait3A_53, %dma_wait3A_54] : memref<40x128xf32, #tpu.memory_space<vmem>> -> memref<24x128xf32, #tpu.memory_space<vmem>>
      tpu.wait_dma2 semaphore(%run_scoped3A : memref<!tpu.dma_semaphore, #tpu.memory_space<semaphore_mem>>) src(%dma_wait3A_55 : memref<24x128xf32, #tpu.memory_space<vmem>>) dst(%dma_wait3A_52 : memref<24x128xf32, #tpu.memory_space<vmem_shared>>)
      tpu.yield
    }) : () -> ()
    %eq3A = arith.constant 0 : i32
    %eq3A_14 = arith.cmpi eq, %arg1, %eq3A : i32
    %convert_element_type3A = arith.extui %eq3A_14 : i1 to i32
    %cond3A = arith.constant 0 : i32
    %cond3A_15 = arith.cmpi ne, %convert_element_type3A, %cond3A : i32
    scf.if %cond3A_15 {
      "tpu.region"() ({
        %run_scoped3A = tpu.sem_alloc : memref<!tpu.dma_semaphore, #tpu.memory_space<semaphore_mem>>
        %dma_start3A = arith.constant 0 : i32
        %dma_start3A_38 = arith.constant 0 : i32
        %dma_start3A_39 = tpu.memref_slice %arg11[%dma_start3A, %dma_start3A_38] : memref<40x128xf32, #tpu.memory_space<vmem>> -> memref<16x128xf32, #tpu.memory_space<vmem>>
        %dma_start3A_40 = arith.constant 9984 : i32
        %dma_start3A_41 = arith.constant 0 : i32
        %dma_start3A_42 = tpu.memref_slice %arg19[%dma_start3A_40, %dma_start3A_41] : memref<10000x128xf32, #tpu.memory_space<vmem_shared>> -> memref<16x128xf32, #tpu.memory_space<vmem_shared>>
        %dma_start3A_43 = arith.constant 9984 : i32
        %dma_start3A_44 = arith.constant 0 : i32
        %dma_start3A_45 = tpu.memref_slice %arg19[%dma_start3A_43, %dma_start3A_44] : memref<10000x128xf32, #tpu.memory_space<vmem_shared>> -> memref<16x128xf32, #tpu.memory_space<vmem_shared>>
        %dma_start3A_46 = arith.constant 0 : i32
        %dma_start3A_47 = arith.constant 0 : i32
        %dma_start3A_48 = tpu.memref_slice %arg11[%dma_start3A_46, %dma_start3A_47] : memref<40x128xf32, #tpu.memory_space<vmem>> -> memref<16x128xf32, #tpu.memory_space<vmem>>
        tpu.enqueue_dma source(%dma_start3A_48 : memref<16x128xf32, #tpu.memory_space<vmem>>) target(%dma_start3A_45 : memref<16x128xf32, #tpu.memory_space<vmem_shared>>) target_semaphore(%run_scoped3A : memref<!tpu.dma_semaphore, #tpu.memory_space<semaphore_mem>>)
        %dma_wait3A = arith.constant 0 : i32
        %dma_wait3A_49 = arith.constant 0 : i32
        %dma_wait3A_50 = tpu.memref_slice %arg11[%dma_wait3A, %dma_wait3A_49] : memref<40x128xf32, #tpu.memory_space<vmem>> -> memref<16x128xf32, #tpu.memory_space<vmem>>
        %dma_wait3A_51 = arith.constant 9984 : i32
        %dma_wait3A_52 = arith.constant 0 : i32
        %dma_wait3A_53 = tpu.memref_slice %arg19[%dma_wait3A_51, %dma_wait3A_52] : memref<10000x128xf32, #tpu.memory_space<vmem_shared>> -> memref<16x128xf32, #tpu.memory_space<vmem_shared>>
        %dma_wait3A_54 = arith.constant 9984 : i32
        %dma_wait3A_55 = arith.constant 0 : i32
        %dma_wait3A_56 = tpu.memref_slice %arg19[%dma_wait3A_54, %dma_wait3A_55] : memref<10000x128xf32, #tpu.memory_space<vmem_shared>> -> memref<16x128xf32, #tpu.memory_space<vmem_shared>>
        %dma_wait3A_57 = arith.constant 0 : i32
        %dma_wait3A_58 = arith.constant 0 : i32
        %dma_wait3A_59 = tpu.memref_slice %arg11[%dma_wait3A_57, %dma_wait3A_58] : memref<40x128xf32, #tpu.memory_space<vmem>> -> memref<16x128xf32, #tpu.memory_space<vmem>>
        tpu.wait_dma2 semaphore(%run_scoped3A : memref<!tpu.dma_semaphore, #tpu.memory_space<semaphore_mem>>) src(%dma_wait3A_59 : memref<16x128xf32, #tpu.memory_space<vmem>>) dst(%dma_wait3A_56 : memref<16x128xf32, #tpu.memory_space<vmem_shared>>)
        tpu.yield
      }) : () -> ()
    } else {
    }
    %barrier3A = arith.constant 0 : index
    tpu.barrier barrier_id(%barrier3A)
    %scan3A_16 = arith.constant 0 : i32
    %scan3A_17 = arith.constant 0 : i32
    %scan3A_18 = arith.constant 5 : i32
    %scan3A_19 = arith.addi %scan3A_17, %scan3A_18 : i32
    %scan3A_20 = arith.constant 1 : i32
    scf.for %scan3A_38 = %scan3A_17 to %scan3A_19 step %scan3A_20  : i32 {
      "tpu.region"() ({
        %run_scoped3A = tpu.sem_alloc : memref<!tpu.dma_semaphore, #tpu.memory_space<semaphore_mem>>
        %dma_start3A_58 = arith.constant 0 : i32
        %dma_start3A_59 = arith.constant 0 : i32
        %dma_start3A_60 = tpu.memref_slice %arg4[%arg0, %arg1, %scan3A_38, %dma_start3A_58, %dma_start3A_59] : memref<2x16x5x50x40xi32, #tpu.memory_space<hbm>> -> memref<1x1x1x50x40xi32, #tpu.memory_space<hbm>>
        %dma_start3A_61 = tpu.memref_squeeze %dma_start3A_60 : memref<1x1x1x50x40xi32, #tpu.memory_space<hbm>> -> memref<50x40xi32, #tpu.memory_space<hbm>>
        %dma_start3A_62 = arith.constant 0 : i32
        %dma_start3A_63 = arith.constant 0 : i32
        %dma_start3A_64 = tpu.memref_slice %arg4[%arg0, %arg1, %scan3A_38, %dma_start3A_62, %dma_start3A_63] : memref<2x16x5x50x40xi32, #tpu.memory_space<hbm>> -> memref<1x1x1x50x40xi32, #tpu.memory_space<hbm>>
        %dma_start3A_65 = tpu.memref_squeeze %dma_start3A_64 : memref<1x1x1x50x40xi32, #tpu.memory_space<hbm>> -> memref<50x40xi32, #tpu.memory_space<hbm>>
        tpu.enqueue_dma source(%dma_start3A_65 : memref<50x40xi32, #tpu.memory_space<hbm>>) target(%arg8 : memref<50x40xi32, #tpu.memory_space<vmem>>) target_semaphore(%run_scoped3A : memref<!tpu.dma_semaphore, #tpu.memory_space<semaphore_mem>>)
        %dma_wait3A = arith.constant 0 : i32
        %dma_wait3A_66 = arith.constant 0 : i32
        %dma_wait3A_67 = tpu.memref_slice %arg4[%arg0, %arg1, %scan3A_38, %dma_wait3A, %dma_wait3A_66] : memref<2x16x5x50x40xi32, #tpu.memory_space<hbm>> -> memref<1x1x1x50x40xi32, #tpu.memory_space<hbm>>
        %dma_wait3A_68 = tpu.memref_squeeze %dma_wait3A_67 : memref<1x1x1x50x40xi32, #tpu.memory_space<hbm>> -> memref<50x40xi32, #tpu.memory_space<hbm>>
        %dma_wait3A_69 = arith.constant 0 : i32
        %dma_wait3A_70 = arith.constant 0 : i32
        %dma_wait3A_71 = tpu.memref_slice %arg4[%arg0, %arg1, %scan3A_38, %dma_wait3A_69, %dma_wait3A_70] : memref<2x16x5x50x40xi32, #tpu.memory_space<hbm>> -> memref<1x1x1x50x40xi32, #tpu.memory_space<hbm>>
        %dma_wait3A_72 = tpu.memref_squeeze %dma_wait3A_71 : memref<1x1x1x50x40xi32, #tpu.memory_space<hbm>> -> memref<50x40xi32, #tpu.memory_space<hbm>>
        tpu.wait_dma2 semaphore(%run_scoped3A : memref<!tpu.dma_semaphore, #tpu.memory_space<semaphore_mem>>) src(%dma_wait3A_72 : memref<50x40xi32, #tpu.memory_space<hbm>>) dst(%arg8 : memref<50x40xi32, #tpu.memory_space<vmem>>)
        tpu.yield
      }) : () -> ()
      "tpu.region"() ({
        %run_scoped3A = tpu.sem_alloc : memref<!tpu.dma_semaphore, #tpu.memory_space<semaphore_mem>>
        %dma_start3A_58 = arith.constant 0 : i32
        %dma_start3A_59 = arith.constant 0 : i32
        %dma_start3A_60 = tpu.memref_slice %arg5[%arg0, %arg1, %scan3A_38, %dma_start3A_58, %dma_start3A_59] : memref<2x16x5x50x40xi32, #tpu.memory_space<hbm>> -> memref<1x1x1x50x40xi32, #tpu.memory_space<hbm>>
        %dma_start3A_61 = tpu.memref_squeeze %dma_start3A_60 : memref<1x1x1x50x40xi32, #tpu.memory_space<hbm>> -> memref<50x40xi32, #tpu.memory_space<hbm>>
        %dma_start3A_62 = arith.constant 0 : i32
        %dma_start3A_63 = arith.constant 0 : i32
        %dma_start3A_64 = tpu.memref_slice %arg5[%arg0, %arg1, %scan3A_38, %dma_start3A_62, %dma_start3A_63] : memref<2x16x5x50x40xi32, #tpu.memory_space<hbm>> -> memref<1x1x1x50x40xi32, #tpu.memory_space<hbm>>
        %dma_start3A_65 = tpu.memref_squeeze %dma_start3A_64 : memref<1x1x1x50x40xi32, #tpu.memory_space<hbm>> -> memref<50x40xi32, #tpu.memory_space<hbm>>
        tpu.enqueue_dma source(%dma_start3A_65 : memref<50x40xi32, #tpu.memory_space<hbm>>) target(%arg9 : memref<50x40xi32, #tpu.memory_space<vmem>>) target_semaphore(%run_scoped3A : memref<!tpu.dma_semaphore, #tpu.memory_space<semaphore_mem>>)
        %dma_wait3A = arith.constant 0 : i32
        %dma_wait3A_66 = arith.constant 0 : i32
        %dma_wait3A_67 = tpu.memref_slice %arg5[%arg0, %arg1, %scan3A_38, %dma_wait3A, %dma_wait3A_66] : memref<2x16x5x50x40xi32, #tpu.memory_space<hbm>> -> memref<1x1x1x50x40xi32, #tpu.memory_space<hbm>>
        %dma_wait3A_68 = tpu.memref_squeeze %dma_wait3A_67 : memref<1x1x1x50x40xi32, #tpu.memory_space<hbm>> -> memref<50x40xi32, #tpu.memory_space<hbm>>
        %dma_wait3A_69 = arith.constant 0 : i32
        %dma_wait3A_70 = arith.constant 0 : i32
        %dma_wait3A_71 = tpu.memref_slice %arg5[%arg0, %arg1, %scan3A_38, %dma_wait3A_69, %dma_wait3A_70] : memref<2x16x5x50x40xi32, #tpu.memory_space<hbm>> -> memref<1x1x1x50x40xi32, #tpu.memory_space<hbm>>
        %dma_wait3A_72 = tpu.memref_squeeze %dma_wait3A_71 : memref<1x1x1x50x40xi32, #tpu.memory_space<hbm>> -> memref<50x40xi32, #tpu.memory_space<hbm>>
        tpu.wait_dma2 semaphore(%run_scoped3A : memref<!tpu.dma_semaphore, #tpu.memory_space<semaphore_mem>>) src(%dma_wait3A_72 : memref<50x40xi32, #tpu.memory_space<hbm>>) dst(%arg9 : memref<50x40xi32, #tpu.memory_space<vmem>>)
        tpu.yield
      }) : () -> ()
      "tpu.region"() ({
        %run_scoped3A = tpu.sem_alloc : memref<!tpu.dma_semaphore, #tpu.memory_space<semaphore_mem>>
        %dma_start3A_58 = arith.constant 0 : i32
        %dma_start3A_59 = arith.constant 0 : i32
        %dma_start3A_60 = tpu.memref_slice %arg6[%arg1, %scan3A_38, %dma_start3A_58, %dma_start3A_59] : memref<16x5x50x40xi32, #tpu.memory_space<hbm>> -> memref<1x1x50x40xi32, #tpu.memory_space<hbm>>
        %dma_start3A_61 = tpu.memref_squeeze %dma_start3A_60 : memref<1x1x50x40xi32, #tpu.memory_space<hbm>> -> memref<50x40xi32, #tpu.memory_space<hbm>>
        %dma_start3A_62 = arith.constant 0 : i32
        %dma_start3A_63 = arith.constant 0 : i32
        %dma_start3A_64 = tpu.memref_slice %arg6[%arg1, %scan3A_38, %dma_start3A_62, %dma_start3A_63] : memref<16x5x50x40xi32, #tpu.memory_space<hbm>> -> memref<1x1x50x40xi32, #tpu.memory_space<hbm>>
        %dma_start3A_65 = tpu.memref_squeeze %dma_start3A_64 : memref<1x1x50x40xi32, #tpu.memory_space<hbm>> -> memref<50x40xi32, #tpu.memory_space<hbm>>
        tpu.enqueue_dma source(%dma_start3A_65 : memref<50x40xi32, #tpu.memory_space<hbm>>) target(%arg10 : memref<50x40xi32, #tpu.memory_space<vmem>>) target_semaphore(%run_scoped3A : memref<!tpu.dma_semaphore, #tpu.memory_space<semaphore_mem>>)
        %dma_wait3A = arith.constant 0 : i32
        %dma_wait3A_66 = arith.constant 0 : i32
        %dma_wait3A_67 = tpu.memref_slice %arg6[%arg1, %scan3A_38, %dma_wait3A, %dma_wait3A_66] : memref<16x5x50x40xi32, #tpu.memory_space<hbm>> -> memref<1x1x50x40xi32, #tpu.memory_space<hbm>>
        %dma_wait3A_68 = tpu.memref_squeeze %dma_wait3A_67 : memref<1x1x50x40xi32, #tpu.memory_space<hbm>> -> memref<50x40xi32, #tpu.memory_space<hbm>>
        %dma_wait3A_69 = arith.constant 0 : i32
        %dma_wait3A_70 = arith.constant 0 : i32
        %dma_wait3A_71 = tpu.memref_slice %arg6[%arg1, %scan3A_38, %dma_wait3A_69, %dma_wait3A_70] : memref<16x5x50x40xi32, #tpu.memory_space<hbm>> -> memref<1x1x50x40xi32, #tpu.memory_space<hbm>>
        %dma_wait3A_72 = tpu.memref_squeeze %dma_wait3A_71 : memref<1x1x50x40xi32, #tpu.memory_space<hbm>> -> memref<50x40xi32, #tpu.memory_space<hbm>>
        tpu.wait_dma2 semaphore(%run_scoped3A : memref<!tpu.dma_semaphore, #tpu.memory_space<semaphore_mem>>) src(%dma_wait3A_72 : memref<50x40xi32, #tpu.memory_space<hbm>>) dst(%arg10 : memref<50x40xi32, #tpu.memory_space<vmem>>)
        tpu.yield
      }) : () -> ()
      %dma_start3A = arith.constant 0 : i32
      %dma_start3A_39 = arith.constant 0 : i32
      %dma_start3A_40 = tpu.memref_slice %arg9[%dma_start3A, %dma_start3A_39] : memref<50x40xi32, #tpu.memory_space<vmem>> -> memref<1x40xi32, #tpu.memory_space<vmem>>
      %dma_start3A_41 = tpu.memref_squeeze %dma_start3A_40 : memref<1x40xi32, #tpu.memory_space<vmem>> -> memref<40xi32, #tpu.memory_space<vmem>>
      %dma_start3A_42 = arith.constant 0 : i32
      %dma_start3A_43 = arith.constant 0 : i32
      %dma_start3A_44 = tpu.memref_slice %arg2[%dma_start3A_42, %dma_start3A_43] : memref<20480x128xf32, #tpu.memory_space<hbm>> -> memref<20480x128xf32, #tpu.memory_space<hbm>>
      tpu.enqueue_indirect_dma source(%dma_start3A_44 : memref<20480x128xf32, #tpu.memory_space<hbm>>) target(%arg11 : memref<40x128xf32, #tpu.memory_space<vmem>>) offsets(%dma_start3A_41 : memref<40xi32, #tpu.memory_space<vmem>>) semaphore(%arg15 : memref<!tpu.dma_semaphore, #tpu.memory_space<semaphore_mem>>)
      %dma_start3A_45 = arith.constant 0 : i32
      %dma_start3A_46 = arith.constant 0 : i32
      %dma_start3A_47 = tpu.memref_slice %arg8[%dma_start3A_45, %dma_start3A_46] : memref<50x40xi32, #tpu.memory_space<vmem>> -> memref<1x40xi32, #tpu.memory_space<vmem>>
      %dma_start3A_48 = tpu.memref_squeeze %dma_start3A_47 : memref<1x40xi32, #tpu.memory_space<vmem>> -> memref<40xi32, #tpu.memory_space<vmem>>
      %dma_start3A_49 = arith.constant 0 : i32
      %dma_start3A_50 = arith.constant 0 : i32
      %dma_start3A_51 = tpu.memref_slice %arg3[%dma_start3A_49, %dma_start3A_50] : memref<20480x128xf32, #tpu.memory_space<hbm>> -> memref<20480x128xf32, #tpu.memory_space<hbm>>
      tpu.enqueue_indirect_dma source(%dma_start3A_51 : memref<20480x128xf32, #tpu.memory_space<hbm>>) target(%arg12 : memref<40x128xf32, #tpu.memory_space<vmem>>) offsets(%dma_start3A_48 : memref<40xi32, #tpu.memory_space<vmem>>) semaphore(%arg16 : memref<!tpu.dma_semaphore, #tpu.memory_space<semaphore_mem>>)
      %scan3A_52 = arith.constant 0 : i32
      %scan3A_53 = arith.constant 0 : i32
      %scan3A_54 = arith.constant 25 : i32
      %scan3A_55 = arith.addi %scan3A_53, %scan3A_54 : i32
      %scan3A_56 = arith.constant 1 : i32
      scf.for %scan3A_58 = %scan3A_53 to %scan3A_55 step %scan3A_56  : i32 {
        %mul3A_59 = arith.constant 2 : i32
        %mul3A_60 = arith.muli %mul3A_59, %scan3A_58 : i32
        %add3A_61 = arith.constant 1 : i32
        %add3A_62 = arith.addi %mul3A_60, %add3A_61 : i32
        %dma_start3A_63 = arith.constant 0 : i32
        %dma_start3A_64 = tpu.memref_slice %arg9[%add3A_62, %dma_start3A_63] : memref<50x40xi32, #tpu.memory_space<vmem>> -> memref<1x40xi32, #tpu.memory_space<vmem>>
        %dma_start3A_65 = tpu.memref_squeeze %dma_start3A_64 : memref<1x40xi32, #tpu.memory_space<vmem>> -> memref<40xi32, #tpu.memory_space<vmem>>
        %dma_start3A_66 = arith.constant 0 : i32
        %dma_start3A_67 = arith.constant 0 : i32
        %dma_start3A_68 = tpu.memref_slice %arg2[%dma_start3A_66, %dma_start3A_67] : memref<20480x128xf32, #tpu.memory_space<hbm>> -> memref<20480x128xf32, #tpu.memory_space<hbm>>
        tpu.enqueue_indirect_dma source(%dma_start3A_68 : memref<20480x128xf32, #tpu.memory_space<hbm>>) target(%arg13 : memref<40x128xf32, #tpu.memory_space<vmem>>) offsets(%dma_start3A_65 : memref<40xi32, #tpu.memory_space<vmem>>) semaphore(%arg17 : memref<!tpu.dma_semaphore, #tpu.memory_space<semaphore_mem>>)
        %add3A_69 = arith.constant 1 : i32
        %add3A_70 = arith.addi %mul3A_60, %add3A_69 : i32
        %dma_start3A_71 = arith.constant 0 : i32
        %dma_start3A_72 = tpu.memref_slice %arg8[%add3A_70, %dma_start3A_71] : memref<50x40xi32, #tpu.memory_space<vmem>> -> memref<1x40xi32, #tpu.memory_space<vmem>>
        %dma_start3A_73 = tpu.memref_squeeze %dma_start3A_72 : memref<1x40xi32, #tpu.memory_space<vmem>> -> memref<40xi32, #tpu.memory_space<vmem>>
        %dma_start3A_74 = arith.constant 0 : i32
        %dma_start3A_75 = arith.constant 0 : i32
        %dma_start3A_76 = tpu.memref_slice %arg3[%dma_start3A_74, %dma_start3A_75] : memref<20480x128xf32, #tpu.memory_space<hbm>> -> memref<20480x128xf32, #tpu.memory_space<hbm>>
        tpu.enqueue_indirect_dma source(%dma_start3A_76 : memref<20480x128xf32, #tpu.memory_space<hbm>>) target(%arg14 : memref<40x128xf32, #tpu.memory_space<vmem>>) offsets(%dma_start3A_73 : memref<40xi32, #tpu.memory_space<vmem>>) semaphore(%arg18 : memref<!tpu.dma_semaphore, #tpu.memory_space<semaphore_mem>>)
        %dma_wait3A = arith.constant 0 : i32
        %dma_wait3A_77 = tpu.memref_slice %arg9[%mul3A_60, %dma_wait3A] : memref<50x40xi32, #tpu.memory_space<vmem>> -> memref<1x40xi32, #tpu.memory_space<vmem>>
        %dma_wait3A_78 = tpu.memref_squeeze %dma_wait3A_77 : memref<1x40xi32, #tpu.memory_space<vmem>> -> memref<40xi32, #tpu.memory_space<vmem>>
        %dma_wait3A_79 = arith.constant 0 : i32
        %dma_wait3A_80 = arith.constant 0 : i32
        %dma_wait3A_81 = tpu.memref_slice %arg2[%dma_wait3A_79, %dma_wait3A_80] : memref<20480x128xf32, #tpu.memory_space<hbm>> -> memref<20480x128xf32, #tpu.memory_space<hbm>>
        tpu.wait_indirect_dma semaphore(%arg15 : memref<!tpu.dma_semaphore, #tpu.memory_space<semaphore_mem>>) src(%dma_wait3A_81 : memref<20480x128xf32, #tpu.memory_space<hbm>>) dst(%arg11 : memref<40x128xf32, #tpu.memory_space<vmem>>)
        %dma_wait3A_82 = arith.constant 0 : i32
        %dma_wait3A_83 = tpu.memref_slice %arg8[%mul3A_60, %dma_wait3A_82] : memref<50x40xi32, #tpu.memory_space<vmem>> -> memref<1x40xi32, #tpu.memory_space<vmem>>
        %dma_wait3A_84 = tpu.memref_squeeze %dma_wait3A_83 : memref<1x40xi32, #tpu.memory_space<vmem>> -> memref<40xi32, #tpu.memory_space<vmem>>
        %dma_wait3A_85 = arith.constant 0 : i32
        %dma_wait3A_86 = arith.constant 0 : i32
        %dma_wait3A_87 = tpu.memref_slice %arg3[%dma_wait3A_85, %dma_wait3A_86] : memref<20480x128xf32, #tpu.memory_space<hbm>> -> memref<20480x128xf32, #tpu.memory_space<hbm>>
        tpu.wait_indirect_dma semaphore(%arg16 : memref<!tpu.dma_semaphore, #tpu.memory_space<semaphore_mem>>) src(%dma_wait3A_87 : memref<20480x128xf32, #tpu.memory_space<hbm>>) dst(%arg12 : memref<40x128xf32, #tpu.memory_space<vmem>>)
        %scan3A_88 = arith.constant 0 : i32
        %scan3A_89 = arith.constant 0 : i32
        %scan3A_90 = arith.constant 40 : i32
        %scan3A_91 = arith.addi %scan3A_89, %scan3A_90 : i32
        %scan3A_92 = arith.constant 1 : i32
        scf.for %scan3A_122 = %scan3A_89 to %scan3A_91 step %scan3A_92  : i32 {
          %get3A = arith.index_cast %scan3A_122 : i32 to index
          %get3A_123 = arith.constant 0 : index
          %get3A_124 = tpu.vector_load %arg11[%get3A, %get3A_123] {strides = array<i32>} : memref<40x128xf32, #tpu.memory_space<vmem>>, vector<1x16xf32>,
          %get3A_125 = vector.shape_cast %get3A_124 : vector<1x16xf32> to vector<16xf32>
          %get3A_126 = arith.index_cast %scan3A_122 : i32 to index
          %get3A_127 = arith.constant 0 : index
          %get3A_128 = tpu.vector_load %arg12[%get3A_126, %get3A_127] {strides = array<i32>} : memref<40x128xf32, #tpu.memory_space<vmem>>, vector<1x16xf32>,
          %get3A_129 = vector.shape_cast %get3A_128 : vector<1x16xf32> to vector<16xf32>
          %add3A_130 = arith.addf %get3A_125, %get3A_129 : vector<16xf32>
          %max3A = arith.constant 0.000000e+00 : f32
          %max3A_131 = vector.broadcast %max3A : f32 to vector<16xf32>
          %max3A_132 = arith.maximumf %add3A_130, %max3A_131 : vector<16xf32>
          %swap3A = arith.index_cast %scan3A_122 : i32 to index
          %swap3A_133 = arith.constant 0 : index
          %swap3A_134 = tpu.vector_load %arg11[%swap3A, %swap3A_133] {strides = array<i32>} : memref<40x128xf32, #tpu.memory_space<vmem>>, vector<1x16xf32>,
          %swap3A_135 = vector.shape_cast %swap3A_134 : vector<1x16xf32> to vector<16xf32>
          %swap3A_136 = vector.shape_cast %max3A_132 : vector<16xf32> to vector<1x16xf32>
          tpu.vector_store %arg11[%swap3A, %swap3A_133], %swap3A_136 {strides = array<i32>} : memref<40x128xf32, #tpu.memory_space<vmem>>, vector<1x16xf32>,
          %get3A_137 = arith.index_cast %scan3A_122 : i32 to index
          %get3A_138 = arith.constant 16 : index
          %get3A_139 = tpu.vector_load %arg11[%get3A_137, %get3A_138] {strides = array<i32>} : memref<40x128xf32, #tpu.memory_space<vmem>>, vector<1x16xf32>,
          %get3A_140 = vector.shape_cast %get3A_139 : vector<1x16xf32> to vector<16xf32>
          %get3A_141 = arith.index_cast %scan3A_122 : i32 to index
          %get3A_142 = arith.constant 16 : index
          %get3A_143 = tpu.vector_load %arg12[%get3A_141, %get3A_142] {strides = array<i32>} : memref<40x128xf32, #tpu.memory_space<vmem>>, vector<1x16xf32>,
          %get3A_144 = vector.shape_cast %get3A_143 : vector<1x16xf32> to vector<16xf32>
          %add3A_145 = arith.addf %get3A_140, %get3A_144 : vector<16xf32>
          %max3A_146 = arith.constant 0.000000e+00 : f32
          %max3A_147 = vector.broadcast %max3A_146 : f32 to vector<16xf32>
          %max3A_148 = arith.maximumf %add3A_145, %max3A_147 : vector<16xf32>
          %swap3A_149 = arith.index_cast %scan3A_122 : i32 to index
          %swap3A_150 = arith.constant 16 : index
          %swap3A_151 = tpu.vector_load %arg11[%swap3A_149, %swap3A_150] {strides = array<i32>} : memref<40x128xf32, #tpu.memory_space<vmem>>, vector<1x16xf32>,
          %swap3A_152 = vector.shape_cast %swap3A_151 : vector<1x16xf32> to vector<16xf32>
          %swap3A_153 = vector.shape_cast %max3A_148 : vector<16xf32> to vector<1x16xf32>
          tpu.vector_store %arg11[%swap3A_149, %swap3A_150], %swap3A_153 {strides = array<i32>} : memref<40x128xf32, #tpu.memory_space<vmem>>, vector<1x16xf32>,
          %get3A_154 = arith.index_cast %scan3A_122 : i32 to index
          %get3A_155 = arith.constant 32 : index
          %get3A_156 = tpu.vector_load %arg11[%get3A_154, %get3A_155] {strides = array<i32>} : memref<40x128xf32, #tpu.memory_space<vmem>>, vector<1x16xf32>,
          %get3A_157 = vector.shape_cast %get3A_156 : vector<1x16xf32> to vector<16xf32>
          %get3A_158 = arith.index_cast %scan3A_122 : i32 to index
          %get3A_159 = arith.constant 32 : index
          %get3A_160 = tpu.vector_load %arg12[%get3A_158, %get3A_159] {strides = array<i32>} : memref<40x128xf32, #tpu.memory_space<vmem>>, vector<1x16xf32>,
          %get3A_161 = vector.shape_cast %get3A_160 : vector<1x16xf32> to vector<16xf32>
          %add3A_162 = arith.addf %get3A_157, %get3A_161 : vector<16xf32>
          %max3A_163 = arith.constant 0.000000e+00 : f32
          %max3A_164 = vector.broadcast %max3A_163 : f32 to vector<16xf32>
          %max3A_165 = arith.maximumf %add3A_162, %max3A_164 : vector<16xf32>
          %swap3A_166 = arith.index_cast %scan3A_122 : i32 to index
          %swap3A_167 = arith.constant 32 : index
          %swap3A_168 = tpu.vector_load %arg11[%swap3A_166, %swap3A_167] {strides = array<i32>} : memref<40x128xf32, #tpu.memory_space<vmem>>, vector<1x16xf32>,
          %swap3A_169 = vector.shape_cast %swap3A_168 : vector<1x16xf32> to vector<16xf32>
          %swap3A_170 = vector.shape_cast %max3A_165 : vector<16xf32> to vector<1x16xf32>
          tpu.vector_store %arg11[%swap3A_166, %swap3A_167], %swap3A_170 {strides = array<i32>} : memref<40x128xf32, #tpu.memory_space<vmem>>, vector<1x16xf32>,
          %get3A_171 = arith.index_cast %scan3A_122 : i32 to index
          %get3A_172 = arith.constant 48 : index
          %get3A_173 = tpu.vector_load %arg11[%get3A_171, %get3A_172] {strides = array<i32>} : memref<40x128xf32, #tpu.memory_space<vmem>>, vector<1x16xf32>,
          %get3A_174 = vector.shape_cast %get3A_173 : vector<1x16xf32> to vector<16xf32>
          %get3A_175 = arith.index_cast %scan3A_122 : i32 to index
          %get3A_176 = arith.constant 48 : index
          %get3A_177 = tpu.vector_load %arg12[%get3A_175, %get3A_176] {strides = array<i32>} : memref<40x128xf32, #tpu.memory_space<vmem>>, vector<1x16xf32>,
          %get3A_178 = vector.shape_cast %get3A_177 : vector<1x16xf32> to vector<16xf32>
          %add3A_179 = arith.addf %get3A_174, %get3A_178 : vector<16xf32>
          %max3A_180 = arith.constant 0.000000e+00 : f32
          %max3A_181 = vector.broadcast %max3A_180 : f32 to vector<16xf32>
          %max3A_182 = arith.maximumf %add3A_179, %max3A_181 : vector<16xf32>
          %swap3A_183 = arith.index_cast %scan3A_122 : i32 to index
          %swap3A_184 = arith.constant 48 : index
          %swap3A_185 = tpu.vector_load %arg11[%swap3A_183, %swap3A_184] {strides = array<i32>} : memref<40x128xf32, #tpu.memory_space<vmem>>, vector<1x16xf32>,
          %swap3A_186 = vector.shape_cast %swap3A_185 : vector<1x16xf32> to vector<16xf32>
          %swap3A_187 = vector.shape_cast %max3A_182 : vector<16xf32> to vector<1x16xf32>
          tpu.vector_store %arg11[%swap3A_183, %swap3A_184], %swap3A_187 {strides = array<i32>} : memref<40x128xf32, #tpu.memory_space<vmem>>, vector<1x16xf32>,
          %get3A_188 = arith.index_cast %scan3A_122 : i32 to index
          %get3A_189 = arith.constant 64 : index
          %get3A_190 = tpu.vector_load %arg11[%get3A_188, %get3A_189] {strides = array<i32>} : memref<40x128xf32, #tpu.memory_space<vmem>>, vector<1x16xf32>,
          %get3A_191 = vector.shape_cast %get3A_190 : vector<1x16xf32> to vector<16xf32>
          %get3A_192 = arith.index_cast %scan3A_122 : i32 to index
          %get3A_193 = arith.constant 64 : index
          %get3A_194 = tpu.vector_load %arg12[%get3A_192, %get3A_193] {strides = array<i32>} : memref<40x128xf32, #tpu.memory_space<vmem>>, vector<1x16xf32>,
          %get3A_195 = vector.shape_cast %get3A_194 : vector<1x16xf32> to vector<16xf32>
          %add3A_196 = arith.addf %get3A_191, %get3A_195 : vector<16xf32>
          %max3A_197 = arith.constant 0.000000e+00 : f32
          %max3A_198 = vector.broadcast %max3A_197 : f32 to vector<16xf32>
          %max3A_199 = arith.maximumf %add3A_196, %max3A_198 : vector<16xf32>
          %swap3A_200 = arith.index_cast %scan3A_122 : i32 to index
          %swap3A_201 = arith.constant 64 : index
          %swap3A_202 = tpu.vector_load %arg11[%swap3A_200, %swap3A_201] {strides = array<i32>} : memref<40x128xf32, #tpu.memory_space<vmem>>, vector<1x16xf32>,
          %swap3A_203 = vector.shape_cast %swap3A_202 : vector<1x16xf32> to vector<16xf32>
          %swap3A_204 = vector.shape_cast %max3A_199 : vector<16xf32> to vector<1x16xf32>
          tpu.vector_store %arg11[%swap3A_200, %swap3A_201], %swap3A_204 {strides = array<i32>} : memref<40x128xf32, #tpu.memory_space<vmem>>, vector<1x16xf32>,
          %get3A_205 = arith.index_cast %scan3A_122 : i32 to index
          %get3A_206 = arith.constant 80 : index
          %get3A_207 = tpu.vector_load %arg11[%get3A_205, %get3A_206] {strides = array<i32>} : memref<40x128xf32, #tpu.memory_space<vmem>>, vector<1x16xf32>,
          %get3A_208 = vector.shape_cast %get3A_207 : vector<1x16xf32> to vector<16xf32>
          %get3A_209 = arith.index_cast %scan3A_122 : i32 to index
          %get3A_210 = arith.constant 80 : index
          %get3A_211 = tpu.vector_load %arg12[%get3A_209, %get3A_210] {strides = array<i32>} : memref<40x128xf32, #tpu.memory_space<vmem>>, vector<1x16xf32>,
          %get3A_212 = vector.shape_cast %get3A_211 : vector<1x16xf32> to vector<16xf32>
          %add3A_213 = arith.addf %get3A_208, %get3A_212 : vector<16xf32>
          %max3A_214 = arith.constant 0.000000e+00 : f32
          %max3A_215 = vector.broadcast %max3A_214 : f32 to vector<16xf32>
          %max3A_216 = arith.maximumf %add3A_213, %max3A_215 : vector<16xf32>
          %swap3A_217 = arith.index_cast %scan3A_122 : i32 to index
          %swap3A_218 = arith.constant 80 : index
          %swap3A_219 = tpu.vector_load %arg11[%swap3A_217, %swap3A_218] {strides = array<i32>} : memref<40x128xf32, #tpu.memory_space<vmem>>, vector<1x16xf32>,
          %swap3A_220 = vector.shape_cast %swap3A_219 : vector<1x16xf32> to vector<16xf32>
          %swap3A_221 = vector.shape_cast %max3A_216 : vector<16xf32> to vector<1x16xf32>
          tpu.vector_store %arg11[%swap3A_217, %swap3A_218], %swap3A_221 {strides = array<i32>} : memref<40x128xf32, #tpu.memory_space<vmem>>, vector<1x16xf32>,
          %get3A_222 = arith.index_cast %scan3A_122 : i32 to index
          %get3A_223 = arith.constant 96 : index
          %get3A_224 = tpu.vector_load %arg11[%get3A_222, %get3A_223] {strides = array<i32>} : memref<40x128xf32, #tpu.memory_space<vmem>>, vector<1x16xf32>,
          %get3A_225 = vector.shape_cast %get3A_224 : vector<1x16xf32> to vector<16xf32>
          %get3A_226 = arith.index_cast %scan3A_122 : i32 to index
          %get3A_227 = arith.constant 96 : index
          %get3A_228 = tpu.vector_load %arg12[%get3A_226, %get3A_227] {strides = array<i32>} : memref<40x128xf32, #tpu.memory_space<vmem>>, vector<1x16xf32>,
          %get3A_229 = vector.shape_cast %get3A_228 : vector<1x16xf32> to vector<16xf32>
          %add3A_230 = arith.addf %get3A_225, %get3A_229 : vector<16xf32>
          %max3A_231 = arith.constant 0.000000e+00 : f32
          %max3A_232 = vector.broadcast %max3A_231 : f32 to vector<16xf32>
          %max3A_233 = arith.maximumf %add3A_230, %max3A_232 : vector<16xf32>
          %swap3A_234 = arith.index_cast %scan3A_122 : i32 to index
          %swap3A_235 = arith.constant 96 : index
          %swap3A_236 = tpu.vector_load %arg11[%swap3A_234, %swap3A_235] {strides = array<i32>} : memref<40x128xf32, #tpu.memory_space<vmem>>, vector<1x16xf32>,
          %swap3A_237 = vector.shape_cast %swap3A_236 : vector<1x16xf32> to vector<16xf32>
          %swap3A_238 = vector.shape_cast %max3A_233 : vector<16xf32> to vector<1x16xf32>
          tpu.vector_store %arg11[%swap3A_234, %swap3A_235], %swap3A_238 {strides = array<i32>} : memref<40x128xf32, #tpu.memory_space<vmem>>, vector<1x16xf32>,
          %get3A_239 = arith.index_cast %scan3A_122 : i32 to index
          %get3A_240 = arith.constant 112 : index
          %get3A_241 = tpu.vector_load %arg11[%get3A_239, %get3A_240] {strides = array<i32>} : memref<40x128xf32, #tpu.memory_space<vmem>>, vector<1x16xf32>,
          %get3A_242 = vector.shape_cast %get3A_241 : vector<1x16xf32> to vector<16xf32>
          %get3A_243 = arith.index_cast %scan3A_122 : i32 to index
          %get3A_244 = arith.constant 112 : index
          %get3A_245 = tpu.vector_load %arg12[%get3A_243, %get3A_244] {strides = array<i32>} : memref<40x128xf32, #tpu.memory_space<vmem>>, vector<1x16xf32>,
          %get3A_246 = vector.shape_cast %get3A_245 : vector<1x16xf32> to vector<16xf32>
          %add3A_247 = arith.addf %get3A_242, %get3A_246 : vector<16xf32>
          %max3A_248 = arith.constant 0.000000e+00 : f32
          %max3A_249 = vector.broadcast %max3A_248 : f32 to vector<16xf32>
          %max3A_250 = arith.maximumf %add3A_247, %max3A_249 : vector<16xf32>
          %swap3A_251 = arith.index_cast %scan3A_122 : i32 to index
          %swap3A_252 = arith.constant 112 : index
          %swap3A_253 = tpu.vector_load %arg11[%swap3A_251, %swap3A_252] {strides = array<i32>} : memref<40x128xf32, #tpu.memory_space<vmem>>, vector<1x16xf32>,
          %swap3A_254 = vector.shape_cast %swap3A_253 : vector<1x16xf32> to vector<16xf32>
          %swap3A_255 = vector.shape_cast %max3A_250 : vector<16xf32> to vector<1x16xf32>
          tpu.vector_store %arg11[%swap3A_251, %swap3A_252], %swap3A_255 {strides = array<i32>} : memref<40x128xf32, #tpu.memory_space<vmem>>, vector<1x16xf32>,
        }
        %scan3A_93 = arith.constant 40 : i32
        "tpu.region"() ({
          %run_scoped3A = tpu.sem_alloc : memref<!tpu.dma_semaphore, #tpu.memory_space<semaphore_mem>>
          %dma_start3A_122 = arith.constant 0 : i32
          %dma_start3A_123 = tpu.memref_slice %arg10[%mul3A_60, %dma_start3A_122] : memref<50x40xi32, #tpu.memory_space<vmem>> -> memref<1x40xi32, #tpu.memory_space<vmem>>
          %dma_start3A_124 = tpu.memref_squeeze %dma_start3A_123 : memref<1x40xi32, #tpu.memory_space<vmem>> -> memref<40xi32, #tpu.memory_space<vmem>>
          %dma_start3A_125 = arith.constant 0 : i32
          %dma_start3A_126 = arith.constant 0 : i32
          %dma_start3A_127 = tpu.memref_slice %arg19[%dma_start3A_125, %dma_start3A_126] : memref<10000x128xf32, #tpu.memory_space<vmem_shared>> -> memref<10000x128xf32, #tpu.memory_space<vmem_shared>>
          tpu.enqueue_indirect_dma source(%arg11 : memref<40x128xf32, #tpu.memory_space<vmem>>) target(%dma_start3A_127 : memref<10000x128xf32, #tpu.memory_space<vmem_shared>>) offsets(%dma_start3A_124 : memref<40xi32, #tpu.memory_space<vmem>>) semaphore(%run_scoped3A : memref<!tpu.dma_semaphore, #tpu.memory_space<semaphore_mem>>) {add = true}
          %dma_wait3A_128 = arith.constant 0 : i32
          %dma_wait3A_129 = tpu.memref_slice %arg10[%mul3A_60, %dma_wait3A_128] : memref<50x40xi32, #tpu.memory_space<vmem>> -> memref<1x40xi32, #tpu.memory_space<vmem>>
          %dma_wait3A_130 = tpu.memref_squeeze %dma_wait3A_129 : memref<1x40xi32, #tpu.memory_space<vmem>> -> memref<40xi32, #tpu.memory_space<vmem>>
          %dma_wait3A_131 = arith.constant 0 : i32
          %dma_wait3A_132 = arith.constant 0 : i32
          %dma_wait3A_133 = tpu.memref_slice %arg19[%dma_wait3A_131, %dma_wait3A_132] : memref<10000x128xf32, #tpu.memory_space<vmem_shared>> -> memref<10000x128xf32, #tpu.memory_space<vmem_shared>>
          tpu.wait_indirect_dma semaphore(%run_scoped3A : memref<!tpu.dma_semaphore, #tpu.memory_space<semaphore_mem>>) src(%arg11 : memref<40x128xf32, #tpu.memory_space<vmem>>) dst(%dma_wait3A_133 : memref<10000x128xf32, #tpu.memory_space<vmem_shared>>)
          tpu.yield
        }) : () -> ()
        %lt3A = arith.constant 24 : i32
        %lt3A_94 = arith.cmpi slt, %scan3A_58, %lt3A : i32
        %convert_element_type3A_95 = arith.extui %lt3A_94 : i1 to i32
        %cond3A_96 = arith.constant 0 : i32
        %cond3A_97 = arith.cmpi ne, %convert_element_type3A_95, %cond3A_96 : i32
        scf.if %cond3A_97 {
          %add3A_122 = arith.constant 2 : i32
          %add3A_123 = arith.addi %mul3A_60, %add3A_122 : i32
          %dma_start3A_124 = arith.constant 0 : i32
          %dma_start3A_125 = tpu.memref_slice %arg9[%add3A_123, %dma_start3A_124] : memref<50x40xi32, #tpu.memory_space<vmem>> -> memref<1x40xi32, #tpu.memory_space<vmem>>
          %dma_start3A_126 = tpu.memref_squeeze %dma_start3A_125 : memref<1x40xi32, #tpu.memory_space<vmem>> -> memref<40xi32, #tpu.memory_space<vmem>>
          %dma_start3A_127 = arith.constant 0 : i32
          %dma_start3A_128 = arith.constant 0 : i32
          %dma_start3A_129 = tpu.memref_slice %arg2[%dma_start3A_127, %dma_start3A_128] : memref<20480x128xf32, #tpu.memory_space<hbm>> -> memref<20480x128xf32, #tpu.memory_space<hbm>>
          tpu.enqueue_indirect_dma source(%dma_start3A_129 : memref<20480x128xf32, #tpu.memory_space<hbm>>) target(%arg11 : memref<40x128xf32, #tpu.memory_space<vmem>>) offsets(%dma_start3A_126 : memref<40xi32, #tpu.memory_space<vmem>>) semaphore(%arg15 : memref<!tpu.dma_semaphore, #tpu.memory_space<semaphore_mem>>)
          %add3A_130 = arith.constant 2 : i32
          %add3A_131 = arith.addi %mul3A_60, %add3A_130 : i32
          %dma_start3A_132 = arith.constant 0 : i32
          %dma_start3A_133 = tpu.memref_slice %arg8[%add3A_131, %dma_start3A_132] : memref<50x40xi32, #tpu.memory_space<vmem>> -> memref<1x40xi32, #tpu.memory_space<vmem>>
          %dma_start3A_134 = tpu.memref_squeeze %dma_start3A_133 : memref<1x40xi32, #tpu.memory_space<vmem>> -> memref<40xi32, #tpu.memory_space<vmem>>
          %dma_start3A_135 = arith.constant 0 : i32
          %dma_start3A_136 = arith.constant 0 : i32
          %dma_start3A_137 = tpu.memref_slice %arg3[%dma_start3A_135, %dma_start3A_136] : memref<20480x128xf32, #tpu.memory_space<hbm>> -> memref<20480x128xf32, #tpu.memory_space<hbm>>
          tpu.enqueue_indirect_dma source(%dma_start3A_137 : memref<20480x128xf32, #tpu.memory_space<hbm>>) target(%arg12 : memref<40x128xf32, #tpu.memory_space<vmem>>) offsets(%dma_start3A_134 : memref<40xi32, #tpu.memory_space<vmem>>) semaphore(%arg16 : memref<!tpu.dma_semaphore, #tpu.memory_space<semaphore_mem>>)
        } else {
        }
        %add3A_98 = arith.constant 1 : i32
        %add3A_99 = arith.addi %mul3A_60, %add3A_98 : i32
        %dma_wait3A_100 = arith.constant 0 : i32
        %dma_wait3A_101 = tpu.memref_slice %arg9[%add3A_99, %dma_wait3A_100] : memref<50x40xi32, #tpu.memory_space<vmem>> -> memref<1x40xi32, #tpu.memory_space<vmem>>
        %dma_wait3A_102 = tpu.memref_squeeze %dma_wait3A_101 : memref<1x40xi32, #tpu.memory_space<vmem>> -> memref<40xi32, #tpu.memory_space<vmem>>
        %dma_wait3A_103 = arith.constant 0 : i32
        %dma_wait3A_104 = arith.constant 0 : i32
        %dma_wait3A_105 = tpu.memref_slice %arg2[%dma_wait3A_103, %dma_wait3A_104] : memref<20480x128xf32, #tpu.memory_space<hbm>> -> memref<20480x128xf32, #tpu.memory_space<hbm>>
        tpu.wait_indirect_dma semaphore(%arg17 : memref<!tpu.dma_semaphore, #tpu.memory_space<semaphore_mem>>) src(%dma_wait3A_105 : memref<20480x128xf32, #tpu.memory_space<hbm>>) dst(%arg13 : memref<40x128xf32, #tpu.memory_space<vmem>>)
        %add3A_106 = arith.constant 1 : i32
        %add3A_107 = arith.addi %mul3A_60, %add3A_106 : i32
        %dma_wait3A_108 = arith.constant 0 : i32
        %dma_wait3A_109 = tpu.memref_slice %arg8[%add3A_107, %dma_wait3A_108] : memref<50x40xi32, #tpu.memory_space<vmem>> -> memref<1x40xi32, #tpu.memory_space<vmem>>
        %dma_wait3A_110 = tpu.memref_squeeze %dma_wait3A_109 : memref<1x40xi32, #tpu.memory_space<vmem>> -> memref<40xi32, #tpu.memory_space<vmem>>
        %dma_wait3A_111 = arith.constant 0 : i32
        %dma_wait3A_112 = arith.constant 0 : i32
        %dma_wait3A_113 = tpu.memref_slice %arg3[%dma_wait3A_111, %dma_wait3A_112] : memref<20480x128xf32, #tpu.memory_space<hbm>> -> memref<20480x128xf32, #tpu.memory_space<hbm>>
        tpu.wait_indirect_dma semaphore(%arg18 : memref<!tpu.dma_semaphore, #tpu.memory_space<semaphore_mem>>) src(%dma_wait3A_113 : memref<20480x128xf32, #tpu.memory_space<hbm>>) dst(%arg14 : memref<40x128xf32, #tpu.memory_space<vmem>>)
        %scan3A_114 = arith.constant 0 : i32
        %scan3A_115 = arith.constant 0 : i32
        %scan3A_116 = arith.constant 40 : i32
        %scan3A_117 = arith.addi %scan3A_115, %scan3A_116 : i32
        %scan3A_118 = arith.constant 1 : i32
        scf.for %scan3A_122 = %scan3A_115 to %scan3A_117 step %scan3A_118  : i32 {
          %get3A = arith.index_cast %scan3A_122 : i32 to index
          %get3A_123 = arith.constant 0 : index
          %get3A_124 = tpu.vector_load %arg13[%get3A, %get3A_123] {strides = array<i32>} : memref<40x128xf32, #tpu.memory_space<vmem>>, vector<1x16xf32>,
          %get3A_125 = vector.shape_cast %get3A_124 : vector<1x16xf32> to vector<16xf32>
          %get3A_126 = arith.index_cast %scan3A_122 : i32 to index
          %get3A_127 = arith.constant 0 : index
          %get3A_128 = tpu.vector_load %arg14[%get3A_126, %get3A_127] {strides = array<i32>} : memref<40x128xf32, #tpu.memory_space<vmem>>, vector<1x16xf32>,
          %get3A_129 = vector.shape_cast %get3A_128 : vector<1x16xf32> to vector<16xf32>
          %add3A_130 = arith.addf %get3A_125, %get3A_129 : vector<16xf32>
          %max3A = arith.constant 0.000000e+00 : f32
          %max3A_131 = vector.broadcast %max3A : f32 to vector<16xf32>
          %max3A_132 = arith.maximumf %add3A_130, %max3A_131 : vector<16xf32>
          %swap3A = arith.index_cast %scan3A_122 : i32 to index
          %swap3A_133 = arith.constant 0 : index
          %swap3A_134 = tpu.vector_load %arg13[%swap3A, %swap3A_133] {strides = array<i32>} : memref<40x128xf32, #tpu.memory_space<vmem>>, vector<1x16xf32>,
          %swap3A_135 = vector.shape_cast %swap3A_134 : vector<1x16xf32> to vector<16xf32>
          %swap3A_136 = vector.shape_cast %max3A_132 : vector<16xf32> to vector<1x16xf32>
          tpu.vector_store %arg13[%swap3A, %swap3A_133], %swap3A_136 {strides = array<i32>} : memref<40x128xf32, #tpu.memory_space<vmem>>, vector<1x16xf32>,
          %get3A_137 = arith.index_cast %scan3A_122 : i32 to index
          %get3A_138 = arith.constant 16 : index
          %get3A_139 = tpu.vector_load %arg13[%get3A_137, %get3A_138] {strides = array<i32>} : memref<40x128xf32, #tpu.memory_space<vmem>>, vector<1x16xf32>,
          %get3A_140 = vector.shape_cast %get3A_139 : vector<1x16xf32> to vector<16xf32>
          %get3A_141 = arith.index_cast %scan3A_122 : i32 to index
          %get3A_142 = arith.constant 16 : index
          %get3A_143 = tpu.vector_load %arg14[%get3A_141, %get3A_142] {strides = array<i32>} : memref<40x128xf32, #tpu.memory_space<vmem>>, vector<1x16xf32>,
          %get3A_144 = vector.shape_cast %get3A_143 : vector<1x16xf32> to vector<16xf32>
          %add3A_145 = arith.addf %get3A_140, %get3A_144 : vector<16xf32>
          %max3A_146 = arith.constant 0.000000e+00 : f32
          %max3A_147 = vector.broadcast %max3A_146 : f32 to vector<16xf32>
          %max3A_148 = arith.maximumf %add3A_145, %max3A_147 : vector<16xf32>
          %swap3A_149 = arith.index_cast %scan3A_122 : i32 to index
          %swap3A_150 = arith.constant 16 : index
          %swap3A_151 = tpu.vector_load %arg13[%swap3A_149, %swap3A_150] {strides = array<i32>} : memref<40x128xf32, #tpu.memory_space<vmem>>, vector<1x16xf32>,
          %swap3A_152 = vector.shape_cast %swap3A_151 : vector<1x16xf32> to vector<16xf32>
          %swap3A_153 = vector.shape_cast %max3A_148 : vector<16xf32> to vector<1x16xf32>
          tpu.vector_store %arg13[%swap3A_149, %swap3A_150], %swap3A_153 {strides = array<i32>} : memref<40x128xf32, #tpu.memory_space<vmem>>, vector<1x16xf32>,
          %get3A_154 = arith.index_cast %scan3A_122 : i32 to index
          %get3A_155 = arith.constant 32 : index
          %get3A_156 = tpu.vector_load %arg13[%get3A_154, %get3A_155] {strides = array<i32>} : memref<40x128xf32, #tpu.memory_space<vmem>>, vector<1x16xf32>,
          %get3A_157 = vector.shape_cast %get3A_156 : vector<1x16xf32> to vector<16xf32>
          %get3A_158 = arith.index_cast %scan3A_122 : i32 to index
          %get3A_159 = arith.constant 32 : index
          %get3A_160 = tpu.vector_load %arg14[%get3A_158, %get3A_159] {strides = array<i32>} : memref<40x128xf32, #tpu.memory_space<vmem>>, vector<1x16xf32>,
          %get3A_161 = vector.shape_cast %get3A_160 : vector<1x16xf32> to vector<16xf32>
          %add3A_162 = arith.addf %get3A_157, %get3A_161 : vector<16xf32>
          %max3A_163 = arith.constant 0.000000e+00 : f32
          %max3A_164 = vector.broadcast %max3A_163 : f32 to vector<16xf32>
          %max3A_165 = arith.maximumf %add3A_162, %max3A_164 : vector<16xf32>
          %swap3A_166 = arith.index_cast %scan3A_122 : i32 to index
          %swap3A_167 = arith.constant 32 : index
          %swap3A_168 = tpu.vector_load %arg13[%swap3A_166, %swap3A_167] {strides = array<i32>} : memref<40x128xf32, #tpu.memory_space<vmem>>, vector<1x16xf32>,
          %swap3A_169 = vector.shape_cast %swap3A_168 : vector<1x16xf32> to vector<16xf32>
          %swap3A_170 = vector.shape_cast %max3A_165 : vector<16xf32> to vector<1x16xf32>
          tpu.vector_store %arg13[%swap3A_166, %swap3A_167], %swap3A_170 {strides = array<i32>} : memref<40x128xf32, #tpu.memory_space<vmem>>, vector<1x16xf32>,
          %get3A_171 = arith.index_cast %scan3A_122 : i32 to index
          %get3A_172 = arith.constant 48 : index
          %get3A_173 = tpu.vector_load %arg13[%get3A_171, %get3A_172] {strides = array<i32>} : memref<40x128xf32, #tpu.memory_space<vmem>>, vector<1x16xf32>,
          %get3A_174 = vector.shape_cast %get3A_173 : vector<1x16xf32> to vector<16xf32>
          %get3A_175 = arith.index_cast %scan3A_122 : i32 to index
          %get3A_176 = arith.constant 48 : index
          %get3A_177 = tpu.vector_load %arg14[%get3A_175, %get3A_176] {strides = array<i32>} : memref<40x128xf32, #tpu.memory_space<vmem>>, vector<1x16xf32>,
          %get3A_178 = vector.shape_cast %get3A_177 : vector<1x16xf32> to vector<16xf32>
          %add3A_179 = arith.addf %get3A_174, %get3A_178 : vector<16xf32>
          %max3A_180 = arith.constant 0.000000e+00 : f32
          %max3A_181 = vector.broadcast %max3A_180 : f32 to vector<16xf32>
          %max3A_182 = arith.maximumf %add3A_179, %max3A_181 : vector<16xf32>
          %swap3A_183 = arith.index_cast %scan3A_122 : i32 to index
          %swap3A_184 = arith.constant 48 : index
          %swap3A_185 = tpu.vector_load %arg13[%swap3A_183, %swap3A_184] {strides = array<i32>} : memref<40x128xf32, #tpu.memory_space<vmem>>, vector<1x16xf32>,
          %swap3A_186 = vector.shape_cast %swap3A_185 : vector<1x16xf32> to vector<16xf32>
          %swap3A_187 = vector.shape_cast %max3A_182 : vector<16xf32> to vector<1x16xf32>
          tpu.vector_store %arg13[%swap3A_183, %swap3A_184], %swap3A_187 {strides = array<i32>} : memref<40x128xf32, #tpu.memory_space<vmem>>, vector<1x16xf32>,
          %get3A_188 = arith.index_cast %scan3A_122 : i32 to index
          %get3A_189 = arith.constant 64 : index
          %get3A_190 = tpu.vector_load %arg13[%get3A_188, %get3A_189] {strides = array<i32>} : memref<40x128xf32, #tpu.memory_space<vmem>>, vector<1x16xf32>,
          %get3A_191 = vector.shape_cast %get3A_190 : vector<1x16xf32> to vector<16xf32>
          %get3A_192 = arith.index_cast %scan3A_122 : i32 to index
          %get3A_193 = arith.constant 64 : index
          %get3A_194 = tpu.vector_load %arg14[%get3A_192, %get3A_193] {strides = array<i32>} : memref<40x128xf32, #tpu.memory_space<vmem>>, vector<1x16xf32>,
          %get3A_195 = vector.shape_cast %get3A_194 : vector<1x16xf32> to vector<16xf32>
          %add3A_196 = arith.addf %get3A_191, %get3A_195 : vector<16xf32>
          %max3A_197 = arith.constant 0.000000e+00 : f32
          %max3A_198 = vector.broadcast %max3A_197 : f32 to vector<16xf32>
          %max3A_199 = arith.maximumf %add3A_196, %max3A_198 : vector<16xf32>
          %swap3A_200 = arith.index_cast %scan3A_122 : i32 to index
          %swap3A_201 = arith.constant 64 : index
          %swap3A_202 = tpu.vector_load %arg13[%swap3A_200, %swap3A_201] {strides = array<i32>} : memref<40x128xf32, #tpu.memory_space<vmem>>, vector<1x16xf32>,
          %swap3A_203 = vector.shape_cast %swap3A_202 : vector<1x16xf32> to vector<16xf32>
          %swap3A_204 = vector.shape_cast %max3A_199 : vector<16xf32> to vector<1x16xf32>
          tpu.vector_store %arg13[%swap3A_200, %swap3A_201], %swap3A_204 {strides = array<i32>} : memref<40x128xf32, #tpu.memory_space<vmem>>, vector<1x16xf32>,
          %get3A_205 = arith.index_cast %scan3A_122 : i32 to index
          %get3A_206 = arith.constant 80 : index
          %get3A_207 = tpu.vector_load %arg13[%get3A_205, %get3A_206] {strides = array<i32>} : memref<40x128xf32, #tpu.memory_space<vmem>>, vector<1x16xf32>,
          %get3A_208 = vector.shape_cast %get3A_207 : vector<1x16xf32> to vector<16xf32>
          %get3A_209 = arith.index_cast %scan3A_122 : i32 to index
          %get3A_210 = arith.constant 80 : index
          %get3A_211 = tpu.vector_load %arg14[%get3A_209, %get3A_210] {strides = array<i32>} : memref<40x128xf32, #tpu.memory_space<vmem>>, vector<1x16xf32>,
          %get3A_212 = vector.shape_cast %get3A_211 : vector<1x16xf32> to vector<16xf32>
          %add3A_213 = arith.addf %get3A_208, %get3A_212 : vector<16xf32>
          %max3A_214 = arith.constant 0.000000e+00 : f32
          %max3A_215 = vector.broadcast %max3A_214 : f32 to vector<16xf32>
          %max3A_216 = arith.maximumf %add3A_213, %max3A_215 : vector<16xf32>
          %swap3A_217 = arith.index_cast %scan3A_122 : i32 to index
          %swap3A_218 = arith.constant 80 : index
          %swap3A_219 = tpu.vector_load %arg13[%swap3A_217, %swap3A_218] {strides = array<i32>} : memref<40x128xf32, #tpu.memory_space<vmem>>, vector<1x16xf32>,
          %swap3A_220 = vector.shape_cast %swap3A_219 : vector<1x16xf32> to vector<16xf32>
          %swap3A_221 = vector.shape_cast %max3A_216 : vector<16xf32> to vector<1x16xf32>
          tpu.vector_store %arg13[%swap3A_217, %swap3A_218], %swap3A_221 {strides = array<i32>} : memref<40x128xf32, #tpu.memory_space<vmem>>, vector<1x16xf32>,
          %get3A_222 = arith.index_cast %scan3A_122 : i32 to index
          %get3A_223 = arith.constant 96 : index
          %get3A_224 = tpu.vector_load %arg13[%get3A_222, %get3A_223] {strides = array<i32>} : memref<40x128xf32, #tpu.memory_space<vmem>>, vector<1x16xf32>,
          %get3A_225 = vector.shape_cast %get3A_224 : vector<1x16xf32> to vector<16xf32>
          %get3A_226 = arith.index_cast %scan3A_122 : i32 to index
          %get3A_227 = arith.constant 96 : index
          %get3A_228 = tpu.vector_load %arg14[%get3A_226, %get3A_227] {strides = array<i32>} : memref<40x128xf32, #tpu.memory_space<vmem>>, vector<1x16xf32>,
          %get3A_229 = vector.shape_cast %get3A_228 : vector<1x16xf32> to vector<16xf32>
          %add3A_230 = arith.addf %get3A_225, %get3A_229 : vector<16xf32>
          %max3A_231 = arith.constant 0.000000e+00 : f32
          %max3A_232 = vector.broadcast %max3A_231 : f32 to vector<16xf32>
          %max3A_233 = arith.maximumf %add3A_230, %max3A_232 : vector<16xf32>
          %swap3A_234 = arith.index_cast %scan3A_122 : i32 to index
          %swap3A_235 = arith.constant 96 : index
          %swap3A_236 = tpu.vector_load %arg13[%swap3A_234, %swap3A_235] {strides = array<i32>} : memref<40x128xf32, #tpu.memory_space<vmem>>, vector<1x16xf32>,
          %swap3A_237 = vector.shape_cast %swap3A_236 : vector<1x16xf32> to vector<16xf32>
          %swap3A_238 = vector.shape_cast %max3A_233 : vector<16xf32> to vector<1x16xf32>
          tpu.vector_store %arg13[%swap3A_234, %swap3A_235], %swap3A_238 {strides = array<i32>} : memref<40x128xf32, #tpu.memory_space<vmem>>, vector<1x16xf32>,
          %get3A_239 = arith.index_cast %scan3A_122 : i32 to index
          %get3A_240 = arith.constant 112 : index
          %get3A_241 = tpu.vector_load %arg13[%get3A_239, %get3A_240] {strides = array<i32>} : memref<40x128xf32, #tpu.memory_space<vmem>>, vector<1x16xf32>,
          %get3A_242 = vector.shape_cast %get3A_241 : vector<1x16xf32> to vector<16xf32>
          %get3A_243 = arith.index_cast %scan3A_122 : i32 to index
          %get3A_244 = arith.constant 112 : index
          %get3A_245 = tpu.vector_load %arg14[%get3A_243, %get3A_244] {strides = array<i32>} : memref<40x128xf32, #tpu.memory_space<vmem>>, vector<1x16xf32>,
          %get3A_246 = vector.shape_cast %get3A_245 : vector<1x16xf32> to vector<16xf32>
          %add3A_247 = arith.addf %get3A_242, %get3A_246 : vector<16xf32>
          %max3A_248 = arith.constant 0.000000e+00 : f32
          %max3A_249 = vector.broadcast %max3A_248 : f32 to vector<16xf32>
          %max3A_250 = arith.maximumf %add3A_247, %max3A_249 : vector<16xf32>
          %swap3A_251 = arith.index_cast %scan3A_122 : i32 to index
          %swap3A_252 = arith.constant 112 : index
          %swap3A_253 = tpu.vector_load %arg13[%swap3A_251, %swap3A_252] {strides = array<i32>} : memref<40x128xf32, #tpu.memory_space<vmem>>, vector<1x16xf32>,
          %swap3A_254 = vector.shape_cast %swap3A_253 : vector<1x16xf32> to vector<16xf32>
          %swap3A_255 = vector.shape_cast %max3A_250 : vector<16xf32> to vector<1x16xf32>
          tpu.vector_store %arg13[%swap3A_251, %swap3A_252], %swap3A_255 {strides = array<i32>} : memref<40x128xf32, #tpu.memory_space<vmem>>, vector<1x16xf32>,
        }
        %scan3A_119 = arith.constant 40 : i32
        %add3A_120 = arith.constant 1 : i32
        %add3A_121 = arith.addi %mul3A_60, %add3A_120 : i32
        "tpu.region"() ({
          %run_scoped3A = tpu.sem_alloc : memref<!tpu.dma_semaphore, #tpu.memory_space<semaphore_mem>>
          %dma_start3A_122 = arith.constant 0 : i32
          %dma_start3A_123 = tpu.memref_slice %arg10[%add3A_121, %dma_start3A_122] : memref<50x40xi32, #tpu.memory_space<vmem>> -> memref<1x40xi32, #tpu.memory_space<vmem>>
          %dma_start3A_124 = tpu.memref_squeeze %dma_start3A_123 : memref<1x40xi32, #tpu.memory_space<vmem>> -> memref<40xi32, #tpu.memory_space<vmem>>
          %dma_start3A_125 = arith.constant 0 : i32
          %dma_start3A_126 = arith.constant 0 : i32
          %dma_start3A_127 = tpu.memref_slice %arg19[%dma_start3A_125, %dma_start3A_126] : memref<10000x128xf32, #tpu.memory_space<vmem_shared>> -> memref<10000x128xf32, #tpu.memory_space<vmem_shared>>
          tpu.enqueue_indirect_dma source(%arg13 : memref<40x128xf32, #tpu.memory_space<vmem>>) target(%dma_start3A_127 : memref<10000x128xf32, #tpu.memory_space<vmem_shared>>) offsets(%dma_start3A_124 : memref<40xi32, #tpu.memory_space<vmem>>) semaphore(%run_scoped3A : memref<!tpu.dma_semaphore, #tpu.memory_space<semaphore_mem>>) {add = true}
          %dma_wait3A_128 = arith.constant 0 : i32
          %dma_wait3A_129 = tpu.memref_slice %arg10[%add3A_121, %dma_wait3A_128] : memref<50x40xi32, #tpu.memory_space<vmem>> -> memref<1x40xi32, #tpu.memory_space<vmem>>
          %dma_wait3A_130 = tpu.memref_squeeze %dma_wait3A_129 : memref<1x40xi32, #tpu.memory_space<vmem>> -> memref<40xi32, #tpu.memory_space<vmem>>
          %dma_wait3A_131 = arith.constant 0 : i32
          %dma_wait3A_132 = arith.constant 0 : i32
          %dma_wait3A_133 = tpu.memref_slice %arg19[%dma_wait3A_131, %dma_wait3A_132] : memref<10000x128xf32, #tpu.memory_space<vmem_shared>> -> memref<10000x128xf32, #tpu.memory_space<vmem_shared>>
          tpu.wait_indirect_dma semaphore(%run_scoped3A : memref<!tpu.dma_semaphore, #tpu.memory_space<semaphore_mem>>) src(%arg13 : memref<40x128xf32, #tpu.memory_space<vmem>>) dst(%dma_wait3A_133 : memref<10000x128xf32, #tpu.memory_space<vmem_shared>>)
          tpu.yield
        }) : () -> ()
      }
      %scan3A_57 = arith.constant 25 : i32
    }
    %scan3A_21 = arith.constant 5 : i32
    %barrier3A_22 = arith.constant 0 : index
    tpu.barrier barrier_id(%barrier3A_22)
    %scan3A_23 = arith.constant 0 : i32
    %scan3A_24 = arith.constant 0 : i32
    %scan3A_25 = arith.constant 15 : i32
    %scan3A_26 = arith.addi %scan3A_24, %scan3A_25 : i32
    %scan3A_27 = arith.constant 1 : i32
    scf.for %scan3A_38 = %scan3A_24 to %scan3A_26 step %scan3A_27  : i32 {
      %mul3A_39 = arith.constant 624 : i32
      %mul3A_40 = arith.muli %arg1, %mul3A_39 : i32
      %mul3A_41 = arith.constant 40 : i32
      %mul3A_42 = arith.muli %scan3A_38, %mul3A_41 : i32
      %add3A_43 = arith.addi %mul3A_40, %mul3A_42 : i32
      "tpu.region"() ({
        %run_scoped3A = tpu.sem_alloc : memref<!tpu.dma_semaphore, #tpu.memory_space<semaphore_mem>>
        %dma_start3A = arith.constant 0 : i32
        %dma_start3A_44 = arith.constant 0 : i32
        %dma_start3A_45 = tpu.memref_slice %arg12[%dma_start3A, %dma_start3A_44] : memref<40x128xf32, #tpu.memory_space<vmem>> -> memref<40x128xf32, #tpu.memory_space<vmem>>
        %dma_start3A_46 = arith.constant 0 : i32
        %dma_start3A_47 = tpu.memref_slice %arg19[%add3A_43, %dma_start3A_46] : memref<10000x128xf32, #tpu.memory_space<vmem_shared>> -> memref<40x128xf32, #tpu.memory_space<vmem_shared>>
        %dma_start3A_48 = arith.constant 0 : i32
        %dma_start3A_49 = arith.constant 0 : i32
        %dma_start3A_50 = tpu.memref_slice %arg12[%dma_start3A_48, %dma_start3A_49] : memref<40x128xf32, #tpu.memory_space<vmem>> -> memref<40x128xf32, #tpu.memory_space<vmem>>
        %dma_start3A_51 = arith.constant 0 : i32
        %dma_start3A_52 = tpu.memref_slice %arg19[%add3A_43, %dma_start3A_51] : memref<10000x128xf32, #tpu.memory_space<vmem_shared>> -> memref<40x128xf32, #tpu.memory_space<vmem_shared>>
        tpu.enqueue_dma source(%dma_start3A_52 : memref<40x128xf32, #tpu.memory_space<vmem_shared>>) target(%dma_start3A_50 : memref<40x128xf32, #tpu.memory_space<vmem>>) target_semaphore(%run_scoped3A : memref<!tpu.dma_semaphore, #tpu.memory_space<semaphore_mem>>)
        %dma_wait3A = arith.constant 0 : i32
        %dma_wait3A_53 = arith.constant 0 : i32
        %dma_wait3A_54 = tpu.memref_slice %arg12[%dma_wait3A, %dma_wait3A_53] : memref<40x128xf32, #tpu.memory_space<vmem>> -> memref<40x128xf32, #tpu.memory_space<vmem>>
        %dma_wait3A_55 = arith.constant 0 : i32
        %dma_wait3A_56 = tpu.memref_slice %arg19[%add3A_43, %dma_wait3A_55] : memref<10000x128xf32, #tpu.memory_space<vmem_shared>> -> memref<40x128xf32, #tpu.memory_space<vmem_shared>>
        %dma_wait3A_57 = arith.constant 0 : i32
        %dma_wait3A_58 = arith.constant 0 : i32
        %dma_wait3A_59 = tpu.memref_slice %arg12[%dma_wait3A_57, %dma_wait3A_58] : memref<40x128xf32, #tpu.memory_space<vmem>> -> memref<40x128xf32, #tpu.memory_space<vmem>>
        %dma_wait3A_60 = arith.constant 0 : i32
        %dma_wait3A_61 = tpu.memref_slice %arg19[%add3A_43, %dma_wait3A_60] : memref<10000x128xf32, #tpu.memory_space<vmem_shared>> -> memref<40x128xf32, #tpu.memory_space<vmem_shared>>
        tpu.wait_dma2 semaphore(%run_scoped3A : memref<!tpu.dma_semaphore, #tpu.memory_space<semaphore_mem>>) src(%dma_wait3A_61 : memref<40x128xf32, #tpu.memory_space<vmem_shared>>) dst(%dma_wait3A_59 : memref<40x128xf32, #tpu.memory_space<vmem>>)
        tpu.yield
      }) : () -> ()
      "tpu.region"() ({
        %run_scoped3A = tpu.sem_alloc : memref<!tpu.dma_semaphore, #tpu.memory_space<semaphore_mem>>
        %dma_start3A = arith.constant 0 : i32
        %dma_start3A_44 = arith.constant 0 : i32
        %dma_start3A_45 = tpu.memref_slice %arg12[%dma_start3A, %dma_start3A_44] : memref<40x128xf32, #tpu.memory_space<vmem>> -> memref<40x128xf32, #tpu.memory_space<vmem>>
        %dma_start3A_46 = arith.constant 0 : i32
        %dma_start3A_47 = tpu.memref_slice %arg7[%arg0, %add3A_43, %dma_start3A_46] : memref<2x10240x128xf32, #tpu.memory_space<hbm>> -> memref<1x40x128xf32, #tpu.memory_space<hbm>>
        %dma_start3A_48 = tpu.memref_squeeze %dma_start3A_47 : memref<1x40x128xf32, #tpu.memory_space<hbm>> -> memref<40x128xf32, #tpu.memory_space<hbm>>
        %dma_start3A_49 = arith.constant 0 : i32
        %dma_start3A_50 = tpu.memref_slice %arg7[%arg0, %add3A_43, %dma_start3A_49] : memref<2x10240x128xf32, #tpu.memory_space<hbm>> -> memref<1x40x128xf32, #tpu.memory_space<hbm>>
        %dma_start3A_51 = tpu.memref_squeeze %dma_start3A_50 : memref<1x40x128xf32, #tpu.memory_space<hbm>> -> memref<40x128xf32, #tpu.memory_space<hbm>>
        %dma_start3A_52 = arith.constant 0 : i32
        %dma_start3A_53 = arith.constant 0 : i32
        %dma_start3A_54 = tpu.memref_slice %arg12[%dma_start3A_52, %dma_start3A_53] : memref<40x128xf32, #tpu.memory_space<vmem>> -> memref<40x128xf32, #tpu.memory_space<vmem>>
        tpu.enqueue_dma source(%dma_start3A_54 : memref<40x128xf32, #tpu.memory_space<vmem>>) target(%dma_start3A_51 : memref<40x128xf32, #tpu.memory_space<hbm>>) target_semaphore(%run_scoped3A : memref<!tpu.dma_semaphore, #tpu.memory_space<semaphore_mem>>)
        %dma_wait3A = arith.constant 0 : i32
        %dma_wait3A_55 = arith.constant 0 : i32
        %dma_wait3A_56 = tpu.memref_slice %arg12[%dma_wait3A, %dma_wait3A_55] : memref<40x128xf32, #tpu.memory_space<vmem>> -> memref<40x128xf32, #tpu.memory_space<vmem>>
        %dma_wait3A_57 = arith.constant 0 : i32
        %dma_wait3A_58 = tpu.memref_slice %arg7[%arg0, %add3A_43, %dma_wait3A_57] : memref<2x10240x128xf32, #tpu.memory_space<hbm>> -> memref<1x40x128xf32, #tpu.memory_space<hbm>>
        %dma_wait3A_59 = tpu.memref_squeeze %dma_wait3A_58 : memref<1x40x128xf32, #tpu.memory_space<hbm>> -> memref<40x128xf32, #tpu.memory_space<hbm>>
        %dma_wait3A_60 = arith.constant 0 : i32
        %dma_wait3A_61 = tpu.memref_slice %arg7[%arg0, %add3A_43, %dma_wait3A_60] : memref<2x10240x128xf32, #tpu.memory_space<hbm>> -> memref<1x40x128xf32, #tpu.memory_space<hbm>>
        %dma_wait3A_62 = tpu.memref_squeeze %dma_wait3A_61 : memref<1x40x128xf32, #tpu.memory_space<hbm>> -> memref<40x128xf32, #tpu.memory_space<hbm>>
        %dma_wait3A_63 = arith.constant 0 : i32
        %dma_wait3A_64 = arith.constant 0 : i32
        %dma_wait3A_65 = tpu.memref_slice %arg12[%dma_wait3A_63, %dma_wait3A_64] : memref<40x128xf32, #tpu.memory_space<vmem>> -> memref<40x128xf32, #tpu.memory_space<vmem>>
        tpu.wait_dma2 semaphore(%run_scoped3A : memref<!tpu.dma_semaphore, #tpu.memory_space<semaphore_mem>>) src(%dma_wait3A_65 : memref<40x128xf32, #tpu.memory_space<vmem>>) dst(%dma_wait3A_62 : memref<40x128xf32, #tpu.memory_space<hbm>>)
        tpu.yield
      }) : () -> ()
    }
    %scan3A_28 = arith.constant 15 : i32
    %mul3A_29 = arith.constant 624 : i32
    %mul3A_30 = arith.muli %arg1, %mul3A_29 : i32
    %add3A_31 = arith.constant 600 : i32
    %add3A_32 = arith.addi %mul3A_30, %add3A_31 : i32
    "tpu.region"() ({
      %run_scoped3A = tpu.sem_alloc : memref<!tpu.dma_semaphore, #tpu.memory_space<semaphore_mem>>
      %dma_start3A = arith.constant 0 : i32
      %dma_start3A_38 = arith.constant 0 : i32
      %dma_start3A_39 = tpu.memref_slice %arg12[%dma_start3A, %dma_start3A_38] : memref<40x128xf32, #tpu.memory_space<vmem>> -> memref<24x128xf32, #tpu.memory_space<vmem>>
      %dma_start3A_40 = arith.constant 0 : i32
      %dma_start3A_41 = tpu.memref_slice %arg19[%add3A_32, %dma_start3A_40] : memref<10000x128xf32, #tpu.memory_space<vmem_shared>> -> memref<24x128xf32, #tpu.memory_space<vmem_shared>>
      %dma_start3A_42 = arith.constant 0 : i32
      %dma_start3A_43 = arith.constant 0 : i32
      %dma_start3A_44 = tpu.memref_slice %arg12[%dma_start3A_42, %dma_start3A_43] : memref<40x128xf32, #tpu.memory_space<vmem>> -> memref<24x128xf32, #tpu.memory_space<vmem>>
      %dma_start3A_45 = arith.constant 0 : i32
      %dma_start3A_46 = tpu.memref_slice %arg19[%add3A_32, %dma_start3A_45] : memref<10000x128xf32, #tpu.memory_space<vmem_shared>> -> memref<24x128xf32, #tpu.memory_space<vmem_shared>>
      tpu.enqueue_dma source(%dma_start3A_46 : memref<24x128xf32, #tpu.memory_space<vmem_shared>>) target(%dma_start3A_44 : memref<24x128xf32, #tpu.memory_space<vmem>>) target_semaphore(%run_scoped3A : memref<!tpu.dma_semaphore, #tpu.memory_space<semaphore_mem>>)
      %dma_wait3A = arith.constant 0 : i32
      %dma_wait3A_47 = arith.constant 0 : i32
      %dma_wait3A_48 = tpu.memref_slice %arg12[%dma_wait3A, %dma_wait3A_47] : memref<40x128xf32, #tpu.memory_space<vmem>> -> memref<24x128xf32, #tpu.memory_space<vmem>>
      %dma_wait3A_49 = arith.constant 0 : i32
      %dma_wait3A_50 = tpu.memref_slice %arg19[%add3A_32, %dma_wait3A_49] : memref<10000x128xf32, #tpu.memory_space<vmem_shared>> -> memref<24x128xf32, #tpu.memory_space<vmem_shared>>
      %dma_wait3A_51 = arith.constant 0 : i32
      %dma_wait3A_52 = arith.constant 0 : i32
      %dma_wait3A_53 = tpu.memref_slice %arg12[%dma_wait3A_51, %dma_wait3A_52] : memref<40x128xf32, #tpu.memory_space<vmem>> -> memref<24x128xf32, #tpu.memory_space<vmem>>
      %dma_wait3A_54 = arith.constant 0 : i32
      %dma_wait3A_55 = tpu.memref_slice %arg19[%add3A_32, %dma_wait3A_54] : memref<10000x128xf32, #tpu.memory_space<vmem_shared>> -> memref<24x128xf32, #tpu.memory_space<vmem_shared>>
      tpu.wait_dma2 semaphore(%run_scoped3A : memref<!tpu.dma_semaphore, #tpu.memory_space<semaphore_mem>>) src(%dma_wait3A_55 : memref<24x128xf32, #tpu.memory_space<vmem_shared>>) dst(%dma_wait3A_53 : memref<24x128xf32, #tpu.memory_space<vmem>>)
      tpu.yield
    }) : () -> ()
    "tpu.region"() ({
      %run_scoped3A = tpu.sem_alloc : memref<!tpu.dma_semaphore, #tpu.memory_space<semaphore_mem>>
      %dma_start3A = arith.constant 0 : i32
      %dma_start3A_38 = arith.constant 0 : i32
      %dma_start3A_39 = tpu.memref_slice %arg12[%dma_start3A, %dma_start3A_38] : memref<40x128xf32, #tpu.memory_space<vmem>> -> memref<24x128xf32, #tpu.memory_space<vmem>>
      %dma_start3A_40 = arith.constant 0 : i32
      %dma_start3A_41 = tpu.memref_slice %arg7[%arg0, %add3A_32, %dma_start3A_40] : memref<2x10240x128xf32, #tpu.memory_space<hbm>> -> memref<1x24x128xf32, #tpu.memory_space<hbm>>
      %dma_start3A_42 = tpu.memref_squeeze %dma_start3A_41 : memref<1x24x128xf32, #tpu.memory_space<hbm>> -> memref<24x128xf32, #tpu.memory_space<hbm>>
      %dma_start3A_43 = arith.constant 0 : i32
      %dma_start3A_44 = tpu.memref_slice %arg7[%arg0, %add3A_32, %dma_start3A_43] : memref<2x10240x128xf32, #tpu.memory_space<hbm>> -> memref<1x24x128xf32, #tpu.memory_space<hbm>>
      %dma_start3A_45 = tpu.memref_squeeze %dma_start3A_44 : memref<1x24x128xf32, #tpu.memory_space<hbm>> -> memref<24x128xf32, #tpu.memory_space<hbm>>
      %dma_start3A_46 = arith.constant 0 : i32
      %dma_start3A_47 = arith.constant 0 : i32
      %dma_start3A_48 = tpu.memref_slice %arg12[%dma_start3A_46, %dma_start3A_47] : memref<40x128xf32, #tpu.memory_space<vmem>> -> memref<24x128xf32, #tpu.memory_space<vmem>>
      tpu.enqueue_dma source(%dma_start3A_48 : memref<24x128xf32, #tpu.memory_space<vmem>>) target(%dma_start3A_45 : memref<24x128xf32, #tpu.memory_space<hbm>>) target_semaphore(%run_scoped3A : memref<!tpu.dma_semaphore, #tpu.memory_space<semaphore_mem>>)
      %dma_wait3A = arith.constant 0 : i32
      %dma_wait3A_49 = arith.constant 0 : i32
      %dma_wait3A_50 = tpu.memref_slice %arg12[%dma_wait3A, %dma_wait3A_49] : memref<40x128xf32, #tpu.memory_space<vmem>> -> memref<24x128xf32, #tpu.memory_space<vmem>>
      %dma_wait3A_51 = arith.constant 0 : i32
      %dma_wait3A_52 = tpu.memref_slice %arg7[%arg0, %add3A_32, %dma_wait3A_51] : memref<2x10240x128xf32, #tpu.memory_space<hbm>> -> memref<1x24x128xf32, #tpu.memory_space<hbm>>
      %dma_wait3A_53 = tpu.memref_squeeze %dma_wait3A_52 : memref<1x24x128xf32, #tpu.memory_space<hbm>> -> memref<24x128xf32, #tpu.memory_space<hbm>>
      %dma_wait3A_54 = arith.constant 0 : i32
      %dma_wait3A_55 = tpu.memref_slice %arg7[%arg0, %add3A_32, %dma_wait3A_54] : memref<2x10240x128xf32, #tpu.memory_space<hbm>> -> memref<1x24x128xf32, #tpu.memory_space<hbm>>
      %dma_wait3A_56 = tpu.memref_squeeze %dma_wait3A_55 : memref<1x24x128xf32, #tpu.memory_space<hbm>> -> memref<24x128xf32, #tpu.memory_space<hbm>>
      %dma_wait3A_57 = arith.constant 0 : i32
      %dma_wait3A_58 = arith.constant 0 : i32
      %dma_wait3A_59 = tpu.memref_slice %arg12[%dma_wait3A_57, %dma_wait3A_58] : memref<40x128xf32, #tpu.memory_space<vmem>> -> memref<24x128xf32, #tpu.memory_space<vmem>>
      tpu.wait_dma2 semaphore(%run_scoped3A : memref<!tpu.dma_semaphore, #tpu.memory_space<semaphore_mem>>) src(%dma_wait3A_59 : memref<24x128xf32, #tpu.memory_space<vmem>>) dst(%dma_wait3A_56 : memref<24x128xf32, #tpu.memory_space<hbm>>)
      tpu.yield
    }) : () -> ()
    %eq3A_33 = arith.constant 0 : i32
    %eq3A_34 = arith.cmpi eq, %arg1, %eq3A_33 : i32
    %convert_element_type3A_35 = arith.extui %eq3A_34 : i1 to i32
    %cond3A_36 = arith.constant 0 : i32
    %cond3A_37 = arith.cmpi ne, %convert_element_type3A_35, %cond3A_36 : i32
    scf.if %cond3A_37 {
      "tpu.region"() ({
        %run_scoped3A = tpu.sem_alloc : memref<!tpu.dma_semaphore, #tpu.memory_space<semaphore_mem>>
        %dma_start3A = arith.constant 0 : i32
        %dma_start3A_38 = arith.constant 0 : i32
        %dma_start3A_39 = tpu.memref_slice %arg12[%dma_start3A, %dma_start3A_38] : memref<40x128xf32, #tpu.memory_space<vmem>> -> memref<16x128xf32, #tpu.memory_space<vmem>>
        %dma_start3A_40 = arith.constant 9984 : i32
        %dma_start3A_41 = arith.constant 0 : i32
        %dma_start3A_42 = tpu.memref_slice %arg19[%dma_start3A_40, %dma_start3A_41] : memref<10000x128xf32, #tpu.memory_space<vmem_shared>> -> memref<16x128xf32, #tpu.memory_space<vmem_shared>>
        %dma_start3A_43 = arith.constant 0 : i32
        %dma_start3A_44 = arith.constant 0 : i32
        %dma_start3A_45 = tpu.memref_slice %arg12[%dma_start3A_43, %dma_start3A_44] : memref<40x128xf32, #tpu.memory_space<vmem>> -> memref<16x128xf32, #tpu.memory_space<vmem>>
        %dma_start3A_46 = arith.constant 9984 : i32
        %dma_start3A_47 = arith.constant 0 : i32
        %dma_start3A_48 = tpu.memref_slice %arg19[%dma_start3A_46, %dma_start3A_47] : memref<10000x128xf32, #tpu.memory_space<vmem_shared>> -> memref<16x128xf32, #tpu.memory_space<vmem_shared>>
        tpu.enqueue_dma source(%dma_start3A_48 : memref<16x128xf32, #tpu.memory_space<vmem_shared>>) target(%dma_start3A_45 : memref<16x128xf32, #tpu.memory_space<vmem>>) target_semaphore(%run_scoped3A : memref<!tpu.dma_semaphore, #tpu.memory_space<semaphore_mem>>)
        %dma_wait3A = arith.constant 0 : i32
        %dma_wait3A_49 = arith.constant 0 : i32
        %dma_wait3A_50 = tpu.memref_slice %arg12[%dma_wait3A, %dma_wait3A_49] : memref<40x128xf32, #tpu.memory_space<vmem>> -> memref<16x128xf32, #tpu.memory_space<vmem>>
        %dma_wait3A_51 = arith.constant 9984 : i32
        %dma_wait3A_52 = arith.constant 0 : i32
        %dma_wait3A_53 = tpu.memref_slice %arg19[%dma_wait3A_51, %dma_wait3A_52] : memref<10000x128xf32, #tpu.memory_space<vmem_shared>> -> memref<16x128xf32, #tpu.memory_space<vmem_shared>>
        %dma_wait3A_54 = arith.constant 0 : i32
        %dma_wait3A_55 = arith.constant 0 : i32
        %dma_wait3A_56 = tpu.memref_slice %arg12[%dma_wait3A_54, %dma_wait3A_55] : memref<40x128xf32, #tpu.memory_space<vmem>> -> memref<16x128xf32, #tpu.memory_space<vmem>>
        %dma_wait3A_57 = arith.constant 9984 : i32
        %dma_wait3A_58 = arith.constant 0 : i32
        %dma_wait3A_59 = tpu.memref_slice %arg19[%dma_wait3A_57, %dma_wait3A_58] : memref<10000x128xf32, #tpu.memory_space<vmem_shared>> -> memref<16x128xf32, #tpu.memory_space<vmem_shared>>
        tpu.wait_dma2 semaphore(%run_scoped3A : memref<!tpu.dma_semaphore, #tpu.memory_space<semaphore_mem>>) src(%dma_wait3A_59 : memref<16x128xf32, #tpu.memory_space<vmem_shared>>) dst(%dma_wait3A_56 : memref<16x128xf32, #tpu.memory_space<vmem>>)
        tpu.yield
      }) : () -> ()
      "tpu.region"() ({
        %run_scoped3A = tpu.sem_alloc : memref<!tpu.dma_semaphore, #tpu.memory_space<semaphore_mem>>
        %dma_start3A = arith.constant 0 : i32
        %dma_start3A_38 = arith.constant 0 : i32
        %dma_start3A_39 = tpu.memref_slice %arg12[%dma_start3A, %dma_start3A_38] : memref<40x128xf32, #tpu.memory_space<vmem>> -> memref<16x128xf32, #tpu.memory_space<vmem>>
        %dma_start3A_40 = arith.constant 9984 : i32
        %dma_start3A_41 = arith.constant 0 : i32
        %dma_start3A_42 = tpu.memref_slice %arg7[%arg0, %dma_start3A_40, %dma_start3A_41] : memref<2x10240x128xf32, #tpu.memory_space<hbm>> -> memref<1x16x128xf32, #tpu.memory_space<hbm>>
        %dma_start3A_43 = tpu.memref_squeeze %dma_start3A_42 : memref<1x16x128xf32, #tpu.memory_space<hbm>> -> memref<16x128xf32, #tpu.memory_space<hbm>>
        %dma_start3A_44 = arith.constant 9984 : i32
        %dma_start3A_45 = arith.constant 0 : i32
        %dma_start3A_46 = tpu.memref_slice %arg7[%arg0, %dma_start3A_44, %dma_start3A_45] : memref<2x10240x128xf32, #tpu.memory_space<hbm>> -> memref<1x16x128xf32, #tpu.memory_space<hbm>>
        %dma_start3A_47 = tpu.memref_squeeze %dma_start3A_46 : memref<1x16x128xf32, #tpu.memory_space<hbm>> -> memref<16x128xf32, #tpu.memory_space<hbm>>
        %dma_start3A_48 = arith.constant 0 : i32
        %dma_start3A_49 = arith.constant 0 : i32
        %dma_start3A_50 = tpu.memref_slice %arg12[%dma_start3A_48, %dma_start3A_49] : memref<40x128xf32, #tpu.memory_space<vmem>> -> memref<16x128xf32, #tpu.memory_space<vmem>>
        tpu.enqueue_dma source(%dma_start3A_50 : memref<16x128xf32, #tpu.memory_space<vmem>>) target(%dma_start3A_47 : memref<16x128xf32, #tpu.memory_space<hbm>>) target_semaphore(%run_scoped3A : memref<!tpu.dma_semaphore, #tpu.memory_space<semaphore_mem>>)
        %dma_wait3A = arith.constant 0 : i32
        %dma_wait3A_51 = arith.constant 0 : i32
        %dma_wait3A_52 = tpu.memref_slice %arg12[%dma_wait3A, %dma_wait3A_51] : memref<40x128xf32, #tpu.memory_space<vmem>> -> memref<16x128xf32, #tpu.memory_space<vmem>>
        %dma_wait3A_53 = arith.constant 9984 : i32
        %dma_wait3A_54 = arith.constant 0 : i32
        %dma_wait3A_55 = tpu.memref_slice %arg7[%arg0, %dma_wait3A_53, %dma_wait3A_54] : memref<2x10240x128xf32, #tpu.memory_space<hbm>> -> memref<1x16x128xf32, #tpu.memory_space<hbm>>
        %dma_wait3A_56 = tpu.memref_squeeze %dma_wait3A_55 : memref<1x16x128xf32, #tpu.memory_space<hbm>> -> memref<16x128xf32, #tpu.memory_space<hbm>>
        %dma_wait3A_57 = arith.constant 9984 : i32
        %dma_wait3A_58 = arith.constant 0 : i32
        %dma_wait3A_59 = tpu.memref_slice %arg7[%arg0, %dma_wait3A_57, %dma_wait3A_58] : memref<2x10240x128xf32, #tpu.memory_space<hbm>> -> memref<1x16x128xf32, #tpu.memory_space<hbm>>
        %dma_wait3A_60 = tpu.memref_squeeze %dma_wait3A_59 : memref<1x16x128xf32, #tpu.memory_space<hbm>> -> memref<16x128xf32, #tpu.memory_space<hbm>>
        %dma_wait3A_61 = arith.constant 0 : i32
        %dma_wait3A_62 = arith.constant 0 : i32
        %dma_wait3A_63 = tpu.memref_slice %arg12[%dma_wait3A_61, %dma_wait3A_62] : memref<40x128xf32, #tpu.memory_space<vmem>> -> memref<16x128xf32, #tpu.memory_space<vmem>>
        tpu.wait_dma2 semaphore(%run_scoped3A : memref<!tpu.dma_semaphore, #tpu.memory_space<semaphore_mem>>) src(%dma_wait3A_63 : memref<16x128xf32, #tpu.memory_space<vmem>>) dst(%dma_wait3A_60 : memref<16x128xf32, #tpu.memory_space<hbm>>)
        tpu.yield
      }) : () -> ()
    } else {
    }
    return
  }
}

module attributes {stable_mosaic.version = 14 : i64} {
  func.func @_pre_body(%arg0: i32, %arg1: memref<1024x256xf32, #tpu.memory_space<vmem>>, %arg2: memref<512x256xf32, #tpu.memory_space<vmem>>, %arg3: memref<1x256xf32, #tpu.memory_space<vmem>>, %arg4: memref<2x1024x128xf32, #tpu.memory_space<vmem>>, %arg5: memref<2x1024x128xf32, #tpu.memory_space<vmem>>) attributes {dimension_semantics = [#tpu.dimension_semantics<arbitrary>], iteration_bounds = array<i64: 10>, scalar_prefetch = 0 : i64, scratch_operands = 0 : i64, tpu.core_type = #tpu.core_type<tc>, window_params = [{transform_indices = @transform_0, window_bounds = array<i64: 1024, 256>}, {pipeline_mode = #tpu.pipeline_mode<synchronous>, transform_indices = @transform_1, window_bounds = array<i64: 512, 256>}, {pipeline_mode = #tpu.pipeline_mode<synchronous>, transform_indices = @transform_2, window_bounds = array<i64: 1, 256>}, {transform_indices = @transform_3, window_bounds = array<i64: 2, 1024, 128>}, {transform_indices = @transform_4, window_bounds = array<i64: 2, 1024, 128>}]} {
    %get3A = arith.constant 0 : index
    %get3A_0 = arith.constant 0 : index
    %get3A_1 = vector.load %arg2[%get3A, %get3A_0] : memref<512x256xf32, #tpu.memory_space<vmem>>, vector<512x256xf32>
    %slice3A = vector.extract_strided_slice %get3A_1 {offsets = [0, 0], sizes = [256, 256], strides = [1, 1]} : vector<512x256xf32> to vector<256x256xf32>
    %slice3A_2 = vector.extract_strided_slice %get3A_1 {offsets = [256, 0], sizes = [256, 256], strides = [1, 1]} : vector<512x256xf32> to vector<256x256xf32>
    %sub3A = arith.subf %slice3A, %slice3A_2 : vector<256x256xf32>
    %slice3A_3 = vector.extract_strided_slice %get3A_1 {offsets = [256, 0], sizes = [256, 256], strides = [1, 1]} : vector<512x256xf32> to vector<256x256xf32>
    %get3A_4 = arith.constant 0 : index
    %get3A_5 = arith.constant 0 : index
    %get3A_6 = vector.load %arg1[%get3A_4, %get3A_5] : memref<1024x256xf32, #tpu.memory_space<vmem>>, vector<1024x256xf32>
    %dot_general3A = arith.constant dense<0.000000e+00> : vector<1024x256xf32>
    %dot_general3A_7 = tpu.matmul %get3A_6, %sub3A, %dot_general3A {dimension_numbers = #tpu.dot_dimension_numbers<[1], [0], [0], [1], [0, 0, 1, 1], [], []>, transpose_lhs_hint = false} : vector<1024x256xf32>, vector<256x256xf32>, vector<1024x256xf32> -> vector<1024x256xf32>
    %get3A_8 = arith.constant 0 : index
    %get3A_9 = arith.constant 0 : index
    %get3A_10 = vector.load %arg3[%get3A_8, %get3A_9] : memref<1x256xf32, #tpu.memory_space<vmem>>, vector<1x256xf32>
    %add3A = vector.broadcast %get3A_10 : vector<1x256xf32> to vector<1024x256xf32>
    %add3A_11 = arith.addf %dot_general3A_7, %add3A : vector<1024x256xf32>
    %dot_general3A_12 = arith.constant dense<0.000000e+00> : vector<1024x256xf32>
    %dot_general3A_13 = tpu.matmul %get3A_6, %slice3A_3, %dot_general3A_12 {dimension_numbers = #tpu.dot_dimension_numbers<[1], [0], [0], [1], [0, 0, 1, 1], [], []>, transpose_lhs_hint = false} : vector<1024x256xf32>, vector<256x256xf32>, vector<1024x256xf32> -> vector<1024x256xf32>
    %slice3A_14 = vector.extract_strided_slice %add3A_11 {offsets = [0, 0], sizes = [1024, 128], strides = [1, 1]} : vector<1024x256xf32> to vector<1024x128xf32>
    %swap3A = arith.constant 0 : index
    %swap3A_15 = arith.constant 0 : index
    %swap3A_16 = arith.constant 0 : index
    %swap3A_17 = vector.load %arg4[%swap3A, %swap3A_15, %swap3A_16] : memref<2x1024x128xf32, #tpu.memory_space<vmem>>, vector<1x1024x128xf32>
    %swap3A_18 = vector.shape_cast %swap3A_17 : vector<1x1024x128xf32> to vector<1024x128xf32>
    %swap3A_19 = vector.shape_cast %slice3A_14 : vector<1024x128xf32> to vector<1x1024x128xf32>
    tpu.vector_store %arg4[%swap3A, %swap3A_15, %swap3A_16], %swap3A_19 {strides = array<i32>} : memref<2x1024x128xf32, #tpu.memory_space<vmem>>, vector<1x1024x128xf32>,
    %slice3A_20 = vector.extract_strided_slice %add3A_11 {offsets = [0, 128], sizes = [1024, 128], strides = [1, 1]} : vector<1024x256xf32> to vector<1024x128xf32>
    %swap3A_21 = arith.constant 1 : index
    %swap3A_22 = arith.constant 0 : index
    %swap3A_23 = arith.constant 0 : index
    %swap3A_24 = vector.load %arg4[%swap3A_21, %swap3A_22, %swap3A_23] : memref<2x1024x128xf32, #tpu.memory_space<vmem>>, vector<1x1024x128xf32>
    %swap3A_25 = vector.shape_cast %swap3A_24 : vector<1x1024x128xf32> to vector<1024x128xf32>
    %swap3A_26 = vector.shape_cast %slice3A_20 : vector<1024x128xf32> to vector<1x1024x128xf32>
    tpu.vector_store %arg4[%swap3A_21, %swap3A_22, %swap3A_23], %swap3A_26 {strides = array<i32>} : memref<2x1024x128xf32, #tpu.memory_space<vmem>>, vector<1x1024x128xf32>,
    %slice3A_27 = vector.extract_strided_slice %dot_general3A_13 {offsets = [0, 0], sizes = [1024, 128], strides = [1, 1]} : vector<1024x256xf32> to vector<1024x128xf32>
    %swap3A_28 = arith.constant 0 : index
    %swap3A_29 = arith.constant 0 : index
    %swap3A_30 = arith.constant 0 : index
    %swap3A_31 = vector.load %arg5[%swap3A_28, %swap3A_29, %swap3A_30] : memref<2x1024x128xf32, #tpu.memory_space<vmem>>, vector<1x1024x128xf32>
    %swap3A_32 = vector.shape_cast %swap3A_31 : vector<1x1024x128xf32> to vector<1024x128xf32>
    %swap3A_33 = vector.shape_cast %slice3A_27 : vector<1024x128xf32> to vector<1x1024x128xf32>
    tpu.vector_store %arg5[%swap3A_28, %swap3A_29, %swap3A_30], %swap3A_33 {strides = array<i32>} : memref<2x1024x128xf32, #tpu.memory_space<vmem>>, vector<1x1024x128xf32>,
    %slice3A_34 = vector.extract_strided_slice %dot_general3A_13 {offsets = [0, 128], sizes = [1024, 128], strides = [1, 1]} : vector<1024x256xf32> to vector<1024x128xf32>
    %swap3A_35 = arith.constant 1 : index
    %swap3A_36 = arith.constant 0 : index
    %swap3A_37 = arith.constant 0 : index
    %swap3A_38 = vector.load %arg5[%swap3A_35, %swap3A_36, %swap3A_37] : memref<2x1024x128xf32, #tpu.memory_space<vmem>>, vector<1x1024x128xf32>
    %swap3A_39 = vector.shape_cast %swap3A_38 : vector<1x1024x128xf32> to vector<1024x128xf32>
    %swap3A_40 = vector.shape_cast %slice3A_34 : vector<1024x128xf32> to vector<1x1024x128xf32>
    tpu.vector_store %arg5[%swap3A_35, %swap3A_36, %swap3A_37], %swap3A_40 {strides = array<i32>} : memref<2x1024x128xf32, #tpu.memory_space<vmem>>, vector<1x1024x128xf32>,
    return
  }
  func.func @transform_0(%arg0: i32) -> (i32, i32) {
    %c0_i32 = arith.constant 0 : i32
    %c0_i32_0 = arith.constant 0 : i32
    return %arg0, %c0_i32 : i32, i32
  }
  func.func @transform_1(%arg0: i32) -> (i32, i32) {
    %c0_i32 = arith.constant 0 : i32
    %c0_i32_0 = arith.constant 0 : i32
    %c0_i32_1 = arith.constant 0 : i32
    return %c0_i32, %c0_i32_0 : i32, i32
  }
  func.func @transform_2(%arg0: i32) -> (i32, i32) {
    %c0_i32 = arith.constant 0 : i32
    %c0_i32_0 = arith.constant 0 : i32
    %c0_i32_1 = arith.constant 0 : i32
    return %c0_i32, %c0_i32_0 : i32, i32
  }
  func.func @transform_3(%arg0: i32) -> (i32, i32, i32) {
    %c0_i32 = arith.constant 0 : i32
    %c0_i32_0 = arith.constant 0 : i32
    %c0_i32_1 = arith.constant 0 : i32
    return %c0_i32, %arg0, %c0_i32_0 : i32, i32, i32
  }
  func.func @transform_4(%arg0: i32) -> (i32, i32, i32) {
    %c0_i32 = arith.constant 0 : i32
    %c0_i32_0 = arith.constant 0 : i32
    %c0_i32_1 = arith.constant 0 : i32
    return %c0_i32, %arg0, %c0_i32_0 : i32, i32, i32
  }
}

module attributes {stable_mosaic.version = 14 : i64} {
  func.func @_mid_body(%arg0: i32, %arg1: memref<2x1024x128xf32, #tpu.memory_space<vmem>>, %arg2: memref<2x1024x128xf32, #tpu.memory_space<vmem>>, %arg3: memref<256x256xf32, #tpu.memory_space<vmem>>, %arg4: memref<1x256xf32, #tpu.memory_space<vmem>>, %arg5: memref<512x256xf32, #tpu.memory_space<vmem>>, %arg6: memref<1x256xf32, #tpu.memory_space<vmem>>, %arg7: memref<2x1024x128xf32, #tpu.memory_space<vmem>>, %arg8: memref<2x1024x128xf32, #tpu.memory_space<vmem>>) attributes {dimension_semantics = [#tpu.dimension_semantics<arbitrary>], iteration_bounds = array<i64: 10>, scalar_prefetch = 0 : i64, scratch_operands = 0 : i64, tpu.core_type = #tpu.core_type<tc>, window_params = [{transform_indices = @transform_0, window_bounds = array<i64: 2, 1024, 128>}, {transform_indices = @transform_1, window_bounds = array<i64: 2, 1024, 128>}, {pipeline_mode = #tpu.pipeline_mode<synchronous>, transform_indices = @transform_2, window_bounds = array<i64: 256, 256>}, {pipeline_mode = #tpu.pipeline_mode<synchronous>, transform_indices = @transform_3, window_bounds = array<i64: 1, 256>}, {pipeline_mode = #tpu.pipeline_mode<synchronous>, transform_indices = @transform_4, window_bounds = array<i64: 512, 256>}, {pipeline_mode = #tpu.pipeline_mode<synchronous>, transform_indices = @transform_5, window_bounds = array<i64: 1, 256>}, {transform_indices = @transform_6, window_bounds = array<i64: 2, 1024, 128>}, {transform_indices = @transform_7, window_bounds = array<i64: 2, 1024, 128>}]} {
    %get3A = arith.constant 0 : index
    %get3A_0 = arith.constant 0 : index
    %get3A_1 = arith.constant 0 : index
    %get3A_2 = vector.load %arg2[%get3A, %get3A_0, %get3A_1] : memref<2x1024x128xf32, #tpu.memory_space<vmem>>, vector<1x1024x128xf32>
    %get3A_3 = vector.shape_cast %get3A_2 : vector<1x1024x128xf32> to vector<1024x128xf32>
    %slice3A = vector.extract_strided_slice %get3A_3 {offsets = [0, 0], sizes = [1024, 1], strides = [1, 1]} : vector<1024x128xf32> to vector<1024x1xf32>
    %get3A_4 = arith.constant 1 : index
    %get3A_5 = arith.constant 0 : index
    %get3A_6 = arith.constant 0 : index
    %get3A_7 = vector.load %arg2[%get3A_4, %get3A_5, %get3A_6] : memref<2x1024x128xf32, #tpu.memory_space<vmem>>, vector<1x1024x128xf32>
    %get3A_8 = vector.shape_cast %get3A_7 : vector<1x1024x128xf32> to vector<1024x128xf32>
    %slice3A_9 = vector.extract_strided_slice %get3A_8 {offsets = [0, 0], sizes = [1024, 1], strides = [1, 1]} : vector<1024x128xf32> to vector<1024x1xf32>
    %add3A = arith.addf %slice3A, %slice3A_9 : vector<1024x1xf32>
    %max3A = arith.constant 1.000000e+00 : f32
    %max3A_10 = vector.broadcast %max3A : f32 to vector<1024x1xf32>
    %max3A_11 = arith.maximumf %add3A, %max3A_10 : vector<1024x1xf32>
    %div3A = arith.constant 1.000000e+00 : f32
    %div3A_12 = vector.broadcast %div3A : f32 to vector<1024x1xf32>
    %div3A_13 = arith.divf %div3A_12, %max3A_11 : vector<1024x1xf32>
    %get3A_14 = arith.constant 0 : index
    %get3A_15 = arith.constant 0 : index
    %get3A_16 = vector.load %arg3[%get3A_14, %get3A_15] : memref<256x256xf32, #tpu.memory_space<vmem>>, vector<256x256xf32>
    %get3A_17 = arith.constant 0 : index
    %get3A_18 = arith.constant 0 : index
    %get3A_19 = arith.constant 0 : index
    %get3A_20 = vector.load %arg1[%get3A_17, %get3A_18, %get3A_19] : memref<2x1024x128xf32, #tpu.memory_space<vmem>>, vector<1x1024x128xf32>
    %get3A_21 = vector.shape_cast %get3A_20 : vector<1x1024x128xf32> to vector<1024x128xf32>
    %mul3A = vector.broadcast %div3A_13 : vector<1024x1xf32> to vector<1024x128xf32>
    %mul3A_22 = arith.mulf %get3A_21, %mul3A : vector<1024x128xf32>
    %slice3A_23 = vector.extract_strided_slice %get3A_16 {offsets = [0, 0], sizes = [128, 256], strides = [1, 1]} : vector<256x256xf32> to vector<128x256xf32>
    %dot_general3A = arith.constant dense<0.000000e+00> : vector<1024x256xf32>
    %dot_general3A_24 = tpu.matmul %mul3A_22, %slice3A_23, %dot_general3A {dimension_numbers = #tpu.dot_dimension_numbers<[1], [0], [0], [1], [0, 0, 1, 1], [], []>, transpose_lhs_hint = false} : vector<1024x128xf32>, vector<128x256xf32>, vector<1024x256xf32> -> vector<1024x256xf32>
    %get3A_25 = arith.constant 1 : index
    %get3A_26 = arith.constant 0 : index
    %get3A_27 = arith.constant 0 : index
    %get3A_28 = vector.load %arg1[%get3A_25, %get3A_26, %get3A_27] : memref<2x1024x128xf32, #tpu.memory_space<vmem>>, vector<1x1024x128xf32>
    %get3A_29 = vector.shape_cast %get3A_28 : vector<1x1024x128xf32> to vector<1024x128xf32>
    %mul3A_30 = vector.broadcast %div3A_13 : vector<1024x1xf32> to vector<1024x128xf32>
    %mul3A_31 = arith.mulf %get3A_29, %mul3A_30 : vector<1024x128xf32>
    %slice3A_32 = vector.extract_strided_slice %get3A_16 {offsets = [128, 0], sizes = [128, 256], strides = [1, 1]} : vector<256x256xf32> to vector<128x256xf32>
    %dot_general3A_33 = arith.constant dense<0.000000e+00> : vector<1024x256xf32>
    %dot_general3A_34 = tpu.matmul %mul3A_31, %slice3A_32, %dot_general3A_33 {dimension_numbers = #tpu.dot_dimension_numbers<[1], [0], [0], [1], [0, 0, 1, 1], [], []>, transpose_lhs_hint = false} : vector<1024x128xf32>, vector<128x256xf32>, vector<1024x256xf32> -> vector<1024x256xf32>
    %add3A_35 = arith.addf %dot_general3A_24, %dot_general3A_34 : vector<1024x256xf32>
    %gt3A = arith.constant 0.000000e+00 : f32
    %gt3A_36 = vector.broadcast %gt3A : f32 to vector<1024x1xf32>
    %gt3A_37 = arith.cmpf ogt, %add3A, %gt3A_36 : vector<1024x1xf32>
    %get3A_38 = arith.constant 0 : index
    %get3A_39 = arith.constant 0 : index
    %get3A_40 = vector.load %arg4[%get3A_38, %get3A_39] : memref<1x256xf32, #tpu.memory_space<vmem>>, vector<1x256xf32>
    %jit3A = arith.constant 0.000000e+00 : f32
    %broadcast_in_dim3A = vector.shape_cast %gt3A_37 : vector<1024x1xi1> to vector<1024x1xi1>
    %broadcast_in_dim3A_41 = vector.broadcast %broadcast_in_dim3A : vector<1024x1xi1> to vector<1024x256xi1>
    %broadcast_in_dim3A_42 = vector.shape_cast %get3A_40 : vector<1x256xf32> to vector<1x256xf32>
    %broadcast_in_dim3A_43 = vector.broadcast %broadcast_in_dim3A_42 : vector<1x256xf32> to vector<1024x256xf32>
    %broadcast_in_dim3A_44 = vector.broadcast %jit3A : f32 to vector<1024x256xf32>
    %select_n3A = arith.select %broadcast_in_dim3A_41, %broadcast_in_dim3A_43, %broadcast_in_dim3A_44 : vector<1024x256xi1>, vector<1024x256xf32>
    %add3A_45 = arith.addf %add3A_35, %select_n3A : vector<1024x256xf32>
    %get3A_46 = arith.constant 0 : index
    %get3A_47 = arith.constant 0 : index
    %get3A_48 = vector.load %arg5[%get3A_46, %get3A_47] : memref<512x256xf32, #tpu.memory_space<vmem>>, vector<512x256xf32>
    %slice3A_49 = vector.extract_strided_slice %get3A_48 {offsets = [0, 0], sizes = [256, 256], strides = [1, 1]} : vector<512x256xf32> to vector<256x256xf32>
    %slice3A_50 = vector.extract_strided_slice %get3A_48 {offsets = [256, 0], sizes = [256, 256], strides = [1, 1]} : vector<512x256xf32> to vector<256x256xf32>
    %sub3A = arith.subf %slice3A_49, %slice3A_50 : vector<256x256xf32>
    %slice3A_51 = vector.extract_strided_slice %get3A_48 {offsets = [256, 0], sizes = [256, 256], strides = [1, 1]} : vector<512x256xf32> to vector<256x256xf32>
    %dot_general3A_52 = arith.constant dense<0.000000e+00> : vector<1024x256xf32>
    %dot_general3A_53 = tpu.matmul %add3A_45, %sub3A, %dot_general3A_52 {dimension_numbers = #tpu.dot_dimension_numbers<[1], [0], [0], [1], [0, 0, 1, 1], [], []>, transpose_lhs_hint = false} : vector<1024x256xf32>, vector<256x256xf32>, vector<1024x256xf32> -> vector<1024x256xf32>
    %get3A_54 = arith.constant 0 : index
    %get3A_55 = arith.constant 0 : index
    %get3A_56 = vector.load %arg6[%get3A_54, %get3A_55] : memref<1x256xf32, #tpu.memory_space<vmem>>, vector<1x256xf32>
    %add3A_57 = vector.broadcast %get3A_56 : vector<1x256xf32> to vector<1024x256xf32>
    %add3A_58 = arith.addf %dot_general3A_53, %add3A_57 : vector<1024x256xf32>
    %dot_general3A_59 = arith.constant dense<0.000000e+00> : vector<1024x256xf32>
    %dot_general3A_60 = tpu.matmul %add3A_45, %slice3A_51, %dot_general3A_59 {dimension_numbers = #tpu.dot_dimension_numbers<[1], [0], [0], [1], [0, 0, 1, 1], [], []>, transpose_lhs_hint = false} : vector<1024x256xf32>, vector<256x256xf32>, vector<1024x256xf32> -> vector<1024x256xf32>
    %slice3A_61 = vector.extract_strided_slice %add3A_58 {offsets = [0, 0], sizes = [1024, 128], strides = [1, 1]} : vector<1024x256xf32> to vector<1024x128xf32>
    %swap3A = arith.constant 0 : index
    %swap3A_62 = arith.constant 0 : index
    %swap3A_63 = arith.constant 0 : index
    %swap3A_64 = vector.load %arg7[%swap3A, %swap3A_62, %swap3A_63] : memref<2x1024x128xf32, #tpu.memory_space<vmem>>, vector<1x1024x128xf32>
    %swap3A_65 = vector.shape_cast %swap3A_64 : vector<1x1024x128xf32> to vector<1024x128xf32>
    %swap3A_66 = vector.shape_cast %slice3A_61 : vector<1024x128xf32> to vector<1x1024x128xf32>
    tpu.vector_store %arg7[%swap3A, %swap3A_62, %swap3A_63], %swap3A_66 {strides = array<i32>} : memref<2x1024x128xf32, #tpu.memory_space<vmem>>, vector<1x1024x128xf32>,
    %slice3A_67 = vector.extract_strided_slice %add3A_58 {offsets = [0, 128], sizes = [1024, 128], strides = [1, 1]} : vector<1024x256xf32> to vector<1024x128xf32>
    %swap3A_68 = arith.constant 1 : index
    %swap3A_69 = arith.constant 0 : index
    %swap3A_70 = arith.constant 0 : index
    %swap3A_71 = vector.load %arg7[%swap3A_68, %swap3A_69, %swap3A_70] : memref<2x1024x128xf32, #tpu.memory_space<vmem>>, vector<1x1024x128xf32>
    %swap3A_72 = vector.shape_cast %swap3A_71 : vector<1x1024x128xf32> to vector<1024x128xf32>
    %swap3A_73 = vector.shape_cast %slice3A_67 : vector<1024x128xf32> to vector<1x1024x128xf32>
    tpu.vector_store %arg7[%swap3A_68, %swap3A_69, %swap3A_70], %swap3A_73 {strides = array<i32>} : memref<2x1024x128xf32, #tpu.memory_space<vmem>>, vector<1x1024x128xf32>,
    %slice3A_74 = vector.extract_strided_slice %dot_general3A_60 {offsets = [0, 0], sizes = [1024, 128], strides = [1, 1]} : vector<1024x256xf32> to vector<1024x128xf32>
    %swap3A_75 = arith.constant 0 : index
    %swap3A_76 = arith.constant 0 : index
    %swap3A_77 = arith.constant 0 : index
    %swap3A_78 = vector.load %arg8[%swap3A_75, %swap3A_76, %swap3A_77] : memref<2x1024x128xf32, #tpu.memory_space<vmem>>, vector<1x1024x128xf32>
    %swap3A_79 = vector.shape_cast %swap3A_78 : vector<1x1024x128xf32> to vector<1024x128xf32>
    %swap3A_80 = vector.shape_cast %slice3A_74 : vector<1024x128xf32> to vector<1x1024x128xf32>
    tpu.vector_store %arg8[%swap3A_75, %swap3A_76, %swap3A_77], %swap3A_80 {strides = array<i32>} : memref<2x1024x128xf32, #tpu.memory_space<vmem>>, vector<1x1024x128xf32>,
    %slice3A_81 = vector.extract_strided_slice %dot_general3A_60 {offsets = [0, 128], sizes = [1024, 128], strides = [1, 1]} : vector<1024x256xf32> to vector<1024x128xf32>
    %swap3A_82 = arith.constant 1 : index
    %swap3A_83 = arith.constant 0 : index
    %swap3A_84 = arith.constant 0 : index
    %swap3A_85 = vector.load %arg8[%swap3A_82, %swap3A_83, %swap3A_84] : memref<2x1024x128xf32, #tpu.memory_space<vmem>>, vector<1x1024x128xf32>
    %swap3A_86 = vector.shape_cast %swap3A_85 : vector<1x1024x128xf32> to vector<1024x128xf32>
    %swap3A_87 = vector.shape_cast %slice3A_81 : vector<1024x128xf32> to vector<1x1024x128xf32>
    tpu.vector_store %arg8[%swap3A_82, %swap3A_83, %swap3A_84], %swap3A_87 {strides = array<i32>} : memref<2x1024x128xf32, #tpu.memory_space<vmem>>, vector<1x1024x128xf32>,
    return
  }
  func.func @transform_0(%arg0: i32) -> (i32, i32, i32) {
    %c0_i32 = arith.constant 0 : i32
    %c0_i32_0 = arith.constant 0 : i32
    %c0_i32_1 = arith.constant 0 : i32
    return %c0_i32, %arg0, %c0_i32_0 : i32, i32, i32
  }
  func.func @transform_1(%arg0: i32) -> (i32, i32, i32) {
    %c0_i32 = arith.constant 0 : i32
    %c0_i32_0 = arith.constant 0 : i32
    %c0_i32_1 = arith.constant 0 : i32
    return %c0_i32, %arg0, %c0_i32_0 : i32, i32, i32
  }
  func.func @transform_2(%arg0: i32) -> (i32, i32) {
    %c0_i32 = arith.constant 0 : i32
    %c0_i32_0 = arith.constant 0 : i32
    %c0_i32_1 = arith.constant 0 : i32
    return %c0_i32, %c0_i32_0 : i32, i32
  }
  func.func @transform_3(%arg0: i32) -> (i32, i32) {
    %c0_i32 = arith.constant 0 : i32
    %c0_i32_0 = arith.constant 0 : i32
    %c0_i32_1 = arith.constant 0 : i32
    return %c0_i32, %c0_i32_0 : i32, i32
  }
  func.func @transform_4(%arg0: i32) -> (i32, i32) {
    %c0_i32 = arith.constant 0 : i32
    %c0_i32_0 = arith.constant 0 : i32
    %c0_i32_1 = arith.constant 0 : i32
    return %c0_i32, %c0_i32_0 : i32, i32
  }
  func.func @transform_5(%arg0: i32) -> (i32, i32) {
    %c0_i32 = arith.constant 0 : i32
    %c0_i32_0 = arith.constant 0 : i32
    %c0_i32_1 = arith.constant 0 : i32
    return %c0_i32, %c0_i32_0 : i32, i32
  }
  func.func @transform_6(%arg0: i32) -> (i32, i32, i32) {
    %c0_i32 = arith.constant 0 : i32
    %c0_i32_0 = arith.constant 0 : i32
    %c0_i32_1 = arith.constant 0 : i32
    return %c0_i32, %arg0, %c0_i32_0 : i32, i32, i32
  }
  func.func @transform_7(%arg0: i32) -> (i32, i32, i32) {
    %c0_i32 = arith.constant 0 : i32
    %c0_i32_0 = arith.constant 0 : i32
    %c0_i32_1 = arith.constant 0 : i32
    return %c0_i32, %arg0, %c0_i32_0 : i32, i32, i32
  }
}

module attributes {stable_mosaic.version = 14 : i64} {
  func.func @_fin_body(%arg0: i32, %arg1: memref<2x1024x128xf32, #tpu.memory_space<vmem>>, %arg2: memref<2x1024x128xf32, #tpu.memory_space<vmem>>, %arg3: memref<256x256xf32, #tpu.memory_space<vmem>>, %arg4: memref<1x256xf32, #tpu.memory_space<vmem>>, %arg5: memref<256x256xf32, #tpu.memory_space<vmem>>, %arg6: memref<1x256xf32, #tpu.memory_space<vmem>>, %arg7: memref<256x32xf32, #tpu.memory_space<vmem>>, %arg8: memref<1x32xf32, #tpu.memory_space<vmem>>, %arg9: memref<256x256xf32, #tpu.memory_space<vmem>>, %arg10: memref<1x256xf32, #tpu.memory_space<vmem>>, %arg11: memref<256x6xf32, #tpu.memory_space<vmem>>, %arg12: memref<1x6xf32, #tpu.memory_space<vmem>>, %arg13: memref<256x256xf32, #tpu.memory_space<vmem>>, %arg14: memref<1x256xf32, #tpu.memory_space<vmem>>, %arg15: memref<256x30xf32, #tpu.memory_space<vmem>>, %arg16: memref<1x30xf32, #tpu.memory_space<vmem>>, %arg17: memref<256x256xf32, #tpu.memory_space<vmem>>, %arg18: memref<1x256xf32, #tpu.memory_space<vmem>>, %arg19: memref<256x11xf32, #tpu.memory_space<vmem>>, %arg20: memref<1x11xf32, #tpu.memory_space<vmem>>, %arg21: memref<1024x79xf32, #tpu.memory_space<vmem>>) attributes {dimension_semantics = [#tpu.dimension_semantics<arbitrary>], iteration_bounds = array<i64: 10>, scalar_prefetch = 0 : i64, scratch_operands = 0 : i64, tpu.core_type = #tpu.core_type<tc>, window_params = [{transform_indices = @transform_0, window_bounds = array<i64: 2, 1024, 128>}, {transform_indices = @transform_1, window_bounds = array<i64: 2, 1024, 128>}, {pipeline_mode = #tpu.pipeline_mode<synchronous>, transform_indices = @transform_2, window_bounds = array<i64: 256, 256>}, {pipeline_mode = #tpu.pipeline_mode<synchronous>, transform_indices = @transform_3, window_bounds = array<i64: 1, 256>}, {pipeline_mode = #tpu.pipeline_mode<synchronous>, transform_indices = @transform_4, window_bounds = array<i64: 256, 256>}, {pipeline_mode = #tpu.pipeline_mode<synchronous>, transform_indices = @transform_5, window_bounds = array<i64: 1, 256>}, {pipeline_mode = #tpu.pipeline_mode<synchronous>, transform_indices = @transform_6, window_bounds = array<i64: 256, 32>}, {pipeline_mode = #tpu.pipeline_mode<synchronous>, transform_indices = @transform_7, window_bounds = array<i64: 1, 32>}, {pipeline_mode = #tpu.pipeline_mode<synchronous>, transform_indices = @transform_8, window_bounds = array<i64: 256, 256>}, {pipeline_mode = #tpu.pipeline_mode<synchronous>, transform_indices = @transform_9, window_bounds = array<i64: 1, 256>}, {pipeline_mode = #tpu.pipeline_mode<synchronous>, transform_indices = @transform_10, window_bounds = array<i64: 256, 6>}, {pipeline_mode = #tpu.pipeline_mode<synchronous>, transform_indices = @transform_11, window_bounds = array<i64: 1, 6>}, {pipeline_mode = #tpu.pipeline_mode<synchronous>, transform_indices = @transform_12, window_bounds = array<i64: 256, 256>}, {pipeline_mode = #tpu.pipeline_mode<synchronous>, transform_indices = @transform_13, window_bounds = array<i64: 1, 256>}, {pipeline_mode = #tpu.pipeline_mode<synchronous>, transform_indices = @transform_14, window_bounds = array<i64: 256, 30>}, {pipeline_mode = #tpu.pipeline_mode<synchronous>, transform_indices = @transform_15, window_bounds = array<i64: 1, 30>}, {pipeline_mode = #tpu.pipeline_mode<synchronous>, transform_indices = @transform_16, window_bounds = array<i64: 256, 256>}, {pipeline_mode = #tpu.pipeline_mode<synchronous>, transform_indices = @transform_17, window_bounds = array<i64: 1, 256>}, {pipeline_mode = #tpu.pipeline_mode<synchronous>, transform_indices = @transform_18, window_bounds = array<i64: 256, 11>}, {pipeline_mode = #tpu.pipeline_mode<synchronous>, transform_indices = @transform_19, window_bounds = array<i64: 1, 11>}, {transform_indices = @transform_20, window_bounds = array<i64: 1024, 79>}]} {
    %get3A = arith.constant 0 : index
    %get3A_0 = arith.constant 0 : index
    %get3A_1 = arith.constant 0 : index
    %get3A_2 = vector.load %arg2[%get3A, %get3A_0, %get3A_1] : memref<2x1024x128xf32, #tpu.memory_space<vmem>>, vector<1x1024x128xf32>
    %get3A_3 = vector.shape_cast %get3A_2 : vector<1x1024x128xf32> to vector<1024x128xf32>
    %slice3A = vector.extract_strided_slice %get3A_3 {offsets = [0, 0], sizes = [1024, 1], strides = [1, 1]} : vector<1024x128xf32> to vector<1024x1xf32>
    %get3A_4 = arith.constant 1 : index
    %get3A_5 = arith.constant 0 : index
    %get3A_6 = arith.constant 0 : index
    %get3A_7 = vector.load %arg2[%get3A_4, %get3A_5, %get3A_6] : memref<2x1024x128xf32, #tpu.memory_space<vmem>>, vector<1x1024x128xf32>
    %get3A_8 = vector.shape_cast %get3A_7 : vector<1x1024x128xf32> to vector<1024x128xf32>
    %slice3A_9 = vector.extract_strided_slice %get3A_8 {offsets = [0, 0], sizes = [1024, 1], strides = [1, 1]} : vector<1024x128xf32> to vector<1024x1xf32>
    %add3A = arith.addf %slice3A, %slice3A_9 : vector<1024x1xf32>
    %max3A = arith.constant 1.000000e+00 : f32
    %max3A_10 = vector.broadcast %max3A : f32 to vector<1024x1xf32>
    %max3A_11 = arith.maximumf %add3A, %max3A_10 : vector<1024x1xf32>
    %div3A = arith.constant 1.000000e+00 : f32
    %div3A_12 = vector.broadcast %div3A : f32 to vector<1024x1xf32>
    %div3A_13 = arith.divf %div3A_12, %max3A_11 : vector<1024x1xf32>
    %get3A_14 = arith.constant 0 : index
    %get3A_15 = arith.constant 0 : index
    %get3A_16 = vector.load %arg3[%get3A_14, %get3A_15] : memref<256x256xf32, #tpu.memory_space<vmem>>, vector<256x256xf32>
    %get3A_17 = arith.constant 0 : index
    %get3A_18 = arith.constant 0 : index
    %get3A_19 = arith.constant 0 : index
    %get3A_20 = vector.load %arg1[%get3A_17, %get3A_18, %get3A_19] : memref<2x1024x128xf32, #tpu.memory_space<vmem>>, vector<1x1024x128xf32>
    %get3A_21 = vector.shape_cast %get3A_20 : vector<1x1024x128xf32> to vector<1024x128xf32>
    %mul3A = vector.broadcast %div3A_13 : vector<1024x1xf32> to vector<1024x128xf32>
    %mul3A_22 = arith.mulf %get3A_21, %mul3A : vector<1024x128xf32>
    %slice3A_23 = vector.extract_strided_slice %get3A_16 {offsets = [0, 0], sizes = [128, 256], strides = [1, 1]} : vector<256x256xf32> to vector<128x256xf32>
    %dot_general3A = arith.constant dense<0.000000e+00> : vector<1024x256xf32>
    %dot_general3A_24 = tpu.matmul %mul3A_22, %slice3A_23, %dot_general3A {dimension_numbers = #tpu.dot_dimension_numbers<[1], [0], [0], [1], [0, 0, 1, 1], [], []>, transpose_lhs_hint = false} : vector<1024x128xf32>, vector<128x256xf32>, vector<1024x256xf32> -> vector<1024x256xf32>
    %get3A_25 = arith.constant 1 : index
    %get3A_26 = arith.constant 0 : index
    %get3A_27 = arith.constant 0 : index
    %get3A_28 = vector.load %arg1[%get3A_25, %get3A_26, %get3A_27] : memref<2x1024x128xf32, #tpu.memory_space<vmem>>, vector<1x1024x128xf32>
    %get3A_29 = vector.shape_cast %get3A_28 : vector<1x1024x128xf32> to vector<1024x128xf32>
    %mul3A_30 = vector.broadcast %div3A_13 : vector<1024x1xf32> to vector<1024x128xf32>
    %mul3A_31 = arith.mulf %get3A_29, %mul3A_30 : vector<1024x128xf32>
    %slice3A_32 = vector.extract_strided_slice %get3A_16 {offsets = [128, 0], sizes = [128, 256], strides = [1, 1]} : vector<256x256xf32> to vector<128x256xf32>
    %dot_general3A_33 = arith.constant dense<0.000000e+00> : vector<1024x256xf32>
    %dot_general3A_34 = tpu.matmul %mul3A_31, %slice3A_32, %dot_general3A_33 {dimension_numbers = #tpu.dot_dimension_numbers<[1], [0], [0], [1], [0, 0, 1, 1], [], []>, transpose_lhs_hint = false} : vector<1024x128xf32>, vector<128x256xf32>, vector<1024x256xf32> -> vector<1024x256xf32>
    %add3A_35 = arith.addf %dot_general3A_24, %dot_general3A_34 : vector<1024x256xf32>
    %gt3A = arith.constant 0.000000e+00 : f32
    %gt3A_36 = vector.broadcast %gt3A : f32 to vector<1024x1xf32>
    %gt3A_37 = arith.cmpf ogt, %add3A, %gt3A_36 : vector<1024x1xf32>
    %get3A_38 = arith.constant 0 : index
    %get3A_39 = arith.constant 0 : index
    %get3A_40 = vector.load %arg4[%get3A_38, %get3A_39] : memref<1x256xf32, #tpu.memory_space<vmem>>, vector<1x256xf32>
    %jit3A = arith.constant 0.000000e+00 : f32
    %broadcast_in_dim3A = vector.shape_cast %gt3A_37 : vector<1024x1xi1> to vector<1024x1xi1>
    %broadcast_in_dim3A_41 = vector.broadcast %broadcast_in_dim3A : vector<1024x1xi1> to vector<1024x256xi1>
    %broadcast_in_dim3A_42 = vector.shape_cast %get3A_40 : vector<1x256xf32> to vector<1x256xf32>
    %broadcast_in_dim3A_43 = vector.broadcast %broadcast_in_dim3A_42 : vector<1x256xf32> to vector<1024x256xf32>
    %broadcast_in_dim3A_44 = vector.broadcast %jit3A : f32 to vector<1024x256xf32>
    %select_n3A = arith.select %broadcast_in_dim3A_41, %broadcast_in_dim3A_43, %broadcast_in_dim3A_44 : vector<1024x256xi1>, vector<1024x256xf32>
    %add3A_45 = arith.addf %add3A_35, %select_n3A : vector<1024x256xf32>
    %get3A_46 = arith.constant 0 : index
    %get3A_47 = arith.constant 0 : index
    %get3A_48 = vector.load %arg5[%get3A_46, %get3A_47] : memref<256x256xf32, #tpu.memory_space<vmem>>, vector<256x256xf32>
    %dot_general3A_49 = arith.constant dense<0.000000e+00> : vector<1024x256xf32>
    %dot_general3A_50 = tpu.matmul %add3A_45, %get3A_48, %dot_general3A_49 {dimension_numbers = #tpu.dot_dimension_numbers<[1], [0], [0], [1], [0, 0, 1, 1], [], []>, transpose_lhs_hint = false} : vector<1024x256xf32>, vector<256x256xf32>, vector<1024x256xf32> -> vector<1024x256xf32>
    %get3A_51 = arith.constant 0 : index
    %get3A_52 = arith.constant 0 : index
    %get3A_53 = vector.load %arg6[%get3A_51, %get3A_52] : memref<1x256xf32, #tpu.memory_space<vmem>>, vector<1x256xf32>
    %add3A_54 = vector.broadcast %get3A_53 : vector<1x256xf32> to vector<1024x256xf32>
    %add3A_55 = arith.addf %dot_general3A_50, %add3A_54 : vector<1024x256xf32>
    %max3A_56 = arith.constant 0.000000e+00 : f32
    %max3A_57 = vector.broadcast %max3A_56 : f32 to vector<1024x256xf32>
    %max3A_58 = arith.maximumf %add3A_55, %max3A_57 : vector<1024x256xf32>
    %get3A_59 = arith.constant 0 : index
    %get3A_60 = arith.constant 0 : index
    %get3A_61 = vector.load %arg7[%get3A_59, %get3A_60] : memref<256x32xf32, #tpu.memory_space<vmem>>, vector<256x32xf32>
    %dot_general3A_62 = arith.constant dense<0.000000e+00> : vector<1024x32xf32>
    %dot_general3A_63 = tpu.matmul %max3A_58, %get3A_61, %dot_general3A_62 {dimension_numbers = #tpu.dot_dimension_numbers<[1], [0], [0], [1], [0, 0, 1, 1], [], []>, transpose_lhs_hint = false} : vector<1024x256xf32>, vector<256x32xf32>, vector<1024x32xf32> -> vector<1024x32xf32>
    %get3A_64 = arith.constant 0 : index
    %get3A_65 = arith.constant 0 : index
    %get3A_66 = vector.load %arg8[%get3A_64, %get3A_65] : memref<1x32xf32, #tpu.memory_space<vmem>>, vector<1x32xf32>
    %add3A_67 = vector.broadcast %get3A_66 : vector<1x32xf32> to vector<1024x32xf32>
    %add3A_68 = arith.addf %dot_general3A_63, %add3A_67 : vector<1024x32xf32>
    %get3A_69 = arith.constant 0 : index
    %get3A_70 = arith.constant 0 : index
    %get3A_71 = vector.load %arg9[%get3A_69, %get3A_70] : memref<256x256xf32, #tpu.memory_space<vmem>>, vector<256x256xf32>
    %dot_general3A_72 = arith.constant dense<0.000000e+00> : vector<1024x256xf32>
    %dot_general3A_73 = tpu.matmul %add3A_45, %get3A_71, %dot_general3A_72 {dimension_numbers = #tpu.dot_dimension_numbers<[1], [0], [0], [1], [0, 0, 1, 1], [], []>, transpose_lhs_hint = false} : vector<1024x256xf32>, vector<256x256xf32>, vector<1024x256xf32> -> vector<1024x256xf32>
    %get3A_74 = arith.constant 0 : index
    %get3A_75 = arith.constant 0 : index
    %get3A_76 = vector.load %arg10[%get3A_74, %get3A_75] : memref<1x256xf32, #tpu.memory_space<vmem>>, vector<1x256xf32>
    %add3A_77 = vector.broadcast %get3A_76 : vector<1x256xf32> to vector<1024x256xf32>
    %add3A_78 = arith.addf %dot_general3A_73, %add3A_77 : vector<1024x256xf32>
    %max3A_79 = arith.constant 0.000000e+00 : f32
    %max3A_80 = vector.broadcast %max3A_79 : f32 to vector<1024x256xf32>
    %max3A_81 = arith.maximumf %add3A_78, %max3A_80 : vector<1024x256xf32>
    %get3A_82 = arith.constant 0 : index
    %get3A_83 = arith.constant 0 : index
    %get3A_84 = vector.load %arg11[%get3A_82, %get3A_83] : memref<256x6xf32, #tpu.memory_space<vmem>>, vector<256x6xf32>
    %dot_general3A_85 = arith.constant dense<0.000000e+00> : vector<1024x6xf32>
    %dot_general3A_86 = tpu.matmul %max3A_81, %get3A_84, %dot_general3A_85 {dimension_numbers = #tpu.dot_dimension_numbers<[1], [0], [0], [1], [0, 0, 1, 1], [], []>, transpose_lhs_hint = false} : vector<1024x256xf32>, vector<256x6xf32>, vector<1024x6xf32> -> vector<1024x6xf32>
    %get3A_87 = arith.constant 0 : index
    %get3A_88 = arith.constant 0 : index
    %get3A_89 = vector.load %arg12[%get3A_87, %get3A_88] : memref<1x6xf32, #tpu.memory_space<vmem>>, vector<1x6xf32>
    %add3A_90 = vector.broadcast %get3A_89 : vector<1x6xf32> to vector<1024x6xf32>
    %add3A_91 = arith.addf %dot_general3A_86, %add3A_90 : vector<1024x6xf32>
    %get3A_92 = arith.constant 0 : index
    %get3A_93 = arith.constant 0 : index
    %get3A_94 = vector.load %arg13[%get3A_92, %get3A_93] : memref<256x256xf32, #tpu.memory_space<vmem>>, vector<256x256xf32>
    %dot_general3A_95 = arith.constant dense<0.000000e+00> : vector<1024x256xf32>
    %dot_general3A_96 = tpu.matmul %add3A_45, %get3A_94, %dot_general3A_95 {dimension_numbers = #tpu.dot_dimension_numbers<[1], [0], [0], [1], [0, 0, 1, 1], [], []>, transpose_lhs_hint = false} : vector<1024x256xf32>, vector<256x256xf32>, vector<1024x256xf32> -> vector<1024x256xf32>
    %get3A_97 = arith.constant 0 : index
    %get3A_98 = arith.constant 0 : index
    %get3A_99 = vector.load %arg14[%get3A_97, %get3A_98] : memref<1x256xf32, #tpu.memory_space<vmem>>, vector<1x256xf32>
    %add3A_100 = vector.broadcast %get3A_99 : vector<1x256xf32> to vector<1024x256xf32>
    %add3A_101 = arith.addf %dot_general3A_96, %add3A_100 : vector<1024x256xf32>
    %max3A_102 = arith.constant 0.000000e+00 : f32
    %max3A_103 = vector.broadcast %max3A_102 : f32 to vector<1024x256xf32>
    %max3A_104 = arith.maximumf %add3A_101, %max3A_103 : vector<1024x256xf32>
    %get3A_105 = arith.constant 0 : index
    %get3A_106 = arith.constant 0 : index
    %get3A_107 = vector.load %arg15[%get3A_105, %get3A_106] : memref<256x30xf32, #tpu.memory_space<vmem>>, vector<256x30xf32>
    %dot_general3A_108 = arith.constant dense<0.000000e+00> : vector<1024x30xf32>
    %dot_general3A_109 = tpu.matmul %max3A_104, %get3A_107, %dot_general3A_108 {dimension_numbers = #tpu.dot_dimension_numbers<[1], [0], [0], [1], [0, 0, 1, 1], [], []>, transpose_lhs_hint = false} : vector<1024x256xf32>, vector<256x30xf32>, vector<1024x30xf32> -> vector<1024x30xf32>
    %get3A_110 = arith.constant 0 : index
    %get3A_111 = arith.constant 0 : index
    %get3A_112 = vector.load %arg16[%get3A_110, %get3A_111] : memref<1x30xf32, #tpu.memory_space<vmem>>, vector<1x30xf32>
    %add3A_113 = vector.broadcast %get3A_112 : vector<1x30xf32> to vector<1024x30xf32>
    %add3A_114 = arith.addf %dot_general3A_109, %add3A_113 : vector<1024x30xf32>
    %get3A_115 = arith.constant 0 : index
    %get3A_116 = arith.constant 0 : index
    %get3A_117 = vector.load %arg17[%get3A_115, %get3A_116] : memref<256x256xf32, #tpu.memory_space<vmem>>, vector<256x256xf32>
    %dot_general3A_118 = arith.constant dense<0.000000e+00> : vector<1024x256xf32>
    %dot_general3A_119 = tpu.matmul %add3A_45, %get3A_117, %dot_general3A_118 {dimension_numbers = #tpu.dot_dimension_numbers<[1], [0], [0], [1], [0, 0, 1, 1], [], []>, transpose_lhs_hint = false} : vector<1024x256xf32>, vector<256x256xf32>, vector<1024x256xf32> -> vector<1024x256xf32>
    %get3A_120 = arith.constant 0 : index
    %get3A_121 = arith.constant 0 : index
    %get3A_122 = vector.load %arg18[%get3A_120, %get3A_121] : memref<1x256xf32, #tpu.memory_space<vmem>>, vector<1x256xf32>
    %add3A_123 = vector.broadcast %get3A_122 : vector<1x256xf32> to vector<1024x256xf32>
    %add3A_124 = arith.addf %dot_general3A_119, %add3A_123 : vector<1024x256xf32>
    %max3A_125 = arith.constant 0.000000e+00 : f32
    %max3A_126 = vector.broadcast %max3A_125 : f32 to vector<1024x256xf32>
    %max3A_127 = arith.maximumf %add3A_124, %max3A_126 : vector<1024x256xf32>
    %get3A_128 = arith.constant 0 : index
    %get3A_129 = arith.constant 0 : index
    %get3A_130 = vector.load %arg19[%get3A_128, %get3A_129] : memref<256x11xf32, #tpu.memory_space<vmem>>, vector<256x11xf32>
    %dot_general3A_131 = arith.constant dense<0.000000e+00> : vector<1024x11xf32>
    %dot_general3A_132 = tpu.matmul %max3A_127, %get3A_130, %dot_general3A_131 {dimension_numbers = #tpu.dot_dimension_numbers<[1], [0], [0], [1], [0, 0, 1, 1], [], []>, transpose_lhs_hint = false} : vector<1024x256xf32>, vector<256x11xf32>, vector<1024x11xf32> -> vector<1024x11xf32>
    %get3A_133 = arith.constant 0 : index
    %get3A_134 = arith.constant 0 : index
    %get3A_135 = vector.load %arg20[%get3A_133, %get3A_134] : memref<1x11xf32, #tpu.memory_space<vmem>>, vector<1x11xf32>
    %add3A_136 = vector.broadcast %get3A_135 : vector<1x11xf32> to vector<1024x11xf32>
    %add3A_137 = arith.addf %dot_general3A_132, %add3A_136 : vector<1024x11xf32>
    %neg3A = arith.constant 0.000000e+00 : f32
    %neg3A_138 = vector.broadcast %neg3A : f32 to vector<1024x11xf32>
    %neg3A_139 = arith.subf %neg3A_138, %add3A_137 : vector<1024x11xf32>
    %exp3A = math.exp %neg3A_139 : vector<1024x11xf32>
    %add3A_140 = arith.constant 1.000000e+00 : f32
    %add3A_141 = vector.broadcast %add3A_140 : f32 to vector<1024x11xf32>
    %add3A_142 = arith.addf %add3A_141, %exp3A : vector<1024x11xf32>
    %div3A_143 = arith.constant 1.000000e+00 : f32
    %div3A_144 = vector.broadcast %div3A_143 : f32 to vector<1024x11xf32>
    %div3A_145 = arith.divf %div3A_144, %add3A_142 : vector<1024x11xf32>
    %concatenate3A = tpu.concatenate %add3A_68, %add3A_91, %add3A_114, %div3A_145 in 1 : vector<1024x32xf32>, vector<1024x6xf32>, vector<1024x30xf32>, vector<1024x11xf32> -> vector<1024x79xf32>
    %swap3A = arith.constant 0 : index
    %swap3A_146 = arith.constant 0 : index
    %swap3A_147 = vector.load %arg21[%swap3A, %swap3A_146] : memref<1024x79xf32, #tpu.memory_space<vmem>>, vector<1024x79xf32>
    tpu.vector_store %arg21[%swap3A, %swap3A_146], %concatenate3A {strides = array<i32>} : memref<1024x79xf32, #tpu.memory_space<vmem>>, vector<1024x79xf32>,
    return
  }
  func.func @transform_0(%arg0: i32) -> (i32, i32, i32) {
    %c0_i32 = arith.constant 0 : i32
    %c0_i32_0 = arith.constant 0 : i32
    %c0_i32_1 = arith.constant 0 : i32
    return %c0_i32, %arg0, %c0_i32_0 : i32, i32, i32
  }
  func.func @transform_1(%arg0: i32) -> (i32, i32, i32) {
    %c0_i32 = arith.constant 0 : i32
    %c0_i32_0 = arith.constant 0 : i32
    %c0_i32_1 = arith.constant 0 : i32
    return %c0_i32, %arg0, %c0_i32_0 : i32, i32, i32
  }
  func.func @transform_2(%arg0: i32) -> (i32, i32) {
    %c0_i32 = arith.constant 0 : i32
    %c0_i32_0 = arith.constant 0 : i32
    %c0_i32_1 = arith.constant 0 : i32
    return %c0_i32, %c0_i32_0 : i32, i32
  }
  func.func @transform_3(%arg0: i32) -> (i32, i32) {
    %c0_i32 = arith.constant 0 : i32
    %c0_i32_0 = arith.constant 0 : i32
    %c0_i32_1 = arith.constant 0 : i32
    return %c0_i32, %c0_i32_0 : i32, i32
  }
  func.func @transform_4(%arg0: i32) -> (i32, i32) {
    %c0_i32 = arith.constant 0 : i32
    %c0_i32_0 = arith.constant 0 : i32
    %c0_i32_1 = arith.constant 0 : i32
    return %c0_i32, %c0_i32_0 : i32, i32
  }
  func.func @transform_5(%arg0: i32) -> (i32, i32) {
    %c0_i32 = arith.constant 0 : i32
    %c0_i32_0 = arith.constant 0 : i32
    %c0_i32_1 = arith.constant 0 : i32
    return %c0_i32, %c0_i32_0 : i32, i32
  }
  func.func @transform_6(%arg0: i32) -> (i32, i32) {
    %c0_i32 = arith.constant 0 : i32
    %c0_i32_0 = arith.constant 0 : i32
    %c0_i32_1 = arith.constant 0 : i32
    return %c0_i32, %c0_i32_0 : i32, i32
  }
  func.func @transform_7(%arg0: i32) -> (i32, i32) {
    %c0_i32 = arith.constant 0 : i32
    %c0_i32_0 = arith.constant 0 : i32
    %c0_i32_1 = arith.constant 0 : i32
    return %c0_i32, %c0_i32_0 : i32, i32
  }
  func.func @transform_8(%arg0: i32) -> (i32, i32) {
    %c0_i32 = arith.constant 0 : i32
    %c0_i32_0 = arith.constant 0 : i32
    %c0_i32_1 = arith.constant 0 : i32
    return %c0_i32, %c0_i32_0 : i32, i32
  }
  func.func @transform_9(%arg0: i32) -> (i32, i32) {
    %c0_i32 = arith.constant 0 : i32
    %c0_i32_0 = arith.constant 0 : i32
    %c0_i32_1 = arith.constant 0 : i32
    return %c0_i32, %c0_i32_0 : i32, i32
  }
  func.func @transform_10(%arg0: i32) -> (i32, i32) {
    %c0_i32 = arith.constant 0 : i32
    %c0_i32_0 = arith.constant 0 : i32
    %c0_i32_1 = arith.constant 0 : i32
    return %c0_i32, %c0_i32_0 : i32, i32
  }
  func.func @transform_11(%arg0: i32) -> (i32, i32) {
    %c0_i32 = arith.constant 0 : i32
    %c0_i32_0 = arith.constant 0 : i32
    %c0_i32_1 = arith.constant 0 : i32
    return %c0_i32, %c0_i32_0 : i32, i32
  }
  func.func @transform_12(%arg0: i32) -> (i32, i32) {
    %c0_i32 = arith.constant 0 : i32
    %c0_i32_0 = arith.constant 0 : i32
    %c0_i32_1 = arith.constant 0 : i32
    return %c0_i32, %c0_i32_0 : i32, i32
  }
  func.func @transform_13(%arg0: i32) -> (i32, i32) {
    %c0_i32 = arith.constant 0 : i32
    %c0_i32_0 = arith.constant 0 : i32
    %c0_i32_1 = arith.constant 0 : i32
    return %c0_i32, %c0_i32_0 : i32, i32
  }
  func.func @transform_14(%arg0: i32) -> (i32, i32) {
    %c0_i32 = arith.constant 0 : i32
    %c0_i32_0 = arith.constant 0 : i32
    %c0_i32_1 = arith.constant 0 : i32
    return %c0_i32, %c0_i32_0 : i32, i32
  }
  func.func @transform_15(%arg0: i32) -> (i32, i32) {
    %c0_i32 = arith.constant 0 : i32
    %c0_i32_0 = arith.constant 0 : i32
    %c0_i32_1 = arith.constant 0 : i32
    return %c0_i32, %c0_i32_0 : i32, i32
  }
  func.func @transform_16(%arg0: i32) -> (i32, i32) {
    %c0_i32 = arith.constant 0 : i32
    %c0_i32_0 = arith.constant 0 : i32
    %c0_i32_1 = arith.constant 0 : i32
    return %c0_i32, %c0_i32_0 : i32, i32
  }
  func.func @transform_17(%arg0: i32) -> (i32, i32) {
    %c0_i32 = arith.constant 0 : i32
    %c0_i32_0 = arith.constant 0 : i32
    %c0_i32_1 = arith.constant 0 : i32
    return %c0_i32, %c0_i32_0 : i32, i32
  }
  func.func @transform_18(%arg0: i32) -> (i32, i32) {
    %c0_i32 = arith.constant 0 : i32
    %c0_i32_0 = arith.constant 0 : i32
    %c0_i32_1 = arith.constant 0 : i32
    return %c0_i32, %c0_i32_0 : i32, i32
  }
  func.func @transform_19(%arg0: i32) -> (i32, i32) {
    %c0_i32 = arith.constant 0 : i32
    %c0_i32_0 = arith.constant 0 : i32
    %c0_i32_1 = arith.constant 0 : i32
    return %c0_i32, %c0_i32_0 : i32, i32
  }
  func.func @transform_20(%arg0: i32) -> (i32, i32) {
    %c0_i32 = arith.constant 0 : i32
    %c0_i32_0 = arith.constant 0 : i32
    return %arg0, %c0_i32 : i32, i32
  }
}

</mosaic_0001>

<sc_bundles>
// kernel: edge_count.3.cloned.1.call-start
scs
__scs_entry_jumppad:
0x0: {  	(pc) =	sbr.rel $0x88, $3  }
0x1: {  	(tag) =	ssettag $0x0;
	lr =	simm.s32 $0x1  }
0x2: {  	[smem:$0x3F87] =	sst lr;
	_ =	strace $0xD0000000  }
0x3: {  	_ = 	snop  }
0x4: {  	_ = 	snop  }
0x5: {  	_ = 	snop  }
0x6: {  	_ = 	snop  }
0x7: {  	_ = 	snop  }
__scs_overlays_trampoline_lowered:
0x8: {  	[smem:$0x3F96] =	sst s0  }
0x9: {  	[smem:$0x3F97] =	sst s1  }
0xa: {  	[smem:$0x3F98] =	sst s2  }
0xb: {  	[smem:$0x3F99] =	sst s3  }
0xc: {  	[smem:$0x3F9A] =	sst s4  }
0xd: {  	[smem:$0x3F9B] =	sst s5  }
0xe: {  	[smem:$0x3F9C] =	sst s6  }
0xf: {  	[smem:$0x3F9D] =	sst s7  }
0x10: {  	[smem:$0x3F9E] =	sst s8  }
0x11: {  	[smem:$0x3F9F] =	sst s9;
	s0 =	simm.s32 @!p0 $0x0  }
0x12: {  	s1 =	sld [smem:$0x3F85];
	s0 =	simm.s32 @p0 $0x1  }
0x13: {  	[smem:$0x3FA0] =	sst s0;
	s0 =	simm.s32 @!p1 $0x0  }
0x14: {  	s2 =	sld [smem:$0x3F84];
	s0 =	simm.s32 @p1 $0x1  }
0x15: {  	[smem:$0x3FA1] =	sst s0;
	s0 =	simm.s32 @!p2 $0x0  }
0x16: {  	s3 =	sld [smem:$0x3FDB];
	s0 =	simm.s32 @p2 $0x1  }
0x17: {  	s4 =	simm.s32 $0x1BF5;
	[smem:$0x3FA3] =	sst s0  }
0x18: {  	s0 =	sld [smem:$0x3F86];
	_ =	swait.ge [sflag:s4], $0x0  }
0x19: {  	s7 =	sld [smem:$0x3F87]  }
0x1a: {  	s8 =	sadd.s32 $0xFFFFE003, lr  }
0x1b: {  	s9 =	sadd.s32 $0xFFFFFEF7, lr;
	s5 =	simm.s32 $0xFFFFFFFF;
	p2 =	slt.u32 s8, $0xFFFFF086  }
0x1c: {  	p1 =	slt.u32 s9, $0xF7A;
	s5 =	simm.s32 @!p2 $0x0  }
0x1d: {  	s5 =	simm.s32 @p1 $0x1;
	p0 =	seq.s32 s7, s2  }
0x1e: {  	s7 =	smul.u32 @!p0 $0xF7A, s2;
	p2 =	seq.s32 @!p0 s5, $0x0  }
0x1f: {  	s9 =	smul.u32 $0xF7A, s1;
	s8 =	simm.s32 @!p0 $0x1BF5;
	p2 =	por !p2, p0  }
0x20: {  	[sflag:s8] =	ssyncset.s32 @!p0 $0xFFFFF086;
	s6 =	sadd.s32 @!p0 s3, s7;
	s7 =	simm.s32 @!p0 $0x108  }
0x21: {  	s3 =	sadd.s32 s3, s9;
	s6 =	sadd.s32 @!p0 $0x88, s6;
	s7 =	simm.s32 @p2 $0x1082  }
0x22: {  	[simem:s7], [sflag:s8] =	dma.local @!p0 [hbm:s6], $0xF7A  }
0x23: {  	s9 =	sor.u32 $0xD0000000, s2;
	s6 =	simm.s32 $0x108;
	_ =	swait.ge @!p0 [sflag:s8], $0x0  }
0x24: {  	s3 =	sadd.s32 $0x88, s3;
	s6 =	simm.s32 @!p1 $0x1082;
	[sflag:s4] =	ssyncset.s32 $0xFFFFF086  }
0x25: {  	[simem:s6], [sflag:s4] =	dma.local [hbm:s3], $0xF7A  }
0x26: {  	[smem:$0x3F87] =	sst s1;
	(tag) =	ssettag s2;
	_ =	strace s9  }
0x27: {  	s1 =	sld [smem:$0x3F97]  }
0x28: {  	s2 =	sld [smem:$0x3F98]  }
0x29: {  	s4 =	sld [smem:$0x3F9A]  }
0x2a: {  	p0 =	seq.s32 s5, $0x0;
	s5 =	sld [smem:$0x3F9B]  }
0x2b: {  	s6 =	sld [smem:$0x3F9C]  }
0x2c: {  	s7 =	sld [smem:$0x3F9D]  }
0x2d: {  	s3 =	simm.s32 $0x108;
	s8 =	sld [smem:$0x3F9E]  }
0x2e: {  	s3 =	simm.s32 @!p0 $0x1082;
	s9 =	sld [smem:$0x3F9F]  }
0x2f: {  	lr =	sadd.s32 s0, s3;
	s0 =	sld [smem:$0x3F96]  }
0x30: {  	s3 =	sld [smem:$0x3F99]  }
0x31: {  	[smem:$0x3FA2] =	sst s10  }
0x32: {  	s10 =	sld [smem:$0x3FA0];
	_ =	sdelay $0x3  }
0x33: {  	p0 =	seq.s32 s10, $0x1;
	s10 =	sld [smem:$0x3FA2];
	_ =	sdelay $0x3  }
0x34: {  	[smem:$0x3FA2] =	sst s10  }
0x35: {  	s10 =	sld [smem:$0x3FA1];
	_ =	sdelay $0x3  }
0x36: {  	p1 =	seq.s32 s10, $0x1;
	s10 =	sld [smem:$0x3FA2];
	_ =	sdelay $0x3  }
0x37: {  	[smem:$0x3FA2] =	sst s10  }
0x38: {  	s10 =	sld [smem:$0x3FA3]  }
0x39: {  	_ = 	snop;
	(pc) =	sbr.ind lr, $3  }
0x3a: {  	_ = 	snop  }
0x3b: {  	_ = 	snop  }
0x3c: {  	p2 =	seq.s32 s10, $0x1;
	s10 =	sld [smem:$0x3FA2]  }
0x3d: {  	_ =	shalt  }
0x3e: {  	_ =	shalt  }
0x3f: {  	_ =	shalt  }
0x40: {  	_ =	shalt  }
0x41: {  	_ =	shalt  }
0x42: {  	_ =	shalt  }
0x43: {  	_ =	shalt  }
0x44: {  	_ =	shalt  }
0x45: {  	_ =	shalt  }
0x46: {  	_ =	shalt  }
0x47: {  	_ =	shalt  }
0x48: {  	_ =	shalt  }
0x49: {  	_ =	shalt  }
0x4a: {  	_ =	shalt  }
0x4b: {  	_ =	shalt  }
0x4c: {  	_ =	shalt  }
0x4d: {  	_ =	shalt  }
0x4e: {  	_ =	shalt  }
0x4f: {  	_ =	shalt  }
0x50: {  	_ =	shalt  }
0x51: {  	_ =	shalt  }
0x52: {  	_ =	shalt  }
0x53: {  	_ =	shalt  }
0x54: {  	_ =	shalt  }
0x55: {  	_ =	shalt  }
0x56: {  	_ =	shalt  }
0x57: {  	_ =	shalt  }
0x58: {  	_ =	shalt  }
0x59: {  	_ =	shalt  }
0x5a: {  	_ =	shalt  }
0x5b: {  	_ =	shalt  }
0x5c: {  	_ =	shalt  }
0x5d: {  	_ =	shalt  }
0x5e: {  	_ =	shalt  }
0x5f: {  	_ =	shalt  }
0x60: {  	_ =	shalt  }
0x61: {  	_ =	shalt  }
0x62: {  	_ =	shalt  }
0x63: {  	_ =	shalt  }
0x64: {  	_ =	shalt  }
0x65: {  	_ =	shalt  }
0x66: {  	_ =	shalt  }
0x67: {  	_ =	shalt  }
0x68: {  	_ =	shalt  }
0x69: {  	_ =	shalt  }
0x6a: {  	_ =	shalt  }
0x6b: {  	_ =	shalt  }
0x6c: {  	_ =	shalt  }
0x6d: {  	_ =	shalt  }
0x6e: {  	_ =	shalt  }
0x6f: {  	_ =	shalt  }
0x70: {  	_ =	shalt  }
0x71: {  	_ =	shalt  }
0x72: {  	_ =	shalt  }
0x73: {  	_ =	shalt  }
0x74: {  	_ =	shalt  }
0x75: {  	_ =	shalt  }
0x76: {  	_ =	shalt  }
0x77: {  	_ =	shalt  }
0x78: {  	_ =	shalt  }
0x79: {  	_ =	shalt  }
0x7a: {  	_ =	shalt  }
0x7b: {  	_ =	shalt  }
0x7c: {  	_ =	shalt  }
0x7d: {  	_ =	shalt  }
0x7e: {  	_ =	shalt  }
0x7f: {  	_ =	shalt  }
0x80: {  	_ =	shalt  }
0x81: {  	_ =	shalt  }
0x82: {  	_ =	shalt  }
0x83: {  	_ =	shalt  }
0x84: {  	_ =	shalt  }
0x85: {  	_ =	shalt  }
0x86: {  	_ =	shalt  }
0x87: {  	_ =	shalt  }
.Lfunc_end0:
.L_simem_size_0:
called_computation_lowered:
.L_overlay_start_0:
0x88: {  	s2 =	sld [smem:$0x3FD9]  }
0x89: {  	s3 =	sld [smem:$0x3FFE];
	_ =	sdelay $0x1  }
0x8a: {  	s1 =	srdreg.scid  }
0x8b: {  	s0 =	sand.u32 $0x1, s1  }
0x8c: {  	s17 =	sshll.u32 s0, $0xA;
	s2 =	sadd.s32 s3, s2  }
0x8d: {  	s2 =	sadd.s32 s2, s17  }
0x8e: {  	[smem:$0x3FAE] =	sst s2  }
0x8f: {  	_ = 	snop  }
0x90: {  	(tm) =	ssettm $0x1  }
0x91: {  	s18 =	sld [smem:$0x3FFB];
	_ =	sdelay $0x3  }
0x92: {  	_ =	strace s18  }
0x93: {  	s2 =	sld [smem:$0x3FFC];
	_ =	sdelay $0x3  }
0x94: {  	_ =	strace s2  }
0x95: {  	s2 =	sld [smem:$0x3FFD];
	_ =	sdelay $0x3  }
0x96: {  	_ =	strace s2  }
0x97: {  	_ =	strace $0x8FFFFFFF  }
0x98: {  	s19 =	sld [smem:$0x3FDB];
	_ =	sdelay $0x1  }
0x99: {  	s20 =	simm.s32 $_scs_section_size  }
0x9a: {  	s4 =	simm.s32 $_size__tile_overlayer_lowered;
	s5 =	simm.s32 $_tile_overlayer_lowered  }
0x9b: {  	s6 =	simm.s32 $0x1BFF;
	s21 =	sshll.u32 s5, $0x1;
	s3 =	sadd.s32 s20, s19  }
0x9c: {  	s22 =	simm.s32 $0x0;
	s4 =	sshll.u32 s4, $0x1;
	s5 =	sadd.s32 s21, s3  }
0x9d: {  	[timem:s22], [sflag:s6] =	dma.local [hbm:s5], s4  }
0x9e: {  	_ =	swait.ge [sflag:s6], s4  }
0x9f: {  	s4 =	ssub.s32 $0x0, s4;
	[sflag:s6] =	ssyncset.done $0x0  }
0xa0: {  	[sflag:s6] =	ssyncadd.s32 s4;
	_ =	sdelay $0x1  }
0xa1: {  	s23 =	simm.s32 $0x1B8B  }
0xa2: {  	_ =	swait.ge [sflag:s23], $0x1  }
0xa3: {  	[sflag:s23] =	ssyncset.done $0x0  }
0xa4: {  	[sflag:s23] =	ssyncadd.s32 $0xFFFFFFFF  }
0xa5: {  	s4 =	sld [smem:$0x0]  }
0xa6: {  	s5 =	sand.u32 $0xFFFFFFFE, s1  }
0xa7: {  	p0 =	sne.s32 s1, s5  }
0xa8: {  	s5 =	sshll.u32 @p0 s5, $0xE  }
0xa9: {  	s5 =	sadd.s32 @p0 $0x11B8D, s5;
	s6 =	sshll.u32 @p0 s4, $0x11  }
0xaa: {  	s5 =	sor.u32 @p0 s6, s5  }
0xab: {  	[sflag:s5] =	ssyncadd.remote.s32 @p0 $0x1;
	_ =	sdelay $0x1  }
0xac: {  	s5 =	simm.s32 @p0 $0x1B8D  }
0xad: {  	_ =	swait.eq @p0 [sflag:s5], $0x1  }
0xae: {  	[sflag:s5] =	ssyncadd.s32 @p0 $0xFFFFFFFF  }
0xaf: {  	s6 =	sshll.u32 @!p0 s1, $0xE  }
0xb0: {  	s6 =	sor.u32 @!p0 $0x4000, s6;
	s5 =	simm.s32 @!p0 $0x1B8D  }
0xb1: {  	s4 =	sshll.u32 @!p0 s4, $0x11;
	s6 =	sadd.s32 @!p0 $0x11B8D, s6;
	_ =	swait.eq @!p0 [sflag:s5], $0x1  }
0xb2: {  	s4 =	sor.u32 @!p0 s4, s6;
	[sflag:s5] =	ssyncadd.s32 @!p0 $0xFFFFFFFF  }
0xb3: {  	s25 =	simm.s32 $0x1B8E;
	s24 =	sld [smem:$0x3FFE];
	[sflag:s4] =	ssyncadd.remote.s32 @!p0 $0x1  }
0xb4: {  	s26 =	simm.s32 $execute0_lowered;
	[smem:$0x3FD2] =	sst s25  }
0xb5: {  	s5 =	sshll.u32 s26, $0x1;
	_ =	strace $0x80000049;
	[dreg:$0x1] =	wrdreg $0xFFFFFFFF  }
0xb6: {  	s28 =	simm.s32 $_size_execute0_lowered;
	s3 =	sadd.s32 s3, s5;
	[dreg:$0x0] =	wrdreg $0x0  }
0xb7: {  	s5 =	sshll.u32 s28, $0x1;
	[dreg:$0x2] =	wrdreg s3  }
0xb8: {  	[dreg:$0x3] =	wrdreg s5  }
0xb9: {  	[dreg:$0x4] =	wrdreg $0xC0  }
0xba: {  	_ =	task [dreg:s22], $0x5FFFF  }
0xbb: {  	[dreg:$0x1] =	wrdreg $0xFFFFFFFF  }
0xbc: {  	[dreg:$0x0] =	wrdreg $0x60  }
0xbd: {  	[dreg:$0x2] =	wrdreg s24  }
0xbe: {  	[dreg:$0x3] =	wrdreg $0x65000  }
0xbf: {  	[dreg:$0x4] =	wrdreg $0x9  }
0xc0: {  	_ =	task.clear_ibuf [dreg:s22], $0x5FFFF;
	_ =	strace $0x90000049  }
0xc1: {  	s29 =	simm.s32 $0x9;
	_ =	strace $0x8000004B  }
0xc2: {  	_ =	swait.ge [sflag:s29], $0x1  }
0xc3: {  	[sflag:s29] =	ssyncadd.s32 $0xFFFFFFFF  }
0xc4: {  	_ =	strace $0x9000004B  }
0xc5: {  	_ =	sfence  }
0xc6: {  	s30 =	sld [smem:$0x0];
	_ =	sdelay $0x2  }
0xc7: {  	s31 =	sshll.u32 s1, $0xD;
	s1 =	sshrl.u32 s1, $0x2  }
0xc8: {  	s4 =	sand.u32 $0x4000, s31;
	s1 =	sadd.s32 s1, s30  }
0xc9: {  	s0 =	sor.u32 s4, s0;
	s1 =	sshll.u32 s1, $0x11  }
0xca: {  	s0 =	sor.u32 s1, s0  }
0xcb: {  	s0 =	sadd.s32 $0x8F2B, s0  }
0xcc: {  	[sflag:s0] =	ssyncadd.remote.s32 $0x1  }
0xcd: {  	_ =	sfence.sel $0xFFFF  }
0xce: {  	[dreg:$0x0] =	wrdreg $0xFFFFFFFF;
	(pc) =	sbr.abs _section_cstart, $3  }
0xcf: {  	[dreg:$0x1] =	wrdreg $0xFFFFFFFF  }
0xd0: {  	_ =	task.clear_ibuf [dreg:s22], $0x2FFFF;
	_ =	strace $0x9FFFFFFF  }
0xd1: {  	(tm) =	ssettm $0x7FFFFFFF  }
tec
execute0_lowered:
.L_overlay_start_1:
0x0: {  	(tag) =	ssettag $0x1  }
0x1: {  	s0 =	srdreg.scid;
	s3 =	rddreg [dreg:$0x0]  }
0x2: {  	s13 =	stileid.u32;
	s1 =	rddreg [dreg:$0x1];
	s2 =	simm.s32 $0x0  }
0x3: {  	s15 =	simm.s32 $0xC8;
	s16 =	simm.s32 $0x0;
	s6 =	smul.u32 $0x1388, s13  }
0x4: {  	s4 =	sand.u32 $0x1, s0;
	s0 =	rddreg [dreg:$0x2];
	s10 =	smul.u32 $0x13800, s13  }
0x5: {  	[smem:$0x7FF] =	sst s2;
	s12 =	sadd.s32 $0x140200, s3;
	s31 =	smul.u32 $0x4E000, s13  }
0x6: {  	p0 =	sne.s32 s13, $0x0;
	s13 =	simm.s32 $0x100;
	s5 =	smul.u32 $0x13880, s4  }
0x7: {  	_ =	strace $0x8000004A;
	s28 =	ssub.s32 $0x2, s4;
	s14 =	smul.u32 $0x140000, s4  }
0x8: {  	s4 =	sadd.s32 $0x138000, s1;
	s29 =	sshrl.u32 s28, $0x1;
	s30 =	sadd.s32 $0x12C00, s10  }
0x9: {  	s9 =	sshrl.u32 s31, $0x2;
	s5 =	sadd.s32 s6, s5;
	s8 =	ssub.s32 s28, s29  }
0xa: {  	s6 =	sadd.s32 s14, s30;
	s7 =	sshrl.u32 s14, $0x3;
	s14 =	sadd.s32 s10, s14  }
0xb: {  	s5 =	sshrl.u32 s5, $0x3;
	s6 =	sshrl.u32 s6, $0x3;
	s7 =	sadd.s32 s12, s7  }
0xc: {  	s8 =	smax.u32 s8, $0x1;
	s14 =	sshrl.u32 s14, $0x3;
	s11 =	sadd.s32 s5, s3  }
0xd: {  	s3 =	sadd.s32 s30, s1;
	s5 =	sadd.s32 s12, s6;
	s6 =	sadd.s32 $0x27000, s7  }
0xe: {  	s7 =	sadd.s32 s9, s1;
	s12 =	sadd.s32 s14, s12;
	s14 =	simm.s32 $0x1  }
0xf: {  	v0 =	vimm.f32 $0.0e+00;
	v1 =	vimm.f32 $1.000000000e+00;
	s9 =	sadd.s32 $0x6400, s7;
	s10 =	sadd.s32 $0xC800, s7;
	s11 =	sadd.s32 $0x5200, s11  }
.LBB2_1:
0x10: {  	s17 =	simm.s32 $0x0;
	s18 =	simm.s32 $0x200  }
.LBB2_2:
0x11: {  	p1 =	sne.s32 s18, $0x18E00;
	[tilespmem:s17+$0x170] =	vst v0  }
0x12: {  	[tilespmem:s17+$0x100] =	vst v0  }
0x13: {  	[tilespmem:s17+$0x110] =	vst v0  }
.Ltmp0:
0x14: {  	[tilespmem:s17+$0x120] =	vst v0;
	(pc) =	sbr.rel @p1 .LBB2_2-.Ltmp0, $4  }
0x15: {  	[tilespmem:s17+$0x130] =	vst v0  }
0x16: {  	[tilespmem:s17+$0x140] =	vst v0  }
0x17: {  	[tilespmem:s17+$0x150] =	vst v0  }
0x18: {  	[tilespmem:s17+$0x160] =	vst v0;
	s17 =	sshra.s32 s18, $0x2;
	s18 =	sadd.s32 $0x200, s18  }
0x19: {  	[tilespmem:s17+$0x170] =	vst v0  }
0x1a: {  	[tilespmem:s17+$0x100] =	vst v0  }
0x1b: {  	[tilespmem:s17+$0x110] =	vst v0  }
0x1c: {  	[tilespmem:s17+$0x120] =	vst v0  }
0x1d: {  	[tilespmem:s17+$0x130] =	vst v0  }
0x1e: {  	[tilespmem:s17+$0x140] =	vst v0  }
0x1f: {  	[tilespmem:s17+$0x150] =	vst v0  }
0x20: {  	[tilespmem:s17+$0x160] =	vst v0  }
0x21: {  	[spmem:s7] =	stream.linear.scatter [tilespmem:s13], [sflag:$0x1], $0x6400, $0x38;
	[tilespmem:$0x19D80] =	vst v63  }
0x22: {  	_ =	swait.ge [sflag:s14], $0x6400  }
0x23: {  	[sflag:s14] =	ssyncset.done $0x0  }
0x24: {  	[sflag:s14] =	ssyncadd.s32 $0xFFFF9C00  }
0x25: {  	[spmem:s9] =	stream.linear.scatter [tilespmem:s13], [sflag:$0x1], $0x6400, $0x38;
	[tilespmem:$0x19D80] =	vst v63  }
0x26: {  	_ =	swait.ge [sflag:s14], $0x6400  }
0x27: {  	[sflag:s14] =	ssyncset.done $0x0  }
0x28: {  	[sflag:s14] =	ssyncadd.s32 $0xFFFF9C00  }
0x29: {  	[spmem:s10] =	stream.linear.scatter [tilespmem:s13], [sflag:$0x1], $0x6400, $0x38;
	[tilespmem:$0x19D80] =	vst v63  }
0x2a: {  	_ =	swait.ge [sflag:s14], $0x6400  }
0x2b: {  	[sflag:s14] =	ssyncset.done $0x0  }
0x2c: {  	[sflag:s14] =	ssyncadd.s32 $0xFFFF9C00  }
0x2d: {  	[spmem:s3] =	stream.linear.scatter [tilespmem:s13], [sflag:$0x1], $0xC00, $0x38;
	[tilespmem:$0x19D80] =	vst v63  }
0x2e: {  	_ =	swait.ge [sflag:s14], $0xC00  }
0x2f: {  	[sflag:s14] =	ssyncset.done $0x0  }
0x30: {  	s17 =	simm.s32 @!p0 $0x100;
	[sflag:s14] =	ssyncadd.s32 $0xFFFFF400  }
0x31: {  	[spmem:s4] =	stream.linear.scatter @!p0 [tilespmem:s17], [sflag:$0x1], $0x800, $0x38;
	[tilespmem:$0x19D80] =	vst v63  }
0x32: {  	s17 =	simm.s32 @!p0 $0x1  }
0x33: {  	_ =	swait.ge @!p0 [sflag:s17], $0x800  }
0x34: {  	[sflag:s17] =	ssyncset.done @!p0 $0x0  }
0x35: {  	s18 =	simm.s32 $0x200;
	[sflag:s17] =	ssyncadd.s32 @!p0 $0xFFFFF800;
	s17 =	simm.s32 $0x0  }
.LBB2_4:
0x36: {  	p1 =	sne.s32 s18, $0x18E00;
	[tilespmem:s17+$0x170] =	vst v1  }
0x37: {  	[tilespmem:s17+$0x100] =	vst v1  }
0x38: {  	[tilespmem:s17+$0x110] =	vst v1  }
.Ltmp1:
0x39: {  	[tilespmem:s17+$0x120] =	vst v1;
	(pc) =	sbr.rel @p1 .LBB2_4-.Ltmp1, $4  }
0x3a: {  	[tilespmem:s17+$0x130] =	vst v1  }
0x3b: {  	[tilespmem:s17+$0x140] =	vst v1  }
0x3c: {  	[tilespmem:s17+$0x150] =	vst v1  }
0x3d: {  	[tilespmem:s17+$0x160] =	vst v1;
	s17 =	sshra.s32 s18, $0x2;
	s18 =	sadd.s32 $0x200, s18  }
0x3e: {  	[tilespmem:s17+$0x170] =	vst v1  }
0x3f: {  	[tilespmem:s17+$0x100] =	vst v1  }
0x40: {  	[tilespmem:s17+$0x110] =	vst v1  }
0x41: {  	[tilespmem:s17+$0x120] =	vst v1  }
0x42: {  	[tilespmem:s17+$0x130] =	vst v1  }
0x43: {  	[tilespmem:s17+$0x140] =	vst v1  }
0x44: {  	[tilespmem:s17+$0x150] =	vst v1  }
0x45: {  	[tilespmem:s17+$0x160] =	vst v1  }
0x46: {  	s31 =	sadd.s32 $0x0, s11;
	[bflag:$0x0] =	sbarrier.arrive $0xFFFF  }
0x47: {  	[tilespmem:s2], [sflag:$0x1] =	stream.linear.gather [hbm4b:s31+s2], $0xC8, $0x38;
	[tilespmem:$0x19D80] =	vst v63  }
0x48: {  	_ =	swait.ge [sflag:s14], $0xC8  }
0x49: {  	[sflag:s14] =	ssyncset.done $0x0  }
0x4a: {  	[sflag:s14] =	ssyncadd.s32 $0xFFFFFF38  }
0x4b: {  	[spmem:s1] =	stream.indirect.scatter.add.f32 [tilespmem:s13], [sflag:$0x1], $0x80, s2, s15, $0xb8;
	[tilespmem:$0x19D80] =	vst v63  }
0x4c: {  	_ =	swait.ge [sflag:s14], $0x6400  }
0x4d: {  	s17 =	simm.s32 $0x19;
	s18 =	simm.s32 $0x32;
	[sflag:s14] =	ssyncset.done $0x0  }
.LBB2_6:
0x4e: {  	s19 =	sadd.s32 s17, s11  }
0x4f: {  	[sflag:s14] =	ssyncadd.s32 $0xFFFF9C00;
	s17 =	smov.u32 s18;
	s20 =	sadd.s32 $0x19, s18  }
0x50: {  	[tilespmem:s2], [sflag:$0x1] =	stream.linear.gather [hbm4b:s19+s2], $0xC8, $0x38;
	[tilespmem:$0x19D80] =	vst v63  }
0x51: {  	p1 =	sne.s32 s18, $0x258;
	_ =	swait.ge [sflag:s14], $0xC8  }
.Ltmp2:
0x52: {  	[sflag:s14] =	ssyncset.done $0x0;
	(pc) =	sbr.rel @p1 .LBB2_6-.Ltmp2, $4  }
0x53: {  	[sflag:s14] =	ssyncadd.s32 $0xFFFFFF38  }
0x54: {  	[spmem:s1] =	stream.indirect.scatter.add.f32 [tilespmem:s13], [sflag:$0x1], $0x80, s2, s15, $0xb8;
	[tilespmem:$0x19D80] =	vst v63  }
0x55: {  	_ =	swait.ge [sflag:s14], $0x6400  }
0x56: {  	s18 =	smov.u32 s20;
	[sflag:s14] =	ssyncset.done $0x0  }
0x57: {  	s17 =	sadd.s32 s17, s11;
	[sflag:s14] =	ssyncadd.s32 $0xFFFF9C00  }
0x58: {  	[tilespmem:s2], [sflag:$0x1] =	stream.linear.gather [hbm4b:s17+s2], $0xC8, $0x38;
	[tilespmem:$0x19D80] =	vst v63  }
0x59: {  	_ =	swait.ge [sflag:s14], $0xC8  }
0x5a: {  	[sflag:s14] =	ssyncset.done $0x0  }
0x5b: {  	[sflag:s14] =	ssyncadd.s32 $0xFFFFFF38  }
0x5c: {  	[spmem:s1] =	stream.indirect.scatter.add.f32 [tilespmem:s13], [sflag:$0x1], $0x80, s2, s15, $0xb8;
	[tilespmem:$0x19D80] =	vst v63  }
0x5d: {  	_ =	swait.ge [sflag:s14], $0x6400  }
0x5e: {  	[sflag:s14] =	ssyncset.done $0x0  }
0x5f: {  	[sflag:s14] =	ssyncadd.s32 $0xFFFF9C00  }
0x60: {  	[bflag:$0x0] =	sbarrier.arrive $0xFFFF  }
0x61: {  	[tilespmem:s13], [sflag:$0x1] =	stream.linear.gather [spmem:s7], $0x1400, $0x38;
	[tilespmem:$0x19D80] =	vst v63  }
0x62: {  	_ =	swait.ge [sflag:s14], $0x1400  }
0x63: {  	[sflag:s14] =	ssyncset.done $0x0  }
0x64: {  	s31 =	sadd.s32 $0x0, s12;
	[sflag:s14] =	ssyncadd.s32 $0xFFFFEC00  }
0x65: {  	[hbm4b:s31+s2] =	stream.linear.scatter [tilespmem:s13], [sflag:$0x1], $0x1400, $0x38;
	[tilespmem:$0x19D80] =	vst v63  }
0x66: {  	_ =	swait.ge [sflag:s14], $0x1400  }
0x67: {  	s18 =	smov.u32 s7;
	s17 =	simm.s32 $0x280;
	[sflag:s14] =	ssyncset.done $0x0  }
.LBB2_8:
0x68: {  	p1 =	sne.s32 s17, $0x2300;
	[sflag:s14] =	ssyncadd.s32 $0xFFFFEC00;
	s18 =	sadd.s32 $0x1400, s18  }
0x69: {  	[tilespmem:s13], [sflag:$0x1] =	stream.linear.gather [spmem:s18], $0x1400, $0x38;
	[tilespmem:$0x19D80] =	vst v63  }
0x6a: {  	s19 =	smov.u32 s17;
	s17 =	sadd.s32 $0x280, s17;
	_ =	swait.ge [sflag:s14], $0x1400  }
.Ltmp3:
0x6b: {  	[sflag:s14] =	ssyncset.done $0x0;
	(pc) =	sbr.rel @p1 .LBB2_8-.Ltmp3, $4  }
0x6c: {  	s19 =	sadd.s32 s19, s12;
	[sflag:s14] =	ssyncadd.s32 $0xFFFFEC00  }
0x6d: {  	[hbm4b:s19+s2] =	stream.linear.scatter [tilespmem:s13], [sflag:$0x1], $0x1400, $0x38;
	[tilespmem:$0x19D80] =	vst v63  }
0x6e: {  	_ =	swait.ge [sflag:s14], $0x1400  }
0x6f: {  	[sflag:s14] =	ssyncset.done $0x0  }
0x70: {  	[sflag:s14] =	ssyncadd.s32 $0xFFFFEC00  }
0x71: {  	[tilespmem:s13], [sflag:$0x1] =	stream.linear.gather [spmem:s3], $0xC00, $0x38;
	[tilespmem:$0x19D80] =	vst v63  }
0x72: {  	_ =	swait.ge [sflag:s14], $0xC00  }
0x73: {  	[sflag:s14] =	ssyncset.done $0x0  }
0x74: {  	[sflag:s14] =	ssyncadd.s32 $0xFFFFF400  }
0x75: {  	[hbm4b:s5+s2] =	stream.linear.scatter [tilespmem:s13], [sflag:$0x1], $0xC00, $0x38;
	[tilespmem:$0x19D80] =	vst v63  }
0x76: {  	_ =	swait.ge [sflag:s14], $0xC00  }
0x77: {  	[sflag:s14] =	ssyncset.done $0x0  }
0x78: {  	s17 =	simm.s32 @!p0 $0x100;
	s18 =	simm.s32 @!p0 $0x1;
	[sflag:s14] =	ssyncadd.s32 $0xFFFFF400  }
0x79: {  	[tilespmem:s17], [sflag:$0x1] =	stream.linear.gather @!p0 [spmem:s4], $0x800, $0x38;
	[tilespmem:$0x19D80] =	vst v63  }
0x7a: {  	s16 =	sadd.s32 $0x1, s16;
	_ =	swait.ge @!p0 [sflag:s18], $0x800  }
0x7b: {  	p1 =	sne.s32 s16, s8;
	[sflag:s18] =	ssyncset.done @!p0 $0x0  }
.Ltmp4:
0x7c: {  	s19 =	simm.s32 @!p0 $0x0;
	[sflag:s18] =	ssyncadd.s32 @!p0 $0xFFFFF800;
	(pc) =	sbr.rel @p1 .LBB2_1-.Ltmp4, $4  }
0x7d: {  	[hbm4b:s6+s19] =	stream.linear.scatter @!p0 [tilespmem:s17], [sflag:$0x1], $0x800, $0x38;
	[tilespmem:$0x19D80] =	vst v63  }
0x7e: {  	_ =	swait.ge @!p0 [sflag:s18], $0x800  }
0x7f: {  	[sflag:s18] =	ssyncset.done @!p0 $0x0  }
0x80: {  	[sflag:s18] =	ssyncadd.s32 @!p0 $0xFFFFF800  }
0x81: {  	_ =	sfence.sel $0x180000  }
0x82: {  	[bflag:$0x0] =	sbarrier.arrive $0xFFFF  }
0x83: {  	_ =	strace $0x9000004A  }
0x84: {  	s0 =	sadd.s32 @!p0 $0x100000, s0;
	[bflag:$0x2] =	sbarrier.arrive $0xFFFF  }
0x85: {  	[sflag:s0] =	ssyncadd.tile.s32 @!p0 $0x1;
	_ =	shalt  }
.Lfunc_end2:
_tile_overlayer_lowered:
.L_overlay_start_2:
0x86: {  	(tag) =	ssettag $0x2  }
0x87: {  	s0 =	rddreg [dreg:$0x0];
	s2 =	stileid.u32  }
0x88: {  	s1 =	rddreg [dreg:$0x1];
	p0 =	sne.s32 s2, $0x0  }
0x89: {  	s3 =	rddreg [dreg:$0x2];
	[bflag:$0x3] =	sbarrier.arrive $0xFFFF;
	s2 =	simm.s32 @!p0 $0x1C01  }
0x8a: {  	[timem:s3], [sflag:s2] =	dma.local @!p0 [hbm:s0], s1  }
0x8b: {  	s0 =	simm.s32 @!p0 $0x1  }
0x8c: {  	_ =	swait.ge @!p0 [sflag:s0], s1  }
0x8d: {  	s1 =	ssub.s32 @!p0 $0x0, s1;
	[sflag:s0] =	ssyncset.done @!p0 $0x0  }
0x8e: {  	[sflag:s0] =	ssyncadd.s32 @!p0 s1  }
0x8f: {  	[bflag:$0x3] =	sbarrier.arrive $0xFFFF  }
0x90: {  	_ =	shalt  }

// kernel: edge_scatter.4.cloned.1.call-start
scs
__scs_entry_jumppad:
0x0: {  	(pc) =	sbr.rel $0x88, $3  }
0x1: {  	(tag) =	ssettag $0x0;
	lr =	simm.s32 $0x1  }
0x2: {  	[smem:$0x3F87] =	sst lr;
	_ =	strace $0xD0000000  }
0x3: {  	_ = 	snop  }
0x4: {  	_ = 	snop  }
0x5: {  	_ = 	snop  }
0x6: {  	_ = 	snop  }
0x7: {  	_ = 	snop  }
__scs_overlays_trampoline_lowered:
0x8: {  	[smem:$0x3F96] =	sst s0  }
0x9: {  	[smem:$0x3F97] =	sst s1  }
0xa: {  	[smem:$0x3F98] =	sst s2  }
0xb: {  	[smem:$0x3F99] =	sst s3  }
0xc: {  	[smem:$0x3F9A] =	sst s4  }
0xd: {  	[smem:$0x3F9B] =	sst s5  }
0xe: {  	[smem:$0x3F9C] =	sst s6  }
0xf: {  	[smem:$0x3F9D] =	sst s7  }
0x10: {  	[smem:$0x3F9E] =	sst s8  }
0x11: {  	[smem:$0x3F9F] =	sst s9;
	s0 =	simm.s32 @!p0 $0x0  }
0x12: {  	s1 =	sld [smem:$0x3F85];
	s0 =	simm.s32 @p0 $0x1  }
0x13: {  	[smem:$0x3FA0] =	sst s0;
	s0 =	simm.s32 @!p1 $0x0  }
0x14: {  	s2 =	sld [smem:$0x3F84];
	s0 =	simm.s32 @p1 $0x1  }
0x15: {  	[smem:$0x3FA1] =	sst s0;
	s0 =	simm.s32 @!p2 $0x0  }
0x16: {  	s3 =	sld [smem:$0x3FDB];
	s0 =	simm.s32 @p2 $0x1  }
0x17: {  	s4 =	simm.s32 $0x1BF5;
	[smem:$0x3FA3] =	sst s0  }
0x18: {  	s0 =	sld [smem:$0x3F86];
	_ =	swait.ge [sflag:s4], $0x0  }
0x19: {  	s7 =	sld [smem:$0x3F87]  }
0x1a: {  	s8 =	sadd.s32 $0xFFFFE003, lr  }
0x1b: {  	s9 =	sadd.s32 $0xFFFFFEF7, lr;
	s5 =	simm.s32 $0xFFFFFFFF;
	p2 =	slt.u32 s8, $0xFFFFF086  }
0x1c: {  	p1 =	slt.u32 s9, $0xF7A;
	s5 =	simm.s32 @!p2 $0x0  }
0x1d: {  	s5 =	simm.s32 @p1 $0x1;
	p0 =	seq.s32 s7, s2  }
0x1e: {  	s7 =	smul.u32 @!p0 $0xF7A, s2;
	p2 =	seq.s32 @!p0 s5, $0x0  }
0x1f: {  	s9 =	smul.u32 $0xF7A, s1;
	s8 =	simm.s32 @!p0 $0x1BF5;
	p2 =	por !p2, p0  }
0x20: {  	[sflag:s8] =	ssyncset.s32 @!p0 $0xFFFFF086;
	s6 =	sadd.s32 @!p0 s3, s7;
	s7 =	simm.s32 @!p0 $0x108  }
0x21: {  	s3 =	sadd.s32 s3, s9;
	s6 =	sadd.s32 @!p0 $0x88, s6;
	s7 =	simm.s32 @p2 $0x1082  }
0x22: {  	[simem:s7], [sflag:s8] =	dma.local @!p0 [hbm:s6], $0xF7A  }
0x23: {  	s9 =	sor.u32 $0xD0000000, s2;
	s6 =	simm.s32 $0x108;
	_ =	swait.ge @!p0 [sflag:s8], $0x0  }
0x24: {  	s3 =	sadd.s32 $0x88, s3;
	s6 =	simm.s32 @!p1 $0x1082;
	[sflag:s4] =	ssyncset.s32 $0xFFFFF086  }
0x25: {  	[simem:s6], [sflag:s4] =	dma.local [hbm:s3], $0xF7A  }
0x26: {  	[smem:$0x3F87] =	sst s1;
	(tag) =	ssettag s2;
	_ =	strace s9  }
0x27: {  	s1 =	sld [smem:$0x3F97]  }
0x28: {  	s2 =	sld [smem:$0x3F98]  }
0x29: {  	s4 =	sld [smem:$0x3F9A]  }
0x2a: {  	p0 =	seq.s32 s5, $0x0;
	s5 =	sld [smem:$0x3F9B]  }
0x2b: {  	s6 =	sld [smem:$0x3F9C]  }
0x2c: {  	s7 =	sld [smem:$0x3F9D]  }
0x2d: {  	s3 =	simm.s32 $0x108;
	s8 =	sld [smem:$0x3F9E]  }
0x2e: {  	s3 =	simm.s32 @!p0 $0x1082;
	s9 =	sld [smem:$0x3F9F]  }
0x2f: {  	lr =	sadd.s32 s0, s3;
	s0 =	sld [smem:$0x3F96]  }
0x30: {  	s3 =	sld [smem:$0x3F99]  }
0x31: {  	[smem:$0x3FA2] =	sst s10  }
0x32: {  	s10 =	sld [smem:$0x3FA0];
	_ =	sdelay $0x3  }
0x33: {  	p0 =	seq.s32 s10, $0x1;
	s10 =	sld [smem:$0x3FA2];
	_ =	sdelay $0x3  }
0x34: {  	[smem:$0x3FA2] =	sst s10  }
0x35: {  	s10 =	sld [smem:$0x3FA1];
	_ =	sdelay $0x3  }
0x36: {  	p1 =	seq.s32 s10, $0x1;
	s10 =	sld [smem:$0x3FA2];
	_ =	sdelay $0x3  }
0x37: {  	[smem:$0x3FA2] =	sst s10  }
0x38: {  	s10 =	sld [smem:$0x3FA3]  }
0x39: {  	_ = 	snop;
	(pc) =	sbr.ind lr, $3  }
0x3a: {  	_ = 	snop  }
0x3b: {  	_ = 	snop  }
0x3c: {  	p2 =	seq.s32 s10, $0x1;
	s10 =	sld [smem:$0x3FA2]  }
0x3d: {  	_ =	shalt  }
0x3e: {  	_ =	shalt  }
0x3f: {  	_ =	shalt  }
0x40: {  	_ =	shalt  }
0x41: {  	_ =	shalt  }
0x42: {  	_ =	shalt  }
0x43: {  	_ =	shalt  }
0x44: {  	_ =	shalt  }
0x45: {  	_ =	shalt  }
0x46: {  	_ =	shalt  }
0x47: {  	_ =	shalt  }
0x48: {  	_ =	shalt  }
0x49: {  	_ =	shalt  }
0x4a: {  	_ =	shalt  }
0x4b: {  	_ =	shalt  }
0x4c: {  	_ =	shalt  }
0x4d: {  	_ =	shalt  }
0x4e: {  	_ =	shalt  }
0x4f: {  	_ =	shalt  }
0x50: {  	_ =	shalt  }
0x51: {  	_ =	shalt  }
0x52: {  	_ =	shalt  }
0x53: {  	_ =	shalt  }
0x54: {  	_ =	shalt  }
0x55: {  	_ =	shalt  }
0x56: {  	_ =	shalt  }
0x57: {  	_ =	shalt  }
0x58: {  	_ =	shalt  }
0x59: {  	_ =	shalt  }
0x5a: {  	_ =	shalt  }
0x5b: {  	_ =	shalt  }
0x5c: {  	_ =	shalt  }
0x5d: {  	_ =	shalt  }
0x5e: {  	_ =	shalt  }
0x5f: {  	_ =	shalt  }
0x60: {  	_ =	shalt  }
0x61: {  	_ =	shalt  }
0x62: {  	_ =	shalt  }
0x63: {  	_ =	shalt  }
0x64: {  	_ =	shalt  }
0x65: {  	_ =	shalt  }
0x66: {  	_ =	shalt  }
0x67: {  	_ =	shalt  }
0x68: {  	_ =	shalt  }
0x69: {  	_ =	shalt  }
0x6a: {  	_ =	shalt  }
0x6b: {  	_ =	shalt  }
0x6c: {  	_ =	shalt  }
0x6d: {  	_ =	shalt  }
0x6e: {  	_ =	shalt  }
0x6f: {  	_ =	shalt  }
0x70: {  	_ =	shalt  }
0x71: {  	_ =	shalt  }
0x72: {  	_ =	shalt  }
0x73: {  	_ =	shalt  }
0x74: {  	_ =	shalt  }
0x75: {  	_ =	shalt  }
0x76: {  	_ =	shalt  }
0x77: {  	_ =	shalt  }
0x78: {  	_ =	shalt  }
0x79: {  	_ =	shalt  }
0x7a: {  	_ =	shalt  }
0x7b: {  	_ =	shalt  }
0x7c: {  	_ =	shalt  }
0x7d: {  	_ =	shalt  }
0x7e: {  	_ =	shalt  }
0x7f: {  	_ =	shalt  }
0x80: {  	_ =	shalt  }
0x81: {  	_ =	shalt  }
0x82: {  	_ =	shalt  }
0x83: {  	_ =	shalt  }
0x84: {  	_ =	shalt  }
0x85: {  	_ =	shalt  }
0x86: {  	_ =	shalt  }
0x87: {  	_ =	shalt  }
.Lfunc_end0:
.L_simem_size_0:
called_computation.1_lowered:
.L_overlay_start_0:
0x88: {  	s2 =	sld [smem:$0x3FD9]  }
0x89: {  	s3 =	sld [smem:$0x3FFE];
	_ =	sdelay $0x1  }
0x8a: {  	s1 =	srdreg.scid  }
0x8b: {  	s0 =	sand.u32 $0x1, s1  }
0x8c: {  	s17 =	sshll.u32 s0, $0xA;
	s2 =	sadd.s32 s3, s2  }
0x8d: {  	s2 =	sadd.s32 s2, s17  }
0x8e: {  	[smem:$0x3FAE] =	sst s2  }
0x8f: {  	_ = 	snop  }
0x90: {  	s2 =	sld [smem:$0x3FD0];
	(tm) =	ssettm $0x1  }
0x91: {  	s18 =	sld [smem:$0x3FFB];
	_ =	sdelay $0x3  }
0x92: {  	_ =	strace s18  }
0x93: {  	s3 =	sld [smem:$0x3FFC];
	_ =	sdelay $0x3  }
0x94: {  	_ =	strace s3  }
0x95: {  	s3 =	sld [smem:$0x3FFD];
	_ =	sdelay $0x3  }
0x96: {  	_ =	strace s3  }
0x97: {  	_ =	strace $0x8FFFFFFF  }
0x98: {  	s19 =	sld [smem:$0x3FDB];
	_ =	sdelay $0x1  }
0x99: {  	s4 =	simm.s32 $_scs_section_size  }
0x9a: {  	s5 =	simm.s32 $_size__tile_overlayer_lowered;
	s6 =	simm.s32 $_tile_overlayer_lowered  }
0x9b: {  	s22 =	simm.s32 $0x1BFF;
	s21 =	sshll.u32 s6, $0x1;
	s3 =	sadd.s32 s4, s19  }
0x9c: {  	s7 =	simm.s32 $0x0;
	s20 =	sshll.u32 s5, $0x1;
	s5 =	sadd.s32 s21, s3  }
0x9d: {  	[timem:s7], [sflag:s22] =	dma.local [hbm:s5], s20  }
0x9e: {  	_ =	swait.ge [sflag:s22], s20  }
0x9f: {  	s4 =	ssub.s32 $0x0, s20;
	[sflag:s22] =	ssyncset.done $0x0  }
0xa0: {  	[sflag:s22] =	ssyncadd.s32 s4;
	_ =	sdelay $0x1  }
0xa1: {  	s23 =	simm.s32 $0x1B8B  }
0xa2: {  	_ =	swait.ge [sflag:s23], $0x1  }
0xa3: {  	[sflag:s23] =	ssyncset.done $0x0  }
0xa4: {  	s25 =	simm.s32 $0x1B8E;
	s24 =	sld [smem:$0x3FFE];
	[sflag:s23] =	ssyncadd.s32 $0xFFFFFFFF  }
0xa5: {  	s26 =	simm.s32 $execute0_lowered;
	[smem:$0x3FD2] =	sst s25  }
0xa6: {  	s5 =	sshll.u32 s26, $0x1;
	_ =	strace $0x80000046;
	[dreg:$0x1] =	wrdreg $0xFFFFFFFF  }
0xa7: {  	s28 =	simm.s32 $_size_execute0_lowered;
	s3 =	sadd.s32 s3, s5;
	[dreg:$0x0] =	wrdreg $0x0  }
0xa8: {  	s5 =	sshll.u32 s28, $0x1;
	[dreg:$0x2] =	wrdreg s3  }
0xa9: {  	[dreg:$0x3] =	wrdreg s5  }
0xaa: {  	[dreg:$0x4] =	wrdreg $0xC0  }
0xab: {  	_ =	task [dreg:s7], $0x5FFFF  }
0xac: {  	[dreg:$0x1] =	wrdreg $0xFFFFFFFF  }
0xad: {  	[dreg:$0x0] =	wrdreg $0x60  }
0xae: {  	[dreg:$0x2] =	wrdreg s24  }
0xaf: {  	[dreg:$0x3] =	wrdreg s2  }
0xb0: {  	[dreg:$0x4] =	wrdreg $0xA4000  }
0xb1: {  	[dreg:$0x5] =	wrdreg $0xA  }
0xb2: {  	_ =	task.clear_ibuf [dreg:s7], $0x6FFFF;
	_ =	strace $0x90000046  }
0xb3: {  	s29 =	simm.s32 $0xA;
	_ =	strace $0x80000048  }
0xb4: {  	_ =	swait.ge [sflag:s29], $0x1  }
0xb5: {  	[sflag:s29] =	ssyncadd.s32 $0xFFFFFFFF  }
0xb6: {  	_ =	strace $0x90000048  }
0xb7: {  	_ =	sfence  }
0xb8: {  	s30 =	sld [smem:$0x0];
	_ =	sdelay $0x2  }
0xb9: {  	s31 =	sshll.u32 s1, $0xD;
	s1 =	sshrl.u32 s1, $0x2  }
0xba: {  	s3 =	sand.u32 $0x4000, s31;
	s1 =	sadd.s32 s1, s30  }
0xbb: {  	s0 =	sor.u32 s3, s0;
	s1 =	sshll.u32 s1, $0x11  }
0xbc: {  	s0 =	sor.u32 s1, s0  }
0xbd: {  	s0 =	sadd.s32 $0x8F2B, s0  }
0xbe: {  	[sflag:s0] =	ssyncadd.remote.s32 $0x1  }
0xbf: {  	_ =	sfence.sel $0xFFFF  }
0xc0: {  	[dreg:$0x0] =	wrdreg $0xFFFFFFFF;
	(pc) =	sbr.abs _section_cstart, $3  }
0xc1: {  	[dreg:$0x1] =	wrdreg $0xFFFFFFFF  }
0xc2: {  	_ =	task.clear_ibuf [dreg:s7], $0x2FFFF;
	_ =	strace $0x9FFFFFFF  }
0xc3: {  	(tm) =	ssettm $0x7FFFFFFF  }
tec
execute0_lowered:
.L_overlay_start_1:
0x0: {  	(tag) =	ssettag $0x1  }
0x1: {  	s0 =	rddreg [dreg:$0x0]  }
0x2: {  	s1 =	rddreg [dreg:$0x1]  }
0x3: {  	s2 =	rddreg [dreg:$0x2];
	s3 =	simm.s32 $0x0;
	s9 =	stileid.u32  }
0x4: {  	s8 =	srdreg.scid;
	[smem:$0x7FF] =	sst s3;
	s4 =	sadd.s32 $0x50200, s0  }
0x5: {  	s5 =	sadd.s32 $0xA0200, s0;
	s6 =	sadd.s32 $0xA200, s0;
	s10 =	smul.u32 $0x13800, s9  }
0x6: {  	s7 =	sadd.s32 $0x2D200, s0;
	s11 =	sand.u32 $0x1, s8;
	s8 =	smul.u32 $0x8C00, s9  }
0x7: {  	s0 =	sadd.s32 $0xF0200, s0;
	s24 =	smul.u32 $0x4E000, s9;
	s28 =	sadd.s32 $0x138000, s2  }
0x8: {  	_ =	strace $0x80000047;
	s12 =	ssub.s32 $0x2, s11;
	s13 =	smul.u32 $0x8C000, s11  }
0x9: {  	s16 =	smul.u32 $0x140000, s11;
	s14 =	sshrl.u32 s12, $0x1;
	s15 =	sadd.s32 $0x12C00, s10  }
0xa: {  	[dreg:$0x5] =	wrdreg s28;
	s12 =	ssub.s32 s12, s14;
	s26 =	sadd.s32 s15, s2  }
0xb: {  	s11 =	sadd.s32 s13, s8;
	s25 =	sadd.s32 s16, s15;
	s30 =	sshrl.u32 s16, $0x3  }
0xc: {  	s14 =	sshrl.u32 s24, $0x2;
	s12 =	smax.u32 s12, $0x1;
	[dreg:$0x4] =	wrdreg s26  }
0xd: {  	s13 =	sshrl.u32 s25, $0x3;
	s29 =	sadd.s32 s14, s2;
	[dreg:$0x9] =	wrdreg s12  }
0xe: {  	s15 =	sadd.s32 s0, s30;
	s13 =	sadd.s32 s0, s13;
	[dreg:$0x7] =	wrdreg s29  }
0xf: {  	s31 =	sadd.s32 $0x27000, s15;
	[dreg:$0x6] =	wrdreg s13  }
0x10: {  	s14 =	sadd.s32 $0x2800, s29;
	[dreg:$0x8] =	wrdreg s31  }
0x11: {  	s15 =	sadd.s32 $0x3C00, s29;
	[dreg:$0xb] =	wrdreg s14  }
0x12: {  	s10 =	sadd.s32 s10, s16;
	s16 =	sadd.s32 $0x5000, s29;
	[dreg:$0xc] =	wrdreg s15  }
0x13: {  	s17 =	sadd.s32 $0x6400, s29;
	[dreg:$0xd] =	wrdreg s16  }
0x14: {  	s18 =	sadd.s32 $0x7800, s29;
	[dreg:$0xe] =	wrdreg s17  }
0x15: {  	s19 =	sadd.s32 $0x8C00, s29;
	[dreg:$0xf] =	wrdreg s18  }
0x16: {  	p0 =	sne.s32 s9, $0x0;
	s20 =	sadd.s32 $0xA000, s29;
	[dreg:$0x10] =	wrdreg s19  }
0x17: {  	s10 =	sshrl.u32 s10, $0x3;
	s21 =	sadd.s32 $0xB400, s29;
	[dreg:$0x11] =	wrdreg s20  }
0x18: {  	s23 =	sadd.s32 s10, s0;
	s22 =	sadd.s32 $0xC800, s29;
	[dreg:$0x12] =	wrdreg s21  }
0x19: {  	s24 =	sadd.s32 $0xDC00, s29;
	s25 =	sadd.s32 $0xF000, s29;
	[dreg:$0x13] =	wrdreg s22  }
0x1a: {  	s30 =	sadd.s32 $0x10400, s29;
	s0 =	simm.s32 $0x5400;
	[dreg:$0x14] =	wrdreg s24  }
0x1b: {  	s12 =	simm.s32 $0x5;
	s13 =	sadd.s32 $0x1400, s29;
	[dreg:$0x15] =	wrdreg s25  }
0x1c: {  	[dreg:$0x16] =	wrdreg s30;
	s31 =	sadd.s32 $0x11800, s29;
	s14 =	simm.s32 $0x1C00  }
0x1d: {  	s15 =	simm.s32 $0x3800;
	s16 =	simm.s32 $0x28;
	s17 =	simm.s32 $0x6800  }
0x1e: {  	s18 =	simm.s32 $0x7C00;
	s19 =	simm.s32 $0x9000;
	s20 =	simm.s32 $0x1  }
0x1f: {  	s21 =	simm.s32 $0x2;
	s22 =	simm.s32 $0x3;
	[dreg:$0xa] =	wrdreg s13  }
0x20: {  	v0 =	vimm.f32 $0.0e+00;
	s24 =	simm.s32 $0x4;
	s25 =	simm.s32 $0x0;
	[dreg:$0x17] =	wrdreg s31  }
.LBB2_1:
0x21: {  	s9 =	simm.s32 $0x0;
	s10 =	simm.s32 $0x200  }
.LBB2_2:
0x22: {  	p1 =	sne.s32 s10, $0x4E00;
	[tilespmem:s9+$0x5470] =	vst v0  }
0x23: {  	[tilespmem:s9+$0x5400] =	vst v0  }
0x24: {  	[tilespmem:s9+$0x5410] =	vst v0  }
.Ltmp0:
0x25: {  	[tilespmem:s9+$0x5420] =	vst v0;
	(pc) =	sbr.rel @p1 .LBB2_2-.Ltmp0, $4  }
0x26: {  	[tilespmem:s9+$0x5430] =	vst v0  }
0x27: {  	[tilespmem:s9+$0x5440] =	vst v0  }
0x28: {  	[tilespmem:s9+$0x5450] =	vst v0  }
0x29: {  	[tilespmem:s9+$0x5460] =	vst v0;
	s9 =	sshra.s32 s10, $0x2;
	s10 =	sadd.s32 $0x200, s10  }
0x2a: {  	[tilespmem:s9+$0x5470] =	vst v0  }
0x2b: {  	[tilespmem:s9+$0x5400] =	vst v0  }
0x2c: {  	[tilespmem:s9+$0x5410] =	vst v0  }
0x2d: {  	[tilespmem:s9+$0x5420] =	vst v0  }
0x2e: {  	[tilespmem:s9+$0x5430] =	vst v0  }
0x2f: {  	[tilespmem:s9+$0x5440] =	vst v0  }
0x30: {  	[tilespmem:s9+$0x5450] =	vst v0  }
0x31: {  	[tilespmem:s9+$0x5460] =	vst v0  }
0x32: {  	[spmem:s29] =	stream.linear.scatter [tilespmem:s0], [sflag:$0x5], $0x1400, $0x38;
	[tilespmem:$0x1DC80] =	vst v63  }
0x33: {  	_ =	swait.ge [sflag:s12], $0x1400  }
0x34: {  	[sflag:s12] =	ssyncset.done $0x0  }
0x35: {  	s13 =	rddreg [dreg:$0xa];
	[sflag:s12] =	ssyncadd.s32 $0xFFFFEC00  }
0x36: {  	[spmem:s13] =	stream.linear.scatter [tilespmem:s0], [sflag:$0x5], $0x1400, $0x38;
	[tilespmem:$0x1DC80] =	vst v63  }
0x37: {  	_ =	swait.ge [sflag:s12], $0x1400  }
0x38: {  	[sflag:s12] =	ssyncset.done $0x0  }
0x39: {  	s29 =	rddreg [dreg:$0xb];
	[sflag:s12] =	ssyncadd.s32 $0xFFFFEC00  }
0x3a: {  	[spmem:s29] =	stream.linear.scatter [tilespmem:s0], [sflag:$0x5], $0x1400, $0x38;
	[tilespmem:$0x1DC80] =	vst v63  }
0x3b: {  	_ =	swait.ge [sflag:s12], $0x1400  }
0x3c: {  	[sflag:s12] =	ssyncset.done $0x0  }
0x3d: {  	s30 =	rddreg [dreg:$0xc];
	[sflag:s12] =	ssyncadd.s32 $0xFFFFEC00  }
0x3e: {  	[spmem:s30] =	stream.linear.scatter [tilespmem:s0], [sflag:$0x5], $0x1400, $0x38;
	[tilespmem:$0x1DC80] =	vst v63  }
0x3f: {  	_ =	swait.ge [sflag:s12], $0x1400  }
0x40: {  	[sflag:s12] =	ssyncset.done $0x0  }
0x41: {  	s31 =	rddreg [dreg:$0xd];
	[sflag:s12] =	ssyncadd.s32 $0xFFFFEC00  }
0x42: {  	[spmem:s31] =	stream.linear.scatter [tilespmem:s0], [sflag:$0x5], $0x1400, $0x38;
	[tilespmem:$0x1DC80] =	vst v63  }
0x43: {  	_ =	swait.ge [sflag:s12], $0x1400  }
0x44: {  	[sflag:s12] =	ssyncset.done $0x0  }
0x45: {  	s10 =	rddreg [dreg:$0xe];
	[sflag:s12] =	ssyncadd.s32 $0xFFFFEC00  }
0x46: {  	[spmem:s10] =	stream.linear.scatter [tilespmem:s0], [sflag:$0x5], $0x1400, $0x38;
	[tilespmem:$0x1DC80] =	vst v63  }
0x47: {  	_ =	swait.ge [sflag:s12], $0x1400  }
0x48: {  	[sflag:s12] =	ssyncset.done $0x0  }
0x49: {  	s13 =	rddreg [dreg:$0xf];
	[sflag:s12] =	ssyncadd.s32 $0xFFFFEC00  }
0x4a: {  	[spmem:s13] =	stream.linear.scatter [tilespmem:s0], [sflag:$0x5], $0x1400, $0x38;
	[tilespmem:$0x1DC80] =	vst v63  }
0x4b: {  	_ =	swait.ge [sflag:s12], $0x1400  }
0x4c: {  	[sflag:s12] =	ssyncset.done $0x0  }
0x4d: {  	s29 =	rddreg [dreg:$0x10];
	[sflag:s12] =	ssyncadd.s32 $0xFFFFEC00  }
0x4e: {  	[spmem:s29] =	stream.linear.scatter [tilespmem:s0], [sflag:$0x5], $0x1400, $0x38;
	[tilespmem:$0x1DC80] =	vst v63  }
0x4f: {  	_ =	swait.ge [sflag:s12], $0x1400  }
0x50: {  	[sflag:s12] =	ssyncset.done $0x0  }
0x51: {  	s30 =	rddreg [dreg:$0x11];
	[sflag:s12] =	ssyncadd.s32 $0xFFFFEC00  }
0x52: {  	[spmem:s30] =	stream.linear.scatter [tilespmem:s0], [sflag:$0x5], $0x1400, $0x38;
	[tilespmem:$0x1DC80] =	vst v63  }
0x53: {  	_ =	swait.ge [sflag:s12], $0x1400  }
0x54: {  	[sflag:s12] =	ssyncset.done $0x0  }
0x55: {  	s31 =	rddreg [dreg:$0x12];
	[sflag:s12] =	ssyncadd.s32 $0xFFFFEC00  }
0x56: {  	[spmem:s31] =	stream.linear.scatter [tilespmem:s0], [sflag:$0x5], $0x1400, $0x38;
	[tilespmem:$0x1DC80] =	vst v63  }
0x57: {  	_ =	swait.ge [sflag:s12], $0x1400  }
0x58: {  	[sflag:s12] =	ssyncset.done $0x0  }
0x59: {  	s10 =	rddreg [dreg:$0x13];
	[sflag:s12] =	ssyncadd.s32 $0xFFFFEC00  }
0x5a: {  	[spmem:s10] =	stream.linear.scatter [tilespmem:s0], [sflag:$0x5], $0x1400, $0x38;
	[tilespmem:$0x1DC80] =	vst v63  }
0x5b: {  	_ =	swait.ge [sflag:s12], $0x1400  }
0x5c: {  	[sflag:s12] =	ssyncset.done $0x0  }
0x5d: {  	s13 =	rddreg [dreg:$0x14];
	[sflag:s12] =	ssyncadd.s32 $0xFFFFEC00  }
0x5e: {  	[spmem:s13] =	stream.linear.scatter [tilespmem:s0], [sflag:$0x5], $0x1400, $0x38;
	[tilespmem:$0x1DC80] =	vst v63  }
0x5f: {  	_ =	swait.ge [sflag:s12], $0x1400  }
0x60: {  	[sflag:s12] =	ssyncset.done $0x0  }
0x61: {  	s29 =	rddreg [dreg:$0x15];
	[sflag:s12] =	ssyncadd.s32 $0xFFFFEC00  }
0x62: {  	[spmem:s29] =	stream.linear.scatter [tilespmem:s0], [sflag:$0x5], $0x1400, $0x38;
	[tilespmem:$0x1DC80] =	vst v63  }
0x63: {  	_ =	swait.ge [sflag:s12], $0x1400  }
0x64: {  	[sflag:s12] =	ssyncset.done $0x0  }
0x65: {  	s30 =	rddreg [dreg:$0x16];
	[sflag:s12] =	ssyncadd.s32 $0xFFFFEC00  }
0x66: {  	[spmem:s30] =	stream.linear.scatter [tilespmem:s0], [sflag:$0x5], $0x1400, $0x38;
	[tilespmem:$0x1DC80] =	vst v63  }
0x67: {  	_ =	swait.ge [sflag:s12], $0x1400  }
0x68: {  	[sflag:s12] =	ssyncset.done $0x0  }
0x69: {  	s31 =	rddreg [dreg:$0x17];
	[sflag:s12] =	ssyncadd.s32 $0xFFFFEC00  }
0x6a: {  	[spmem:s31] =	stream.linear.scatter [tilespmem:s0], [sflag:$0x5], $0x1400, $0x38;
	[tilespmem:$0x1DC80] =	vst v63  }
0x6b: {  	_ =	swait.ge [sflag:s12], $0x1400  }
0x6c: {  	[sflag:s12] =	ssyncset.done $0x0  }
0x6d: {  	[sflag:s12] =	ssyncadd.s32 $0xFFFFEC00  }
0x6e: {  	[spmem:s26] =	stream.linear.scatter [tilespmem:s0], [sflag:$0x5], $0xC00, $0x38;
	[tilespmem:$0x1DC80] =	vst v63  }
0x6f: {  	_ =	swait.ge [sflag:s12], $0xC00  }
0x70: {  	[sflag:s12] =	ssyncset.done $0x0  }
0x71: {  	s9 =	simm.s32 @!p0 $0x5400;
	[sflag:s12] =	ssyncadd.s32 $0xFFFFF400  }
0x72: {  	[spmem:s28] =	stream.linear.scatter @!p0 [tilespmem:s9], [sflag:$0x5], $0x800, $0x38;
	[tilespmem:$0x1DC80] =	vst v63  }
0x73: {  	s9 =	simm.s32 @!p0 $0x5  }
0x74: {  	_ =	swait.ge @!p0 [sflag:s9], $0x800  }
0x75: {  	[sflag:s9] =	ssyncset.done @!p0 $0x0  }
0x76: {  	[sflag:s9] =	ssyncadd.s32 @!p0 $0xFFFFF800  }
0x77: {  	s26 =	simm.s32 $0x0;
	s28 =	simm.s32 $0x0;
	[bflag:$0x0] =	sbarrier.arrive $0xFFFF  }
.LBB2_4:
0x78: {  	s9 =	smul.u32 $0x1C00, s28;
	_ =	sdelay $0x1  }
0x79: {  	s10 =	sadd.s32 s11, s9  }
0x7a: {  	s10 =	sshrl.u32 s10, $0x3  }
0x7b: {  	s29 =	sadd.s32 s6, s10  }
0x7c: {  	[tilespmem:s26], [sflag:$0x5] =	stream.linear.gather [hbm4b:s29+s26], $0x1900, $0x38;
	[tilespmem:$0x1DC80] =	vst v63  }
0x7d: {  	_ =	swait.ge [sflag:s12], $0x1900  }
0x7e: {  	[sflag:s12] =	ssyncset.done $0x0  }
0x7f: {  	s10 =	sadd.s32 s7, s10;
	[sflag:s12] =	ssyncadd.s32 $0xFFFFE700  }
0x80: {  	[tilespmem:s14], [sflag:$0x5] =	stream.linear.gather [hbm4b:s10+s26], $0x1900, $0x38;
	[tilespmem:$0x1DC80] =	vst v63  }
0x81: {  	s9 =	sadd.s32 s8, s9;
	_ =	swait.ge [sflag:s12], $0x1900  }
0x82: {  	s9 =	sshrl.u32 s9, $0x3;
	[sflag:s12] =	ssyncset.done $0x0  }
0x83: {  	s9 =	sadd.s32 s1, s9;
	[sflag:s12] =	ssyncadd.s32 $0xFFFFE700  }
0x84: {  	[tilespmem:s15], [sflag:$0x5] =	stream.linear.gather [hbm4b:s9+s26], $0x1900, $0x38;
	[tilespmem:$0x1DC80] =	vst v63  }
0x85: {  	_ =	swait.ge [sflag:s12], $0x1900  }
0x86: {  	[sflag:s12] =	ssyncset.done $0x0  }
0x87: {  	[sflag:s12] =	ssyncadd.s32 $0xFFFFE700  }
0x88: {  	[tilespmem:s0], [sflag:$0x1] =	stream.indirect.gather [hbm4b:s4+s16], $0x80, s14, s16, $0xb8;
	[tilespmem:$0x1DC80] =	vst v63  }
0x89: {  	s29 =	simm.s32 $0x0  }
0x8a: {  	[tilespmem:s17], [sflag:$0x2] =	stream.indirect.gather [hbm4b:s5+s16], $0x80, s26, s16, $0xb8;
	[tilespmem:$0x1DC80] =	vst v63  }
.LBB2_5:
0x8b: {  	s31 =	sshll.u32 s29, $0x8  }
0x8c: {  	s9 =	sadd.s32 $0x1C80, s31  }
0x8d: {  	[tilespmem:s18], [sflag:$0x3] =	stream.indirect.gather [hbm4b:s4+s16], $0x80, s9, s16, $0xb8;
	[tilespmem:$0x1DC80] =	vst v63  }
0x8e: {  	s30 =	sor.u32 $0x80, s31  }
0x8f: {  	[tilespmem:s19], [sflag:$0x4] =	stream.indirect.gather [hbm4b:s5+s16], $0x80, s30, s16, $0xb8;
	[tilespmem:$0x1DC80] =	vst v63  }
0x90: {  	_ =	swait.ge [sflag:s20], $0x1400  }
0x91: {  	[sflag:s20] =	ssyncset.done $0x0  }
0x92: {  	[sflag:s20] =	ssyncadd.s32 $0xFFFFEC00  }
0x93: {  	_ =	swait.ge [sflag:s21], $0x1400  }
0x94: {  	[sflag:s21] =	ssyncset.done $0x0  }
0x95: {  	s9 =	simm.s32 $0x0;
	[sflag:s21] =	ssyncadd.s32 $0xFFFFEC00  }
0x96: {  	v7 =	vld [tilespmem:s9+$0x6800]  }
0x97: {  	v12 =	vld [tilespmem:s9+$0x6810]  }
0x98: {  	v6 =	vld [tilespmem:s9+$0x6820]  }
0x99: {  	v5 =	vld [tilespmem:s9+$0x6830]  }
0x9a: {  	v4 =	vld [tilespmem:s9+$0x6840]  }
0x9b: {  	v3 =	vld [tilespmem:s9+$0x6850]  }
0x9c: {  	v2 =	vld [tilespmem:s9+$0x6860]  }
0x9d: {  	v1 =	vld [tilespmem:s9+$0x6870]  }
0x9e: {  	v13 =	vld [tilespmem:s9+$0x5400]  }
0x9f: {  	v14 =	vld [tilespmem:s9+$0x5410]  }
0xa0: {  	v11 =	vld [tilespmem:s9+$0x5420]  }
0xa1: {  	v10 =	vld [tilespmem:s9+$0x5430]  }
0xa2: {  	v9 =	vld [tilespmem:s9+$0x5440]  }
0xa3: {  	v8 =	vld [tilespmem:s9+$0x5450];
	v13 =	vadd.f32 v7, v13  }
0xa4: {  	s10 =	simm.s32 $0x200;
	v12 =	vadd.f32 v12, v14;
	v7 =	vld [tilespmem:s9+$0x5460]  }
.LBB2_6:
0xa5: {  	s13 =	sshra.s32 s10, $0x2;
	p1 =	sne.s32 s10, $0x4E00;
	v13 =	vmax.f32 v13, $0.0e+00;
	v6 =	vadd.f32 v6, v11;
	v11 =	vld [tilespmem:s9+$0x5470]  }
0xa6: {  	v14 =	vld [tilespmem:s13+$0x6800];
	[tilespmem:s9+$0x5400] =	vst v13;
	v12 =	vmax.f32 v12, $0.0e+00;
	v5 =	vadd.f32 v5, v10  }
0xa7: {  	v15 =	vld [tilespmem:s13+$0x6810];
	[tilespmem:s9+$0x5410] =	vst v12;
	v10 =	vmax.f32 v6, $0.0e+00;
	v4 =	vadd.f32 v4, v9  }
0xa8: {  	v6 =	vld [tilespmem:s13+$0x6820];
	[tilespmem:s9+$0x5420] =	vst v10;
	v9 =	vmax.f32 v5, $0.0e+00;
	v3 =	vadd.f32 v3, v8  }
0xa9: {  	v5 =	vld [tilespmem:s13+$0x6830];
	[tilespmem:s9+$0x5430] =	vst v9;
	v8 =	vmax.f32 v4, $0.0e+00;
	v2 =	vadd.f32 v2, v7  }
0xaa: {  	v4 =	vld [tilespmem:s13+$0x6840];
	[tilespmem:s9+$0x5440] =	vst v8;
	v7 =	vmax.f32 v3, $0.0e+00;
	v1 =	vadd.f32 v1, v11  }
0xab: {  	v3 =	vld [tilespmem:s13+$0x6850];
	[tilespmem:s9+$0x5450] =	vst v7;
	v7 =	vmax.f32 v2, $0.0e+00  }
0xac: {  	v2 =	vld [tilespmem:s13+$0x6860];
	[tilespmem:s9+$0x5460] =	vst v7;
	v7 =	vmax.f32 v1, $0.0e+00  }
0xad: {  	v1 =	vld [tilespmem:s13+$0x6870];
	[tilespmem:s9+$0x5470] =	vst v7;
	s9 =	smov.u32 s13  }
0xae: {  	v7 =	vld [tilespmem:s9+$0x5400]  }
0xaf: {  	v12 =	vld [tilespmem:s9+$0x5410]  }
.Ltmp1:
0xb0: {  	v11 =	vld [tilespmem:s9+$0x5420];
	(pc) =	sbr.rel @p1 .LBB2_6-.Ltmp1, $4  }
0xb1: {  	v10 =	vld [tilespmem:s9+$0x5430]  }
0xb2: {  	v9 =	vld [tilespmem:s9+$0x5440]  }
0xb3: {  	v13 =	vadd.f32 v14, v7;
	v8 =	vld [tilespmem:s9+$0x5450]  }
0xb4: {  	s10 =	sadd.s32 $0x200, s10;
	v12 =	vadd.f32 v15, v12;
	v7 =	vld [tilespmem:s9+$0x5460]  }
0xb5: {  	v13 =	vmax.f32 v13, $0.0e+00;
	v6 =	vadd.f32 v6, v11;
	v11 =	vld [tilespmem:s9+$0x5470]  }
0xb6: {  	[tilespmem:s9+$0x5400] =	vst v13;
	v12 =	vmax.f32 v12, $0.0e+00;
	v5 =	vadd.f32 v5, v10  }
0xb7: {  	[tilespmem:s9+$0x5410] =	vst v12;
	v6 =	vmax.f32 v6, $0.0e+00;
	v4 =	vadd.f32 v4, v9  }
0xb8: {  	[tilespmem:s9+$0x5420] =	vst v6;
	v5 =	vmax.f32 v5, $0.0e+00;
	v3 =	vadd.f32 v3, v8  }
0xb9: {  	[tilespmem:s9+$0x5430] =	vst v5;
	v4 =	vmax.f32 v4, $0.0e+00;
	v2 =	vadd.f32 v2, v7  }
0xba: {  	[tilespmem:s9+$0x5440] =	vst v4;
	v3 =	vmax.f32 v3, $0.0e+00;
	v1 =	vadd.f32 v1, v11  }
0xbb: {  	[tilespmem:s9+$0x5450] =	vst v3;
	v2 =	vmax.f32 v2, $0.0e+00  }
0xbc: {  	s10 =	sand.u32 $0x3FFFFF00, s31;
	[tilespmem:s9+$0x5460] =	vst v2;
	v1 =	vmax.f32 v1, $0.0e+00  }
0xbd: {  	s13 =	sadd.s32 $0x3800, s10;
	[tilespmem:s9+$0x5470] =	vst v1  }
0xbe: {  	[spmem:s2] =	stream.indirect.scatter.add.f32 [tilespmem:s0], [sflag:$0x5], $0x80, s13, s16, $0xb8;
	[tilespmem:$0x1DC80] =	vst v63  }
0xbf: {  	p1 =	seq.s32 s29, $0x18;
	_ =	swait.ge [sflag:s12], $0x1400  }
0xc0: {  	s10 =	simm.s32 @!p1 $0x28;
	[sflag:s12] =	ssyncset.done $0x0  }
0xc1: {  	s9 =	sadd.s32 @!p1 $0x1D00, s31;
	s13 =	simm.s32 @!p1 $0x5400;
	[sflag:s12] =	ssyncadd.s32 $0xFFFFEC00  }
0xc2: {  	[tilespmem:s13], [sflag:$0x1] =	stream.indirect.gather @!p1 [hbm4b:s4+s10], $0x80, s9, s10, $0xb8;
	[tilespmem:$0x1DC80] =	vst v63  }
0xc3: {  	s9 =	sadd.s32 @!p1 $0x100, s31;
	s13 =	simm.s32 @!p1 $0x6800  }
0xc4: {  	[tilespmem:s13], [sflag:$0x2] =	stream.indirect.gather @!p1 [hbm4b:s5+s10], $0x80, s9, s10, $0xb8;
	[tilespmem:$0x1DC80] =	vst v63  }
0xc5: {  	_ =	swait.ge [sflag:s22], $0x1400  }
0xc6: {  	[sflag:s22] =	ssyncset.done $0x0  }
0xc7: {  	[sflag:s22] =	ssyncadd.s32 $0xFFFFEC00  }
0xc8: {  	_ =	swait.ge [sflag:s24], $0x1400  }
0xc9: {  	[sflag:s24] =	ssyncset.done $0x0  }
0xca: {  	s9 =	simm.s32 $0x0;
	[sflag:s24] =	ssyncadd.s32 $0xFFFFEC00  }
0xcb: {  	v7 =	vld [tilespmem:s9+$0x9000]  }
0xcc: {  	v12 =	vld [tilespmem:s9+$0x9010]  }
0xcd: {  	v6 =	vld [tilespmem:s9+$0x9020]  }
0xce: {  	v5 =	vld [tilespmem:s9+$0x9030]  }
0xcf: {  	v4 =	vld [tilespmem:s9+$0x9040]  }
0xd0: {  	v3 =	vld [tilespmem:s9+$0x9050]  }
0xd1: {  	v2 =	vld [tilespmem:s9+$0x9060]  }
0xd2: {  	v1 =	vld [tilespmem:s9+$0x9070]  }
0xd3: {  	v13 =	vld [tilespmem:s9+$0x7C00]  }
0xd4: {  	v14 =	vld [tilespmem:s9+$0x7C10]  }
0xd5: {  	v11 =	vld [tilespmem:s9+$0x7C20]  }
0xd6: {  	v10 =	vld [tilespmem:s9+$0x7C30]  }
0xd7: {  	v9 =	vld [tilespmem:s9+$0x7C40]  }
0xd8: {  	v8 =	vld [tilespmem:s9+$0x7C50];
	v13 =	vadd.f32 v7, v13  }
0xd9: {  	s10 =	simm.s32 $0x200;
	v12 =	vadd.f32 v12, v14;
	v7 =	vld [tilespmem:s9+$0x7C60]  }
.LBB2_8:
0xda: {  	s13 =	sshra.s32 s10, $0x2;
	p1 =	sne.s32 s10, $0x4E00;
	v13 =	vmax.f32 v13, $0.0e+00;
	v6 =	vadd.f32 v6, v11;
	v11 =	vld [tilespmem:s9+$0x7C70]  }
0xdb: {  	v14 =	vld [tilespmem:s13+$0x9000];
	[tilespmem:s9+$0x7C00] =	vst v13;
	v12 =	vmax.f32 v12, $0.0e+00;
	v5 =	vadd.f32 v5, v10  }
0xdc: {  	v15 =	vld [tilespmem:s13+$0x9010];
	[tilespmem:s9+$0x7C10] =	vst v12;
	v10 =	vmax.f32 v6, $0.0e+00;
	v4 =	vadd.f32 v4, v9  }
0xdd: {  	v6 =	vld [tilespmem:s13+$0x9020];
	[tilespmem:s9+$0x7C20] =	vst v10;
	v9 =	vmax.f32 v5, $0.0e+00;
	v3 =	vadd.f32 v3, v8  }
0xde: {  	v5 =	vld [tilespmem:s13+$0x9030];
	[tilespmem:s9+$0x7C30] =	vst v9;
	v8 =	vmax.f32 v4, $0.0e+00;
	v2 =	vadd.f32 v2, v7  }
0xdf: {  	v4 =	vld [tilespmem:s13+$0x9040];
	[tilespmem:s9+$0x7C40] =	vst v8;
	v7 =	vmax.f32 v3, $0.0e+00;
	v1 =	vadd.f32 v1, v11  }
0xe0: {  	v3 =	vld [tilespmem:s13+$0x9050];
	[tilespmem:s9+$0x7C50] =	vst v7;
	v7 =	vmax.f32 v2, $0.0e+00  }
0xe1: {  	v2 =	vld [tilespmem:s13+$0x9060];
	[tilespmem:s9+$0x7C60] =	vst v7;
	v7 =	vmax.f32 v1, $0.0e+00  }
0xe2: {  	v1 =	vld [tilespmem:s13+$0x9070];
	[tilespmem:s9+$0x7C70] =	vst v7;
	s9 =	smov.u32 s13  }
0xe3: {  	v7 =	vld [tilespmem:s9+$0x7C00]  }
0xe4: {  	v12 =	vld [tilespmem:s9+$0x7C10]  }
.Ltmp2:
0xe5: {  	v11 =	vld [tilespmem:s9+$0x7C20];
	(pc) =	sbr.rel @p1 .LBB2_8-.Ltmp2, $4  }
0xe6: {  	v10 =	vld [tilespmem:s9+$0x7C30]  }
0xe7: {  	v9 =	vld [tilespmem:s9+$0x7C40]  }
0xe8: {  	v13 =	vadd.f32 v14, v7;
	v8 =	vld [tilespmem:s9+$0x7C50]  }
0xe9: {  	s10 =	sadd.s32 $0x200, s10;
	v12 =	vadd.f32 v15, v12;
	v7 =	vld [tilespmem:s9+$0x7C60]  }
0xea: {  	v13 =	vmax.f32 v13, $0.0e+00;
	v6 =	vadd.f32 v6, v11;
	v63 =	vld [tilespmem:s9+$0x7C70]  }
0xeb: {  	[tilespmem:s9+$0x7C00] =	vst v13;
	v12 =	vmax.f32 v12, $0.0e+00;
	v5 =	vadd.f32 v5, v10  }
0xec: {  	[tilespmem:s9+$0x7C10] =	vst v12;
	v6 =	vmax.f32 v6, $0.0e+00;
	v4 =	vadd.f32 v4, v9  }
0xed: {  	[tilespmem:s9+$0x7C20] =	vst v6;
	v5 =	vmax.f32 v5, $0.0e+00;
	v3 =	vadd.f32 v3, v8  }
0xee: {  	[tilespmem:s9+$0x7C30] =	vst v5;
	v4 =	vmax.f32 v4, $0.0e+00;
	v2 =	vadd.f32 v2, v7  }
0xef: {  	[tilespmem:s9+$0x7C40] =	vst v4;
	v3 =	vmax.f32 v3, $0.0e+00;
	v1 =	vadd.f32 v1, v63  }
0xf0: {  	s29 =	sadd.s32 $0x1, s29;
	[tilespmem:s9+$0x7C50] =	vst v3;
	v2 =	vmax.f32 v2, $0.0e+00  }
0xf1: {  	p1 =	sne.s32 s29, $0x19;
	[tilespmem:s9+$0x7C60] =	vst v2;
	v1 =	vmax.f32 v1, $0.0e+00  }
.Ltmp3:
0xf2: {  	s31 =	sadd.s32 $0x3800, s30;
	[tilespmem:s9+$0x7C70] =	vst v1;
	(pc) =	sbr.rel @p1 .LBB2_5-.Ltmp3, $4  }
0xf3: {  	[spmem:s2] =	stream.indirect.scatter.add.f32 [tilespmem:s18], [sflag:$0x5], $0x80, s31, s16, $0xb8;
	[tilespmem:$0x1DC80] =	vst v63  }
0xf4: {  	_ =	swait.ge [sflag:s12], $0x1400  }
0xf5: {  	[sflag:s12] =	ssyncset.done $0x0  }
0xf6: {  	[sflag:s12] =	ssyncadd.s32 $0xFFFFEC00  }
0xf7: {  	s28 =	sadd.s32 $0x1, s28  }
0xf8: {  	p1 =	sne.s32 s28, $0x5  }
.Ltmp4:
0xf9: {  	_ = 	snop;
	(pc) =	sbr.rel @p1 .LBB2_4-.Ltmp4, $1  }
0xfa: {  	_ =	sdelay $0x3  }
0xfb: {  	[bflag:$0x0] =	sbarrier.arrive $0xFFFF  }
0xfc: {  	s29 =	rddreg [dreg:$0x7]  }
0xfd: {  	[tilespmem:s17], [sflag:$0x5] =	stream.linear.gather [spmem:s29], $0x1400, $0x38;
	[tilespmem:$0x1DC80] =	vst v63  }
0xfe: {  	_ =	swait.ge [sflag:s12], $0x1400  }
0xff: {  	[sflag:s12] =	ssyncset.done $0x0  }
0x100: {  	s9 =	sadd.s32 $0x0, s23;
	[sflag:s12] =	ssyncadd.s32 $0xFFFFEC00  }
0x101: {  	[hbm4b:s9+s3] =	stream.linear.scatter [tilespmem:s17], [sflag:$0x5], $0x1400, $0x38;
	[tilespmem:$0x1DC80] =	vst v63  }
0x102: {  	_ =	swait.ge [sflag:s12], $0x1400  }
0x103: {  	s10 =	smov.u32 s29;
	s9 =	simm.s32 $0x280;
	[sflag:s12] =	ssyncset.done $0x0  }
.LBB2_12:
0x104: {  	p1 =	sne.s32 s9, $0x2300;
	[sflag:s12] =	ssyncadd.s32 $0xFFFFEC00;
	s10 =	sadd.s32 $0x1400, s10  }
0x105: {  	[tilespmem:s17], [sflag:$0x5] =	stream.linear.gather [spmem:s10], $0x1400, $0x38;
	[tilespmem:$0x1DC80] =	vst v63  }
0x106: {  	s13 =	smov.u32 s9;
	s9 =	sadd.s32 $0x280, s9;
	_ =	swait.ge [sflag:s12], $0x1400  }
.Ltmp5:
0x107: {  	[sflag:s12] =	ssyncset.done $0x0;
	(pc) =	sbr.rel @p1 .LBB2_12-.Ltmp5, $4  }
0x108: {  	s13 =	sadd.s32 s13, s23;
	[sflag:s12] =	ssyncadd.s32 $0xFFFFEC00  }
0x109: {  	[hbm4b:s13+s3] =	stream.linear.scatter [tilespmem:s17], [sflag:$0x5], $0x1400, $0x38;
	[tilespmem:$0x1DC80] =	vst v63  }
0x10a: {  	_ =	swait.ge [sflag:s12], $0x1400  }
0x10b: {  	[sflag:s12] =	ssyncset.done $0x0  }
0x10c: {  	[sflag:s12] =	ssyncadd.s32 $0xFFFFEC00;
	s26 =	rddreg [dreg:$0x4]  }
0x10d: {  	[tilespmem:s17], [sflag:$0x5] =	stream.linear.gather [spmem:s26], $0xC00, $0x38;
	[tilespmem:$0x1DC80] =	vst v63  }
0x10e: {  	_ =	swait.ge [sflag:s12], $0xC00  }
0x10f: {  	[sflag:s12] =	ssyncset.done $0x0  }
0x110: {  	s9 =	rddreg [dreg:$0x6];
	[sflag:s12] =	ssyncadd.s32 $0xFFFFF400  }
0x111: {  	[hbm4b:s9+s3] =	stream.linear.scatter [tilespmem:s17], [sflag:$0x5], $0xC00, $0x38;
	[tilespmem:$0x1DC80] =	vst v63  }
0x112: {  	_ =	swait.ge [sflag:s12], $0xC00  }
0x113: {  	s10 =	simm.s32 @!p0 $0x5;
	[sflag:s12] =	ssyncset.done $0x0  }
0x114: {  	s9 =	simm.s32 @!p0 $0x6800;
	s28 =	rddreg [dreg:$0x5];
	[sflag:s12] =	ssyncadd.s32 $0xFFFFF400  }
0x115: {  	[tilespmem:s9], [sflag:$0x5] =	stream.linear.gather @!p0 [spmem:s28], $0x800, $0x38;
	[tilespmem:$0x1DC80] =	vst v63  }
0x116: {  	_ =	swait.ge @!p0 [sflag:s10], $0x800  }
0x117: {  	[sflag:s10] =	ssyncset.done @!p0 $0x0  }
0x118: {  	s13 =	simm.s32 @!p0 $0x0;
	s30 =	rddreg [dreg:$0x8];
	[sflag:s10] =	ssyncadd.s32 @!p0 $0xFFFFF800  }
0x119: {  	[hbm4b:s30+s13] =	stream.linear.scatter @!p0 [tilespmem:s9], [sflag:$0x5], $0x800, $0x38;
	[tilespmem:$0x1DC80] =	vst v63  }
0x11a: {  	_ =	swait.ge @!p0 [sflag:s10], $0x800  }
0x11b: {  	s25 =	sadd.s32 $0x1, s25;
	s31 =	rddreg [dreg:$0x9]  }
0x11c: {  	p1 =	sne.s32 s25, s31  }
.Ltmp6:
0x11d: {  	_ = 	snop;
	(pc) =	sbr.rel @p1 .LBB2_1-.Ltmp6, $3  }
0x11e: {  	_ =	sdelay $0x1  }
0x11f: {  	[sflag:s10] =	ssyncset.done @!p0 $0x0  }
0x120: {  	[sflag:s10] =	ssyncadd.s32 @!p0 $0xFFFFF800  }
0x121: {  	_ =	sfence.sel $0x180000  }
0x122: {  	[bflag:$0x0] =	sbarrier.arrive $0xFFFF  }
0x123: {  	_ =	strace $0x90000047  }
0x124: {  	[bflag:$0x2] =	sbarrier.arrive $0xFFFF  }
0x125: {  	s0 =	rddreg [dreg:$0x3]  }
0x126: {  	s0 =	sadd.s32 @!p0 $0x100000, s0  }
0x127: {  	[sflag:s0] =	ssyncadd.tile.s32 @!p0 $0x1;
	_ =	shalt  }
.Lfunc_end2:
_tile_overlayer_lowered:
.L_overlay_start_2:
0x128: {  	(tag) =	ssettag $0x2  }
0x129: {  	s0 =	rddreg [dreg:$0x0];
	s2 =	stileid.u32  }
0x12a: {  	s1 =	rddreg [dreg:$0x1];
	p0 =	sne.s32 s2, $0x0  }
0x12b: {  	s3 =	rddreg [dreg:$0x2];
	[bflag:$0x3] =	sbarrier.arrive $0xFFFF;
	s2 =	simm.s32 @!p0 $0x1C05  }
0x12c: {  	[timem:s3], [sflag:s2] =	dma.local @!p0 [hbm:s0], s1  }
0x12d: {  	s0 =	simm.s32 @!p0 $0x5  }
0x12e: {  	_ =	swait.ge @!p0 [sflag:s0], s1  }
0x12f: {  	s1 =	ssub.s32 @!p0 $0x0, s1;
	[sflag:s0] =	ssyncset.done @!p0 $0x0  }
0x130: {  	[sflag:s0] =	ssyncadd.s32 @!p0 s1  }
0x131: {  	[bflag:$0x3] =	sbarrier.arrive $0xFFFF  }
0x132: {  	_ =	shalt  }

// kernel: edge_scatter.7.cloned.1.call-start
scs
__scs_entry_jumppad:
0x0: {  	(pc) =	sbr.rel $0x88, $3  }
0x1: {  	(tag) =	ssettag $0x0;
	lr =	simm.s32 $0x1  }
0x2: {  	[smem:$0x3F87] =	sst lr;
	_ =	strace $0xD0000000  }
0x3: {  	_ = 	snop  }
0x4: {  	_ = 	snop  }
0x5: {  	_ = 	snop  }
0x6: {  	_ = 	snop  }
0x7: {  	_ = 	snop  }
__scs_overlays_trampoline_lowered:
0x8: {  	[smem:$0x3F96] =	sst s0  }
0x9: {  	[smem:$0x3F97] =	sst s1  }
0xa: {  	[smem:$0x3F98] =	sst s2  }
0xb: {  	[smem:$0x3F99] =	sst s3  }
0xc: {  	[smem:$0x3F9A] =	sst s4  }
0xd: {  	[smem:$0x3F9B] =	sst s5  }
0xe: {  	[smem:$0x3F9C] =	sst s6  }
0xf: {  	[smem:$0x3F9D] =	sst s7  }
0x10: {  	[smem:$0x3F9E] =	sst s8  }
0x11: {  	[smem:$0x3F9F] =	sst s9;
	s0 =	simm.s32 @!p0 $0x0  }
0x12: {  	s1 =	sld [smem:$0x3F85];
	s0 =	simm.s32 @p0 $0x1  }
0x13: {  	[smem:$0x3FA0] =	sst s0;
	s0 =	simm.s32 @!p1 $0x0  }
0x14: {  	s2 =	sld [smem:$0x3F84];
	s0 =	simm.s32 @p1 $0x1  }
0x15: {  	[smem:$0x3FA1] =	sst s0;
	s0 =	simm.s32 @!p2 $0x0  }
0x16: {  	s3 =	sld [smem:$0x3FDB];
	s0 =	simm.s32 @p2 $0x1  }
0x17: {  	s4 =	simm.s32 $0x1BF5;
	[smem:$0x3FA3] =	sst s0  }
0x18: {  	s0 =	sld [smem:$0x3F86];
	_ =	swait.ge [sflag:s4], $0x0  }
0x19: {  	s7 =	sld [smem:$0x3F87]  }
0x1a: {  	s8 =	sadd.s32 $0xFFFFE003, lr  }
0x1b: {  	s9 =	sadd.s32 $0xFFFFFEF7, lr;
	s5 =	simm.s32 $0xFFFFFFFF;
	p2 =	slt.u32 s8, $0xFFFFF086  }
0x1c: {  	p1 =	slt.u32 s9, $0xF7A;
	s5 =	simm.s32 @!p2 $0x0  }
0x1d: {  	s5 =	simm.s32 @p1 $0x1;
	p0 =	seq.s32 s7, s2  }
0x1e: {  	s7 =	smul.u32 @!p0 $0xF7A, s2;
	p2 =	seq.s32 @!p0 s5, $0x0  }
0x1f: {  	s9 =	smul.u32 $0xF7A, s1;
	s8 =	simm.s32 @!p0 $0x1BF5;
	p2 =	por !p2, p0  }
0x20: {  	[sflag:s8] =	ssyncset.s32 @!p0 $0xFFFFF086;
	s6 =	sadd.s32 @!p0 s3, s7;
	s7 =	simm.s32 @!p0 $0x108  }
0x21: {  	s3 =	sadd.s32 s3, s9;
	s6 =	sadd.s32 @!p0 $0x88, s6;
	s7 =	simm.s32 @p2 $0x1082  }
0x22: {  	[simem:s7], [sflag:s8] =	dma.local @!p0 [hbm:s6], $0xF7A  }
0x23: {  	s9 =	sor.u32 $0xD0000000, s2;
	s6 =	simm.s32 $0x108;
	_ =	swait.ge @!p0 [sflag:s8], $0x0  }
0x24: {  	s3 =	sadd.s32 $0x88, s3;
	s6 =	simm.s32 @!p1 $0x1082;
	[sflag:s4] =	ssyncset.s32 $0xFFFFF086  }
0x25: {  	[simem:s6], [sflag:s4] =	dma.local [hbm:s3], $0xF7A  }
0x26: {  	[smem:$0x3F87] =	sst s1;
	(tag) =	ssettag s2;
	_ =	strace s9  }
0x27: {  	s1 =	sld [smem:$0x3F97]  }
0x28: {  	s2 =	sld [smem:$0x3F98]  }
0x29: {  	s4 =	sld [smem:$0x3F9A]  }
0x2a: {  	p0 =	seq.s32 s5, $0x0;
	s5 =	sld [smem:$0x3F9B]  }
0x2b: {  	s6 =	sld [smem:$0x3F9C]  }
0x2c: {  	s7 =	sld [smem:$0x3F9D]  }
0x2d: {  	s3 =	simm.s32 $0x108;
	s8 =	sld [smem:$0x3F9E]  }
0x2e: {  	s3 =	simm.s32 @!p0 $0x1082;
	s9 =	sld [smem:$0x3F9F]  }
0x2f: {  	lr =	sadd.s32 s0, s3;
	s0 =	sld [smem:$0x3F96]  }
0x30: {  	s3 =	sld [smem:$0x3F99]  }
0x31: {  	[smem:$0x3FA2] =	sst s10  }
0x32: {  	s10 =	sld [smem:$0x3FA0];
	_ =	sdelay $0x3  }
0x33: {  	p0 =	seq.s32 s10, $0x1;
	s10 =	sld [smem:$0x3FA2];
	_ =	sdelay $0x3  }
0x34: {  	[smem:$0x3FA2] =	sst s10  }
0x35: {  	s10 =	sld [smem:$0x3FA1];
	_ =	sdelay $0x3  }
0x36: {  	p1 =	seq.s32 s10, $0x1;
	s10 =	sld [smem:$0x3FA2];
	_ =	sdelay $0x3  }
0x37: {  	[smem:$0x3FA2] =	sst s10  }
0x38: {  	s10 =	sld [smem:$0x3FA3]  }
0x39: {  	_ = 	snop;
	(pc) =	sbr.ind lr, $3  }
0x3a: {  	_ = 	snop  }
0x3b: {  	_ = 	snop  }
0x3c: {  	p2 =	seq.s32 s10, $0x1;
	s10 =	sld [smem:$0x3FA2]  }
0x3d: {  	_ =	shalt  }
0x3e: {  	_ =	shalt  }
0x3f: {  	_ =	shalt  }
0x40: {  	_ =	shalt  }
0x41: {  	_ =	shalt  }
0x42: {  	_ =	shalt  }
0x43: {  	_ =	shalt  }
0x44: {  	_ =	shalt  }
0x45: {  	_ =	shalt  }
0x46: {  	_ =	shalt  }
0x47: {  	_ =	shalt  }
0x48: {  	_ =	shalt  }
0x49: {  	_ =	shalt  }
0x4a: {  	_ =	shalt  }
0x4b: {  	_ =	shalt  }
0x4c: {  	_ =	shalt  }
0x4d: {  	_ =	shalt  }
0x4e: {  	_ =	shalt  }
0x4f: {  	_ =	shalt  }
0x50: {  	_ =	shalt  }
0x51: {  	_ =	shalt  }
0x52: {  	_ =	shalt  }
0x53: {  	_ =	shalt  }
0x54: {  	_ =	shalt  }
0x55: {  	_ =	shalt  }
0x56: {  	_ =	shalt  }
0x57: {  	_ =	shalt  }
0x58: {  	_ =	shalt  }
0x59: {  	_ =	shalt  }
0x5a: {  	_ =	shalt  }
0x5b: {  	_ =	shalt  }
0x5c: {  	_ =	shalt  }
0x5d: {  	_ =	shalt  }
0x5e: {  	_ =	shalt  }
0x5f: {  	_ =	shalt  }
0x60: {  	_ =	shalt  }
0x61: {  	_ =	shalt  }
0x62: {  	_ =	shalt  }
0x63: {  	_ =	shalt  }
0x64: {  	_ =	shalt  }
0x65: {  	_ =	shalt  }
0x66: {  	_ =	shalt  }
0x67: {  	_ =	shalt  }
0x68: {  	_ =	shalt  }
0x69: {  	_ =	shalt  }
0x6a: {  	_ =	shalt  }
0x6b: {  	_ =	shalt  }
0x6c: {  	_ =	shalt  }
0x6d: {  	_ =	shalt  }
0x6e: {  	_ =	shalt  }
0x6f: {  	_ =	shalt  }
0x70: {  	_ =	shalt  }
0x71: {  	_ =	shalt  }
0x72: {  	_ =	shalt  }
0x73: {  	_ =	shalt  }
0x74: {  	_ =	shalt  }
0x75: {  	_ =	shalt  }
0x76: {  	_ =	shalt  }
0x77: {  	_ =	shalt  }
0x78: {  	_ =	shalt  }
0x79: {  	_ =	shalt  }
0x7a: {  	_ =	shalt  }
0x7b: {  	_ =	shalt  }
0x7c: {  	_ =	shalt  }
0x7d: {  	_ =	shalt  }
0x7e: {  	_ =	shalt  }
0x7f: {  	_ =	shalt  }
0x80: {  	_ =	shalt  }
0x81: {  	_ =	shalt  }
0x82: {  	_ =	shalt  }
0x83: {  	_ =	shalt  }
0x84: {  	_ =	shalt  }
0x85: {  	_ =	shalt  }
0x86: {  	_ =	shalt  }
0x87: {  	_ =	shalt  }
.Lfunc_end0:
.L_simem_size_0:
called_computation.2_lowered:
.L_overlay_start_0:
0x88: {  	s2 =	sld [smem:$0x3FD9]  }
0x89: {  	s3 =	sld [smem:$0x3FFE];
	_ =	sdelay $0x1  }
0x8a: {  	s1 =	srdreg.scid  }
0x8b: {  	s0 =	sand.u32 $0x1, s1  }
0x8c: {  	s17 =	sshll.u32 s0, $0xA;
	s2 =	sadd.s32 s3, s2  }
0x8d: {  	s2 =	sadd.s32 s2, s17  }
0x8e: {  	[smem:$0x3FAE] =	sst s2  }
0x8f: {  	_ = 	snop  }
0x90: {  	s2 =	sld [smem:$0x3FD0];
	(tm) =	ssettm $0x1  }
0x91: {  	s18 =	sld [smem:$0x3FFB];
	_ =	sdelay $0x3  }
0x92: {  	_ =	strace s18  }
0x93: {  	s3 =	sld [smem:$0x3FFC];
	_ =	sdelay $0x3  }
0x94: {  	_ =	strace s3  }
0x95: {  	s3 =	sld [smem:$0x3FFD];
	_ =	sdelay $0x3  }
0x96: {  	_ =	strace s3  }
0x97: {  	_ =	strace $0x8FFFFFFF  }
0x98: {  	s19 =	sld [smem:$0x3FDB];
	_ =	sdelay $0x1  }
0x99: {  	s4 =	simm.s32 $_scs_section_size  }
0x9a: {  	s5 =	simm.s32 $_size__tile_overlayer_lowered;
	s6 =	simm.s32 $_tile_overlayer_lowered  }
0x9b: {  	s22 =	simm.s32 $0x1BFF;
	s21 =	sshll.u32 s6, $0x1;
	s3 =	sadd.s32 s4, s19  }
0x9c: {  	s7 =	simm.s32 $0x0;
	s20 =	sshll.u32 s5, $0x1;
	s5 =	sadd.s32 s21, s3  }
0x9d: {  	[timem:s7], [sflag:s22] =	dma.local [hbm:s5], s20  }
0x9e: {  	_ =	swait.ge [sflag:s22], s20  }
0x9f: {  	s4 =	ssub.s32 $0x0, s20;
	[sflag:s22] =	ssyncset.done $0x0  }
0xa0: {  	[sflag:s22] =	ssyncadd.s32 s4;
	_ =	sdelay $0x1  }
0xa1: {  	s23 =	simm.s32 $0x1B8B  }
0xa2: {  	_ =	swait.ge [sflag:s23], $0x1  }
0xa3: {  	[sflag:s23] =	ssyncset.done $0x0  }
0xa4: {  	s25 =	simm.s32 $0x1B8E;
	s24 =	sld [smem:$0x3FFE];
	[sflag:s23] =	ssyncadd.s32 $0xFFFFFFFF  }
0xa5: {  	s26 =	simm.s32 $execute0_lowered;
	[smem:$0x3FD2] =	sst s25  }
0xa6: {  	s5 =	sshll.u32 s26, $0x1;
	_ =	strace $0x8000004C;
	[dreg:$0x1] =	wrdreg $0xFFFFFFFF  }
0xa7: {  	s28 =	simm.s32 $_size_execute0_lowered;
	s3 =	sadd.s32 s3, s5;
	[dreg:$0x0] =	wrdreg $0x0  }
0xa8: {  	s5 =	sshll.u32 s28, $0x1;
	[dreg:$0x2] =	wrdreg s3  }
0xa9: {  	[dreg:$0x3] =	wrdreg s5  }
0xaa: {  	[dreg:$0x4] =	wrdreg $0xC0  }
0xab: {  	_ =	task [dreg:s7], $0x5FFFF  }
0xac: {  	[dreg:$0x1] =	wrdreg $0xFFFFFFFF  }
0xad: {  	[dreg:$0x0] =	wrdreg $0x60  }
0xae: {  	[dreg:$0x2] =	wrdreg s24  }
0xaf: {  	[dreg:$0x3] =	wrdreg s2  }
0xb0: {  	[dreg:$0x4] =	wrdreg $0xA4000  }
0xb1: {  	[dreg:$0x5] =	wrdreg $0x9  }
0xb2: {  	_ =	task.clear_ibuf [dreg:s7], $0x6FFFF;
	_ =	strace $0x9000004C  }
0xb3: {  	s29 =	simm.s32 $0x9;
	_ =	strace $0x8000004E  }
0xb4: {  	_ =	swait.ge [sflag:s29], $0x1  }
0xb5: {  	[sflag:s29] =	ssyncadd.s32 $0xFFFFFFFF  }
0xb6: {  	_ =	strace $0x9000004E  }
0xb7: {  	_ =	sfence  }
0xb8: {  	s30 =	sld [smem:$0x0];
	_ =	sdelay $0x2  }
0xb9: {  	s31 =	sshll.u32 s1, $0xD;
	s1 =	sshrl.u32 s1, $0x2  }
0xba: {  	s3 =	sand.u32 $0x4000, s31;
	s1 =	sadd.s32 s1, s30  }
0xbb: {  	s0 =	sor.u32 s3, s0;
	s1 =	sshll.u32 s1, $0x11  }
0xbc: {  	s0 =	sor.u32 s1, s0  }
0xbd: {  	s0 =	sadd.s32 $0x8F2B, s0  }
0xbe: {  	[sflag:s0] =	ssyncadd.remote.s32 $0x1  }
0xbf: {  	_ =	sfence.sel $0xFFFF  }
0xc0: {  	[dreg:$0x0] =	wrdreg $0xFFFFFFFF;
	(pc) =	sbr.abs _section_cstart, $3  }
0xc1: {  	[dreg:$0x1] =	wrdreg $0xFFFFFFFF  }
0xc2: {  	_ =	task.clear_ibuf [dreg:s7], $0x2FFFF;
	_ =	strace $0x9FFFFFFF  }
0xc3: {  	(tm) =	ssettm $0x7FFFFFFF  }
tec
execute0_lowered:
.L_overlay_start_1:
0x0: {  	(tag) =	ssettag $0x1  }
0x1: {  	s0 =	rddreg [dreg:$0x0]  }
0x2: {  	s1 =	rddreg [dreg:$0x1]  }
0x3: {  	s2 =	rddreg [dreg:$0x2];
	s3 =	simm.s32 $0x0;
	s9 =	stileid.u32  }
0x4: {  	s8 =	srdreg.scid;
	[smem:$0x7FF] =	sst s3;
	s4 =	sadd.s32 $0x50200, s0  }
0x5: {  	s5 =	sadd.s32 $0xA0200, s0;
	s6 =	sadd.s32 $0xA200, s0;
	s10 =	smul.u32 $0x13800, s9  }
0x6: {  	s7 =	sadd.s32 $0x2D200, s0;
	s11 =	sand.u32 $0x1, s8;
	s8 =	smul.u32 $0x8C00, s9  }
0x7: {  	s0 =	sadd.s32 $0xF0200, s0;
	s24 =	smul.u32 $0x4E000, s9;
	s28 =	sadd.s32 $0x138000, s2  }
0x8: {  	_ =	strace $0x8000004D;
	s12 =	ssub.s32 $0x2, s11;
	s13 =	smul.u32 $0x8C000, s11  }
0x9: {  	s16 =	smul.u32 $0x140000, s11;
	s14 =	sshrl.u32 s12, $0x1;
	s15 =	sadd.s32 $0x12C00, s10  }
0xa: {  	[dreg:$0x5] =	wrdreg s28;
	s12 =	ssub.s32 s12, s14;
	s26 =	sadd.s32 s15, s2  }
0xb: {  	s11 =	sadd.s32 s13, s8;
	s25 =	sadd.s32 s16, s15;
	s30 =	sshrl.u32 s16, $0x3  }
0xc: {  	s14 =	sshrl.u32 s24, $0x2;
	s12 =	smax.u32 s12, $0x1;
	[dreg:$0x4] =	wrdreg s26  }
0xd: {  	s13 =	sshrl.u32 s25, $0x3;
	s29 =	sadd.s32 s14, s2;
	[dreg:$0x9] =	wrdreg s12  }
0xe: {  	s15 =	sadd.s32 s0, s30;
	s13 =	sadd.s32 s0, s13;
	[dreg:$0x7] =	wrdreg s29  }
0xf: {  	s31 =	sadd.s32 $0x27000, s15;
	[dreg:$0x6] =	wrdreg s13  }
0x10: {  	s14 =	sadd.s32 $0x2800, s29;
	[dreg:$0x8] =	wrdreg s31  }
0x11: {  	s15 =	sadd.s32 $0x3C00, s29;
	[dreg:$0xb] =	wrdreg s14  }
0x12: {  	s10 =	sadd.s32 s10, s16;
	s16 =	sadd.s32 $0x5000, s29;
	[dreg:$0xc] =	wrdreg s15  }
0x13: {  	s17 =	sadd.s32 $0x6400, s29;
	[dreg:$0xd] =	wrdreg s16  }
0x14: {  	s18 =	sadd.s32 $0x7800, s29;
	[dreg:$0xe] =	wrdreg s17  }
0x15: {  	s19 =	sadd.s32 $0x8C00, s29;
	[dreg:$0xf] =	wrdreg s18  }
0x16: {  	p0 =	sne.s32 s9, $0x0;
	s20 =	sadd.s32 $0xA000, s29;
	[dreg:$0x10] =	wrdreg s19  }
0x17: {  	s10 =	sshrl.u32 s10, $0x3;
	s21 =	sadd.s32 $0xB400, s29;
	[dreg:$0x11] =	wrdreg s20  }
0x18: {  	s23 =	sadd.s32 s10, s0;
	s22 =	sadd.s32 $0xC800, s29;
	[dreg:$0x12] =	wrdreg s21  }
0x19: {  	s24 =	sadd.s32 $0xDC00, s29;
	s25 =	sadd.s32 $0xF000, s29;
	[dreg:$0x13] =	wrdreg s22  }
0x1a: {  	s30 =	sadd.s32 $0x10400, s29;
	s0 =	simm.s32 $0x5400;
	[dreg:$0x14] =	wrdreg s24  }
0x1b: {  	s12 =	simm.s32 $0x5;
	s13 =	sadd.s32 $0x1400, s29;
	[dreg:$0x15] =	wrdreg s25  }
0x1c: {  	[dreg:$0x16] =	wrdreg s30;
	s31 =	sadd.s32 $0x11800, s29;
	s14 =	simm.s32 $0x1C00  }
0x1d: {  	s15 =	simm.s32 $0x3800;
	s16 =	simm.s32 $0x28;
	s17 =	simm.s32 $0x6800  }
0x1e: {  	s18 =	simm.s32 $0x7C00;
	s19 =	simm.s32 $0x9000;
	s20 =	simm.s32 $0x1  }
0x1f: {  	s21 =	simm.s32 $0x2;
	s22 =	simm.s32 $0x3;
	[dreg:$0xa] =	wrdreg s13  }
0x20: {  	v0 =	vimm.f32 $0.0e+00;
	s24 =	simm.s32 $0x4;
	s25 =	simm.s32 $0x0;
	[dreg:$0x17] =	wrdreg s31  }
.LBB2_1:
0x21: {  	s9 =	simm.s32 $0x0;
	s10 =	simm.s32 $0x200  }
.LBB2_2:
0x22: {  	p1 =	sne.s32 s10, $0x4E00;
	[tilespmem:s9+$0x5470] =	vst v0  }
0x23: {  	[tilespmem:s9+$0x5400] =	vst v0  }
0x24: {  	[tilespmem:s9+$0x5410] =	vst v0  }
.Ltmp0:
0x25: {  	[tilespmem:s9+$0x5420] =	vst v0;
	(pc) =	sbr.rel @p1 .LBB2_2-.Ltmp0, $4  }
0x26: {  	[tilespmem:s9+$0x5430] =	vst v0  }
0x27: {  	[tilespmem:s9+$0x5440] =	vst v0  }
0x28: {  	[tilespmem:s9+$0x5450] =	vst v0  }
0x29: {  	[tilespmem:s9+$0x5460] =	vst v0;
	s9 =	sshra.s32 s10, $0x2;
	s10 =	sadd.s32 $0x200, s10  }
0x2a: {  	[tilespmem:s9+$0x5470] =	vst v0  }
0x2b: {  	[tilespmem:s9+$0x5400] =	vst v0  }
0x2c: {  	[tilespmem:s9+$0x5410] =	vst v0  }
0x2d: {  	[tilespmem:s9+$0x5420] =	vst v0  }
0x2e: {  	[tilespmem:s9+$0x5430] =	vst v0  }
0x2f: {  	[tilespmem:s9+$0x5440] =	vst v0  }
0x30: {  	[tilespmem:s9+$0x5450] =	vst v0  }
0x31: {  	[tilespmem:s9+$0x5460] =	vst v0  }
0x32: {  	[spmem:s29] =	stream.linear.scatter [tilespmem:s0], [sflag:$0x5], $0x1400, $0x38;
	[tilespmem:$0x1DC80] =	vst v63  }
0x33: {  	_ =	swait.ge [sflag:s12], $0x1400  }
0x34: {  	[sflag:s12] =	ssyncset.done $0x0  }
0x35: {  	s13 =	rddreg [dreg:$0xa];
	[sflag:s12] =	ssyncadd.s32 $0xFFFFEC00  }
0x36: {  	[spmem:s13] =	stream.linear.scatter [tilespmem:s0], [sflag:$0x5], $0x1400, $0x38;
	[tilespmem:$0x1DC80] =	vst v63  }
0x37: {  	_ =	swait.ge [sflag:s12], $0x1400  }
0x38: {  	[sflag:s12] =	ssyncset.done $0x0  }
0x39: {  	s29 =	rddreg [dreg:$0xb];
	[sflag:s12] =	ssyncadd.s32 $0xFFFFEC00  }
0x3a: {  	[spmem:s29] =	stream.linear.scatter [tilespmem:s0], [sflag:$0x5], $0x1400, $0x38;
	[tilespmem:$0x1DC80] =	vst v63  }
0x3b: {  	_ =	swait.ge [sflag:s12], $0x1400  }
0x3c: {  	[sflag:s12] =	ssyncset.done $0x0  }
0x3d: {  	s30 =	rddreg [dreg:$0xc];
	[sflag:s12] =	ssyncadd.s32 $0xFFFFEC00  }
0x3e: {  	[spmem:s30] =	stream.linear.scatter [tilespmem:s0], [sflag:$0x5], $0x1400, $0x38;
	[tilespmem:$0x1DC80] =	vst v63  }
0x3f: {  	_ =	swait.ge [sflag:s12], $0x1400  }
0x40: {  	[sflag:s12] =	ssyncset.done $0x0  }
0x41: {  	s31 =	rddreg [dreg:$0xd];
	[sflag:s12] =	ssyncadd.s32 $0xFFFFEC00  }
0x42: {  	[spmem:s31] =	stream.linear.scatter [tilespmem:s0], [sflag:$0x5], $0x1400, $0x38;
	[tilespmem:$0x1DC80] =	vst v63  }
0x43: {  	_ =	swait.ge [sflag:s12], $0x1400  }
0x44: {  	[sflag:s12] =	ssyncset.done $0x0  }
0x45: {  	s10 =	rddreg [dreg:$0xe];
	[sflag:s12] =	ssyncadd.s32 $0xFFFFEC00  }
0x46: {  	[spmem:s10] =	stream.linear.scatter [tilespmem:s0], [sflag:$0x5], $0x1400, $0x38;
	[tilespmem:$0x1DC80] =	vst v63  }
0x47: {  	_ =	swait.ge [sflag:s12], $0x1400  }
0x48: {  	[sflag:s12] =	ssyncset.done $0x0  }
0x49: {  	s13 =	rddreg [dreg:$0xf];
	[sflag:s12] =	ssyncadd.s32 $0xFFFFEC00  }
0x4a: {  	[spmem:s13] =	stream.linear.scatter [tilespmem:s0], [sflag:$0x5], $0x1400, $0x38;
	[tilespmem:$0x1DC80] =	vst v63  }
0x4b: {  	_ =	swait.ge [sflag:s12], $0x1400  }
0x4c: {  	[sflag:s12] =	ssyncset.done $0x0  }
0x4d: {  	s29 =	rddreg [dreg:$0x10];
	[sflag:s12] =	ssyncadd.s32 $0xFFFFEC00  }
0x4e: {  	[spmem:s29] =	stream.linear.scatter [tilespmem:s0], [sflag:$0x5], $0x1400, $0x38;
	[tilespmem:$0x1DC80] =	vst v63  }
0x4f: {  	_ =	swait.ge [sflag:s12], $0x1400  }
0x50: {  	[sflag:s12] =	ssyncset.done $0x0  }
0x51: {  	s30 =	rddreg [dreg:$0x11];
	[sflag:s12] =	ssyncadd.s32 $0xFFFFEC00  }
0x52: {  	[spmem:s30] =	stream.linear.scatter [tilespmem:s0], [sflag:$0x5], $0x1400, $0x38;
	[tilespmem:$0x1DC80] =	vst v63  }
0x53: {  	_ =	swait.ge [sflag:s12], $0x1400  }
0x54: {  	[sflag:s12] =	ssyncset.done $0x0  }
0x55: {  	s31 =	rddreg [dreg:$0x12];
	[sflag:s12] =	ssyncadd.s32 $0xFFFFEC00  }
0x56: {  	[spmem:s31] =	stream.linear.scatter [tilespmem:s0], [sflag:$0x5], $0x1400, $0x38;
	[tilespmem:$0x1DC80] =	vst v63  }
0x57: {  	_ =	swait.ge [sflag:s12], $0x1400  }
0x58: {  	[sflag:s12] =	ssyncset.done $0x0  }
0x59: {  	s10 =	rddreg [dreg:$0x13];
	[sflag:s12] =	ssyncadd.s32 $0xFFFFEC00  }
0x5a: {  	[spmem:s10] =	stream.linear.scatter [tilespmem:s0], [sflag:$0x5], $0x1400, $0x38;
	[tilespmem:$0x1DC80] =	vst v63  }
0x5b: {  	_ =	swait.ge [sflag:s12], $0x1400  }
0x5c: {  	[sflag:s12] =	ssyncset.done $0x0  }
0x5d: {  	s13 =	rddreg [dreg:$0x14];
	[sflag:s12] =	ssyncadd.s32 $0xFFFFEC00  }
0x5e: {  	[spmem:s13] =	stream.linear.scatter [tilespmem:s0], [sflag:$0x5], $0x1400, $0x38;
	[tilespmem:$0x1DC80] =	vst v63  }
0x5f: {  	_ =	swait.ge [sflag:s12], $0x1400  }
0x60: {  	[sflag:s12] =	ssyncset.done $0x0  }
0x61: {  	s29 =	rddreg [dreg:$0x15];
	[sflag:s12] =	ssyncadd.s32 $0xFFFFEC00  }
0x62: {  	[spmem:s29] =	stream.linear.scatter [tilespmem:s0], [sflag:$0x5], $0x1400, $0x38;
	[tilespmem:$0x1DC80] =	vst v63  }
0x63: {  	_ =	swait.ge [sflag:s12], $0x1400  }
0x64: {  	[sflag:s12] =	ssyncset.done $0x0  }
0x65: {  	s30 =	rddreg [dreg:$0x16];
	[sflag:s12] =	ssyncadd.s32 $0xFFFFEC00  }
0x66: {  	[spmem:s30] =	stream.linear.scatter [tilespmem:s0], [sflag:$0x5], $0x1400, $0x38;
	[tilespmem:$0x1DC80] =	vst v63  }
0x67: {  	_ =	swait.ge [sflag:s12], $0x1400  }
0x68: {  	[sflag:s12] =	ssyncset.done $0x0  }
0x69: {  	s31 =	rddreg [dreg:$0x17];
	[sflag:s12] =	ssyncadd.s32 $0xFFFFEC00  }
0x6a: {  	[spmem:s31] =	stream.linear.scatter [tilespmem:s0], [sflag:$0x5], $0x1400, $0x38;
	[tilespmem:$0x1DC80] =	vst v63  }
0x6b: {  	_ =	swait.ge [sflag:s12], $0x1400  }
0x6c: {  	[sflag:s12] =	ssyncset.done $0x0  }
0x6d: {  	[sflag:s12] =	ssyncadd.s32 $0xFFFFEC00  }
0x6e: {  	[spmem:s26] =	stream.linear.scatter [tilespmem:s0], [sflag:$0x5], $0xC00, $0x38;
	[tilespmem:$0x1DC80] =	vst v63  }
0x6f: {  	_ =	swait.ge [sflag:s12], $0xC00  }
0x70: {  	[sflag:s12] =	ssyncset.done $0x0  }
0x71: {  	s9 =	simm.s32 @!p0 $0x5400;
	[sflag:s12] =	ssyncadd.s32 $0xFFFFF400  }
0x72: {  	[spmem:s28] =	stream.linear.scatter @!p0 [tilespmem:s9], [sflag:$0x5], $0x800, $0x38;
	[tilespmem:$0x1DC80] =	vst v63  }
0x73: {  	s9 =	simm.s32 @!p0 $0x5  }
0x74: {  	_ =	swait.ge @!p0 [sflag:s9], $0x800  }
0x75: {  	[sflag:s9] =	ssyncset.done @!p0 $0x0  }
0x76: {  	[sflag:s9] =	ssyncadd.s32 @!p0 $0xFFFFF800  }
0x77: {  	s26 =	simm.s32 $0x0;
	s28 =	simm.s32 $0x0;
	[bflag:$0x0] =	sbarrier.arrive $0xFFFF  }
.LBB2_4:
0x78: {  	s9 =	smul.u32 $0x1C00, s28;
	_ =	sdelay $0x1  }
0x79: {  	s10 =	sadd.s32 s11, s9  }
0x7a: {  	s10 =	sshrl.u32 s10, $0x3  }
0x7b: {  	s29 =	sadd.s32 s6, s10  }
0x7c: {  	[tilespmem:s26], [sflag:$0x5] =	stream.linear.gather [hbm4b:s29+s26], $0x1900, $0x38;
	[tilespmem:$0x1DC80] =	vst v63  }
0x7d: {  	_ =	swait.ge [sflag:s12], $0x1900  }
0x7e: {  	[sflag:s12] =	ssyncset.done $0x0  }
0x7f: {  	s10 =	sadd.s32 s7, s10;
	[sflag:s12] =	ssyncadd.s32 $0xFFFFE700  }
0x80: {  	[tilespmem:s14], [sflag:$0x5] =	stream.linear.gather [hbm4b:s10+s26], $0x1900, $0x38;
	[tilespmem:$0x1DC80] =	vst v63  }
0x81: {  	s9 =	sadd.s32 s8, s9;
	_ =	swait.ge [sflag:s12], $0x1900  }
0x82: {  	s9 =	sshrl.u32 s9, $0x3;
	[sflag:s12] =	ssyncset.done $0x0  }
0x83: {  	s9 =	sadd.s32 s1, s9;
	[sflag:s12] =	ssyncadd.s32 $0xFFFFE700  }
0x84: {  	[tilespmem:s15], [sflag:$0x5] =	stream.linear.gather [hbm4b:s9+s26], $0x1900, $0x38;
	[tilespmem:$0x1DC80] =	vst v63  }
0x85: {  	_ =	swait.ge [sflag:s12], $0x1900  }
0x86: {  	[sflag:s12] =	ssyncset.done $0x0  }
0x87: {  	[sflag:s12] =	ssyncadd.s32 $0xFFFFE700  }
0x88: {  	[tilespmem:s0], [sflag:$0x1] =	stream.indirect.gather [hbm4b:s4+s16], $0x80, s14, s16, $0xb8;
	[tilespmem:$0x1DC80] =	vst v63  }
0x89: {  	s29 =	simm.s32 $0x0  }
0x8a: {  	[tilespmem:s17], [sflag:$0x2] =	stream.indirect.gather [hbm4b:s5+s16], $0x80, s26, s16, $0xb8;
	[tilespmem:$0x1DC80] =	vst v63  }
.LBB2_5:
0x8b: {  	s31 =	sshll.u32 s29, $0x8  }
0x8c: {  	s9 =	sadd.s32 $0x1C80, s31  }
0x8d: {  	[tilespmem:s18], [sflag:$0x3] =	stream.indirect.gather [hbm4b:s4+s16], $0x80, s9, s16, $0xb8;
	[tilespmem:$0x1DC80] =	vst v63  }
0x8e: {  	s30 =	sor.u32 $0x80, s31  }
0x8f: {  	[tilespmem:s19], [sflag:$0x4] =	stream.indirect.gather [hbm4b:s5+s16], $0x80, s30, s16, $0xb8;
	[tilespmem:$0x1DC80] =	vst v63  }
0x90: {  	_ =	swait.ge [sflag:s20], $0x1400  }
0x91: {  	[sflag:s20] =	ssyncset.done $0x0  }
0x92: {  	[sflag:s20] =	ssyncadd.s32 $0xFFFFEC00  }
0x93: {  	_ =	swait.ge [sflag:s21], $0x1400  }
0x94: {  	[sflag:s21] =	ssyncset.done $0x0  }
0x95: {  	s9 =	simm.s32 $0x0;
	[sflag:s21] =	ssyncadd.s32 $0xFFFFEC00  }
0x96: {  	v7 =	vld [tilespmem:s9+$0x6800]  }
0x97: {  	v12 =	vld [tilespmem:s9+$0x6810]  }
0x98: {  	v6 =	vld [tilespmem:s9+$0x6820]  }
0x99: {  	v5 =	vld [tilespmem:s9+$0x6830]  }
0x9a: {  	v4 =	vld [tilespmem:s9+$0x6840]  }
0x9b: {  	v3 =	vld [tilespmem:s9+$0x6850]  }
0x9c: {  	v2 =	vld [tilespmem:s9+$0x6860]  }
0x9d: {  	v1 =	vld [tilespmem:s9+$0x6870]  }
0x9e: {  	v13 =	vld [tilespmem:s9+$0x5400]  }
0x9f: {  	v14 =	vld [tilespmem:s9+$0x5410]  }
0xa0: {  	v11 =	vld [tilespmem:s9+$0x5420]  }
0xa1: {  	v10 =	vld [tilespmem:s9+$0x5430]  }
0xa2: {  	v9 =	vld [tilespmem:s9+$0x5440]  }
0xa3: {  	v8 =	vld [tilespmem:s9+$0x5450];
	v13 =	vadd.f32 v7, v13  }
0xa4: {  	s10 =	simm.s32 $0x200;
	v12 =	vadd.f32 v12, v14;
	v7 =	vld [tilespmem:s9+$0x5460]  }
.LBB2_6:
0xa5: {  	s13 =	sshra.s32 s10, $0x2;
	p1 =	sne.s32 s10, $0x4E00;
	v13 =	vmax.f32 v13, $0.0e+00;
	v6 =	vadd.f32 v6, v11;
	v11 =	vld [tilespmem:s9+$0x5470]  }
0xa6: {  	v14 =	vld [tilespmem:s13+$0x6800];
	[tilespmem:s9+$0x5400] =	vst v13;
	v12 =	vmax.f32 v12, $0.0e+00;
	v5 =	vadd.f32 v5, v10  }
0xa7: {  	v15 =	vld [tilespmem:s13+$0x6810];
	[tilespmem:s9+$0x5410] =	vst v12;
	v10 =	vmax.f32 v6, $0.0e+00;
	v4 =	vadd.f32 v4, v9  }
0xa8: {  	v6 =	vld [tilespmem:s13+$0x6820];
	[tilespmem:s9+$0x5420] =	vst v10;
	v9 =	vmax.f32 v5, $0.0e+00;
	v3 =	vadd.f32 v3, v8  }
0xa9: {  	v5 =	vld [tilespmem:s13+$0x6830];
	[tilespmem:s9+$0x5430] =	vst v9;
	v8 =	vmax.f32 v4, $0.0e+00;
	v2 =	vadd.f32 v2, v7  }
0xaa: {  	v4 =	vld [tilespmem:s13+$0x6840];
	[tilespmem:s9+$0x5440] =	vst v8;
	v7 =	vmax.f32 v3, $0.0e+00;
	v1 =	vadd.f32 v1, v11  }
0xab: {  	v3 =	vld [tilespmem:s13+$0x6850];
	[tilespmem:s9+$0x5450] =	vst v7;
	v7 =	vmax.f32 v2, $0.0e+00  }
0xac: {  	v2 =	vld [tilespmem:s13+$0x6860];
	[tilespmem:s9+$0x5460] =	vst v7;
	v7 =	vmax.f32 v1, $0.0e+00  }
0xad: {  	v1 =	vld [tilespmem:s13+$0x6870];
	[tilespmem:s9+$0x5470] =	vst v7;
	s9 =	smov.u32 s13  }
0xae: {  	v7 =	vld [tilespmem:s9+$0x5400]  }
0xaf: {  	v12 =	vld [tilespmem:s9+$0x5410]  }
.Ltmp1:
0xb0: {  	v11 =	vld [tilespmem:s9+$0x5420];
	(pc) =	sbr.rel @p1 .LBB2_6-.Ltmp1, $4  }
0xb1: {  	v10 =	vld [tilespmem:s9+$0x5430]  }
0xb2: {  	v9 =	vld [tilespmem:s9+$0x5440]  }
0xb3: {  	v13 =	vadd.f32 v14, v7;
	v8 =	vld [tilespmem:s9+$0x5450]  }
0xb4: {  	s10 =	sadd.s32 $0x200, s10;
	v12 =	vadd.f32 v15, v12;
	v7 =	vld [tilespmem:s9+$0x5460]  }
0xb5: {  	v13 =	vmax.f32 v13, $0.0e+00;
	v6 =	vadd.f32 v6, v11;
	v11 =	vld [tilespmem:s9+$0x5470]  }
0xb6: {  	[tilespmem:s9+$0x5400] =	vst v13;
	v12 =	vmax.f32 v12, $0.0e+00;
	v5 =	vadd.f32 v5, v10  }
0xb7: {  	[tilespmem:s9+$0x5410] =	vst v12;
	v6 =	vmax.f32 v6, $0.0e+00;
	v4 =	vadd.f32 v4, v9  }
0xb8: {  	[tilespmem:s9+$0x5420] =	vst v6;
	v5 =	vmax.f32 v5, $0.0e+00;
	v3 =	vadd.f32 v3, v8  }
0xb9: {  	[tilespmem:s9+$0x5430] =	vst v5;
	v4 =	vmax.f32 v4, $0.0e+00;
	v2 =	vadd.f32 v2, v7  }
0xba: {  	[tilespmem:s9+$0x5440] =	vst v4;
	v3 =	vmax.f32 v3, $0.0e+00;
	v1 =	vadd.f32 v1, v11  }
0xbb: {  	[tilespmem:s9+$0x5450] =	vst v3;
	v2 =	vmax.f32 v2, $0.0e+00  }
0xbc: {  	s10 =	sand.u32 $0x3FFFFF00, s31;
	[tilespmem:s9+$0x5460] =	vst v2;
	v1 =	vmax.f32 v1, $0.0e+00  }
0xbd: {  	s13 =	sadd.s32 $0x3800, s10;
	[tilespmem:s9+$0x5470] =	vst v1  }
0xbe: {  	[spmem:s2] =	stream.indirect.scatter.add.f32 [tilespmem:s0], [sflag:$0x5], $0x80, s13, s16, $0xb8;
	[tilespmem:$0x1DC80] =	vst v63  }
0xbf: {  	p1 =	seq.s32 s29, $0x18;
	_ =	swait.ge [sflag:s12], $0x1400  }
0xc0: {  	s10 =	simm.s32 @!p1 $0x28;
	[sflag:s12] =	ssyncset.done $0x0  }
0xc1: {  	s9 =	sadd.s32 @!p1 $0x1D00, s31;
	s13 =	simm.s32 @!p1 $0x5400;
	[sflag:s12] =	ssyncadd.s32 $0xFFFFEC00  }
0xc2: {  	[tilespmem:s13], [sflag:$0x1] =	stream.indirect.gather @!p1 [hbm4b:s4+s10], $0x80, s9, s10, $0xb8;
	[tilespmem:$0x1DC80] =	vst v63  }
0xc3: {  	s9 =	sadd.s32 @!p1 $0x100, s31;
	s13 =	simm.s32 @!p1 $0x6800  }
0xc4: {  	[tilespmem:s13], [sflag:$0x2] =	stream.indirect.gather @!p1 [hbm4b:s5+s10], $0x80, s9, s10, $0xb8;
	[tilespmem:$0x1DC80] =	vst v63  }
0xc5: {  	_ =	swait.ge [sflag:s22], $0x1400  }
0xc6: {  	[sflag:s22] =	ssyncset.done $0x0  }
0xc7: {  	[sflag:s22] =	ssyncadd.s32 $0xFFFFEC00  }
0xc8: {  	_ =	swait.ge [sflag:s24], $0x1400  }
0xc9: {  	[sflag:s24] =	ssyncset.done $0x0  }
0xca: {  	s9 =	simm.s32 $0x0;
	[sflag:s24] =	ssyncadd.s32 $0xFFFFEC00  }
0xcb: {  	v7 =	vld [tilespmem:s9+$0x9000]  }
0xcc: {  	v12 =	vld [tilespmem:s9+$0x9010]  }
0xcd: {  	v6 =	vld [tilespmem:s9+$0x9020]  }
0xce: {  	v5 =	vld [tilespmem:s9+$0x9030]  }
0xcf: {  	v4 =	vld [tilespmem:s9+$0x9040]  }
0xd0: {  	v3 =	vld [tilespmem:s9+$0x9050]  }
0xd1: {  	v2 =	vld [tilespmem:s9+$0x9060]  }
0xd2: {  	v1 =	vld [tilespmem:s9+$0x9070]  }
0xd3: {  	v13 =	vld [tilespmem:s9+$0x7C00]  }
0xd4: {  	v14 =	vld [tilespmem:s9+$0x7C10]  }
0xd5: {  	v11 =	vld [tilespmem:s9+$0x7C20]  }
0xd6: {  	v10 =	vld [tilespmem:s9+$0x7C30]  }
0xd7: {  	v9 =	vld [tilespmem:s9+$0x7C40]  }
0xd8: {  	v8 =	vld [tilespmem:s9+$0x7C50];
	v13 =	vadd.f32 v7, v13  }
0xd9: {  	s10 =	simm.s32 $0x200;
	v12 =	vadd.f32 v12, v14;
	v7 =	vld [tilespmem:s9+$0x7C60]  }
.LBB2_8:
0xda: {  	s13 =	sshra.s32 s10, $0x2;
	p1 =	sne.s32 s10, $0x4E00;
	v13 =	vmax.f32 v13, $0.0e+00;
	v6 =	vadd.f32 v6, v11;
	v11 =	vld [tilespmem:s9+$0x7C70]  }
0xdb: {  	v14 =	vld [tilespmem:s13+$0x9000];
	[tilespmem:s9+$0x7C00] =	vst v13;
	v12 =	vmax.f32 v12, $0.0e+00;
	v5 =	vadd.f32 v5, v10  }
0xdc: {  	v15 =	vld [tilespmem:s13+$0x9010];
	[tilespmem:s9+$0x7C10] =	vst v12;
	v10 =	vmax.f32 v6, $0.0e+00;
	v4 =	vadd.f32 v4, v9  }
0xdd: {  	v6 =	vld [tilespmem:s13+$0x9020];
	[tilespmem:s9+$0x7C20] =	vst v10;
	v9 =	vmax.f32 v5, $0.0e+00;
	v3 =	vadd.f32 v3, v8  }
0xde: {  	v5 =	vld [tilespmem:s13+$0x9030];
	[tilespmem:s9+$0x7C30] =	vst v9;
	v8 =	vmax.f32 v4, $0.0e+00;
	v2 =	vadd.f32 v2, v7  }
0xdf: {  	v4 =	vld [tilespmem:s13+$0x9040];
	[tilespmem:s9+$0x7C40] =	vst v8;
	v7 =	vmax.f32 v3, $0.0e+00;
	v1 =	vadd.f32 v1, v11  }
0xe0: {  	v3 =	vld [tilespmem:s13+$0x9050];
	[tilespmem:s9+$0x7C50] =	vst v7;
	v7 =	vmax.f32 v2, $0.0e+00  }
0xe1: {  	v2 =	vld [tilespmem:s13+$0x9060];
	[tilespmem:s9+$0x7C60] =	vst v7;
	v7 =	vmax.f32 v1, $0.0e+00  }
0xe2: {  	v1 =	vld [tilespmem:s13+$0x9070];
	[tilespmem:s9+$0x7C70] =	vst v7;
	s9 =	smov.u32 s13  }
0xe3: {  	v7 =	vld [tilespmem:s9+$0x7C00]  }
0xe4: {  	v12 =	vld [tilespmem:s9+$0x7C10]  }
.Ltmp2:
0xe5: {  	v11 =	vld [tilespmem:s9+$0x7C20];
	(pc) =	sbr.rel @p1 .LBB2_8-.Ltmp2, $4  }
0xe6: {  	v10 =	vld [tilespmem:s9+$0x7C30]  }
0xe7: {  	v9 =	vld [tilespmem:s9+$0x7C40]  }
0xe8: {  	v13 =	vadd.f32 v14, v7;
	v8 =	vld [tilespmem:s9+$0x7C50]  }
0xe9: {  	s10 =	sadd.s32 $0x200, s10;
	v12 =	vadd.f32 v15, v12;
	v7 =	vld [tilespmem:s9+$0x7C60]  }
0xea: {  	v13 =	vmax.f32 v13, $0.0e+00;
	v6 =	vadd.f32 v6, v11;
	v63 =	vld [tilespmem:s9+$0x7C70]  }
0xeb: {  	[tilespmem:s9+$0x7C00] =	vst v13;
	v12 =	vmax.f32 v12, $0.0e+00;
	v5 =	vadd.f32 v5, v10  }
0xec: {  	[tilespmem:s9+$0x7C10] =	vst v12;
	v6 =	vmax.f32 v6, $0.0e+00;
	v4 =	vadd.f32 v4, v9  }
0xed: {  	[tilespmem:s9+$0x7C20] =	vst v6;
	v5 =	vmax.f32 v5, $0.0e+00;
	v3 =	vadd.f32 v3, v8  }
0xee: {  	[tilespmem:s9+$0x7C30] =	vst v5;
	v4 =	vmax.f32 v4, $0.0e+00;
	v2 =	vadd.f32 v2, v7  }
0xef: {  	[tilespmem:s9+$0x7C40] =	vst v4;
	v3 =	vmax.f32 v3, $0.0e+00;
	v1 =	vadd.f32 v1, v63  }
0xf0: {  	s29 =	sadd.s32 $0x1, s29;
	[tilespmem:s9+$0x7C50] =	vst v3;
	v2 =	vmax.f32 v2, $0.0e+00  }
0xf1: {  	p1 =	sne.s32 s29, $0x19;
	[tilespmem:s9+$0x7C60] =	vst v2;
	v1 =	vmax.f32 v1, $0.0e+00  }
.Ltmp3:
0xf2: {  	s31 =	sadd.s32 $0x3800, s30;
	[tilespmem:s9+$0x7C70] =	vst v1;
	(pc) =	sbr.rel @p1 .LBB2_5-.Ltmp3, $4  }
0xf3: {  	[spmem:s2] =	stream.indirect.scatter.add.f32 [tilespmem:s18], [sflag:$0x5], $0x80, s31, s16, $0xb8;
	[tilespmem:$0x1DC80] =	vst v63  }
0xf4: {  	_ =	swait.ge [sflag:s12], $0x1400  }
0xf5: {  	[sflag:s12] =	ssyncset.done $0x0  }
0xf6: {  	[sflag:s12] =	ssyncadd.s32 $0xFFFFEC00  }
0xf7: {  	s28 =	sadd.s32 $0x1, s28  }
0xf8: {  	p1 =	sne.s32 s28, $0x5  }
.Ltmp4:
0xf9: {  	_ = 	snop;
	(pc) =	sbr.rel @p1 .LBB2_4-.Ltmp4, $1  }
0xfa: {  	_ =	sdelay $0x3  }
0xfb: {  	[bflag:$0x0] =	sbarrier.arrive $0xFFFF  }
0xfc: {  	s29 =	rddreg [dreg:$0x7]  }
0xfd: {  	[tilespmem:s17], [sflag:$0x5] =	stream.linear.gather [spmem:s29], $0x1400, $0x38;
	[tilespmem:$0x1DC80] =	vst v63  }
0xfe: {  	_ =	swait.ge [sflag:s12], $0x1400  }
0xff: {  	[sflag:s12] =	ssyncset.done $0x0  }
0x100: {  	s9 =	sadd.s32 $0x0, s23;
	[sflag:s12] =	ssyncadd.s32 $0xFFFFEC00  }
0x101: {  	[hbm4b:s9+s3] =	stream.linear.scatter [tilespmem:s17], [sflag:$0x5], $0x1400, $0x38;
	[tilespmem:$0x1DC80] =	vst v63  }
0x102: {  	_ =	swait.ge [sflag:s12], $0x1400  }
0x103: {  	s10 =	smov.u32 s29;
	s9 =	simm.s32 $0x280;
	[sflag:s12] =	ssyncset.done $0x0  }
.LBB2_12:
0x104: {  	p1 =	sne.s32 s9, $0x2300;
	[sflag:s12] =	ssyncadd.s32 $0xFFFFEC00;
	s10 =	sadd.s32 $0x1400, s10  }
0x105: {  	[tilespmem:s17], [sflag:$0x5] =	stream.linear.gather [spmem:s10], $0x1400, $0x38;
	[tilespmem:$0x1DC80] =	vst v63  }
0x106: {  	s13 =	smov.u32 s9;
	s9 =	sadd.s32 $0x280, s9;
	_ =	swait.ge [sflag:s12], $0x1400  }
.Ltmp5:
0x107: {  	[sflag:s12] =	ssyncset.done $0x0;
	(pc) =	sbr.rel @p1 .LBB2_12-.Ltmp5, $4  }
0x108: {  	s13 =	sadd.s32 s13, s23;
	[sflag:s12] =	ssyncadd.s32 $0xFFFFEC00  }
0x109: {  	[hbm4b:s13+s3] =	stream.linear.scatter [tilespmem:s17], [sflag:$0x5], $0x1400, $0x38;
	[tilespmem:$0x1DC80] =	vst v63  }
0x10a: {  	_ =	swait.ge [sflag:s12], $0x1400  }
0x10b: {  	[sflag:s12] =	ssyncset.done $0x0  }
0x10c: {  	[sflag:s12] =	ssyncadd.s32 $0xFFFFEC00;
	s26 =	rddreg [dreg:$0x4]  }
0x10d: {  	[tilespmem:s17], [sflag:$0x5] =	stream.linear.gather [spmem:s26], $0xC00, $0x38;
	[tilespmem:$0x1DC80] =	vst v63  }
0x10e: {  	_ =	swait.ge [sflag:s12], $0xC00  }
0x10f: {  	[sflag:s12] =	ssyncset.done $0x0  }
0x110: {  	s9 =	rddreg [dreg:$0x6];
	[sflag:s12] =	ssyncadd.s32 $0xFFFFF400  }
0x111: {  	[hbm4b:s9+s3] =	stream.linear.scatter [tilespmem:s17], [sflag:$0x5], $0xC00, $0x38;
	[tilespmem:$0x1DC80] =	vst v63  }
0x112: {  	_ =	swait.ge [sflag:s12], $0xC00  }
0x113: {  	s10 =	simm.s32 @!p0 $0x5;
	[sflag:s12] =	ssyncset.done $0x0  }
0x114: {  	s9 =	simm.s32 @!p0 $0x6800;
	s28 =	rddreg [dreg:$0x5];
	[sflag:s12] =	ssyncadd.s32 $0xFFFFF400  }
0x115: {  	[tilespmem:s9], [sflag:$0x5] =	stream.linear.gather @!p0 [spmem:s28], $0x800, $0x38;
	[tilespmem:$0x1DC80] =	vst v63  }
0x116: {  	_ =	swait.ge @!p0 [sflag:s10], $0x800  }
0x117: {  	[sflag:s10] =	ssyncset.done @!p0 $0x0  }
0x118: {  	s13 =	simm.s32 @!p0 $0x0;
	s30 =	rddreg [dreg:$0x8];
	[sflag:s10] =	ssyncadd.s32 @!p0 $0xFFFFF800  }
0x119: {  	[hbm4b:s30+s13] =	stream.linear.scatter @!p0 [tilespmem:s9], [sflag:$0x5], $0x800, $0x38;
	[tilespmem:$0x1DC80] =	vst v63  }
0x11a: {  	_ =	swait.ge @!p0 [sflag:s10], $0x800  }
0x11b: {  	s25 =	sadd.s32 $0x1, s25;
	s31 =	rddreg [dreg:$0x9]  }
0x11c: {  	p1 =	sne.s32 s25, s31  }
.Ltmp6:
0x11d: {  	_ = 	snop;
	(pc) =	sbr.rel @p1 .LBB2_1-.Ltmp6, $3  }
0x11e: {  	_ =	sdelay $0x1  }
0x11f: {  	[sflag:s10] =	ssyncset.done @!p0 $0x0  }
0x120: {  	[sflag:s10] =	ssyncadd.s32 @!p0 $0xFFFFF800  }
0x121: {  	_ =	sfence.sel $0x180000  }
0x122: {  	[bflag:$0x0] =	sbarrier.arrive $0xFFFF  }
0x123: {  	_ =	strace $0x9000004D  }
0x124: {  	[bflag:$0x2] =	sbarrier.arrive $0xFFFF  }
0x125: {  	s0 =	rddreg [dreg:$0x3]  }
0x126: {  	s0 =	sadd.s32 @!p0 $0x100000, s0  }
0x127: {  	[sflag:s0] =	ssyncadd.tile.s32 @!p0 $0x1;
	_ =	shalt  }
.Lfunc_end2:
_tile_overlayer_lowered:
.L_overlay_start_2:
0x128: {  	(tag) =	ssettag $0x2  }
0x129: {  	s0 =	rddreg [dreg:$0x0];
	s2 =	stileid.u32  }
0x12a: {  	s1 =	rddreg [dreg:$0x1];
	p0 =	sne.s32 s2, $0x0  }
0x12b: {  	s3 =	rddreg [dreg:$0x2];
	[bflag:$0x3] =	sbarrier.arrive $0xFFFF;
	s2 =	simm.s32 @!p0 $0x1C05  }
0x12c: {  	[timem:s3], [sflag:s2] =	dma.local @!p0 [hbm:s0], s1  }
0x12d: {  	s0 =	simm.s32 @!p0 $0x5  }
0x12e: {  	_ =	swait.ge @!p0 [sflag:s0], s1  }
0x12f: {  	s1 =	ssub.s32 @!p0 $0x0, s1;
	[sflag:s0] =	ssyncset.done @!p0 $0x0  }
0x130: {  	[sflag:s0] =	ssyncadd.s32 @!p0 s1  }
0x131: {  	[bflag:$0x3] =	sbarrier.arrive $0xFFFF  }
0x132: {  	_ =	shalt  }

</sc_bundles>
